<compile_context>
chip_gen: v7x
topology: tpu7x:2x2x1
jax: 0.10.2.dev20260603
libtpu: 0.0.44.dev20260713+nightly
codegen_flags: <defaults>
</compile_context>

<pallas_src>
import jax
import jax.numpy as jnp
from jax import lax
from jax.experimental import pallas as pl
from jax.experimental.pallas import tpu as pltpu
from jax.experimental.pallas import tpu_sc as plsc

NUM_UNITS = 64
MAX_REL = 128
LENGTH_Q = 2048
LENGTH_K = 2048

_INFO = plsc.get_sparse_core_info()
_NC = _INFO.num_cores
_NS = _INFO.num_subcores
_LANES = _INFO.num_lanes

_TILE = 128
_NCHUNK = LENGTH_K // _TILE
_EB_N = 2 + _TILE // 2
_EB_W = 2 * _TILE
_B_PER_S = 5
_SHIFT = LENGTH_Q - MAX_REL - 1
_V_MIN = _SHIFT - MAX_REL + 2
_ROWS_PER_W = 64
_TBL_ROWS = 136


def _body(table_hbm, out_hbm, tbl_v, idx_v, chunk_v, eb_sh, gsem, wsem):
    cc = lax.axis_index("c")
    s = lax.axis_index("s")

    pltpu.sync_copy(table_hbm.at[pl.ds(0, _TBL_ROWS)], tbl_v)
    rho0 = (1 - cc) * (_TILE // 2)

    for kk in range(_B_PER_S):
        b = jnp.minimum(s * _B_PER_S + kk, _EB_N - 1)
        rho = rho0 + jnp.maximum(b - 2, 0)
        v1 = _V_MIN + lax.rem(rho + _TILE - _V_MIN % _TILE, _TILE)
        col0 = jnp.where(
            b == 0, 0, jnp.where(b == 1, _SHIFT + MAX_REL + 1, v1)
        )
        for k in range(_EB_W // _LANES):
            t = col0 + k * _LANES + lax.iota(jnp.int32, _LANES)
            idx_v[k] = jnp.clip(t - _SHIFT, 0, MAX_REL)

        def build_u(u, carry):
            u16 = jnp.full((_LANES,), u, dtype=jnp.int32)
            for k in range(_EB_W // _LANES):
                chunk_v[u, pl.ds(k * _LANES, _LANES)] = plsc.load_gather(
                    tbl_v, [idx_v[k], u16]
                )
            return carry

        lax.fori_loop(0, NUM_UNITS, build_u, 0)
        pltpu.sync_copy(chunk_v, eb_sh.at[b])
    plsc.subcore_barrier()

    def chunk_copy(m, c):
        i = _TILE * s + (_TILE // 2) * cc + m
        start = (LENGTH_Q - 1) - i
        rho = lax.rem(start, _TILE)
        jj = rho - rho0
        v1 = _V_MIN + lax.rem(rho + _TILE - _V_MIN % _TILE, _TILE)
        q = start + c * _TILE - v1
        b = jnp.where(q < 0, 0, jnp.where(q > _TILE, 1, 2 + jj))
        off = pl.multiple_of(jnp.clip(q, 0, _TILE), _TILE)
        return pltpu.make_async_copy(
            eb_sh.at[b, :, pl.ds(off, _TILE)],
            out_hbm.at[i, :, pl.ds(c * _TILE, _TILE)],
            wsem,
        )

    def slab(m, carry):
        @pl.when(m < _ROWS_PER_W)
        def _issue():
            for c in range(_NCHUNK):
                chunk_copy(m, c).start()

        @pl.when(m > 0)
        def _drain():
            for c in range(_NCHUNK):
                chunk_copy(m - 1, c).wait()

        return carry

    lax.fori_loop(0, _ROWS_PER_W + 1, slab, 0)


@jax.jit
def _rel_pos(table):
    mesh = plsc.VectorSubcoreMesh(core_axis_name="c", subcore_axis_name="s")
    out = pl.kernel(
        _body,
        out_type=jax.ShapeDtypeStruct(
            (LENGTH_Q, NUM_UNITS, LENGTH_K), jnp.float32
        ),
        mesh=mesh,
        compiler_params=pltpu.CompilerParams(
            use_tc_tiling_on_sc=True, needs_layout_passes=False
        ),
        scratch_types=[
            pltpu.VMEM((_TBL_ROWS, NUM_UNITS), jnp.float32),
            pltpu.VMEM((_EB_W // _LANES, _LANES), jnp.int32),
            pltpu.VMEM((NUM_UNITS, _EB_W), jnp.float32),
            pltpu.VMEM_SHARED((_EB_N, NUM_UNITS, _EB_W), jnp.float32),
            pltpu.SemaphoreType.DMA,
            pltpu.SemaphoreType.DMA,
        ],
    )(table)
    return jnp.transpose(out, (0, 2, 1))


def kernel(length_q, length_k, embeddings_table):
    return _rel_pos(embeddings_table)

# --- scband reference (transcript-rebuilt; emitter-appended) ---
"""Pipeline reference for scband-relative-position-2508260901338 (READ-ONLY COPY).

The authoritative reference and input builder live on the scoring server;
editing this copy changes nothing except your own understanding.
"""

import jax, jax.numpy as jnp
import numpy as np

NUM_UNITS = 64
MAX_REL = 128
LENGTH_Q = 2048
LENGTH_K = 2048


def setup_inputs(seed: int = 0) -> dict:
    key = jax.random.key(seed)
    rows = MAX_REL * 2 + 1
    # xavier_uniform_: U(-a, a) with a = sqrt(6 / (fan_in + fan_out))
    limit = float(np.sqrt(6.0 / (rows + NUM_UNITS)))
    embeddings_table = jax.random.uniform(
        key, (rows, NUM_UNITS), dtype=jnp.float32, minval=-limit, maxval=limit
    )
    return {
        "length_q": LENGTH_Q,
        "length_k": LENGTH_K,
        "embeddings_table": embeddings_table,
    }


def reference(length_q, length_k, embeddings_table):
    range_vec_q = jnp.arange(LENGTH_Q) + (length_q - LENGTH_Q)
    range_vec_k = jnp.arange(LENGTH_K) + (length_k - LENGTH_K)
    distance_mat = range_vec_k[None, :] - range_vec_q[:, None]
    # faithful to the original: clamp to [-max_relative_position, 0]
    distance_mat_clipped = jnp.clip(distance_mat, -MAX_REL, 0)
    final_mat = distance_mat_clipped + MAX_REL
    embeddings = jnp.take(embeddings_table, final_mat, axis=0)
    return embeddings

if __name__ == "__main__":
    import jax
    _d = setup_inputs()
    print(jax.jit(kernel)(*tuple(_d.values())))

</pallas_src>

<mosaic_0001>
#map = affine_map<(d0, d1) -> (0, 0)>
#map1 = affine_map<(d0, d1) -> (0, 0, 0)>
module attributes {stable_mosaic.version = 14 : i64} {
  func.func @_body(%arg0: i32, %arg1: i32, %arg2: memref<257x64xf32, #tpu.memory_space<hbm>>, %arg3: memref<2048x64x2048xf32, #tpu.memory_space<hbm>>, %arg4: memref<136x64xf32, #tpu.memory_space<vmem>>, %arg5: memref<16x16xi32, #tpu.memory_space<vmem>>, %arg6: memref<64x256xf32, #tpu.memory_space<vmem>>, %arg7: memref<66x64x256xf32, #tpu.memory_space<vmem_shared>>, %arg8: memref<!tpu.dma_semaphore, #tpu.memory_space<semaphore_mem>>, %arg9: memref<!tpu.dma_semaphore, #tpu.memory_space<semaphore_mem>>) attributes {dimension_semantics = [#tpu.dimension_semantics<core_parallel>, #tpu.dimension_semantics<subcore_parallel>], iteration_bounds = array<i64: 2, 16>, scalar_prefetch = 0 : i64, scratch_operands = 6 : i64, tpu.core_type = #tpu.core_type<sc_vector_subcore>, window_params = [{transform_indices = #map}, {transform_indices = #map1}]} {
    "tpu.region"() ({
      %run_scoped3A = tpu.sem_alloc : memref<!tpu.dma_semaphore, #tpu.memory_space<semaphore_mem>>
      %dma_start3A = arith.constant 0 : i32
      %dma_start3A_1603 = arith.constant 0 : i32
      %dma_start3A_1604 = tpu.memref_slice %arg2[%dma_start3A, %dma_start3A_1603] : memref<257x64xf32, #tpu.memory_space<hbm>> -> memref<136x64xf32, #tpu.memory_space<hbm>>
      %dma_start3A_1605 = arith.constant 0 : i32
      %dma_start3A_1606 = arith.constant 0 : i32
      %dma_start3A_1607 = tpu.memref_slice %arg2[%dma_start3A_1605, %dma_start3A_1606] : memref<257x64xf32, #tpu.memory_space<hbm>> -> memref<136x64xf32, #tpu.memory_space<hbm>>
      tpu.enqueue_dma source(%dma_start3A_1607 : memref<136x64xf32, #tpu.memory_space<hbm>>) target(%arg4 : memref<136x64xf32, #tpu.memory_space<vmem>>) target_semaphore(%run_scoped3A : memref<!tpu.dma_semaphore, #tpu.memory_space<semaphore_mem>>)
      %dma_wait3A = arith.constant 0 : i32
      %dma_wait3A_1608 = arith.constant 0 : i32
      %dma_wait3A_1609 = tpu.memref_slice %arg2[%dma_wait3A, %dma_wait3A_1608] : memref<257x64xf32, #tpu.memory_space<hbm>> -> memref<136x64xf32, #tpu.memory_space<hbm>>
      %dma_wait3A_1610 = arith.constant 0 : i32
      %dma_wait3A_1611 = arith.constant 0 : i32
      %dma_wait3A_1612 = tpu.memref_slice %arg2[%dma_wait3A_1610, %dma_wait3A_1611] : memref<257x64xf32, #tpu.memory_space<hbm>> -> memref<136x64xf32, #tpu.memory_space<hbm>>
      tpu.wait_dma2 semaphore(%run_scoped3A : memref<!tpu.dma_semaphore, #tpu.memory_space<semaphore_mem>>) src(%dma_wait3A_1612 : memref<136x64xf32, #tpu.memory_space<hbm>>) dst(%arg4 : memref<136x64xf32, #tpu.memory_space<vmem>>)
      tpu.yield
    }) : () -> ()
    %sub3A = arith.constant 1 : i32
    %sub3A_0 = arith.subi %sub3A, %arg0 : i32
    %mul3A = arith.constant 64 : i32
    %mul3A_1 = arith.muli %sub3A_0, %mul3A : i32
    %mul3A_2 = arith.constant 5 : i32
    %mul3A_3 = arith.muli %arg1, %mul3A_2 : i32
    %add3A = arith.constant 0 : i32
    %add3A_4 = arith.addi %mul3A_3, %add3A : i32
    %min3A = arith.constant 65 : i32
    %min3A_5 = arith.minsi %add3A_4, %min3A : i32
    %sub3A_6 = arith.constant 2 : i32
    %sub3A_7 = arith.subi %min3A_5, %sub3A_6 : i32
    %max3A = arith.constant 0 : i32
    %max3A_8 = arith.maxsi %sub3A_7, %max3A : i32
    %add3A_9 = arith.addi %mul3A_1, %max3A_8 : i32
    %add3A_10 = arith.constant 128 : i32
    %add3A_11 = arith.addi %add3A_9, %add3A_10 : i32
    %sub3A_12 = arith.constant 1 : i32
    %sub3A_13 = arith.subi %add3A_11, %sub3A_12 : i32
    %rem3A = arith.constant 128 : i32
    %rem3A_14 = arith.remsi %sub3A_13, %rem3A : i32
    %add3A_15 = arith.constant 1793 : i32
    %add3A_16 = arith.addi %add3A_15, %rem3A_14 : i32
    %eq3A = arith.constant 0 : i32
    %eq3A_17 = arith.cmpi eq, %min3A_5, %eq3A : i32
    %eq3A_18 = arith.constant 1 : i32
    %eq3A_19 = arith.cmpi eq, %min3A_5, %eq3A_18 : i32
    %jit3A = arith.constant 2048 : i32
    %select_n3A = arith.select %eq3A_19, %jit3A, %add3A_16 : i32
    %jit3A_20 = arith.constant 0 : i32
    %select_n3A_21 = arith.select %eq3A_17, %jit3A_20, %select_n3A : i32
    %add3A_22 = arith.constant 0 : i32
    %add3A_23 = arith.addi %select_n3A_21, %add3A_22 : i32
    %iota3A = tpu.iota {dimensions = array<i32: 0>} : vector<16xi32>
    %add3A_24 = vector.broadcast %add3A_23 : i32 to vector<16xi32>
    %add3A_25 = arith.addi %add3A_24, %iota3A : vector<16xi32>
    %sub3A_26 = arith.constant 1919 : i32
    %sub3A_27 = vector.broadcast %sub3A_26 : i32 to vector<16xi32>
    %sub3A_28 = arith.subi %add3A_25, %sub3A_27 : vector<16xi32>
    %jit3A_29 = arith.constant 0 : i32
    %jit3A_30 = arith.constant 128 : i32
    %max3A_31 = vector.broadcast %jit3A_29 : i32 to vector<16xi32>
    %max3A_32 = arith.maxsi %max3A_31, %sub3A_28 : vector<16xi32>
    %min3A_33 = vector.broadcast %jit3A_30 : i32 to vector<16xi32>
    %min3A_34 = arith.minsi %min3A_33, %max3A_32 : vector<16xi32>
    %swap3A = arith.constant 0 : i32
    %swap3A_35 = arith.index_cast %swap3A : i32 to index
    %swap3A_36 = arith.constant 0 : index
    %swap3A_37 = tpu.vector_load %arg5[%swap3A_35, %swap3A_36] {strides = array<i32>} : memref<16x16xi32, #tpu.memory_space<vmem>>, vector<16xi32>,
    tpu.vector_store %arg5[%swap3A_35, %swap3A_36], %min3A_34 {strides = array<i32>} : memref<16x16xi32, #tpu.memory_space<vmem>>, vector<16xi32>,
    %add3A_38 = arith.constant 16 : i32
    %add3A_39 = arith.addi %select_n3A_21, %add3A_38 : i32
    %iota3A_40 = tpu.iota {dimensions = array<i32: 0>} : vector<16xi32>
    %add3A_41 = vector.broadcast %add3A_39 : i32 to vector<16xi32>
    %add3A_42 = arith.addi %add3A_41, %iota3A_40 : vector<16xi32>
    %sub3A_43 = arith.constant 1919 : i32
    %sub3A_44 = vector.broadcast %sub3A_43 : i32 to vector<16xi32>
    %sub3A_45 = arith.subi %add3A_42, %sub3A_44 : vector<16xi32>
    %jit3A_46 = arith.constant 0 : i32
    %jit3A_47 = arith.constant 128 : i32
    %max3A_48 = vector.broadcast %jit3A_46 : i32 to vector<16xi32>
    %max3A_49 = arith.maxsi %max3A_48, %sub3A_45 : vector<16xi32>
    %min3A_50 = vector.broadcast %jit3A_47 : i32 to vector<16xi32>
    %min3A_51 = arith.minsi %min3A_50, %max3A_49 : vector<16xi32>
    %swap3A_52 = arith.constant 1 : i32
    %swap3A_53 = arith.index_cast %swap3A_52 : i32 to index
    %swap3A_54 = arith.constant 0 : index
    %swap3A_55 = tpu.vector_load %arg5[%swap3A_53, %swap3A_54] {strides = array<i32>} : memref<16x16xi32, #tpu.memory_space<vmem>>, vector<16xi32>,
    tpu.vector_store %arg5[%swap3A_53, %swap3A_54], %min3A_51 {strides = array<i32>} : memref<16x16xi32, #tpu.memory_space<vmem>>, vector<16xi32>,
    %add3A_56 = arith.constant 32 : i32
    %add3A_57 = arith.addi %select_n3A_21, %add3A_56 : i32
    %iota3A_58 = tpu.iota {dimensions = array<i32: 0>} : vector<16xi32>
    %add3A_59 = vector.broadcast %add3A_57 : i32 to vector<16xi32>
    %add3A_60 = arith.addi %add3A_59, %iota3A_58 : vector<16xi32>
    %sub3A_61 = arith.constant 1919 : i32
    %sub3A_62 = vector.broadcast %sub3A_61 : i32 to vector<16xi32>
    %sub3A_63 = arith.subi %add3A_60, %sub3A_62 : vector<16xi32>
    %jit3A_64 = arith.constant 0 : i32
    %jit3A_65 = arith.constant 128 : i32
    %max3A_66 = vector.broadcast %jit3A_64 : i32 to vector<16xi32>
    %max3A_67 = arith.maxsi %max3A_66, %sub3A_63 : vector<16xi32>
    %min3A_68 = vector.broadcast %jit3A_65 : i32 to vector<16xi32>
    %min3A_69 = arith.minsi %min3A_68, %max3A_67 : vector<16xi32>
    %swap3A_70 = arith.constant 2 : i32
    %swap3A_71 = arith.index_cast %swap3A_70 : i32 to index
    %swap3A_72 = arith.constant 0 : index
    %swap3A_73 = tpu.vector_load %arg5[%swap3A_71, %swap3A_72] {strides = array<i32>} : memref<16x16xi32, #tpu.memory_space<vmem>>, vector<16xi32>,
    tpu.vector_store %arg5[%swap3A_71, %swap3A_72], %min3A_69 {strides = array<i32>} : memref<16x16xi32, #tpu.memory_space<vmem>>, vector<16xi32>,
    %add3A_74 = arith.constant 48 : i32
    %add3A_75 = arith.addi %select_n3A_21, %add3A_74 : i32
    %iota3A_76 = tpu.iota {dimensions = array<i32: 0>} : vector<16xi32>
    %add3A_77 = vector.broadcast %add3A_75 : i32 to vector<16xi32>
    %add3A_78 = arith.addi %add3A_77, %iota3A_76 : vector<16xi32>
    %sub3A_79 = arith.constant 1919 : i32
    %sub3A_80 = vector.broadcast %sub3A_79 : i32 to vector<16xi32>
    %sub3A_81 = arith.subi %add3A_78, %sub3A_80 : vector<16xi32>
    %jit3A_82 = arith.constant 0 : i32
    %jit3A_83 = arith.constant 128 : i32
    %max3A_84 = vector.broadcast %jit3A_82 : i32 to vector<16xi32>
    %max3A_85 = arith.maxsi %max3A_84, %sub3A_81 : vector<16xi32>
    %min3A_86 = vector.broadcast %jit3A_83 : i32 to vector<16xi32>
    %min3A_87 = arith.minsi %min3A_86, %max3A_85 : vector<16xi32>
    %swap3A_88 = arith.constant 3 : i32
    %swap3A_89 = arith.index_cast %swap3A_88 : i32 to index
    %swap3A_90 = arith.constant 0 : index
    %swap3A_91 = tpu.vector_load %arg5[%swap3A_89, %swap3A_90] {strides = array<i32>} : memref<16x16xi32, #tpu.memory_space<vmem>>, vector<16xi32>,
    tpu.vector_store %arg5[%swap3A_89, %swap3A_90], %min3A_87 {strides = array<i32>} : memref<16x16xi32, #tpu.memory_space<vmem>>, vector<16xi32>,
    %add3A_92 = arith.constant 64 : i32
    %add3A_93 = arith.addi %select_n3A_21, %add3A_92 : i32
    %iota3A_94 = tpu.iota {dimensions = array<i32: 0>} : vector<16xi32>
    %add3A_95 = vector.broadcast %add3A_93 : i32 to vector<16xi32>
    %add3A_96 = arith.addi %add3A_95, %iota3A_94 : vector<16xi32>
    %sub3A_97 = arith.constant 1919 : i32
    %sub3A_98 = vector.broadcast %sub3A_97 : i32 to vector<16xi32>
    %sub3A_99 = arith.subi %add3A_96, %sub3A_98 : vector<16xi32>
    %jit3A_100 = arith.constant 0 : i32
    %jit3A_101 = arith.constant 128 : i32
    %max3A_102 = vector.broadcast %jit3A_100 : i32 to vector<16xi32>
    %max3A_103 = arith.maxsi %max3A_102, %sub3A_99 : vector<16xi32>
    %min3A_104 = vector.broadcast %jit3A_101 : i32 to vector<16xi32>
    %min3A_105 = arith.minsi %min3A_104, %max3A_103 : vector<16xi32>
    %swap3A_106 = arith.constant 4 : i32
    %swap3A_107 = arith.index_cast %swap3A_106 : i32 to index
    %swap3A_108 = arith.constant 0 : index
    %swap3A_109 = tpu.vector_load %arg5[%swap3A_107, %swap3A_108] {strides = array<i32>} : memref<16x16xi32, #tpu.memory_space<vmem>>, vector<16xi32>,
    tpu.vector_store %arg5[%swap3A_107, %swap3A_108], %min3A_105 {strides = array<i32>} : memref<16x16xi32, #tpu.memory_space<vmem>>, vector<16xi32>,
    %add3A_110 = arith.constant 80 : i32
    %add3A_111 = arith.addi %select_n3A_21, %add3A_110 : i32
    %iota3A_112 = tpu.iota {dimensions = array<i32: 0>} : vector<16xi32>
    %add3A_113 = vector.broadcast %add3A_111 : i32 to vector<16xi32>
    %add3A_114 = arith.addi %add3A_113, %iota3A_112 : vector<16xi32>
    %sub3A_115 = arith.constant 1919 : i32
    %sub3A_116 = vector.broadcast %sub3A_115 : i32 to vector<16xi32>
    %sub3A_117 = arith.subi %add3A_114, %sub3A_116 : vector<16xi32>
    %jit3A_118 = arith.constant 0 : i32
    %jit3A_119 = arith.constant 128 : i32
    %max3A_120 = vector.broadcast %jit3A_118 : i32 to vector<16xi32>
    %max3A_121 = arith.maxsi %max3A_120, %sub3A_117 : vector<16xi32>
    %min3A_122 = vector.broadcast %jit3A_119 : i32 to vector<16xi32>
    %min3A_123 = arith.minsi %min3A_122, %max3A_121 : vector<16xi32>
    %swap3A_124 = arith.constant 5 : i32
    %swap3A_125 = arith.index_cast %swap3A_124 : i32 to index
    %swap3A_126 = arith.constant 0 : index
    %swap3A_127 = tpu.vector_load %arg5[%swap3A_125, %swap3A_126] {strides = array<i32>} : memref<16x16xi32, #tpu.memory_space<vmem>>, vector<16xi32>,
    tpu.vector_store %arg5[%swap3A_125, %swap3A_126], %min3A_123 {strides = array<i32>} : memref<16x16xi32, #tpu.memory_space<vmem>>, vector<16xi32>,
    %add3A_128 = arith.constant 96 : i32
    %add3A_129 = arith.addi %select_n3A_21, %add3A_128 : i32
    %iota3A_130 = tpu.iota {dimensions = array<i32: 0>} : vector<16xi32>
    %add3A_131 = vector.broadcast %add3A_129 : i32 to vector<16xi32>
    %add3A_132 = arith.addi %add3A_131, %iota3A_130 : vector<16xi32>
    %sub3A_133 = arith.constant 1919 : i32
    %sub3A_134 = vector.broadcast %sub3A_133 : i32 to vector<16xi32>
    %sub3A_135 = arith.subi %add3A_132, %sub3A_134 : vector<16xi32>
    %jit3A_136 = arith.constant 0 : i32
    %jit3A_137 = arith.constant 128 : i32
    %max3A_138 = vector.broadcast %jit3A_136 : i32 to vector<16xi32>
    %max3A_139 = arith.maxsi %max3A_138, %sub3A_135 : vector<16xi32>
    %min3A_140 = vector.broadcast %jit3A_137 : i32 to vector<16xi32>
    %min3A_141 = arith.minsi %min3A_140, %max3A_139 : vector<16xi32>
    %swap3A_142 = arith.constant 6 : i32
    %swap3A_143 = arith.index_cast %swap3A_142 : i32 to index
    %swap3A_144 = arith.constant 0 : index
    %swap3A_145 = tpu.vector_load %arg5[%swap3A_143, %swap3A_144] {strides = array<i32>} : memref<16x16xi32, #tpu.memory_space<vmem>>, vector<16xi32>,
    tpu.vector_store %arg5[%swap3A_143, %swap3A_144], %min3A_141 {strides = array<i32>} : memref<16x16xi32, #tpu.memory_space<vmem>>, vector<16xi32>,
    %add3A_146 = arith.constant 112 : i32
    %add3A_147 = arith.addi %select_n3A_21, %add3A_146 : i32
    %iota3A_148 = tpu.iota {dimensions = array<i32: 0>} : vector<16xi32>
    %add3A_149 = vector.broadcast %add3A_147 : i32 to vector<16xi32>
    %add3A_150 = arith.addi %add3A_149, %iota3A_148 : vector<16xi32>
    %sub3A_151 = arith.constant 1919 : i32
    %sub3A_152 = vector.broadcast %sub3A_151 : i32 to vector<16xi32>
    %sub3A_153 = arith.subi %add3A_150, %sub3A_152 : vector<16xi32>
    %jit3A_154 = arith.constant 0 : i32
    %jit3A_155 = arith.constant 128 : i32
    %max3A_156 = vector.broadcast %jit3A_154 : i32 to vector<16xi32>
    %max3A_157 = arith.maxsi %max3A_156, %sub3A_153 : vector<16xi32>
    %min3A_158 = vector.broadcast %jit3A_155 : i32 to vector<16xi32>
    %min3A_159 = arith.minsi %min3A_158, %max3A_157 : vector<16xi32>
    %swap3A_160 = arith.constant 7 : i32
    %swap3A_161 = arith.index_cast %swap3A_160 : i32 to index
    %swap3A_162 = arith.constant 0 : index
    %swap3A_163 = tpu.vector_load %arg5[%swap3A_161, %swap3A_162] {strides = array<i32>} : memref<16x16xi32, #tpu.memory_space<vmem>>, vector<16xi32>,
    tpu.vector_store %arg5[%swap3A_161, %swap3A_162], %min3A_159 {strides = array<i32>} : memref<16x16xi32, #tpu.memory_space<vmem>>, vector<16xi32>,
    %add3A_164 = arith.constant 128 : i32
    %add3A_165 = arith.addi %select_n3A_21, %add3A_164 : i32
    %iota3A_166 = tpu.iota {dimensions = array<i32: 0>} : vector<16xi32>
    %add3A_167 = vector.broadcast %add3A_165 : i32 to vector<16xi32>
    %add3A_168 = arith.addi %add3A_167, %iota3A_166 : vector<16xi32>
    %sub3A_169 = arith.constant 1919 : i32
    %sub3A_170 = vector.broadcast %sub3A_169 : i32 to vector<16xi32>
    %sub3A_171 = arith.subi %add3A_168, %sub3A_170 : vector<16xi32>
    %jit3A_172 = arith.constant 0 : i32
    %jit3A_173 = arith.constant 128 : i32
    %max3A_174 = vector.broadcast %jit3A_172 : i32 to vector<16xi32>
    %max3A_175 = arith.maxsi %max3A_174, %sub3A_171 : vector<16xi32>
    %min3A_176 = vector.broadcast %jit3A_173 : i32 to vector<16xi32>
    %min3A_177 = arith.minsi %min3A_176, %max3A_175 : vector<16xi32>
    %swap3A_178 = arith.constant 8 : i32
    %swap3A_179 = arith.index_cast %swap3A_178 : i32 to index
    %swap3A_180 = arith.constant 0 : index
    %swap3A_181 = tpu.vector_load %arg5[%swap3A_179, %swap3A_180] {strides = array<i32>} : memref<16x16xi32, #tpu.memory_space<vmem>>, vector<16xi32>,
    tpu.vector_store %arg5[%swap3A_179, %swap3A_180], %min3A_177 {strides = array<i32>} : memref<16x16xi32, #tpu.memory_space<vmem>>, vector<16xi32>,
    %add3A_182 = arith.constant 144 : i32
    %add3A_183 = arith.addi %select_n3A_21, %add3A_182 : i32
    %iota3A_184 = tpu.iota {dimensions = array<i32: 0>} : vector<16xi32>
    %add3A_185 = vector.broadcast %add3A_183 : i32 to vector<16xi32>
    %add3A_186 = arith.addi %add3A_185, %iota3A_184 : vector<16xi32>
    %sub3A_187 = arith.constant 1919 : i32
    %sub3A_188 = vector.broadcast %sub3A_187 : i32 to vector<16xi32>
    %sub3A_189 = arith.subi %add3A_186, %sub3A_188 : vector<16xi32>
    %jit3A_190 = arith.constant 0 : i32
    %jit3A_191 = arith.constant 128 : i32
    %max3A_192 = vector.broadcast %jit3A_190 : i32 to vector<16xi32>
    %max3A_193 = arith.maxsi %max3A_192, %sub3A_189 : vector<16xi32>
    %min3A_194 = vector.broadcast %jit3A_191 : i32 to vector<16xi32>
    %min3A_195 = arith.minsi %min3A_194, %max3A_193 : vector<16xi32>
    %swap3A_196 = arith.constant 9 : i32
    %swap3A_197 = arith.index_cast %swap3A_196 : i32 to index
    %swap3A_198 = arith.constant 0 : index
    %swap3A_199 = tpu.vector_load %arg5[%swap3A_197, %swap3A_198] {strides = array<i32>} : memref<16x16xi32, #tpu.memory_space<vmem>>, vector<16xi32>,
    tpu.vector_store %arg5[%swap3A_197, %swap3A_198], %min3A_195 {strides = array<i32>} : memref<16x16xi32, #tpu.memory_space<vmem>>, vector<16xi32>,
    %add3A_200 = arith.constant 160 : i32
    %add3A_201 = arith.addi %select_n3A_21, %add3A_200 : i32
    %iota3A_202 = tpu.iota {dimensions = array<i32: 0>} : vector<16xi32>
    %add3A_203 = vector.broadcast %add3A_201 : i32 to vector<16xi32>
    %add3A_204 = arith.addi %add3A_203, %iota3A_202 : vector<16xi32>
    %sub3A_205 = arith.constant 1919 : i32
    %sub3A_206 = vector.broadcast %sub3A_205 : i32 to vector<16xi32>
    %sub3A_207 = arith.subi %add3A_204, %sub3A_206 : vector<16xi32>
    %jit3A_208 = arith.constant 0 : i32
    %jit3A_209 = arith.constant 128 : i32
    %max3A_210 = vector.broadcast %jit3A_208 : i32 to vector<16xi32>
    %max3A_211 = arith.maxsi %max3A_210, %sub3A_207 : vector<16xi32>
    %min3A_212 = vector.broadcast %jit3A_209 : i32 to vector<16xi32>
    %min3A_213 = arith.minsi %min3A_212, %max3A_211 : vector<16xi32>
    %swap3A_214 = arith.constant 10 : i32
    %swap3A_215 = arith.index_cast %swap3A_214 : i32 to index
    %swap3A_216 = arith.constant 0 : index
    %swap3A_217 = tpu.vector_load %arg5[%swap3A_215, %swap3A_216] {strides = array<i32>} : memref<16x16xi32, #tpu.memory_space<vmem>>, vector<16xi32>,
    tpu.vector_store %arg5[%swap3A_215, %swap3A_216], %min3A_213 {strides = array<i32>} : memref<16x16xi32, #tpu.memory_space<vmem>>, vector<16xi32>,
    %add3A_218 = arith.constant 176 : i32
    %add3A_219 = arith.addi %select_n3A_21, %add3A_218 : i32
    %iota3A_220 = tpu.iota {dimensions = array<i32: 0>} : vector<16xi32>
    %add3A_221 = vector.broadcast %add3A_219 : i32 to vector<16xi32>
    %add3A_222 = arith.addi %add3A_221, %iota3A_220 : vector<16xi32>
    %sub3A_223 = arith.constant 1919 : i32
    %sub3A_224 = vector.broadcast %sub3A_223 : i32 to vector<16xi32>
    %sub3A_225 = arith.subi %add3A_222, %sub3A_224 : vector<16xi32>
    %jit3A_226 = arith.constant 0 : i32
    %jit3A_227 = arith.constant 128 : i32
    %max3A_228 = vector.broadcast %jit3A_226 : i32 to vector<16xi32>
    %max3A_229 = arith.maxsi %max3A_228, %sub3A_225 : vector<16xi32>
    %min3A_230 = vector.broadcast %jit3A_227 : i32 to vector<16xi32>
    %min3A_231 = arith.minsi %min3A_230, %max3A_229 : vector<16xi32>
    %swap3A_232 = arith.constant 11 : i32
    %swap3A_233 = arith.index_cast %swap3A_232 : i32 to index
    %swap3A_234 = arith.constant 0 : index
    %swap3A_235 = tpu.vector_load %arg5[%swap3A_233, %swap3A_234] {strides = array<i32>} : memref<16x16xi32, #tpu.memory_space<vmem>>, vector<16xi32>,
    tpu.vector_store %arg5[%swap3A_233, %swap3A_234], %min3A_231 {strides = array<i32>} : memref<16x16xi32, #tpu.memory_space<vmem>>, vector<16xi32>,
    %add3A_236 = arith.constant 192 : i32
    %add3A_237 = arith.addi %select_n3A_21, %add3A_236 : i32
    %iota3A_238 = tpu.iota {dimensions = array<i32: 0>} : vector<16xi32>
    %add3A_239 = vector.broadcast %add3A_237 : i32 to vector<16xi32>
    %add3A_240 = arith.addi %add3A_239, %iota3A_238 : vector<16xi32>
    %sub3A_241 = arith.constant 1919 : i32
    %sub3A_242 = vector.broadcast %sub3A_241 : i32 to vector<16xi32>
    %sub3A_243 = arith.subi %add3A_240, %sub3A_242 : vector<16xi32>
    %jit3A_244 = arith.constant 0 : i32
    %jit3A_245 = arith.constant 128 : i32
    %max3A_246 = vector.broadcast %jit3A_244 : i32 to vector<16xi32>
    %max3A_247 = arith.maxsi %max3A_246, %sub3A_243 : vector<16xi32>
    %min3A_248 = vector.broadcast %jit3A_245 : i32 to vector<16xi32>
    %min3A_249 = arith.minsi %min3A_248, %max3A_247 : vector<16xi32>
    %swap3A_250 = arith.constant 12 : i32
    %swap3A_251 = arith.index_cast %swap3A_250 : i32 to index
    %swap3A_252 = arith.constant 0 : index
    %swap3A_253 = tpu.vector_load %arg5[%swap3A_251, %swap3A_252] {strides = array<i32>} : memref<16x16xi32, #tpu.memory_space<vmem>>, vector<16xi32>,
    tpu.vector_store %arg5[%swap3A_251, %swap3A_252], %min3A_249 {strides = array<i32>} : memref<16x16xi32, #tpu.memory_space<vmem>>, vector<16xi32>,
    %add3A_254 = arith.constant 208 : i32
    %add3A_255 = arith.addi %select_n3A_21, %add3A_254 : i32
    %iota3A_256 = tpu.iota {dimensions = array<i32: 0>} : vector<16xi32>
    %add3A_257 = vector.broadcast %add3A_255 : i32 to vector<16xi32>
    %add3A_258 = arith.addi %add3A_257, %iota3A_256 : vector<16xi32>
    %sub3A_259 = arith.constant 1919 : i32
    %sub3A_260 = vector.broadcast %sub3A_259 : i32 to vector<16xi32>
    %sub3A_261 = arith.subi %add3A_258, %sub3A_260 : vector<16xi32>
    %jit3A_262 = arith.constant 0 : i32
    %jit3A_263 = arith.constant 128 : i32
    %max3A_264 = vector.broadcast %jit3A_262 : i32 to vector<16xi32>
    %max3A_265 = arith.maxsi %max3A_264, %sub3A_261 : vector<16xi32>
    %min3A_266 = vector.broadcast %jit3A_263 : i32 to vector<16xi32>
    %min3A_267 = arith.minsi %min3A_266, %max3A_265 : vector<16xi32>
    %swap3A_268 = arith.constant 13 : i32
    %swap3A_269 = arith.index_cast %swap3A_268 : i32 to index
    %swap3A_270 = arith.constant 0 : index
    %swap3A_271 = tpu.vector_load %arg5[%swap3A_269, %swap3A_270] {strides = array<i32>} : memref<16x16xi32, #tpu.memory_space<vmem>>, vector<16xi32>,
    tpu.vector_store %arg5[%swap3A_269, %swap3A_270], %min3A_267 {strides = array<i32>} : memref<16x16xi32, #tpu.memory_space<vmem>>, vector<16xi32>,
    %add3A_272 = arith.constant 224 : i32
    %add3A_273 = arith.addi %select_n3A_21, %add3A_272 : i32
    %iota3A_274 = tpu.iota {dimensions = array<i32: 0>} : vector<16xi32>
    %add3A_275 = vector.broadcast %add3A_273 : i32 to vector<16xi32>
    %add3A_276 = arith.addi %add3A_275, %iota3A_274 : vector<16xi32>
    %sub3A_277 = arith.constant 1919 : i32
    %sub3A_278 = vector.broadcast %sub3A_277 : i32 to vector<16xi32>
    %sub3A_279 = arith.subi %add3A_276, %sub3A_278 : vector<16xi32>
    %jit3A_280 = arith.constant 0 : i32
    %jit3A_281 = arith.constant 128 : i32
    %max3A_282 = vector.broadcast %jit3A_280 : i32 to vector<16xi32>
    %max3A_283 = arith.maxsi %max3A_282, %sub3A_279 : vector<16xi32>
    %min3A_284 = vector.broadcast %jit3A_281 : i32 to vector<16xi32>
    %min3A_285 = arith.minsi %min3A_284, %max3A_283 : vector<16xi32>
    %swap3A_286 = arith.constant 14 : i32
    %swap3A_287 = arith.index_cast %swap3A_286 : i32 to index
    %swap3A_288 = arith.constant 0 : index
    %swap3A_289 = tpu.vector_load %arg5[%swap3A_287, %swap3A_288] {strides = array<i32>} : memref<16x16xi32, #tpu.memory_space<vmem>>, vector<16xi32>,
    tpu.vector_store %arg5[%swap3A_287, %swap3A_288], %min3A_285 {strides = array<i32>} : memref<16x16xi32, #tpu.memory_space<vmem>>, vector<16xi32>,
    %add3A_290 = arith.constant 240 : i32
    %add3A_291 = arith.addi %select_n3A_21, %add3A_290 : i32
    %iota3A_292 = tpu.iota {dimensions = array<i32: 0>} : vector<16xi32>
    %add3A_293 = vector.broadcast %add3A_291 : i32 to vector<16xi32>
    %add3A_294 = arith.addi %add3A_293, %iota3A_292 : vector<16xi32>
    %sub3A_295 = arith.constant 1919 : i32
    %sub3A_296 = vector.broadcast %sub3A_295 : i32 to vector<16xi32>
    %sub3A_297 = arith.subi %add3A_294, %sub3A_296 : vector<16xi32>
    %jit3A_298 = arith.constant 0 : i32
    %jit3A_299 = arith.constant 128 : i32
    %max3A_300 = vector.broadcast %jit3A_298 : i32 to vector<16xi32>
    %max3A_301 = arith.maxsi %max3A_300, %sub3A_297 : vector<16xi32>
    %min3A_302 = vector.broadcast %jit3A_299 : i32 to vector<16xi32>
    %min3A_303 = arith.minsi %min3A_302, %max3A_301 : vector<16xi32>
    %swap3A_304 = arith.constant 15 : i32
    %swap3A_305 = arith.index_cast %swap3A_304 : i32 to index
    %swap3A_306 = arith.constant 0 : index
    %swap3A_307 = tpu.vector_load %arg5[%swap3A_305, %swap3A_306] {strides = array<i32>} : memref<16x16xi32, #tpu.memory_space<vmem>>, vector<16xi32>,
    tpu.vector_store %arg5[%swap3A_305, %swap3A_306], %min3A_303 {strides = array<i32>} : memref<16x16xi32, #tpu.memory_space<vmem>>, vector<16xi32>,
    %scan3A = arith.constant 0 : i32
    %scan3A_308 = arith.constant 0 : i32
    %scan3A_309 = arith.constant 64 : i32
    %scan3A_310 = arith.addi %scan3A_308, %scan3A_309 : i32
    %scan3A_311 = arith.constant 1 : i32
    scf.for %scan3A_1603 = %scan3A_308 to %scan3A_310 step %scan3A_311  : i32 {
      %broadcast_in_dim3A = vector.broadcast %scan3A_1603 : i32 to vector<16xi32>
      %get3A = arith.constant 0 : i32
      %get3A_1604 = arith.index_cast %get3A : i32 to index
      %get3A_1605 = arith.constant 0 : index
      %get3A_1606 = tpu.vector_load %arg5[%get3A_1604, %get3A_1605] {strides = array<i32>} : memref<16x16xi32, #tpu.memory_space<vmem>>, vector<16xi32>,
      %gather3A = tpu.vector_load_idx %arg4[%get3A_1606, %broadcast_in_dim3A] : memref<136x64xf32, #tpu.memory_space<vmem>>[vector<16xi32>, vector<16xi32>], vector<16xf32>,
      %swap3A_1607 = arith.index_cast %scan3A_1603 : i32 to index
      %swap3A_1608 = arith.constant 0 : index
      %swap3A_1609 = tpu.vector_load %arg6[%swap3A_1607, %swap3A_1608] {strides = array<i32>} : memref<64x256xf32, #tpu.memory_space<vmem>>, vector<16xf32>,
      tpu.vector_store %arg6[%swap3A_1607, %swap3A_1608], %gather3A {strides = array<i32>} : memref<64x256xf32, #tpu.memory_space<vmem>>, vector<16xf32>,
      %get3A_1610 = arith.constant 1 : i32
      %get3A_1611 = arith.index_cast %get3A_1610 : i32 to index
      %get3A_1612 = arith.constant 0 : index
      %get3A_1613 = tpu.vector_load %arg5[%get3A_1611, %get3A_1612] {strides = array<i32>} : memref<16x16xi32, #tpu.memory_space<vmem>>, vector<16xi32>,
      %gather3A_1614 = tpu.vector_load_idx %arg4[%get3A_1613, %broadcast_in_dim3A] : memref<136x64xf32, #tpu.memory_space<vmem>>[vector<16xi32>, vector<16xi32>], vector<16xf32>,
      %swap3A_1615 = arith.index_cast %scan3A_1603 : i32 to index
      %swap3A_1616 = arith.constant 16 : index
      %swap3A_1617 = tpu.vector_load %arg6[%swap3A_1615, %swap3A_1616] {strides = array<i32>} : memref<64x256xf32, #tpu.memory_space<vmem>>, vector<16xf32>,
      tpu.vector_store %arg6[%swap3A_1615, %swap3A_1616], %gather3A_1614 {strides = array<i32>} : memref<64x256xf32, #tpu.memory_space<vmem>>, vector<16xf32>,
      %get3A_1618 = arith.constant 2 : i32
      %get3A_1619 = arith.index_cast %get3A_1618 : i32 to index
      %get3A_1620 = arith.constant 0 : index
      %get3A_1621 = tpu.vector_load %arg5[%get3A_1619, %get3A_1620] {strides = array<i32>} : memref<16x16xi32, #tpu.memory_space<vmem>>, vector<16xi32>,
      %gather3A_1622 = tpu.vector_load_idx %arg4[%get3A_1621, %broadcast_in_dim3A] : memref<136x64xf32, #tpu.memory_space<vmem>>[vector<16xi32>, vector<16xi32>], vector<16xf32>,
      %swap3A_1623 = arith.index_cast %scan3A_1603 : i32 to index
      %swap3A_1624 = arith.constant 32 : index
      %swap3A_1625 = tpu.vector_load %arg6[%swap3A_1623, %swap3A_1624] {strides = array<i32>} : memref<64x256xf32, #tpu.memory_space<vmem>>, vector<16xf32>,
      tpu.vector_store %arg6[%swap3A_1623, %swap3A_1624], %gather3A_1622 {strides = array<i32>} : memref<64x256xf32, #tpu.memory_space<vmem>>, vector<16xf32>,
      %get3A_1626 = arith.constant 3 : i32
      %get3A_1627 = arith.index_cast %get3A_1626 : i32 to index
      %get3A_1628 = arith.constant 0 : index
      %get3A_1629 = tpu.vector_load %arg5[%get3A_1627, %get3A_1628] {strides = array<i32>} : memref<16x16xi32, #tpu.memory_space<vmem>>, vector<16xi32>,
      %gather3A_1630 = tpu.vector_load_idx %arg4[%get3A_1629, %broadcast_in_dim3A] : memref<136x64xf32, #tpu.memory_space<vmem>>[vector<16xi32>, vector<16xi32>], vector<16xf32>,
      %swap3A_1631 = arith.index_cast %scan3A_1603 : i32 to index
      %swap3A_1632 = arith.constant 48 : index
      %swap3A_1633 = tpu.vector_load %arg6[%swap3A_1631, %swap3A_1632] {strides = array<i32>} : memref<64x256xf32, #tpu.memory_space<vmem>>, vector<16xf32>,
      tpu.vector_store %arg6[%swap3A_1631, %swap3A_1632], %gather3A_1630 {strides = array<i32>} : memref<64x256xf32, #tpu.memory_space<vmem>>, vector<16xf32>,
      %get3A_1634 = arith.constant 4 : i32
      %get3A_1635 = arith.index_cast %get3A_1634 : i32 to index
      %get3A_1636 = arith.constant 0 : index
      %get3A_1637 = tpu.vector_load %arg5[%get3A_1635, %get3A_1636] {strides = array<i32>} : memref<16x16xi32, #tpu.memory_space<vmem>>, vector<16xi32>,
      %gather3A_1638 = tpu.vector_load_idx %arg4[%get3A_1637, %broadcast_in_dim3A] : memref<136x64xf32, #tpu.memory_space<vmem>>[vector<16xi32>, vector<16xi32>], vector<16xf32>,
      %swap3A_1639 = arith.index_cast %scan3A_1603 : i32 to index
      %swap3A_1640 = arith.constant 64 : index
      %swap3A_1641 = tpu.vector_load %arg6[%swap3A_1639, %swap3A_1640] {strides = array<i32>} : memref<64x256xf32, #tpu.memory_space<vmem>>, vector<16xf32>,
      tpu.vector_store %arg6[%swap3A_1639, %swap3A_1640], %gather3A_1638 {strides = array<i32>} : memref<64x256xf32, #tpu.memory_space<vmem>>, vector<16xf32>,
      %get3A_1642 = arith.constant 5 : i32
      %get3A_1643 = arith.index_cast %get3A_1642 : i32 to index
      %get3A_1644 = arith.constant 0 : index
      %get3A_1645 = tpu.vector_load %arg5[%get3A_1643, %get3A_1644] {strides = array<i32>} : memref<16x16xi32, #tpu.memory_space<vmem>>, vector<16xi32>,
      %gather3A_1646 = tpu.vector_load_idx %arg4[%get3A_1645, %broadcast_in_dim3A] : memref<136x64xf32, #tpu.memory_space<vmem>>[vector<16xi32>, vector<16xi32>], vector<16xf32>,
      %swap3A_1647 = arith.index_cast %scan3A_1603 : i32 to index
      %swap3A_1648 = arith.constant 80 : index
      %swap3A_1649 = tpu.vector_load %arg6[%swap3A_1647, %swap3A_1648] {strides = array<i32>} : memref<64x256xf32, #tpu.memory_space<vmem>>, vector<16xf32>,
      tpu.vector_store %arg6[%swap3A_1647, %swap3A_1648], %gather3A_1646 {strides = array<i32>} : memref<64x256xf32, #tpu.memory_space<vmem>>, vector<16xf32>,
      %get3A_1650 = arith.constant 6 : i32
      %get3A_1651 = arith.index_cast %get3A_1650 : i32 to index
      %get3A_1652 = arith.constant 0 : index
      %get3A_1653 = tpu.vector_load %arg5[%get3A_1651, %get3A_1652] {strides = array<i32>} : memref<16x16xi32, #tpu.memory_space<vmem>>, vector<16xi32>,
      %gather3A_1654 = tpu.vector_load_idx %arg4[%get3A_1653, %broadcast_in_dim3A] : memref<136x64xf32, #tpu.memory_space<vmem>>[vector<16xi32>, vector<16xi32>], vector<16xf32>,
      %swap3A_1655 = arith.index_cast %scan3A_1603 : i32 to index
      %swap3A_1656 = arith.constant 96 : index
      %swap3A_1657 = tpu.vector_load %arg6[%swap3A_1655, %swap3A_1656] {strides = array<i32>} : memref<64x256xf32, #tpu.memory_space<vmem>>, vector<16xf32>,
      tpu.vector_store %arg6[%swap3A_1655, %swap3A_1656], %gather3A_1654 {strides = array<i32>} : memref<64x256xf32, #tpu.memory_space<vmem>>, vector<16xf32>,
      %get3A_1658 = arith.constant 7 : i32
      %get3A_1659 = arith.index_cast %get3A_1658 : i32 to index
      %get3A_1660 = arith.constant 0 : index
      %get3A_1661 = tpu.vector_load %arg5[%get3A_1659, %get3A_1660] {strides = array<i32>} : memref<16x16xi32, #tpu.memory_space<vmem>>, vector<16xi32>,
      %gather3A_1662 = tpu.vector_load_idx %arg4[%get3A_1661, %broadcast_in_dim3A] : memref<136x64xf32, #tpu.memory_space<vmem>>[vector<16xi32>, vector<16xi32>], vector<16xf32>,
      %swap3A_1663 = arith.index_cast %scan3A_1603 : i32 to index
      %swap3A_1664 = arith.constant 112 : index
      %swap3A_1665 = tpu.vector_load %arg6[%swap3A_1663, %swap3A_1664] {strides = array<i32>} : memref<64x256xf32, #tpu.memory_space<vmem>>, vector<16xf32>,
      tpu.vector_store %arg6[%swap3A_1663, %swap3A_1664], %gather3A_1662 {strides = array<i32>} : memref<64x256xf32, #tpu.memory_space<vmem>>, vector<16xf32>,
      %get3A_1666 = arith.constant 8 : i32
      %get3A_1667 = arith.index_cast %get3A_1666 : i32 to index
      %get3A_1668 = arith.constant 0 : index
      %get3A_1669 = tpu.vector_load %arg5[%get3A_1667, %get3A_1668] {strides = array<i32>} : memref<16x16xi32, #tpu.memory_space<vmem>>, vector<16xi32>,
      %gather3A_1670 = tpu.vector_load_idx %arg4[%get3A_1669, %broadcast_in_dim3A] : memref<136x64xf32, #tpu.memory_space<vmem>>[vector<16xi32>, vector<16xi32>], vector<16xf32>,
      %swap3A_1671 = arith.index_cast %scan3A_1603 : i32 to index
      %swap3A_1672 = arith.constant 128 : index
      %swap3A_1673 = tpu.vector_load %arg6[%swap3A_1671, %swap3A_1672] {strides = array<i32>} : memref<64x256xf32, #tpu.memory_space<vmem>>, vector<16xf32>,
      tpu.vector_store %arg6[%swap3A_1671, %swap3A_1672], %gather3A_1670 {strides = array<i32>} : memref<64x256xf32, #tpu.memory_space<vmem>>, vector<16xf32>,
      %get3A_1674 = arith.constant 9 : i32
      %get3A_1675 = arith.index_cast %get3A_1674 : i32 to index
      %get3A_1676 = arith.constant 0 : index
      %get3A_1677 = tpu.vector_load %arg5[%get3A_1675, %get3A_1676] {strides = array<i32>} : memref<16x16xi32, #tpu.memory_space<vmem>>, vector<16xi32>,
      %gather3A_1678 = tpu.vector_load_idx %arg4[%get3A_1677, %broadcast_in_dim3A] : memref<136x64xf32, #tpu.memory_space<vmem>>[vector<16xi32>, vector<16xi32>], vector<16xf32>,
      %swap3A_1679 = arith.index_cast %scan3A_1603 : i32 to index
      %swap3A_1680 = arith.constant 144 : index
      %swap3A_1681 = tpu.vector_load %arg6[%swap3A_1679, %swap3A_1680] {strides = array<i32>} : memref<64x256xf32, #tpu.memory_space<vmem>>, vector<16xf32>,
      tpu.vector_store %arg6[%swap3A_1679, %swap3A_1680], %gather3A_1678 {strides = array<i32>} : memref<64x256xf32, #tpu.memory_space<vmem>>, vector<16xf32>,
      %get3A_1682 = arith.constant 10 : i32
      %get3A_1683 = arith.index_cast %get3A_1682 : i32 to index
      %get3A_1684 = arith.constant 0 : index
      %get3A_1685 = tpu.vector_load %arg5[%get3A_1683, %get3A_1684] {strides = array<i32>} : memref<16x16xi32, #tpu.memory_space<vmem>>, vector<16xi32>,
      %gather3A_1686 = tpu.vector_load_idx %arg4[%get3A_1685, %broadcast_in_dim3A] : memref<136x64xf32, #tpu.memory_space<vmem>>[vector<16xi32>, vector<16xi32>], vector<16xf32>,
      %swap3A_1687 = arith.index_cast %scan3A_1603 : i32 to index
      %swap3A_1688 = arith.constant 160 : index
      %swap3A_1689 = tpu.vector_load %arg6[%swap3A_1687, %swap3A_1688] {strides = array<i32>} : memref<64x256xf32, #tpu.memory_space<vmem>>, vector<16xf32>,
      tpu.vector_store %arg6[%swap3A_1687, %swap3A_1688], %gather3A_1686 {strides = array<i32>} : memref<64x256xf32, #tpu.memory_space<vmem>>, vector<16xf32>,
      %get3A_1690 = arith.constant 11 : i32
      %get3A_1691 = arith.index_cast %get3A_1690 : i32 to index
      %get3A_1692 = arith.constant 0 : index
      %get3A_1693 = tpu.vector_load %arg5[%get3A_1691, %get3A_1692] {strides = array<i32>} : memref<16x16xi32, #tpu.memory_space<vmem>>, vector<16xi32>,
      %gather3A_1694 = tpu.vector_load_idx %arg4[%get3A_1693, %broadcast_in_dim3A] : memref<136x64xf32, #tpu.memory_space<vmem>>[vector<16xi32>, vector<16xi32>], vector<16xf32>,
      %swap3A_1695 = arith.index_cast %scan3A_1603 : i32 to index
      %swap3A_1696 = arith.constant 176 : index
      %swap3A_1697 = tpu.vector_load %arg6[%swap3A_1695, %swap3A_1696] {strides = array<i32>} : memref<64x256xf32, #tpu.memory_space<vmem>>, vector<16xf32>,
      tpu.vector_store %arg6[%swap3A_1695, %swap3A_1696], %gather3A_1694 {strides = array<i32>} : memref<64x256xf32, #tpu.memory_space<vmem>>, vector<16xf32>,
      %get3A_1698 = arith.constant 12 : i32
      %get3A_1699 = arith.index_cast %get3A_1698 : i32 to index
      %get3A_1700 = arith.constant 0 : index
      %get3A_1701 = tpu.vector_load %arg5[%get3A_1699, %get3A_1700] {strides = array<i32>} : memref<16x16xi32, #tpu.memory_space<vmem>>, vector<16xi32>,
      %gather3A_1702 = tpu.vector_load_idx %arg4[%get3A_1701, %broadcast_in_dim3A] : memref<136x64xf32, #tpu.memory_space<vmem>>[vector<16xi32>, vector<16xi32>], vector<16xf32>,
      %swap3A_1703 = arith.index_cast %scan3A_1603 : i32 to index
      %swap3A_1704 = arith.constant 192 : index
      %swap3A_1705 = tpu.vector_load %arg6[%swap3A_1703, %swap3A_1704] {strides = array<i32>} : memref<64x256xf32, #tpu.memory_space<vmem>>, vector<16xf32>,
      tpu.vector_store %arg6[%swap3A_1703, %swap3A_1704], %gather3A_1702 {strides = array<i32>} : memref<64x256xf32, #tpu.memory_space<vmem>>, vector<16xf32>,
      %get3A_1706 = arith.constant 13 : i32
      %get3A_1707 = arith.index_cast %get3A_1706 : i32 to index
      %get3A_1708 = arith.constant 0 : index
      %get3A_1709 = tpu.vector_load %arg5[%get3A_1707, %get3A_1708] {strides = array<i32>} : memref<16x16xi32, #tpu.memory_space<vmem>>, vector<16xi32>,
      %gather3A_1710 = tpu.vector_load_idx %arg4[%get3A_1709, %broadcast_in_dim3A] : memref<136x64xf32, #tpu.memory_space<vmem>>[vector<16xi32>, vector<16xi32>], vector<16xf32>,
      %swap3A_1711 = arith.index_cast %scan3A_1603 : i32 to index
      %swap3A_1712 = arith.constant 208 : index
      %swap3A_1713 = tpu.vector_load %arg6[%swap3A_1711, %swap3A_1712] {strides = array<i32>} : memref<64x256xf32, #tpu.memory_space<vmem>>, vector<16xf32>,
      tpu.vector_store %arg6[%swap3A_1711, %swap3A_1712], %gather3A_1710 {strides = array<i32>} : memref<64x256xf32, #tpu.memory_space<vmem>>, vector<16xf32>,
      %get3A_1714 = arith.constant 14 : i32
      %get3A_1715 = arith.index_cast %get3A_1714 : i32 to index
      %get3A_1716 = arith.constant 0 : index
      %get3A_1717 = tpu.vector_load %arg5[%get3A_1715, %get3A_1716] {strides = array<i32>} : memref<16x16xi32, #tpu.memory_space<vmem>>, vector<16xi32>,
      %gather3A_1718 = tpu.vector_load_idx %arg4[%get3A_1717, %broadcast_in_dim3A] : memref<136x64xf32, #tpu.memory_space<vmem>>[vector<16xi32>, vector<16xi32>], vector<16xf32>,
      %swap3A_1719 = arith.index_cast %scan3A_1603 : i32 to index
      %swap3A_1720 = arith.constant 224 : index
      %swap3A_1721 = tpu.vector_load %arg6[%swap3A_1719, %swap3A_1720] {strides = array<i32>} : memref<64x256xf32, #tpu.memory_space<vmem>>, vector<16xf32>,
      tpu.vector_store %arg6[%swap3A_1719, %swap3A_1720], %gather3A_1718 {strides = array<i32>} : memref<64x256xf32, #tpu.memory_space<vmem>>, vector<16xf32>,
      %get3A_1722 = arith.constant 15 : i32
      %get3A_1723 = arith.index_cast %get3A_1722 : i32 to index
      %get3A_1724 = arith.constant 0 : index
      %get3A_1725 = tpu.vector_load %arg5[%get3A_1723, %get3A_1724] {strides = array<i32>} : memref<16x16xi32, #tpu.memory_space<vmem>>, vector<16xi32>,
      %gather3A_1726 = tpu.vector_load_idx %arg4[%get3A_1725, %broadcast_in_dim3A] : memref<136x64xf32, #tpu.memory_space<vmem>>[vector<16xi32>, vector<16xi32>], vector<16xf32>,
      %swap3A_1727 = arith.index_cast %scan3A_1603 : i32 to index
      %swap3A_1728 = arith.constant 240 : index
      %swap3A_1729 = tpu.vector_load %arg6[%swap3A_1727, %swap3A_1728] {strides = array<i32>} : memref<64x256xf32, #tpu.memory_space<vmem>>, vector<16xf32>,
      tpu.vector_store %arg6[%swap3A_1727, %swap3A_1728], %gather3A_1726 {strides = array<i32>} : memref<64x256xf32, #tpu.memory_space<vmem>>, vector<16xf32>,
    }
    %scan3A_312 = arith.constant 64 : i32
    "tpu.region"() ({
      %run_scoped3A = tpu.sem_alloc : memref<!tpu.dma_semaphore, #tpu.memory_space<semaphore_mem>>
      %dma_start3A = arith.constant 0 : i32
      %dma_start3A_1603 = arith.constant 0 : i32
      %dma_start3A_1604 = tpu.memref_slice %arg7[%min3A_5, %dma_start3A, %dma_start3A_1603] : memref<66x64x256xf32, #tpu.memory_space<vmem_shared>> -> memref<1x64x256xf32, #tpu.memory_space<vmem_shared>>
      %dma_start3A_1605 = tpu.memref_squeeze %dma_start3A_1604 : memref<1x64x256xf32, #tpu.memory_space<vmem_shared>> -> memref<64x256xf32, #tpu.memory_space<vmem_shared>>
      %dma_start3A_1606 = arith.constant 0 : i32
      %dma_start3A_1607 = arith.constant 0 : i32
      %dma_start3A_1608 = tpu.memref_slice %arg7[%min3A_5, %dma_start3A_1606, %dma_start3A_1607] : memref<66x64x256xf32, #tpu.memory_space<vmem_shared>> -> memref<1x64x256xf32, #tpu.memory_space<vmem_shared>>
      %dma_start3A_1609 = tpu.memref_squeeze %dma_start3A_1608 : memref<1x64x256xf32, #tpu.memory_space<vmem_shared>> -> memref<64x256xf32, #tpu.memory_space<vmem_shared>>
      tpu.enqueue_dma source(%arg6 : memref<64x256xf32, #tpu.memory_space<vmem>>) target(%dma_start3A_1609 : memref<64x256xf32, #tpu.memory_space<vmem_shared>>) target_semaphore(%run_scoped3A : memref<!tpu.dma_semaphore, #tpu.memory_space<semaphore_mem>>)
      %dma_wait3A = arith.constant 0 : i32
      %dma_wait3A_1610 = arith.constant 0 : i32
      %dma_wait3A_1611 = tpu.memref_slice %arg7[%min3A_5, %dma_wait3A, %dma_wait3A_1610] : memref<66x64x256xf32, #tpu.memory_space<vmem_shared>> -> memref<1x64x256xf32, #tpu.memory_space<vmem_shared>>
      %dma_wait3A_1612 = tpu.memref_squeeze %dma_wait3A_1611 : memref<1x64x256xf32, #tpu.memory_space<vmem_shared>> -> memref<64x256xf32, #tpu.memory_space<vmem_shared>>
      %dma_wait3A_1613 = arith.constant 0 : i32
      %dma_wait3A_1614 = arith.constant 0 : i32
      %dma_wait3A_1615 = tpu.memref_slice %arg7[%min3A_5, %dma_wait3A_1613, %dma_wait3A_1614] : memref<66x64x256xf32, #tpu.memory_space<vmem_shared>> -> memref<1x64x256xf32, #tpu.memory_space<vmem_shared>>
      %dma_wait3A_1616 = tpu.memref_squeeze %dma_wait3A_1615 : memref<1x64x256xf32, #tpu.memory_space<vmem_shared>> -> memref<64x256xf32, #tpu.memory_space<vmem_shared>>
      tpu.wait_dma2 semaphore(%run_scoped3A : memref<!tpu.dma_semaphore, #tpu.memory_space<semaphore_mem>>) src(%arg6 : memref<64x256xf32, #tpu.memory_space<vmem>>) dst(%dma_wait3A_1616 : memref<64x256xf32, #tpu.memory_space<vmem_shared>>)
      tpu.yield
    }) : () -> ()
    %mul3A_313 = arith.constant 5 : i32
    %mul3A_314 = arith.muli %arg1, %mul3A_313 : i32
    %add3A_315 = arith.constant 1 : i32
    %add3A_316 = arith.addi %mul3A_314, %add3A_315 : i32
    %min3A_317 = arith.constant 65 : i32
    %min3A_318 = arith.minsi %add3A_316, %min3A_317 : i32
    %sub3A_319 = arith.constant 2 : i32
    %sub3A_320 = arith.subi %min3A_318, %sub3A_319 : i32
    %max3A_321 = arith.constant 0 : i32
    %max3A_322 = arith.maxsi %sub3A_320, %max3A_321 : i32
    %add3A_323 = arith.addi %mul3A_1, %max3A_322 : i32
    %add3A_324 = arith.constant 128 : i32
    %add3A_325 = arith.addi %add3A_323, %add3A_324 : i32
    %sub3A_326 = arith.constant 1 : i32
    %sub3A_327 = arith.subi %add3A_325, %sub3A_326 : i32
    %rem3A_328 = arith.constant 128 : i32
    %rem3A_329 = arith.remsi %sub3A_327, %rem3A_328 : i32
    %add3A_330 = arith.constant 1793 : i32
    %add3A_331 = arith.addi %add3A_330, %rem3A_329 : i32
    %eq3A_332 = arith.constant 0 : i32
    %eq3A_333 = arith.cmpi eq, %min3A_318, %eq3A_332 : i32
    %eq3A_334 = arith.constant 1 : i32
    %eq3A_335 = arith.cmpi eq, %min3A_318, %eq3A_334 : i32
    %jit3A_336 = arith.constant 2048 : i32
    %select_n3A_337 = arith.select %eq3A_335, %jit3A_336, %add3A_331 : i32
    %jit3A_338 = arith.constant 0 : i32
    %select_n3A_339 = arith.select %eq3A_333, %jit3A_338, %select_n3A_337 : i32
    %add3A_340 = arith.constant 0 : i32
    %add3A_341 = arith.addi %select_n3A_339, %add3A_340 : i32
    %iota3A_342 = tpu.iota {dimensions = array<i32: 0>} : vector<16xi32>
    %add3A_343 = vector.broadcast %add3A_341 : i32 to vector<16xi32>
    %add3A_344 = arith.addi %add3A_343, %iota3A_342 : vector<16xi32>
    %sub3A_345 = arith.constant 1919 : i32
    %sub3A_346 = vector.broadcast %sub3A_345 : i32 to vector<16xi32>
    %sub3A_347 = arith.subi %add3A_344, %sub3A_346 : vector<16xi32>
    %jit3A_348 = arith.constant 0 : i32
    %jit3A_349 = arith.constant 128 : i32
    %max3A_350 = vector.broadcast %jit3A_348 : i32 to vector<16xi32>
    %max3A_351 = arith.maxsi %max3A_350, %sub3A_347 : vector<16xi32>
    %min3A_352 = vector.broadcast %jit3A_349 : i32 to vector<16xi32>
    %min3A_353 = arith.minsi %min3A_352, %max3A_351 : vector<16xi32>
    %swap3A_354 = arith.constant 0 : i32
    %swap3A_355 = arith.index_cast %swap3A_354 : i32 to index
    %swap3A_356 = arith.constant 0 : index
    %swap3A_357 = tpu.vector_load %arg5[%swap3A_355, %swap3A_356] {strides = array<i32>} : memref<16x16xi32, #tpu.memory_space<vmem>>, vector<16xi32>,
    tpu.vector_store %arg5[%swap3A_355, %swap3A_356], %min3A_353 {strides = array<i32>} : memref<16x16xi32, #tpu.memory_space<vmem>>, vector<16xi32>,
    %add3A_358 = arith.constant 16 : i32
    %add3A_359 = arith.addi %select_n3A_339, %add3A_358 : i32
    %iota3A_360 = tpu.iota {dimensions = array<i32: 0>} : vector<16xi32>
    %add3A_361 = vector.broadcast %add3A_359 : i32 to vector<16xi32>
    %add3A_362 = arith.addi %add3A_361, %iota3A_360 : vector<16xi32>
    %sub3A_363 = arith.constant 1919 : i32
    %sub3A_364 = vector.broadcast %sub3A_363 : i32 to vector<16xi32>
    %sub3A_365 = arith.subi %add3A_362, %sub3A_364 : vector<16xi32>
    %jit3A_366 = arith.constant 0 : i32
    %jit3A_367 = arith.constant 128 : i32
    %max3A_368 = vector.broadcast %jit3A_366 : i32 to vector<16xi32>
    %max3A_369 = arith.maxsi %max3A_368, %sub3A_365 : vector<16xi32>
    %min3A_370 = vector.broadcast %jit3A_367 : i32 to vector<16xi32>
    %min3A_371 = arith.minsi %min3A_370, %max3A_369 : vector<16xi32>
    %swap3A_372 = arith.constant 1 : i32
    %swap3A_373 = arith.index_cast %swap3A_372 : i32 to index
    %swap3A_374 = arith.constant 0 : index
    %swap3A_375 = tpu.vector_load %arg5[%swap3A_373, %swap3A_374] {strides = array<i32>} : memref<16x16xi32, #tpu.memory_space<vmem>>, vector<16xi32>,
    tpu.vector_store %arg5[%swap3A_373, %swap3A_374], %min3A_371 {strides = array<i32>} : memref<16x16xi32, #tpu.memory_space<vmem>>, vector<16xi32>,
    %add3A_376 = arith.constant 32 : i32
    %add3A_377 = arith.addi %select_n3A_339, %add3A_376 : i32
    %iota3A_378 = tpu.iota {dimensions = array<i32: 0>} : vector<16xi32>
    %add3A_379 = vector.broadcast %add3A_377 : i32 to vector<16xi32>
    %add3A_380 = arith.addi %add3A_379, %iota3A_378 : vector<16xi32>
    %sub3A_381 = arith.constant 1919 : i32
    %sub3A_382 = vector.broadcast %sub3A_381 : i32 to vector<16xi32>
    %sub3A_383 = arith.subi %add3A_380, %sub3A_382 : vector<16xi32>
    %jit3A_384 = arith.constant 0 : i32
    %jit3A_385 = arith.constant 128 : i32
    %max3A_386 = vector.broadcast %jit3A_384 : i32 to vector<16xi32>
    %max3A_387 = arith.maxsi %max3A_386, %sub3A_383 : vector<16xi32>
    %min3A_388 = vector.broadcast %jit3A_385 : i32 to vector<16xi32>
    %min3A_389 = arith.minsi %min3A_388, %max3A_387 : vector<16xi32>
    %swap3A_390 = arith.constant 2 : i32
    %swap3A_391 = arith.index_cast %swap3A_390 : i32 to index
    %swap3A_392 = arith.constant 0 : index
    %swap3A_393 = tpu.vector_load %arg5[%swap3A_391, %swap3A_392] {strides = array<i32>} : memref<16x16xi32, #tpu.memory_space<vmem>>, vector<16xi32>,
    tpu.vector_store %arg5[%swap3A_391, %swap3A_392], %min3A_389 {strides = array<i32>} : memref<16x16xi32, #tpu.memory_space<vmem>>, vector<16xi32>,
    %add3A_394 = arith.constant 48 : i32
    %add3A_395 = arith.addi %select_n3A_339, %add3A_394 : i32
    %iota3A_396 = tpu.iota {dimensions = array<i32: 0>} : vector<16xi32>
    %add3A_397 = vector.broadcast %add3A_395 : i32 to vector<16xi32>
    %add3A_398 = arith.addi %add3A_397, %iota3A_396 : vector<16xi32>
    %sub3A_399 = arith.constant 1919 : i32
    %sub3A_400 = vector.broadcast %sub3A_399 : i32 to vector<16xi32>
    %sub3A_401 = arith.subi %add3A_398, %sub3A_400 : vector<16xi32>
    %jit3A_402 = arith.constant 0 : i32
    %jit3A_403 = arith.constant 128 : i32
    %max3A_404 = vector.broadcast %jit3A_402 : i32 to vector<16xi32>
    %max3A_405 = arith.maxsi %max3A_404, %sub3A_401 : vector<16xi32>
    %min3A_406 = vector.broadcast %jit3A_403 : i32 to vector<16xi32>
    %min3A_407 = arith.minsi %min3A_406, %max3A_405 : vector<16xi32>
    %swap3A_408 = arith.constant 3 : i32
    %swap3A_409 = arith.index_cast %swap3A_408 : i32 to index
    %swap3A_410 = arith.constant 0 : index
    %swap3A_411 = tpu.vector_load %arg5[%swap3A_409, %swap3A_410] {strides = array<i32>} : memref<16x16xi32, #tpu.memory_space<vmem>>, vector<16xi32>,
    tpu.vector_store %arg5[%swap3A_409, %swap3A_410], %min3A_407 {strides = array<i32>} : memref<16x16xi32, #tpu.memory_space<vmem>>, vector<16xi32>,
    %add3A_412 = arith.constant 64 : i32
    %add3A_413 = arith.addi %select_n3A_339, %add3A_412 : i32
    %iota3A_414 = tpu.iota {dimensions = array<i32: 0>} : vector<16xi32>
    %add3A_415 = vector.broadcast %add3A_413 : i32 to vector<16xi32>
    %add3A_416 = arith.addi %add3A_415, %iota3A_414 : vector<16xi32>
    %sub3A_417 = arith.constant 1919 : i32
    %sub3A_418 = vector.broadcast %sub3A_417 : i32 to vector<16xi32>
    %sub3A_419 = arith.subi %add3A_416, %sub3A_418 : vector<16xi32>
    %jit3A_420 = arith.constant 0 : i32
    %jit3A_421 = arith.constant 128 : i32
    %max3A_422 = vector.broadcast %jit3A_420 : i32 to vector<16xi32>
    %max3A_423 = arith.maxsi %max3A_422, %sub3A_419 : vector<16xi32>
    %min3A_424 = vector.broadcast %jit3A_421 : i32 to vector<16xi32>
    %min3A_425 = arith.minsi %min3A_424, %max3A_423 : vector<16xi32>
    %swap3A_426 = arith.constant 4 : i32
    %swap3A_427 = arith.index_cast %swap3A_426 : i32 to index
    %swap3A_428 = arith.constant 0 : index
    %swap3A_429 = tpu.vector_load %arg5[%swap3A_427, %swap3A_428] {strides = array<i32>} : memref<16x16xi32, #tpu.memory_space<vmem>>, vector<16xi32>,
    tpu.vector_store %arg5[%swap3A_427, %swap3A_428], %min3A_425 {strides = array<i32>} : memref<16x16xi32, #tpu.memory_space<vmem>>, vector<16xi32>,
    %add3A_430 = arith.constant 80 : i32
    %add3A_431 = arith.addi %select_n3A_339, %add3A_430 : i32
    %iota3A_432 = tpu.iota {dimensions = array<i32: 0>} : vector<16xi32>
    %add3A_433 = vector.broadcast %add3A_431 : i32 to vector<16xi32>
    %add3A_434 = arith.addi %add3A_433, %iota3A_432 : vector<16xi32>
    %sub3A_435 = arith.constant 1919 : i32
    %sub3A_436 = vector.broadcast %sub3A_435 : i32 to vector<16xi32>
    %sub3A_437 = arith.subi %add3A_434, %sub3A_436 : vector<16xi32>
    %jit3A_438 = arith.constant 0 : i32
    %jit3A_439 = arith.constant 128 : i32
    %max3A_440 = vector.broadcast %jit3A_438 : i32 to vector<16xi32>
    %max3A_441 = arith.maxsi %max3A_440, %sub3A_437 : vector<16xi32>
    %min3A_442 = vector.broadcast %jit3A_439 : i32 to vector<16xi32>
    %min3A_443 = arith.minsi %min3A_442, %max3A_441 : vector<16xi32>
    %swap3A_444 = arith.constant 5 : i32
    %swap3A_445 = arith.index_cast %swap3A_444 : i32 to index
    %swap3A_446 = arith.constant 0 : index
    %swap3A_447 = tpu.vector_load %arg5[%swap3A_445, %swap3A_446] {strides = array<i32>} : memref<16x16xi32, #tpu.memory_space<vmem>>, vector<16xi32>,
    tpu.vector_store %arg5[%swap3A_445, %swap3A_446], %min3A_443 {strides = array<i32>} : memref<16x16xi32, #tpu.memory_space<vmem>>, vector<16xi32>,
    %add3A_448 = arith.constant 96 : i32
    %add3A_449 = arith.addi %select_n3A_339, %add3A_448 : i32
    %iota3A_450 = tpu.iota {dimensions = array<i32: 0>} : vector<16xi32>
    %add3A_451 = vector.broadcast %add3A_449 : i32 to vector<16xi32>
    %add3A_452 = arith.addi %add3A_451, %iota3A_450 : vector<16xi32>
    %sub3A_453 = arith.constant 1919 : i32
    %sub3A_454 = vector.broadcast %sub3A_453 : i32 to vector<16xi32>
    %sub3A_455 = arith.subi %add3A_452, %sub3A_454 : vector<16xi32>
    %jit3A_456 = arith.constant 0 : i32
    %jit3A_457 = arith.constant 128 : i32
    %max3A_458 = vector.broadcast %jit3A_456 : i32 to vector<16xi32>
    %max3A_459 = arith.maxsi %max3A_458, %sub3A_455 : vector<16xi32>
    %min3A_460 = vector.broadcast %jit3A_457 : i32 to vector<16xi32>
    %min3A_461 = arith.minsi %min3A_460, %max3A_459 : vector<16xi32>
    %swap3A_462 = arith.constant 6 : i32
    %swap3A_463 = arith.index_cast %swap3A_462 : i32 to index
    %swap3A_464 = arith.constant 0 : index
    %swap3A_465 = tpu.vector_load %arg5[%swap3A_463, %swap3A_464] {strides = array<i32>} : memref<16x16xi32, #tpu.memory_space<vmem>>, vector<16xi32>,
    tpu.vector_store %arg5[%swap3A_463, %swap3A_464], %min3A_461 {strides = array<i32>} : memref<16x16xi32, #tpu.memory_space<vmem>>, vector<16xi32>,
    %add3A_466 = arith.constant 112 : i32
    %add3A_467 = arith.addi %select_n3A_339, %add3A_466 : i32
    %iota3A_468 = tpu.iota {dimensions = array<i32: 0>} : vector<16xi32>
    %add3A_469 = vector.broadcast %add3A_467 : i32 to vector<16xi32>
    %add3A_470 = arith.addi %add3A_469, %iota3A_468 : vector<16xi32>
    %sub3A_471 = arith.constant 1919 : i32
    %sub3A_472 = vector.broadcast %sub3A_471 : i32 to vector<16xi32>
    %sub3A_473 = arith.subi %add3A_470, %sub3A_472 : vector<16xi32>
    %jit3A_474 = arith.constant 0 : i32
    %jit3A_475 = arith.constant 128 : i32
    %max3A_476 = vector.broadcast %jit3A_474 : i32 to vector<16xi32>
    %max3A_477 = arith.maxsi %max3A_476, %sub3A_473 : vector<16xi32>
    %min3A_478 = vector.broadcast %jit3A_475 : i32 to vector<16xi32>
    %min3A_479 = arith.minsi %min3A_478, %max3A_477 : vector<16xi32>
    %swap3A_480 = arith.constant 7 : i32
    %swap3A_481 = arith.index_cast %swap3A_480 : i32 to index
    %swap3A_482 = arith.constant 0 : index
    %swap3A_483 = tpu.vector_load %arg5[%swap3A_481, %swap3A_482] {strides = array<i32>} : memref<16x16xi32, #tpu.memory_space<vmem>>, vector<16xi32>,
    tpu.vector_store %arg5[%swap3A_481, %swap3A_482], %min3A_479 {strides = array<i32>} : memref<16x16xi32, #tpu.memory_space<vmem>>, vector<16xi32>,
    %add3A_484 = arith.constant 128 : i32
    %add3A_485 = arith.addi %select_n3A_339, %add3A_484 : i32
    %iota3A_486 = tpu.iota {dimensions = array<i32: 0>} : vector<16xi32>
    %add3A_487 = vector.broadcast %add3A_485 : i32 to vector<16xi32>
    %add3A_488 = arith.addi %add3A_487, %iota3A_486 : vector<16xi32>
    %sub3A_489 = arith.constant 1919 : i32
    %sub3A_490 = vector.broadcast %sub3A_489 : i32 to vector<16xi32>
    %sub3A_491 = arith.subi %add3A_488, %sub3A_490 : vector<16xi32>
    %jit3A_492 = arith.constant 0 : i32
    %jit3A_493 = arith.constant 128 : i32
    %max3A_494 = vector.broadcast %jit3A_492 : i32 to vector<16xi32>
    %max3A_495 = arith.maxsi %max3A_494, %sub3A_491 : vector<16xi32>
    %min3A_496 = vector.broadcast %jit3A_493 : i32 to vector<16xi32>
    %min3A_497 = arith.minsi %min3A_496, %max3A_495 : vector<16xi32>
    %swap3A_498 = arith.constant 8 : i32
    %swap3A_499 = arith.index_cast %swap3A_498 : i32 to index
    %swap3A_500 = arith.constant 0 : index
    %swap3A_501 = tpu.vector_load %arg5[%swap3A_499, %swap3A_500] {strides = array<i32>} : memref<16x16xi32, #tpu.memory_space<vmem>>, vector<16xi32>,
    tpu.vector_store %arg5[%swap3A_499, %swap3A_500], %min3A_497 {strides = array<i32>} : memref<16x16xi32, #tpu.memory_space<vmem>>, vector<16xi32>,
    %add3A_502 = arith.constant 144 : i32
    %add3A_503 = arith.addi %select_n3A_339, %add3A_502 : i32
    %iota3A_504 = tpu.iota {dimensions = array<i32: 0>} : vector<16xi32>
    %add3A_505 = vector.broadcast %add3A_503 : i32 to vector<16xi32>
    %add3A_506 = arith.addi %add3A_505, %iota3A_504 : vector<16xi32>
    %sub3A_507 = arith.constant 1919 : i32
    %sub3A_508 = vector.broadcast %sub3A_507 : i32 to vector<16xi32>
    %sub3A_509 = arith.subi %add3A_506, %sub3A_508 : vector<16xi32>
    %jit3A_510 = arith.constant 0 : i32
    %jit3A_511 = arith.constant 128 : i32
    %max3A_512 = vector.broadcast %jit3A_510 : i32 to vector<16xi32>
    %max3A_513 = arith.maxsi %max3A_512, %sub3A_509 : vector<16xi32>
    %min3A_514 = vector.broadcast %jit3A_511 : i32 to vector<16xi32>
    %min3A_515 = arith.minsi %min3A_514, %max3A_513 : vector<16xi32>
    %swap3A_516 = arith.constant 9 : i32
    %swap3A_517 = arith.index_cast %swap3A_516 : i32 to index
    %swap3A_518 = arith.constant 0 : index
    %swap3A_519 = tpu.vector_load %arg5[%swap3A_517, %swap3A_518] {strides = array<i32>} : memref<16x16xi32, #tpu.memory_space<vmem>>, vector<16xi32>,
    tpu.vector_store %arg5[%swap3A_517, %swap3A_518], %min3A_515 {strides = array<i32>} : memref<16x16xi32, #tpu.memory_space<vmem>>, vector<16xi32>,
    %add3A_520 = arith.constant 160 : i32
    %add3A_521 = arith.addi %select_n3A_339, %add3A_520 : i32
    %iota3A_522 = tpu.iota {dimensions = array<i32: 0>} : vector<16xi32>
    %add3A_523 = vector.broadcast %add3A_521 : i32 to vector<16xi32>
    %add3A_524 = arith.addi %add3A_523, %iota3A_522 : vector<16xi32>
    %sub3A_525 = arith.constant 1919 : i32
    %sub3A_526 = vector.broadcast %sub3A_525 : i32 to vector<16xi32>
    %sub3A_527 = arith.subi %add3A_524, %sub3A_526 : vector<16xi32>
    %jit3A_528 = arith.constant 0 : i32
    %jit3A_529 = arith.constant 128 : i32
    %max3A_530 = vector.broadcast %jit3A_528 : i32 to vector<16xi32>
    %max3A_531 = arith.maxsi %max3A_530, %sub3A_527 : vector<16xi32>
    %min3A_532 = vector.broadcast %jit3A_529 : i32 to vector<16xi32>
    %min3A_533 = arith.minsi %min3A_532, %max3A_531 : vector<16xi32>
    %swap3A_534 = arith.constant 10 : i32
    %swap3A_535 = arith.index_cast %swap3A_534 : i32 to index
    %swap3A_536 = arith.constant 0 : index
    %swap3A_537 = tpu.vector_load %arg5[%swap3A_535, %swap3A_536] {strides = array<i32>} : memref<16x16xi32, #tpu.memory_space<vmem>>, vector<16xi32>,
    tpu.vector_store %arg5[%swap3A_535, %swap3A_536], %min3A_533 {strides = array<i32>} : memref<16x16xi32, #tpu.memory_space<vmem>>, vector<16xi32>,
    %add3A_538 = arith.constant 176 : i32
    %add3A_539 = arith.addi %select_n3A_339, %add3A_538 : i32
    %iota3A_540 = tpu.iota {dimensions = array<i32: 0>} : vector<16xi32>
    %add3A_541 = vector.broadcast %add3A_539 : i32 to vector<16xi32>
    %add3A_542 = arith.addi %add3A_541, %iota3A_540 : vector<16xi32>
    %sub3A_543 = arith.constant 1919 : i32
    %sub3A_544 = vector.broadcast %sub3A_543 : i32 to vector<16xi32>
    %sub3A_545 = arith.subi %add3A_542, %sub3A_544 : vector<16xi32>
    %jit3A_546 = arith.constant 0 : i32
    %jit3A_547 = arith.constant 128 : i32
    %max3A_548 = vector.broadcast %jit3A_546 : i32 to vector<16xi32>
    %max3A_549 = arith.maxsi %max3A_548, %sub3A_545 : vector<16xi32>
    %min3A_550 = vector.broadcast %jit3A_547 : i32 to vector<16xi32>
    %min3A_551 = arith.minsi %min3A_550, %max3A_549 : vector<16xi32>
    %swap3A_552 = arith.constant 11 : i32
    %swap3A_553 = arith.index_cast %swap3A_552 : i32 to index
    %swap3A_554 = arith.constant 0 : index
    %swap3A_555 = tpu.vector_load %arg5[%swap3A_553, %swap3A_554] {strides = array<i32>} : memref<16x16xi32, #tpu.memory_space<vmem>>, vector<16xi32>,
    tpu.vector_store %arg5[%swap3A_553, %swap3A_554], %min3A_551 {strides = array<i32>} : memref<16x16xi32, #tpu.memory_space<vmem>>, vector<16xi32>,
    %add3A_556 = arith.constant 192 : i32
    %add3A_557 = arith.addi %select_n3A_339, %add3A_556 : i32
    %iota3A_558 = tpu.iota {dimensions = array<i32: 0>} : vector<16xi32>
    %add3A_559 = vector.broadcast %add3A_557 : i32 to vector<16xi32>
    %add3A_560 = arith.addi %add3A_559, %iota3A_558 : vector<16xi32>
    %sub3A_561 = arith.constant 1919 : i32
    %sub3A_562 = vector.broadcast %sub3A_561 : i32 to vector<16xi32>
    %sub3A_563 = arith.subi %add3A_560, %sub3A_562 : vector<16xi32>
    %jit3A_564 = arith.constant 0 : i32
    %jit3A_565 = arith.constant 128 : i32
    %max3A_566 = vector.broadcast %jit3A_564 : i32 to vector<16xi32>
    %max3A_567 = arith.maxsi %max3A_566, %sub3A_563 : vector<16xi32>
    %min3A_568 = vector.broadcast %jit3A_565 : i32 to vector<16xi32>
    %min3A_569 = arith.minsi %min3A_568, %max3A_567 : vector<16xi32>
    %swap3A_570 = arith.constant 12 : i32
    %swap3A_571 = arith.index_cast %swap3A_570 : i32 to index
    %swap3A_572 = arith.constant 0 : index
    %swap3A_573 = tpu.vector_load %arg5[%swap3A_571, %swap3A_572] {strides = array<i32>} : memref<16x16xi32, #tpu.memory_space<vmem>>, vector<16xi32>,
    tpu.vector_store %arg5[%swap3A_571, %swap3A_572], %min3A_569 {strides = array<i32>} : memref<16x16xi32, #tpu.memory_space<vmem>>, vector<16xi32>,
    %add3A_574 = arith.constant 208 : i32
    %add3A_575 = arith.addi %select_n3A_339, %add3A_574 : i32
    %iota3A_576 = tpu.iota {dimensions = array<i32: 0>} : vector<16xi32>
    %add3A_577 = vector.broadcast %add3A_575 : i32 to vector<16xi32>
    %add3A_578 = arith.addi %add3A_577, %iota3A_576 : vector<16xi32>
    %sub3A_579 = arith.constant 1919 : i32
    %sub3A_580 = vector.broadcast %sub3A_579 : i32 to vector<16xi32>
    %sub3A_581 = arith.subi %add3A_578, %sub3A_580 : vector<16xi32>
    %jit3A_582 = arith.constant 0 : i32
    %jit3A_583 = arith.constant 128 : i32
    %max3A_584 = vector.broadcast %jit3A_582 : i32 to vector<16xi32>
    %max3A_585 = arith.maxsi %max3A_584, %sub3A_581 : vector<16xi32>
    %min3A_586 = vector.broadcast %jit3A_583 : i32 to vector<16xi32>
    %min3A_587 = arith.minsi %min3A_586, %max3A_585 : vector<16xi32>
    %swap3A_588 = arith.constant 13 : i32
    %swap3A_589 = arith.index_cast %swap3A_588 : i32 to index
    %swap3A_590 = arith.constant 0 : index
    %swap3A_591 = tpu.vector_load %arg5[%swap3A_589, %swap3A_590] {strides = array<i32>} : memref<16x16xi32, #tpu.memory_space<vmem>>, vector<16xi32>,
    tpu.vector_store %arg5[%swap3A_589, %swap3A_590], %min3A_587 {strides = array<i32>} : memref<16x16xi32, #tpu.memory_space<vmem>>, vector<16xi32>,
    %add3A_592 = arith.constant 224 : i32
    %add3A_593 = arith.addi %select_n3A_339, %add3A_592 : i32
    %iota3A_594 = tpu.iota {dimensions = array<i32: 0>} : vector<16xi32>
    %add3A_595 = vector.broadcast %add3A_593 : i32 to vector<16xi32>
    %add3A_596 = arith.addi %add3A_595, %iota3A_594 : vector<16xi32>
    %sub3A_597 = arith.constant 1919 : i32
    %sub3A_598 = vector.broadcast %sub3A_597 : i32 to vector<16xi32>
    %sub3A_599 = arith.subi %add3A_596, %sub3A_598 : vector<16xi32>
    %jit3A_600 = arith.constant 0 : i32
    %jit3A_601 = arith.constant 128 : i32
    %max3A_602 = vector.broadcast %jit3A_600 : i32 to vector<16xi32>
    %max3A_603 = arith.maxsi %max3A_602, %sub3A_599 : vector<16xi32>
    %min3A_604 = vector.broadcast %jit3A_601 : i32 to vector<16xi32>
    %min3A_605 = arith.minsi %min3A_604, %max3A_603 : vector<16xi32>
    %swap3A_606 = arith.constant 14 : i32
    %swap3A_607 = arith.index_cast %swap3A_606 : i32 to index
    %swap3A_608 = arith.constant 0 : index
    %swap3A_609 = tpu.vector_load %arg5[%swap3A_607, %swap3A_608] {strides = array<i32>} : memref<16x16xi32, #tpu.memory_space<vmem>>, vector<16xi32>,
    tpu.vector_store %arg5[%swap3A_607, %swap3A_608], %min3A_605 {strides = array<i32>} : memref<16x16xi32, #tpu.memory_space<vmem>>, vector<16xi32>,
    %add3A_610 = arith.constant 240 : i32
    %add3A_611 = arith.addi %select_n3A_339, %add3A_610 : i32
    %iota3A_612 = tpu.iota {dimensions = array<i32: 0>} : vector<16xi32>
    %add3A_613 = vector.broadcast %add3A_611 : i32 to vector<16xi32>
    %add3A_614 = arith.addi %add3A_613, %iota3A_612 : vector<16xi32>
    %sub3A_615 = arith.constant 1919 : i32
    %sub3A_616 = vector.broadcast %sub3A_615 : i32 to vector<16xi32>
    %sub3A_617 = arith.subi %add3A_614, %sub3A_616 : vector<16xi32>
    %jit3A_618 = arith.constant 0 : i32
    %jit3A_619 = arith.constant 128 : i32
    %max3A_620 = vector.broadcast %jit3A_618 : i32 to vector<16xi32>
    %max3A_621 = arith.maxsi %max3A_620, %sub3A_617 : vector<16xi32>
    %min3A_622 = vector.broadcast %jit3A_619 : i32 to vector<16xi32>
    %min3A_623 = arith.minsi %min3A_622, %max3A_621 : vector<16xi32>
    %swap3A_624 = arith.constant 15 : i32
    %swap3A_625 = arith.index_cast %swap3A_624 : i32 to index
    %swap3A_626 = arith.constant 0 : index
    %swap3A_627 = tpu.vector_load %arg5[%swap3A_625, %swap3A_626] {strides = array<i32>} : memref<16x16xi32, #tpu.memory_space<vmem>>, vector<16xi32>,
    tpu.vector_store %arg5[%swap3A_625, %swap3A_626], %min3A_623 {strides = array<i32>} : memref<16x16xi32, #tpu.memory_space<vmem>>, vector<16xi32>,
    %scan3A_628 = arith.constant 0 : i32
    %scan3A_629 = arith.constant 0 : i32
    %scan3A_630 = arith.constant 64 : i32
    %scan3A_631 = arith.addi %scan3A_629, %scan3A_630 : i32
    %scan3A_632 = arith.constant 1 : i32
    scf.for %scan3A_1603 = %scan3A_629 to %scan3A_631 step %scan3A_632  : i32 {
      %broadcast_in_dim3A = vector.broadcast %scan3A_1603 : i32 to vector<16xi32>
      %get3A = arith.constant 0 : i32
      %get3A_1604 = arith.index_cast %get3A : i32 to index
      %get3A_1605 = arith.constant 0 : index
      %get3A_1606 = tpu.vector_load %arg5[%get3A_1604, %get3A_1605] {strides = array<i32>} : memref<16x16xi32, #tpu.memory_space<vmem>>, vector<16xi32>,
      %gather3A = tpu.vector_load_idx %arg4[%get3A_1606, %broadcast_in_dim3A] : memref<136x64xf32, #tpu.memory_space<vmem>>[vector<16xi32>, vector<16xi32>], vector<16xf32>,
      %swap3A_1607 = arith.index_cast %scan3A_1603 : i32 to index
      %swap3A_1608 = arith.constant 0 : index
      %swap3A_1609 = tpu.vector_load %arg6[%swap3A_1607, %swap3A_1608] {strides = array<i32>} : memref<64x256xf32, #tpu.memory_space<vmem>>, vector<16xf32>,
      tpu.vector_store %arg6[%swap3A_1607, %swap3A_1608], %gather3A {strides = array<i32>} : memref<64x256xf32, #tpu.memory_space<vmem>>, vector<16xf32>,
      %get3A_1610 = arith.constant 1 : i32
      %get3A_1611 = arith.index_cast %get3A_1610 : i32 to index
      %get3A_1612 = arith.constant 0 : index
      %get3A_1613 = tpu.vector_load %arg5[%get3A_1611, %get3A_1612] {strides = array<i32>} : memref<16x16xi32, #tpu.memory_space<vmem>>, vector<16xi32>,
      %gather3A_1614 = tpu.vector_load_idx %arg4[%get3A_1613, %broadcast_in_dim3A] : memref<136x64xf32, #tpu.memory_space<vmem>>[vector<16xi32>, vector<16xi32>], vector<16xf32>,
      %swap3A_1615 = arith.index_cast %scan3A_1603 : i32 to index
      %swap3A_1616 = arith.constant 16 : index
      %swap3A_1617 = tpu.vector_load %arg6[%swap3A_1615, %swap3A_1616] {strides = array<i32>} : memref<64x256xf32, #tpu.memory_space<vmem>>, vector<16xf32>,
      tpu.vector_store %arg6[%swap3A_1615, %swap3A_1616], %gather3A_1614 {strides = array<i32>} : memref<64x256xf32, #tpu.memory_space<vmem>>, vector<16xf32>,
      %get3A_1618 = arith.constant 2 : i32
      %get3A_1619 = arith.index_cast %get3A_1618 : i32 to index
      %get3A_1620 = arith.constant 0 : index
      %get3A_1621 = tpu.vector_load %arg5[%get3A_1619, %get3A_1620] {strides = array<i32>} : memref<16x16xi32, #tpu.memory_space<vmem>>, vector<16xi32>,
      %gather3A_1622 = tpu.vector_load_idx %arg4[%get3A_1621, %broadcast_in_dim3A] : memref<136x64xf32, #tpu.memory_space<vmem>>[vector<16xi32>, vector<16xi32>], vector<16xf32>,
      %swap3A_1623 = arith.index_cast %scan3A_1603 : i32 to index
      %swap3A_1624 = arith.constant 32 : index
      %swap3A_1625 = tpu.vector_load %arg6[%swap3A_1623, %swap3A_1624] {strides = array<i32>} : memref<64x256xf32, #tpu.memory_space<vmem>>, vector<16xf32>,
      tpu.vector_store %arg6[%swap3A_1623, %swap3A_1624], %gather3A_1622 {strides = array<i32>} : memref<64x256xf32, #tpu.memory_space<vmem>>, vector<16xf32>,
      %get3A_1626 = arith.constant 3 : i32
      %get3A_1627 = arith.index_cast %get3A_1626 : i32 to index
      %get3A_1628 = arith.constant 0 : index
      %get3A_1629 = tpu.vector_load %arg5[%get3A_1627, %get3A_1628] {strides = array<i32>} : memref<16x16xi32, #tpu.memory_space<vmem>>, vector<16xi32>,
      %gather3A_1630 = tpu.vector_load_idx %arg4[%get3A_1629, %broadcast_in_dim3A] : memref<136x64xf32, #tpu.memory_space<vmem>>[vector<16xi32>, vector<16xi32>], vector<16xf32>,
      %swap3A_1631 = arith.index_cast %scan3A_1603 : i32 to index
      %swap3A_1632 = arith.constant 48 : index
      %swap3A_1633 = tpu.vector_load %arg6[%swap3A_1631, %swap3A_1632] {strides = array<i32>} : memref<64x256xf32, #tpu.memory_space<vmem>>, vector<16xf32>,
      tpu.vector_store %arg6[%swap3A_1631, %swap3A_1632], %gather3A_1630 {strides = array<i32>} : memref<64x256xf32, #tpu.memory_space<vmem>>, vector<16xf32>,
      %get3A_1634 = arith.constant 4 : i32
      %get3A_1635 = arith.index_cast %get3A_1634 : i32 to index
      %get3A_1636 = arith.constant 0 : index
      %get3A_1637 = tpu.vector_load %arg5[%get3A_1635, %get3A_1636] {strides = array<i32>} : memref<16x16xi32, #tpu.memory_space<vmem>>, vector<16xi32>,
      %gather3A_1638 = tpu.vector_load_idx %arg4[%get3A_1637, %broadcast_in_dim3A] : memref<136x64xf32, #tpu.memory_space<vmem>>[vector<16xi32>, vector<16xi32>], vector<16xf32>,
      %swap3A_1639 = arith.index_cast %scan3A_1603 : i32 to index
      %swap3A_1640 = arith.constant 64 : index
      %swap3A_1641 = tpu.vector_load %arg6[%swap3A_1639, %swap3A_1640] {strides = array<i32>} : memref<64x256xf32, #tpu.memory_space<vmem>>, vector<16xf32>,
      tpu.vector_store %arg6[%swap3A_1639, %swap3A_1640], %gather3A_1638 {strides = array<i32>} : memref<64x256xf32, #tpu.memory_space<vmem>>, vector<16xf32>,
      %get3A_1642 = arith.constant 5 : i32
      %get3A_1643 = arith.index_cast %get3A_1642 : i32 to index
      %get3A_1644 = arith.constant 0 : index
      %get3A_1645 = tpu.vector_load %arg5[%get3A_1643, %get3A_1644] {strides = array<i32>} : memref<16x16xi32, #tpu.memory_space<vmem>>, vector<16xi32>,
      %gather3A_1646 = tpu.vector_load_idx %arg4[%get3A_1645, %broadcast_in_dim3A] : memref<136x64xf32, #tpu.memory_space<vmem>>[vector<16xi32>, vector<16xi32>], vector<16xf32>,
      %swap3A_1647 = arith.index_cast %scan3A_1603 : i32 to index
      %swap3A_1648 = arith.constant 80 : index
      %swap3A_1649 = tpu.vector_load %arg6[%swap3A_1647, %swap3A_1648] {strides = array<i32>} : memref<64x256xf32, #tpu.memory_space<vmem>>, vector<16xf32>,
      tpu.vector_store %arg6[%swap3A_1647, %swap3A_1648], %gather3A_1646 {strides = array<i32>} : memref<64x256xf32, #tpu.memory_space<vmem>>, vector<16xf32>,
      %get3A_1650 = arith.constant 6 : i32
      %get3A_1651 = arith.index_cast %get3A_1650 : i32 to index
      %get3A_1652 = arith.constant 0 : index
      %get3A_1653 = tpu.vector_load %arg5[%get3A_1651, %get3A_1652] {strides = array<i32>} : memref<16x16xi32, #tpu.memory_space<vmem>>, vector<16xi32>,
      %gather3A_1654 = tpu.vector_load_idx %arg4[%get3A_1653, %broadcast_in_dim3A] : memref<136x64xf32, #tpu.memory_space<vmem>>[vector<16xi32>, vector<16xi32>], vector<16xf32>,
      %swap3A_1655 = arith.index_cast %scan3A_1603 : i32 to index
      %swap3A_1656 = arith.constant 96 : index
      %swap3A_1657 = tpu.vector_load %arg6[%swap3A_1655, %swap3A_1656] {strides = array<i32>} : memref<64x256xf32, #tpu.memory_space<vmem>>, vector<16xf32>,
      tpu.vector_store %arg6[%swap3A_1655, %swap3A_1656], %gather3A_1654 {strides = array<i32>} : memref<64x256xf32, #tpu.memory_space<vmem>>, vector<16xf32>,
      %get3A_1658 = arith.constant 7 : i32
      %get3A_1659 = arith.index_cast %get3A_1658 : i32 to index
      %get3A_1660 = arith.constant 0 : index
      %get3A_1661 = tpu.vector_load %arg5[%get3A_1659, %get3A_1660] {strides = array<i32>} : memref<16x16xi32, #tpu.memory_space<vmem>>, vector<16xi32>,
      %gather3A_1662 = tpu.vector_load_idx %arg4[%get3A_1661, %broadcast_in_dim3A] : memref<136x64xf32, #tpu.memory_space<vmem>>[vector<16xi32>, vector<16xi32>], vector<16xf32>,
      %swap3A_1663 = arith.index_cast %scan3A_1603 : i32 to index
      %swap3A_1664 = arith.constant 112 : index
      %swap3A_1665 = tpu.vector_load %arg6[%swap3A_1663, %swap3A_1664] {strides = array<i32>} : memref<64x256xf32, #tpu.memory_space<vmem>>, vector<16xf32>,
      tpu.vector_store %arg6[%swap3A_1663, %swap3A_1664], %gather3A_1662 {strides = array<i32>} : memref<64x256xf32, #tpu.memory_space<vmem>>, vector<16xf32>,
      %get3A_1666 = arith.constant 8 : i32
      %get3A_1667 = arith.index_cast %get3A_1666 : i32 to index
      %get3A_1668 = arith.constant 0 : index
      %get3A_1669 = tpu.vector_load %arg5[%get3A_1667, %get3A_1668] {strides = array<i32>} : memref<16x16xi32, #tpu.memory_space<vmem>>, vector<16xi32>,
      %gather3A_1670 = tpu.vector_load_idx %arg4[%get3A_1669, %broadcast_in_dim3A] : memref<136x64xf32, #tpu.memory_space<vmem>>[vector<16xi32>, vector<16xi32>], vector<16xf32>,
      %swap3A_1671 = arith.index_cast %scan3A_1603 : i32 to index
      %swap3A_1672 = arith.constant 128 : index
      %swap3A_1673 = tpu.vector_load %arg6[%swap3A_1671, %swap3A_1672] {strides = array<i32>} : memref<64x256xf32, #tpu.memory_space<vmem>>, vector<16xf32>,
      tpu.vector_store %arg6[%swap3A_1671, %swap3A_1672], %gather3A_1670 {strides = array<i32>} : memref<64x256xf32, #tpu.memory_space<vmem>>, vector<16xf32>,
      %get3A_1674 = arith.constant 9 : i32
      %get3A_1675 = arith.index_cast %get3A_1674 : i32 to index
      %get3A_1676 = arith.constant 0 : index
      %get3A_1677 = tpu.vector_load %arg5[%get3A_1675, %get3A_1676] {strides = array<i32>} : memref<16x16xi32, #tpu.memory_space<vmem>>, vector<16xi32>,
      %gather3A_1678 = tpu.vector_load_idx %arg4[%get3A_1677, %broadcast_in_dim3A] : memref<136x64xf32, #tpu.memory_space<vmem>>[vector<16xi32>, vector<16xi32>], vector<16xf32>,
      %swap3A_1679 = arith.index_cast %scan3A_1603 : i32 to index
      %swap3A_1680 = arith.constant 144 : index
      %swap3A_1681 = tpu.vector_load %arg6[%swap3A_1679, %swap3A_1680] {strides = array<i32>} : memref<64x256xf32, #tpu.memory_space<vmem>>, vector<16xf32>,
      tpu.vector_store %arg6[%swap3A_1679, %swap3A_1680], %gather3A_1678 {strides = array<i32>} : memref<64x256xf32, #tpu.memory_space<vmem>>, vector<16xf32>,
      %get3A_1682 = arith.constant 10 : i32
      %get3A_1683 = arith.index_cast %get3A_1682 : i32 to index
      %get3A_1684 = arith.constant 0 : index
      %get3A_1685 = tpu.vector_load %arg5[%get3A_1683, %get3A_1684] {strides = array<i32>} : memref<16x16xi32, #tpu.memory_space<vmem>>, vector<16xi32>,
      %gather3A_1686 = tpu.vector_load_idx %arg4[%get3A_1685, %broadcast_in_dim3A] : memref<136x64xf32, #tpu.memory_space<vmem>>[vector<16xi32>, vector<16xi32>], vector<16xf32>,
      %swap3A_1687 = arith.index_cast %scan3A_1603 : i32 to index
      %swap3A_1688 = arith.constant 160 : index
      %swap3A_1689 = tpu.vector_load %arg6[%swap3A_1687, %swap3A_1688] {strides = array<i32>} : memref<64x256xf32, #tpu.memory_space<vmem>>, vector<16xf32>,
      tpu.vector_store %arg6[%swap3A_1687, %swap3A_1688], %gather3A_1686 {strides = array<i32>} : memref<64x256xf32, #tpu.memory_space<vmem>>, vector<16xf32>,
      %get3A_1690 = arith.constant 11 : i32
      %get3A_1691 = arith.index_cast %get3A_1690 : i32 to index
      %get3A_1692 = arith.constant 0 : index
      %get3A_1693 = tpu.vector_load %arg5[%get3A_1691, %get3A_1692] {strides = array<i32>} : memref<16x16xi32, #tpu.memory_space<vmem>>, vector<16xi32>,
      %gather3A_1694 = tpu.vector_load_idx %arg4[%get3A_1693, %broadcast_in_dim3A] : memref<136x64xf32, #tpu.memory_space<vmem>>[vector<16xi32>, vector<16xi32>], vector<16xf32>,
      %swap3A_1695 = arith.index_cast %scan3A_1603 : i32 to index
      %swap3A_1696 = arith.constant 176 : index
      %swap3A_1697 = tpu.vector_load %arg6[%swap3A_1695, %swap3A_1696] {strides = array<i32>} : memref<64x256xf32, #tpu.memory_space<vmem>>, vector<16xf32>,
      tpu.vector_store %arg6[%swap3A_1695, %swap3A_1696], %gather3A_1694 {strides = array<i32>} : memref<64x256xf32, #tpu.memory_space<vmem>>, vector<16xf32>,
      %get3A_1698 = arith.constant 12 : i32
      %get3A_1699 = arith.index_cast %get3A_1698 : i32 to index
      %get3A_1700 = arith.constant 0 : index
      %get3A_1701 = tpu.vector_load %arg5[%get3A_1699, %get3A_1700] {strides = array<i32>} : memref<16x16xi32, #tpu.memory_space<vmem>>, vector<16xi32>,
      %gather3A_1702 = tpu.vector_load_idx %arg4[%get3A_1701, %broadcast_in_dim3A] : memref<136x64xf32, #tpu.memory_space<vmem>>[vector<16xi32>, vector<16xi32>], vector<16xf32>,
      %swap3A_1703 = arith.index_cast %scan3A_1603 : i32 to index
      %swap3A_1704 = arith.constant 192 : index
      %swap3A_1705 = tpu.vector_load %arg6[%swap3A_1703, %swap3A_1704] {strides = array<i32>} : memref<64x256xf32, #tpu.memory_space<vmem>>, vector<16xf32>,
      tpu.vector_store %arg6[%swap3A_1703, %swap3A_1704], %gather3A_1702 {strides = array<i32>} : memref<64x256xf32, #tpu.memory_space<vmem>>, vector<16xf32>,
      %get3A_1706 = arith.constant 13 : i32
      %get3A_1707 = arith.index_cast %get3A_1706 : i32 to index
      %get3A_1708 = arith.constant 0 : index
      %get3A_1709 = tpu.vector_load %arg5[%get3A_1707, %get3A_1708] {strides = array<i32>} : memref<16x16xi32, #tpu.memory_space<vmem>>, vector<16xi32>,
      %gather3A_1710 = tpu.vector_load_idx %arg4[%get3A_1709, %broadcast_in_dim3A] : memref<136x64xf32, #tpu.memory_space<vmem>>[vector<16xi32>, vector<16xi32>], vector<16xf32>,
      %swap3A_1711 = arith.index_cast %scan3A_1603 : i32 to index
      %swap3A_1712 = arith.constant 208 : index
      %swap3A_1713 = tpu.vector_load %arg6[%swap3A_1711, %swap3A_1712] {strides = array<i32>} : memref<64x256xf32, #tpu.memory_space<vmem>>, vector<16xf32>,
      tpu.vector_store %arg6[%swap3A_1711, %swap3A_1712], %gather3A_1710 {strides = array<i32>} : memref<64x256xf32, #tpu.memory_space<vmem>>, vector<16xf32>,
      %get3A_1714 = arith.constant 14 : i32
      %get3A_1715 = arith.index_cast %get3A_1714 : i32 to index
      %get3A_1716 = arith.constant 0 : index
      %get3A_1717 = tpu.vector_load %arg5[%get3A_1715, %get3A_1716] {strides = array<i32>} : memref<16x16xi32, #tpu.memory_space<vmem>>, vector<16xi32>,
      %gather3A_1718 = tpu.vector_load_idx %arg4[%get3A_1717, %broadcast_in_dim3A] : memref<136x64xf32, #tpu.memory_space<vmem>>[vector<16xi32>, vector<16xi32>], vector<16xf32>,
      %swap3A_1719 = arith.index_cast %scan3A_1603 : i32 to index
      %swap3A_1720 = arith.constant 224 : index
      %swap3A_1721 = tpu.vector_load %arg6[%swap3A_1719, %swap3A_1720] {strides = array<i32>} : memref<64x256xf32, #tpu.memory_space<vmem>>, vector<16xf32>,
      tpu.vector_store %arg6[%swap3A_1719, %swap3A_1720], %gather3A_1718 {strides = array<i32>} : memref<64x256xf32, #tpu.memory_space<vmem>>, vector<16xf32>,
      %get3A_1722 = arith.constant 15 : i32
      %get3A_1723 = arith.index_cast %get3A_1722 : i32 to index
      %get3A_1724 = arith.constant 0 : index
      %get3A_1725 = tpu.vector_load %arg5[%get3A_1723, %get3A_1724] {strides = array<i32>} : memref<16x16xi32, #tpu.memory_space<vmem>>, vector<16xi32>,
      %gather3A_1726 = tpu.vector_load_idx %arg4[%get3A_1725, %broadcast_in_dim3A] : memref<136x64xf32, #tpu.memory_space<vmem>>[vector<16xi32>, vector<16xi32>], vector<16xf32>,
      %swap3A_1727 = arith.index_cast %scan3A_1603 : i32 to index
      %swap3A_1728 = arith.constant 240 : index
      %swap3A_1729 = tpu.vector_load %arg6[%swap3A_1727, %swap3A_1728] {strides = array<i32>} : memref<64x256xf32, #tpu.memory_space<vmem>>, vector<16xf32>,
      tpu.vector_store %arg6[%swap3A_1727, %swap3A_1728], %gather3A_1726 {strides = array<i32>} : memref<64x256xf32, #tpu.memory_space<vmem>>, vector<16xf32>,
    }
    %scan3A_633 = arith.constant 64 : i32
    "tpu.region"() ({
      %run_scoped3A = tpu.sem_alloc : memref<!tpu.dma_semaphore, #tpu.memory_space<semaphore_mem>>
      %dma_start3A = arith.constant 0 : i32
      %dma_start3A_1603 = arith.constant 0 : i32
      %dma_start3A_1604 = tpu.memref_slice %arg7[%min3A_318, %dma_start3A, %dma_start3A_1603] : memref<66x64x256xf32, #tpu.memory_space<vmem_shared>> -> memref<1x64x256xf32, #tpu.memory_space<vmem_shared>>
      %dma_start3A_1605 = tpu.memref_squeeze %dma_start3A_1604 : memref<1x64x256xf32, #tpu.memory_space<vmem_shared>> -> memref<64x256xf32, #tpu.memory_space<vmem_shared>>
      %dma_start3A_1606 = arith.constant 0 : i32
      %dma_start3A_1607 = arith.constant 0 : i32
      %dma_start3A_1608 = tpu.memref_slice %arg7[%min3A_318, %dma_start3A_1606, %dma_start3A_1607] : memref<66x64x256xf32, #tpu.memory_space<vmem_shared>> -> memref<1x64x256xf32, #tpu.memory_space<vmem_shared>>
      %dma_start3A_1609 = tpu.memref_squeeze %dma_start3A_1608 : memref<1x64x256xf32, #tpu.memory_space<vmem_shared>> -> memref<64x256xf32, #tpu.memory_space<vmem_shared>>
      tpu.enqueue_dma source(%arg6 : memref<64x256xf32, #tpu.memory_space<vmem>>) target(%dma_start3A_1609 : memref<64x256xf32, #tpu.memory_space<vmem_shared>>) target_semaphore(%run_scoped3A : memref<!tpu.dma_semaphore, #tpu.memory_space<semaphore_mem>>)
      %dma_wait3A = arith.constant 0 : i32
      %dma_wait3A_1610 = arith.constant 0 : i32
      %dma_wait3A_1611 = tpu.memref_slice %arg7[%min3A_318, %dma_wait3A, %dma_wait3A_1610] : memref<66x64x256xf32, #tpu.memory_space<vmem_shared>> -> memref<1x64x256xf32, #tpu.memory_space<vmem_shared>>
      %dma_wait3A_1612 = tpu.memref_squeeze %dma_wait3A_1611 : memref<1x64x256xf32, #tpu.memory_space<vmem_shared>> -> memref<64x256xf32, #tpu.memory_space<vmem_shared>>
      %dma_wait3A_1613 = arith.constant 0 : i32
      %dma_wait3A_1614 = arith.constant 0 : i32
      %dma_wait3A_1615 = tpu.memref_slice %arg7[%min3A_318, %dma_wait3A_1613, %dma_wait3A_1614] : memref<66x64x256xf32, #tpu.memory_space<vmem_shared>> -> memref<1x64x256xf32, #tpu.memory_space<vmem_shared>>
      %dma_wait3A_1616 = tpu.memref_squeeze %dma_wait3A_1615 : memref<1x64x256xf32, #tpu.memory_space<vmem_shared>> -> memref<64x256xf32, #tpu.memory_space<vmem_shared>>
      tpu.wait_dma2 semaphore(%run_scoped3A : memref<!tpu.dma_semaphore, #tpu.memory_space<semaphore_mem>>) src(%arg6 : memref<64x256xf32, #tpu.memory_space<vmem>>) dst(%dma_wait3A_1616 : memref<64x256xf32, #tpu.memory_space<vmem_shared>>)
      tpu.yield
    }) : () -> ()
    %mul3A_634 = arith.constant 5 : i32
    %mul3A_635 = arith.muli %arg1, %mul3A_634 : i32
    %add3A_636 = arith.constant 2 : i32
    %add3A_637 = arith.addi %mul3A_635, %add3A_636 : i32
    %min3A_638 = arith.constant 65 : i32
    %min3A_639 = arith.minsi %add3A_637, %min3A_638 : i32
    %sub3A_640 = arith.constant 2 : i32
    %sub3A_641 = arith.subi %min3A_639, %sub3A_640 : i32
    %max3A_642 = arith.constant 0 : i32
    %max3A_643 = arith.maxsi %sub3A_641, %max3A_642 : i32
    %add3A_644 = arith.addi %mul3A_1, %max3A_643 : i32
    %add3A_645 = arith.constant 128 : i32
    %add3A_646 = arith.addi %add3A_644, %add3A_645 : i32
    %sub3A_647 = arith.constant 1 : i32
    %sub3A_648 = arith.subi %add3A_646, %sub3A_647 : i32
    %rem3A_649 = arith.constant 128 : i32
    %rem3A_650 = arith.remsi %sub3A_648, %rem3A_649 : i32
    %add3A_651 = arith.constant 1793 : i32
    %add3A_652 = arith.addi %add3A_651, %rem3A_650 : i32
    %eq3A_653 = arith.constant 0 : i32
    %eq3A_654 = arith.cmpi eq, %min3A_639, %eq3A_653 : i32
    %eq3A_655 = arith.constant 1 : i32
    %eq3A_656 = arith.cmpi eq, %min3A_639, %eq3A_655 : i32
    %jit3A_657 = arith.constant 2048 : i32
    %select_n3A_658 = arith.select %eq3A_656, %jit3A_657, %add3A_652 : i32
    %jit3A_659 = arith.constant 0 : i32
    %select_n3A_660 = arith.select %eq3A_654, %jit3A_659, %select_n3A_658 : i32
    %add3A_661 = arith.constant 0 : i32
    %add3A_662 = arith.addi %select_n3A_660, %add3A_661 : i32
    %iota3A_663 = tpu.iota {dimensions = array<i32: 0>} : vector<16xi32>
    %add3A_664 = vector.broadcast %add3A_662 : i32 to vector<16xi32>
    %add3A_665 = arith.addi %add3A_664, %iota3A_663 : vector<16xi32>
    %sub3A_666 = arith.constant 1919 : i32
    %sub3A_667 = vector.broadcast %sub3A_666 : i32 to vector<16xi32>
    %sub3A_668 = arith.subi %add3A_665, %sub3A_667 : vector<16xi32>
    %jit3A_669 = arith.constant 0 : i32
    %jit3A_670 = arith.constant 128 : i32
    %max3A_671 = vector.broadcast %jit3A_669 : i32 to vector<16xi32>
    %max3A_672 = arith.maxsi %max3A_671, %sub3A_668 : vector<16xi32>
    %min3A_673 = vector.broadcast %jit3A_670 : i32 to vector<16xi32>
    %min3A_674 = arith.minsi %min3A_673, %max3A_672 : vector<16xi32>
    %swap3A_675 = arith.constant 0 : i32
    %swap3A_676 = arith.index_cast %swap3A_675 : i32 to index
    %swap3A_677 = arith.constant 0 : index
    %swap3A_678 = tpu.vector_load %arg5[%swap3A_676, %swap3A_677] {strides = array<i32>} : memref<16x16xi32, #tpu.memory_space<vmem>>, vector<16xi32>,
    tpu.vector_store %arg5[%swap3A_676, %swap3A_677], %min3A_674 {strides = array<i32>} : memref<16x16xi32, #tpu.memory_space<vmem>>, vector<16xi32>,
    %add3A_679 = arith.constant 16 : i32
    %add3A_680 = arith.addi %select_n3A_660, %add3A_679 : i32
    %iota3A_681 = tpu.iota {dimensions = array<i32: 0>} : vector<16xi32>
    %add3A_682 = vector.broadcast %add3A_680 : i32 to vector<16xi32>
    %add3A_683 = arith.addi %add3A_682, %iota3A_681 : vector<16xi32>
    %sub3A_684 = arith.constant 1919 : i32
    %sub3A_685 = vector.broadcast %sub3A_684 : i32 to vector<16xi32>
    %sub3A_686 = arith.subi %add3A_683, %sub3A_685 : vector<16xi32>
    %jit3A_687 = arith.constant 0 : i32
    %jit3A_688 = arith.constant 128 : i32
    %max3A_689 = vector.broadcast %jit3A_687 : i32 to vector<16xi32>
    %max3A_690 = arith.maxsi %max3A_689, %sub3A_686 : vector<16xi32>
    %min3A_691 = vector.broadcast %jit3A_688 : i32 to vector<16xi32>
    %min3A_692 = arith.minsi %min3A_691, %max3A_690 : vector<16xi32>
    %swap3A_693 = arith.constant 1 : i32
    %swap3A_694 = arith.index_cast %swap3A_693 : i32 to index
    %swap3A_695 = arith.constant 0 : index
    %swap3A_696 = tpu.vector_load %arg5[%swap3A_694, %swap3A_695] {strides = array<i32>} : memref<16x16xi32, #tpu.memory_space<vmem>>, vector<16xi32>,
    tpu.vector_store %arg5[%swap3A_694, %swap3A_695], %min3A_692 {strides = array<i32>} : memref<16x16xi32, #tpu.memory_space<vmem>>, vector<16xi32>,
    %add3A_697 = arith.constant 32 : i32
    %add3A_698 = arith.addi %select_n3A_660, %add3A_697 : i32
    %iota3A_699 = tpu.iota {dimensions = array<i32: 0>} : vector<16xi32>
    %add3A_700 = vector.broadcast %add3A_698 : i32 to vector<16xi32>
    %add3A_701 = arith.addi %add3A_700, %iota3A_699 : vector<16xi32>
    %sub3A_702 = arith.constant 1919 : i32
    %sub3A_703 = vector.broadcast %sub3A_702 : i32 to vector<16xi32>
    %sub3A_704 = arith.subi %add3A_701, %sub3A_703 : vector<16xi32>
    %jit3A_705 = arith.constant 0 : i32
    %jit3A_706 = arith.constant 128 : i32
    %max3A_707 = vector.broadcast %jit3A_705 : i32 to vector<16xi32>
    %max3A_708 = arith.maxsi %max3A_707, %sub3A_704 : vector<16xi32>
    %min3A_709 = vector.broadcast %jit3A_706 : i32 to vector<16xi32>
    %min3A_710 = arith.minsi %min3A_709, %max3A_708 : vector<16xi32>
    %swap3A_711 = arith.constant 2 : i32
    %swap3A_712 = arith.index_cast %swap3A_711 : i32 to index
    %swap3A_713 = arith.constant 0 : index
    %swap3A_714 = tpu.vector_load %arg5[%swap3A_712, %swap3A_713] {strides = array<i32>} : memref<16x16xi32, #tpu.memory_space<vmem>>, vector<16xi32>,
    tpu.vector_store %arg5[%swap3A_712, %swap3A_713], %min3A_710 {strides = array<i32>} : memref<16x16xi32, #tpu.memory_space<vmem>>, vector<16xi32>,
    %add3A_715 = arith.constant 48 : i32
    %add3A_716 = arith.addi %select_n3A_660, %add3A_715 : i32
    %iota3A_717 = tpu.iota {dimensions = array<i32: 0>} : vector<16xi32>
    %add3A_718 = vector.broadcast %add3A_716 : i32 to vector<16xi32>
    %add3A_719 = arith.addi %add3A_718, %iota3A_717 : vector<16xi32>
    %sub3A_720 = arith.constant 1919 : i32
    %sub3A_721 = vector.broadcast %sub3A_720 : i32 to vector<16xi32>
    %sub3A_722 = arith.subi %add3A_719, %sub3A_721 : vector<16xi32>
    %jit3A_723 = arith.constant 0 : i32
    %jit3A_724 = arith.constant 128 : i32
    %max3A_725 = vector.broadcast %jit3A_723 : i32 to vector<16xi32>
    %max3A_726 = arith.maxsi %max3A_725, %sub3A_722 : vector<16xi32>
    %min3A_727 = vector.broadcast %jit3A_724 : i32 to vector<16xi32>
    %min3A_728 = arith.minsi %min3A_727, %max3A_726 : vector<16xi32>
    %swap3A_729 = arith.constant 3 : i32
    %swap3A_730 = arith.index_cast %swap3A_729 : i32 to index
    %swap3A_731 = arith.constant 0 : index
    %swap3A_732 = tpu.vector_load %arg5[%swap3A_730, %swap3A_731] {strides = array<i32>} : memref<16x16xi32, #tpu.memory_space<vmem>>, vector<16xi32>,
    tpu.vector_store %arg5[%swap3A_730, %swap3A_731], %min3A_728 {strides = array<i32>} : memref<16x16xi32, #tpu.memory_space<vmem>>, vector<16xi32>,
    %add3A_733 = arith.constant 64 : i32
    %add3A_734 = arith.addi %select_n3A_660, %add3A_733 : i32
    %iota3A_735 = tpu.iota {dimensions = array<i32: 0>} : vector<16xi32>
    %add3A_736 = vector.broadcast %add3A_734 : i32 to vector<16xi32>
    %add3A_737 = arith.addi %add3A_736, %iota3A_735 : vector<16xi32>
    %sub3A_738 = arith.constant 1919 : i32
    %sub3A_739 = vector.broadcast %sub3A_738 : i32 to vector<16xi32>
    %sub3A_740 = arith.subi %add3A_737, %sub3A_739 : vector<16xi32>
    %jit3A_741 = arith.constant 0 : i32
    %jit3A_742 = arith.constant 128 : i32
    %max3A_743 = vector.broadcast %jit3A_741 : i32 to vector<16xi32>
    %max3A_744 = arith.maxsi %max3A_743, %sub3A_740 : vector<16xi32>
    %min3A_745 = vector.broadcast %jit3A_742 : i32 to vector<16xi32>
    %min3A_746 = arith.minsi %min3A_745, %max3A_744 : vector<16xi32>
    %swap3A_747 = arith.constant 4 : i32
    %swap3A_748 = arith.index_cast %swap3A_747 : i32 to index
    %swap3A_749 = arith.constant 0 : index
    %swap3A_750 = tpu.vector_load %arg5[%swap3A_748, %swap3A_749] {strides = array<i32>} : memref<16x16xi32, #tpu.memory_space<vmem>>, vector<16xi32>,
    tpu.vector_store %arg5[%swap3A_748, %swap3A_749], %min3A_746 {strides = array<i32>} : memref<16x16xi32, #tpu.memory_space<vmem>>, vector<16xi32>,
    %add3A_751 = arith.constant 80 : i32
    %add3A_752 = arith.addi %select_n3A_660, %add3A_751 : i32
    %iota3A_753 = tpu.iota {dimensions = array<i32: 0>} : vector<16xi32>
    %add3A_754 = vector.broadcast %add3A_752 : i32 to vector<16xi32>
    %add3A_755 = arith.addi %add3A_754, %iota3A_753 : vector<16xi32>
    %sub3A_756 = arith.constant 1919 : i32
    %sub3A_757 = vector.broadcast %sub3A_756 : i32 to vector<16xi32>
    %sub3A_758 = arith.subi %add3A_755, %sub3A_757 : vector<16xi32>
    %jit3A_759 = arith.constant 0 : i32
    %jit3A_760 = arith.constant 128 : i32
    %max3A_761 = vector.broadcast %jit3A_759 : i32 to vector<16xi32>
    %max3A_762 = arith.maxsi %max3A_761, %sub3A_758 : vector<16xi32>
    %min3A_763 = vector.broadcast %jit3A_760 : i32 to vector<16xi32>
    %min3A_764 = arith.minsi %min3A_763, %max3A_762 : vector<16xi32>
    %swap3A_765 = arith.constant 5 : i32
    %swap3A_766 = arith.index_cast %swap3A_765 : i32 to index
    %swap3A_767 = arith.constant 0 : index
    %swap3A_768 = tpu.vector_load %arg5[%swap3A_766, %swap3A_767] {strides = array<i32>} : memref<16x16xi32, #tpu.memory_space<vmem>>, vector<16xi32>,
    tpu.vector_store %arg5[%swap3A_766, %swap3A_767], %min3A_764 {strides = array<i32>} : memref<16x16xi32, #tpu.memory_space<vmem>>, vector<16xi32>,
    %add3A_769 = arith.constant 96 : i32
    %add3A_770 = arith.addi %select_n3A_660, %add3A_769 : i32
    %iota3A_771 = tpu.iota {dimensions = array<i32: 0>} : vector<16xi32>
    %add3A_772 = vector.broadcast %add3A_770 : i32 to vector<16xi32>
    %add3A_773 = arith.addi %add3A_772, %iota3A_771 : vector<16xi32>
    %sub3A_774 = arith.constant 1919 : i32
    %sub3A_775 = vector.broadcast %sub3A_774 : i32 to vector<16xi32>
    %sub3A_776 = arith.subi %add3A_773, %sub3A_775 : vector<16xi32>
    %jit3A_777 = arith.constant 0 : i32
    %jit3A_778 = arith.constant 128 : i32
    %max3A_779 = vector.broadcast %jit3A_777 : i32 to vector<16xi32>
    %max3A_780 = arith.maxsi %max3A_779, %sub3A_776 : vector<16xi32>
    %min3A_781 = vector.broadcast %jit3A_778 : i32 to vector<16xi32>
    %min3A_782 = arith.minsi %min3A_781, %max3A_780 : vector<16xi32>
    %swap3A_783 = arith.constant 6 : i32
    %swap3A_784 = arith.index_cast %swap3A_783 : i32 to index
    %swap3A_785 = arith.constant 0 : index
    %swap3A_786 = tpu.vector_load %arg5[%swap3A_784, %swap3A_785] {strides = array<i32>} : memref<16x16xi32, #tpu.memory_space<vmem>>, vector<16xi32>,
    tpu.vector_store %arg5[%swap3A_784, %swap3A_785], %min3A_782 {strides = array<i32>} : memref<16x16xi32, #tpu.memory_space<vmem>>, vector<16xi32>,
    %add3A_787 = arith.constant 112 : i32
    %add3A_788 = arith.addi %select_n3A_660, %add3A_787 : i32
    %iota3A_789 = tpu.iota {dimensions = array<i32: 0>} : vector<16xi32>
    %add3A_790 = vector.broadcast %add3A_788 : i32 to vector<16xi32>
    %add3A_791 = arith.addi %add3A_790, %iota3A_789 : vector<16xi32>
    %sub3A_792 = arith.constant 1919 : i32
    %sub3A_793 = vector.broadcast %sub3A_792 : i32 to vector<16xi32>
    %sub3A_794 = arith.subi %add3A_791, %sub3A_793 : vector<16xi32>
    %jit3A_795 = arith.constant 0 : i32
    %jit3A_796 = arith.constant 128 : i32
    %max3A_797 = vector.broadcast %jit3A_795 : i32 to vector<16xi32>
    %max3A_798 = arith.maxsi %max3A_797, %sub3A_794 : vector<16xi32>
    %min3A_799 = vector.broadcast %jit3A_796 : i32 to vector<16xi32>
    %min3A_800 = arith.minsi %min3A_799, %max3A_798 : vector<16xi32>
    %swap3A_801 = arith.constant 7 : i32
    %swap3A_802 = arith.index_cast %swap3A_801 : i32 to index
    %swap3A_803 = arith.constant 0 : index
    %swap3A_804 = tpu.vector_load %arg5[%swap3A_802, %swap3A_803] {strides = array<i32>} : memref<16x16xi32, #tpu.memory_space<vmem>>, vector<16xi32>,
    tpu.vector_store %arg5[%swap3A_802, %swap3A_803], %min3A_800 {strides = array<i32>} : memref<16x16xi32, #tpu.memory_space<vmem>>, vector<16xi32>,
    %add3A_805 = arith.constant 128 : i32
    %add3A_806 = arith.addi %select_n3A_660, %add3A_805 : i32
    %iota3A_807 = tpu.iota {dimensions = array<i32: 0>} : vector<16xi32>
    %add3A_808 = vector.broadcast %add3A_806 : i32 to vector<16xi32>
    %add3A_809 = arith.addi %add3A_808, %iota3A_807 : vector<16xi32>
    %sub3A_810 = arith.constant 1919 : i32
    %sub3A_811 = vector.broadcast %sub3A_810 : i32 to vector<16xi32>
    %sub3A_812 = arith.subi %add3A_809, %sub3A_811 : vector<16xi32>
    %jit3A_813 = arith.constant 0 : i32
    %jit3A_814 = arith.constant 128 : i32
    %max3A_815 = vector.broadcast %jit3A_813 : i32 to vector<16xi32>
    %max3A_816 = arith.maxsi %max3A_815, %sub3A_812 : vector<16xi32>
    %min3A_817 = vector.broadcast %jit3A_814 : i32 to vector<16xi32>
    %min3A_818 = arith.minsi %min3A_817, %max3A_816 : vector<16xi32>
    %swap3A_819 = arith.constant 8 : i32
    %swap3A_820 = arith.index_cast %swap3A_819 : i32 to index
    %swap3A_821 = arith.constant 0 : index
    %swap3A_822 = tpu.vector_load %arg5[%swap3A_820, %swap3A_821] {strides = array<i32>} : memref<16x16xi32, #tpu.memory_space<vmem>>, vector<16xi32>,
    tpu.vector_store %arg5[%swap3A_820, %swap3A_821], %min3A_818 {strides = array<i32>} : memref<16x16xi32, #tpu.memory_space<vmem>>, vector<16xi32>,
    %add3A_823 = arith.constant 144 : i32
    %add3A_824 = arith.addi %select_n3A_660, %add3A_823 : i32
    %iota3A_825 = tpu.iota {dimensions = array<i32: 0>} : vector<16xi32>
    %add3A_826 = vector.broadcast %add3A_824 : i32 to vector<16xi32>
    %add3A_827 = arith.addi %add3A_826, %iota3A_825 : vector<16xi32>
    %sub3A_828 = arith.constant 1919 : i32
    %sub3A_829 = vector.broadcast %sub3A_828 : i32 to vector<16xi32>
    %sub3A_830 = arith.subi %add3A_827, %sub3A_829 : vector<16xi32>
    %jit3A_831 = arith.constant 0 : i32
    %jit3A_832 = arith.constant 128 : i32
    %max3A_833 = vector.broadcast %jit3A_831 : i32 to vector<16xi32>
    %max3A_834 = arith.maxsi %max3A_833, %sub3A_830 : vector<16xi32>
    %min3A_835 = vector.broadcast %jit3A_832 : i32 to vector<16xi32>
    %min3A_836 = arith.minsi %min3A_835, %max3A_834 : vector<16xi32>
    %swap3A_837 = arith.constant 9 : i32
    %swap3A_838 = arith.index_cast %swap3A_837 : i32 to index
    %swap3A_839 = arith.constant 0 : index
    %swap3A_840 = tpu.vector_load %arg5[%swap3A_838, %swap3A_839] {strides = array<i32>} : memref<16x16xi32, #tpu.memory_space<vmem>>, vector<16xi32>,
    tpu.vector_store %arg5[%swap3A_838, %swap3A_839], %min3A_836 {strides = array<i32>} : memref<16x16xi32, #tpu.memory_space<vmem>>, vector<16xi32>,
    %add3A_841 = arith.constant 160 : i32
    %add3A_842 = arith.addi %select_n3A_660, %add3A_841 : i32
    %iota3A_843 = tpu.iota {dimensions = array<i32: 0>} : vector<16xi32>
    %add3A_844 = vector.broadcast %add3A_842 : i32 to vector<16xi32>
    %add3A_845 = arith.addi %add3A_844, %iota3A_843 : vector<16xi32>
    %sub3A_846 = arith.constant 1919 : i32
    %sub3A_847 = vector.broadcast %sub3A_846 : i32 to vector<16xi32>
    %sub3A_848 = arith.subi %add3A_845, %sub3A_847 : vector<16xi32>
    %jit3A_849 = arith.constant 0 : i32
    %jit3A_850 = arith.constant 128 : i32
    %max3A_851 = vector.broadcast %jit3A_849 : i32 to vector<16xi32>
    %max3A_852 = arith.maxsi %max3A_851, %sub3A_848 : vector<16xi32>
    %min3A_853 = vector.broadcast %jit3A_850 : i32 to vector<16xi32>
    %min3A_854 = arith.minsi %min3A_853, %max3A_852 : vector<16xi32>
    %swap3A_855 = arith.constant 10 : i32
    %swap3A_856 = arith.index_cast %swap3A_855 : i32 to index
    %swap3A_857 = arith.constant 0 : index
    %swap3A_858 = tpu.vector_load %arg5[%swap3A_856, %swap3A_857] {strides = array<i32>} : memref<16x16xi32, #tpu.memory_space<vmem>>, vector<16xi32>,
    tpu.vector_store %arg5[%swap3A_856, %swap3A_857], %min3A_854 {strides = array<i32>} : memref<16x16xi32, #tpu.memory_space<vmem>>, vector<16xi32>,
    %add3A_859 = arith.constant 176 : i32
    %add3A_860 = arith.addi %select_n3A_660, %add3A_859 : i32
    %iota3A_861 = tpu.iota {dimensions = array<i32: 0>} : vector<16xi32>
    %add3A_862 = vector.broadcast %add3A_860 : i32 to vector<16xi32>
    %add3A_863 = arith.addi %add3A_862, %iota3A_861 : vector<16xi32>
    %sub3A_864 = arith.constant 1919 : i32
    %sub3A_865 = vector.broadcast %sub3A_864 : i32 to vector<16xi32>
    %sub3A_866 = arith.subi %add3A_863, %sub3A_865 : vector<16xi32>
    %jit3A_867 = arith.constant 0 : i32
    %jit3A_868 = arith.constant 128 : i32
    %max3A_869 = vector.broadcast %jit3A_867 : i32 to vector<16xi32>
    %max3A_870 = arith.maxsi %max3A_869, %sub3A_866 : vector<16xi32>
    %min3A_871 = vector.broadcast %jit3A_868 : i32 to vector<16xi32>
    %min3A_872 = arith.minsi %min3A_871, %max3A_870 : vector<16xi32>
    %swap3A_873 = arith.constant 11 : i32
    %swap3A_874 = arith.index_cast %swap3A_873 : i32 to index
    %swap3A_875 = arith.constant 0 : index
    %swap3A_876 = tpu.vector_load %arg5[%swap3A_874, %swap3A_875] {strides = array<i32>} : memref<16x16xi32, #tpu.memory_space<vmem>>, vector<16xi32>,
    tpu.vector_store %arg5[%swap3A_874, %swap3A_875], %min3A_872 {strides = array<i32>} : memref<16x16xi32, #tpu.memory_space<vmem>>, vector<16xi32>,
    %add3A_877 = arith.constant 192 : i32
    %add3A_878 = arith.addi %select_n3A_660, %add3A_877 : i32
    %iota3A_879 = tpu.iota {dimensions = array<i32: 0>} : vector<16xi32>
    %add3A_880 = vector.broadcast %add3A_878 : i32 to vector<16xi32>
    %add3A_881 = arith.addi %add3A_880, %iota3A_879 : vector<16xi32>
    %sub3A_882 = arith.constant 1919 : i32
    %sub3A_883 = vector.broadcast %sub3A_882 : i32 to vector<16xi32>
    %sub3A_884 = arith.subi %add3A_881, %sub3A_883 : vector<16xi32>
    %jit3A_885 = arith.constant 0 : i32
    %jit3A_886 = arith.constant 128 : i32
    %max3A_887 = vector.broadcast %jit3A_885 : i32 to vector<16xi32>
    %max3A_888 = arith.maxsi %max3A_887, %sub3A_884 : vector<16xi32>
    %min3A_889 = vector.broadcast %jit3A_886 : i32 to vector<16xi32>
    %min3A_890 = arith.minsi %min3A_889, %max3A_888 : vector<16xi32>
    %swap3A_891 = arith.constant 12 : i32
    %swap3A_892 = arith.index_cast %swap3A_891 : i32 to index
    %swap3A_893 = arith.constant 0 : index
    %swap3A_894 = tpu.vector_load %arg5[%swap3A_892, %swap3A_893] {strides = array<i32>} : memref<16x16xi32, #tpu.memory_space<vmem>>, vector<16xi32>,
    tpu.vector_store %arg5[%swap3A_892, %swap3A_893], %min3A_890 {strides = array<i32>} : memref<16x16xi32, #tpu.memory_space<vmem>>, vector<16xi32>,
    %add3A_895 = arith.constant 208 : i32
    %add3A_896 = arith.addi %select_n3A_660, %add3A_895 : i32
    %iota3A_897 = tpu.iota {dimensions = array<i32: 0>} : vector<16xi32>
    %add3A_898 = vector.broadcast %add3A_896 : i32 to vector<16xi32>
    %add3A_899 = arith.addi %add3A_898, %iota3A_897 : vector<16xi32>
    %sub3A_900 = arith.constant 1919 : i32
    %sub3A_901 = vector.broadcast %sub3A_900 : i32 to vector<16xi32>
    %sub3A_902 = arith.subi %add3A_899, %sub3A_901 : vector<16xi32>
    %jit3A_903 = arith.constant 0 : i32
    %jit3A_904 = arith.constant 128 : i32
    %max3A_905 = vector.broadcast %jit3A_903 : i32 to vector<16xi32>
    %max3A_906 = arith.maxsi %max3A_905, %sub3A_902 : vector<16xi32>
    %min3A_907 = vector.broadcast %jit3A_904 : i32 to vector<16xi32>
    %min3A_908 = arith.minsi %min3A_907, %max3A_906 : vector<16xi32>
    %swap3A_909 = arith.constant 13 : i32
    %swap3A_910 = arith.index_cast %swap3A_909 : i32 to index
    %swap3A_911 = arith.constant 0 : index
    %swap3A_912 = tpu.vector_load %arg5[%swap3A_910, %swap3A_911] {strides = array<i32>} : memref<16x16xi32, #tpu.memory_space<vmem>>, vector<16xi32>,
    tpu.vector_store %arg5[%swap3A_910, %swap3A_911], %min3A_908 {strides = array<i32>} : memref<16x16xi32, #tpu.memory_space<vmem>>, vector<16xi32>,
    %add3A_913 = arith.constant 224 : i32
    %add3A_914 = arith.addi %select_n3A_660, %add3A_913 : i32
    %iota3A_915 = tpu.iota {dimensions = array<i32: 0>} : vector<16xi32>
    %add3A_916 = vector.broadcast %add3A_914 : i32 to vector<16xi32>
    %add3A_917 = arith.addi %add3A_916, %iota3A_915 : vector<16xi32>
    %sub3A_918 = arith.constant 1919 : i32
    %sub3A_919 = vector.broadcast %sub3A_918 : i32 to vector<16xi32>
    %sub3A_920 = arith.subi %add3A_917, %sub3A_919 : vector<16xi32>
    %jit3A_921 = arith.constant 0 : i32
    %jit3A_922 = arith.constant 128 : i32
    %max3A_923 = vector.broadcast %jit3A_921 : i32 to vector<16xi32>
    %max3A_924 = arith.maxsi %max3A_923, %sub3A_920 : vector<16xi32>
    %min3A_925 = vector.broadcast %jit3A_922 : i32 to vector<16xi32>
    %min3A_926 = arith.minsi %min3A_925, %max3A_924 : vector<16xi32>
    %swap3A_927 = arith.constant 14 : i32
    %swap3A_928 = arith.index_cast %swap3A_927 : i32 to index
    %swap3A_929 = arith.constant 0 : index
    %swap3A_930 = tpu.vector_load %arg5[%swap3A_928, %swap3A_929] {strides = array<i32>} : memref<16x16xi32, #tpu.memory_space<vmem>>, vector<16xi32>,
    tpu.vector_store %arg5[%swap3A_928, %swap3A_929], %min3A_926 {strides = array<i32>} : memref<16x16xi32, #tpu.memory_space<vmem>>, vector<16xi32>,
    %add3A_931 = arith.constant 240 : i32
    %add3A_932 = arith.addi %select_n3A_660, %add3A_931 : i32
    %iota3A_933 = tpu.iota {dimensions = array<i32: 0>} : vector<16xi32>
    %add3A_934 = vector.broadcast %add3A_932 : i32 to vector<16xi32>
    %add3A_935 = arith.addi %add3A_934, %iota3A_933 : vector<16xi32>
    %sub3A_936 = arith.constant 1919 : i32
    %sub3A_937 = vector.broadcast %sub3A_936 : i32 to vector<16xi32>
    %sub3A_938 = arith.subi %add3A_935, %sub3A_937 : vector<16xi32>
    %jit3A_939 = arith.constant 0 : i32
    %jit3A_940 = arith.constant 128 : i32
    %max3A_941 = vector.broadcast %jit3A_939 : i32 to vector<16xi32>
    %max3A_942 = arith.maxsi %max3A_941, %sub3A_938 : vector<16xi32>
    %min3A_943 = vector.broadcast %jit3A_940 : i32 to vector<16xi32>
    %min3A_944 = arith.minsi %min3A_943, %max3A_942 : vector<16xi32>
    %swap3A_945 = arith.constant 15 : i32
    %swap3A_946 = arith.index_cast %swap3A_945 : i32 to index
    %swap3A_947 = arith.constant 0 : index
    %swap3A_948 = tpu.vector_load %arg5[%swap3A_946, %swap3A_947] {strides = array<i32>} : memref<16x16xi32, #tpu.memory_space<vmem>>, vector<16xi32>,
    tpu.vector_store %arg5[%swap3A_946, %swap3A_947], %min3A_944 {strides = array<i32>} : memref<16x16xi32, #tpu.memory_space<vmem>>, vector<16xi32>,
    %scan3A_949 = arith.constant 0 : i32
    %scan3A_950 = arith.constant 0 : i32
    %scan3A_951 = arith.constant 64 : i32
    %scan3A_952 = arith.addi %scan3A_950, %scan3A_951 : i32
    %scan3A_953 = arith.constant 1 : i32
    scf.for %scan3A_1603 = %scan3A_950 to %scan3A_952 step %scan3A_953  : i32 {
      %broadcast_in_dim3A = vector.broadcast %scan3A_1603 : i32 to vector<16xi32>
      %get3A = arith.constant 0 : i32
      %get3A_1604 = arith.index_cast %get3A : i32 to index
      %get3A_1605 = arith.constant 0 : index
      %get3A_1606 = tpu.vector_load %arg5[%get3A_1604, %get3A_1605] {strides = array<i32>} : memref<16x16xi32, #tpu.memory_space<vmem>>, vector<16xi32>,
      %gather3A = tpu.vector_load_idx %arg4[%get3A_1606, %broadcast_in_dim3A] : memref<136x64xf32, #tpu.memory_space<vmem>>[vector<16xi32>, vector<16xi32>], vector<16xf32>,
      %swap3A_1607 = arith.index_cast %scan3A_1603 : i32 to index
      %swap3A_1608 = arith.constant 0 : index
      %swap3A_1609 = tpu.vector_load %arg6[%swap3A_1607, %swap3A_1608] {strides = array<i32>} : memref<64x256xf32, #tpu.memory_space<vmem>>, vector<16xf32>,
      tpu.vector_store %arg6[%swap3A_1607, %swap3A_1608], %gather3A {strides = array<i32>} : memref<64x256xf32, #tpu.memory_space<vmem>>, vector<16xf32>,
      %get3A_1610 = arith.constant 1 : i32
      %get3A_1611 = arith.index_cast %get3A_1610 : i32 to index
      %get3A_1612 = arith.constant 0 : index
      %get3A_1613 = tpu.vector_load %arg5[%get3A_1611, %get3A_1612] {strides = array<i32>} : memref<16x16xi32, #tpu.memory_space<vmem>>, vector<16xi32>,
      %gather3A_1614 = tpu.vector_load_idx %arg4[%get3A_1613, %broadcast_in_dim3A] : memref<136x64xf32, #tpu.memory_space<vmem>>[vector<16xi32>, vector<16xi32>], vector<16xf32>,
      %swap3A_1615 = arith.index_cast %scan3A_1603 : i32 to index
      %swap3A_1616 = arith.constant 16 : index
      %swap3A_1617 = tpu.vector_load %arg6[%swap3A_1615, %swap3A_1616] {strides = array<i32>} : memref<64x256xf32, #tpu.memory_space<vmem>>, vector<16xf32>,
      tpu.vector_store %arg6[%swap3A_1615, %swap3A_1616], %gather3A_1614 {strides = array<i32>} : memref<64x256xf32, #tpu.memory_space<vmem>>, vector<16xf32>,
      %get3A_1618 = arith.constant 2 : i32
      %get3A_1619 = arith.index_cast %get3A_1618 : i32 to index
      %get3A_1620 = arith.constant 0 : index
      %get3A_1621 = tpu.vector_load %arg5[%get3A_1619, %get3A_1620] {strides = array<i32>} : memref<16x16xi32, #tpu.memory_space<vmem>>, vector<16xi32>,
      %gather3A_1622 = tpu.vector_load_idx %arg4[%get3A_1621, %broadcast_in_dim3A] : memref<136x64xf32, #tpu.memory_space<vmem>>[vector<16xi32>, vector<16xi32>], vector<16xf32>,
      %swap3A_1623 = arith.index_cast %scan3A_1603 : i32 to index
      %swap3A_1624 = arith.constant 32 : index
      %swap3A_1625 = tpu.vector_load %arg6[%swap3A_1623, %swap3A_1624] {strides = array<i32>} : memref<64x256xf32, #tpu.memory_space<vmem>>, vector<16xf32>,
      tpu.vector_store %arg6[%swap3A_1623, %swap3A_1624], %gather3A_1622 {strides = array<i32>} : memref<64x256xf32, #tpu.memory_space<vmem>>, vector<16xf32>,
      %get3A_1626 = arith.constant 3 : i32
      %get3A_1627 = arith.index_cast %get3A_1626 : i32 to index
      %get3A_1628 = arith.constant 0 : index
      %get3A_1629 = tpu.vector_load %arg5[%get3A_1627, %get3A_1628] {strides = array<i32>} : memref<16x16xi32, #tpu.memory_space<vmem>>, vector<16xi32>,
      %gather3A_1630 = tpu.vector_load_idx %arg4[%get3A_1629, %broadcast_in_dim3A] : memref<136x64xf32, #tpu.memory_space<vmem>>[vector<16xi32>, vector<16xi32>], vector<16xf32>,
      %swap3A_1631 = arith.index_cast %scan3A_1603 : i32 to index
      %swap3A_1632 = arith.constant 48 : index
      %swap3A_1633 = tpu.vector_load %arg6[%swap3A_1631, %swap3A_1632] {strides = array<i32>} : memref<64x256xf32, #tpu.memory_space<vmem>>, vector<16xf32>,
      tpu.vector_store %arg6[%swap3A_1631, %swap3A_1632], %gather3A_1630 {strides = array<i32>} : memref<64x256xf32, #tpu.memory_space<vmem>>, vector<16xf32>,
      %get3A_1634 = arith.constant 4 : i32
      %get3A_1635 = arith.index_cast %get3A_1634 : i32 to index
      %get3A_1636 = arith.constant 0 : index
      %get3A_1637 = tpu.vector_load %arg5[%get3A_1635, %get3A_1636] {strides = array<i32>} : memref<16x16xi32, #tpu.memory_space<vmem>>, vector<16xi32>,
      %gather3A_1638 = tpu.vector_load_idx %arg4[%get3A_1637, %broadcast_in_dim3A] : memref<136x64xf32, #tpu.memory_space<vmem>>[vector<16xi32>, vector<16xi32>], vector<16xf32>,
      %swap3A_1639 = arith.index_cast %scan3A_1603 : i32 to index
      %swap3A_1640 = arith.constant 64 : index
      %swap3A_1641 = tpu.vector_load %arg6[%swap3A_1639, %swap3A_1640] {strides = array<i32>} : memref<64x256xf32, #tpu.memory_space<vmem>>, vector<16xf32>,
      tpu.vector_store %arg6[%swap3A_1639, %swap3A_1640], %gather3A_1638 {strides = array<i32>} : memref<64x256xf32, #tpu.memory_space<vmem>>, vector<16xf32>,
      %get3A_1642 = arith.constant 5 : i32
      %get3A_1643 = arith.index_cast %get3A_1642 : i32 to index
      %get3A_1644 = arith.constant 0 : index
      %get3A_1645 = tpu.vector_load %arg5[%get3A_1643, %get3A_1644] {strides = array<i32>} : memref<16x16xi32, #tpu.memory_space<vmem>>, vector<16xi32>,
      %gather3A_1646 = tpu.vector_load_idx %arg4[%get3A_1645, %broadcast_in_dim3A] : memref<136x64xf32, #tpu.memory_space<vmem>>[vector<16xi32>, vector<16xi32>], vector<16xf32>,
      %swap3A_1647 = arith.index_cast %scan3A_1603 : i32 to index
      %swap3A_1648 = arith.constant 80 : index
      %swap3A_1649 = tpu.vector_load %arg6[%swap3A_1647, %swap3A_1648] {strides = array<i32>} : memref<64x256xf32, #tpu.memory_space<vmem>>, vector<16xf32>,
      tpu.vector_store %arg6[%swap3A_1647, %swap3A_1648], %gather3A_1646 {strides = array<i32>} : memref<64x256xf32, #tpu.memory_space<vmem>>, vector<16xf32>,
      %get3A_1650 = arith.constant 6 : i32
      %get3A_1651 = arith.index_cast %get3A_1650 : i32 to index
      %get3A_1652 = arith.constant 0 : index
      %get3A_1653 = tpu.vector_load %arg5[%get3A_1651, %get3A_1652] {strides = array<i32>} : memref<16x16xi32, #tpu.memory_space<vmem>>, vector<16xi32>,
      %gather3A_1654 = tpu.vector_load_idx %arg4[%get3A_1653, %broadcast_in_dim3A] : memref<136x64xf32, #tpu.memory_space<vmem>>[vector<16xi32>, vector<16xi32>], vector<16xf32>,
      %swap3A_1655 = arith.index_cast %scan3A_1603 : i32 to index
      %swap3A_1656 = arith.constant 96 : index
      %swap3A_1657 = tpu.vector_load %arg6[%swap3A_1655, %swap3A_1656] {strides = array<i32>} : memref<64x256xf32, #tpu.memory_space<vmem>>, vector<16xf32>,
      tpu.vector_store %arg6[%swap3A_1655, %swap3A_1656], %gather3A_1654 {strides = array<i32>} : memref<64x256xf32, #tpu.memory_space<vmem>>, vector<16xf32>,
      %get3A_1658 = arith.constant 7 : i32
      %get3A_1659 = arith.index_cast %get3A_1658 : i32 to index
      %get3A_1660 = arith.constant 0 : index
      %get3A_1661 = tpu.vector_load %arg5[%get3A_1659, %get3A_1660] {strides = array<i32>} : memref<16x16xi32, #tpu.memory_space<vmem>>, vector<16xi32>,
      %gather3A_1662 = tpu.vector_load_idx %arg4[%get3A_1661, %broadcast_in_dim3A] : memref<136x64xf32, #tpu.memory_space<vmem>>[vector<16xi32>, vector<16xi32>], vector<16xf32>,
      %swap3A_1663 = arith.index_cast %scan3A_1603 : i32 to index
      %swap3A_1664 = arith.constant 112 : index
      %swap3A_1665 = tpu.vector_load %arg6[%swap3A_1663, %swap3A_1664] {strides = array<i32>} : memref<64x256xf32, #tpu.memory_space<vmem>>, vector<16xf32>,
      tpu.vector_store %arg6[%swap3A_1663, %swap3A_1664], %gather3A_1662 {strides = array<i32>} : memref<64x256xf32, #tpu.memory_space<vmem>>, vector<16xf32>,
      %get3A_1666 = arith.constant 8 : i32
      %get3A_1667 = arith.index_cast %get3A_1666 : i32 to index
      %get3A_1668 = arith.constant 0 : index
      %get3A_1669 = tpu.vector_load %arg5[%get3A_1667, %get3A_1668] {strides = array<i32>} : memref<16x16xi32, #tpu.memory_space<vmem>>, vector<16xi32>,
      %gather3A_1670 = tpu.vector_load_idx %arg4[%get3A_1669, %broadcast_in_dim3A] : memref<136x64xf32, #tpu.memory_space<vmem>>[vector<16xi32>, vector<16xi32>], vector<16xf32>,
      %swap3A_1671 = arith.index_cast %scan3A_1603 : i32 to index
      %swap3A_1672 = arith.constant 128 : index
      %swap3A_1673 = tpu.vector_load %arg6[%swap3A_1671, %swap3A_1672] {strides = array<i32>} : memref<64x256xf32, #tpu.memory_space<vmem>>, vector<16xf32>,
      tpu.vector_store %arg6[%swap3A_1671, %swap3A_1672], %gather3A_1670 {strides = array<i32>} : memref<64x256xf32, #tpu.memory_space<vmem>>, vector<16xf32>,
      %get3A_1674 = arith.constant 9 : i32
      %get3A_1675 = arith.index_cast %get3A_1674 : i32 to index
      %get3A_1676 = arith.constant 0 : index
      %get3A_1677 = tpu.vector_load %arg5[%get3A_1675, %get3A_1676] {strides = array<i32>} : memref<16x16xi32, #tpu.memory_space<vmem>>, vector<16xi32>,
      %gather3A_1678 = tpu.vector_load_idx %arg4[%get3A_1677, %broadcast_in_dim3A] : memref<136x64xf32, #tpu.memory_space<vmem>>[vector<16xi32>, vector<16xi32>], vector<16xf32>,
      %swap3A_1679 = arith.index_cast %scan3A_1603 : i32 to index
      %swap3A_1680 = arith.constant 144 : index
      %swap3A_1681 = tpu.vector_load %arg6[%swap3A_1679, %swap3A_1680] {strides = array<i32>} : memref<64x256xf32, #tpu.memory_space<vmem>>, vector<16xf32>,
      tpu.vector_store %arg6[%swap3A_1679, %swap3A_1680], %gather3A_1678 {strides = array<i32>} : memref<64x256xf32, #tpu.memory_space<vmem>>, vector<16xf32>,
      %get3A_1682 = arith.constant 10 : i32
      %get3A_1683 = arith.index_cast %get3A_1682 : i32 to index
      %get3A_1684 = arith.constant 0 : index
      %get3A_1685 = tpu.vector_load %arg5[%get3A_1683, %get3A_1684] {strides = array<i32>} : memref<16x16xi32, #tpu.memory_space<vmem>>, vector<16xi32>,
      %gather3A_1686 = tpu.vector_load_idx %arg4[%get3A_1685, %broadcast_in_dim3A] : memref<136x64xf32, #tpu.memory_space<vmem>>[vector<16xi32>, vector<16xi32>], vector<16xf32>,
      %swap3A_1687 = arith.index_cast %scan3A_1603 : i32 to index
      %swap3A_1688 = arith.constant 160 : index
      %swap3A_1689 = tpu.vector_load %arg6[%swap3A_1687, %swap3A_1688] {strides = array<i32>} : memref<64x256xf32, #tpu.memory_space<vmem>>, vector<16xf32>,
      tpu.vector_store %arg6[%swap3A_1687, %swap3A_1688], %gather3A_1686 {strides = array<i32>} : memref<64x256xf32, #tpu.memory_space<vmem>>, vector<16xf32>,
      %get3A_1690 = arith.constant 11 : i32
      %get3A_1691 = arith.index_cast %get3A_1690 : i32 to index
      %get3A_1692 = arith.constant 0 : index
      %get3A_1693 = tpu.vector_load %arg5[%get3A_1691, %get3A_1692] {strides = array<i32>} : memref<16x16xi32, #tpu.memory_space<vmem>>, vector<16xi32>,
      %gather3A_1694 = tpu.vector_load_idx %arg4[%get3A_1693, %broadcast_in_dim3A] : memref<136x64xf32, #tpu.memory_space<vmem>>[vector<16xi32>, vector<16xi32>], vector<16xf32>,
      %swap3A_1695 = arith.index_cast %scan3A_1603 : i32 to index
      %swap3A_1696 = arith.constant 176 : index
      %swap3A_1697 = tpu.vector_load %arg6[%swap3A_1695, %swap3A_1696] {strides = array<i32>} : memref<64x256xf32, #tpu.memory_space<vmem>>, vector<16xf32>,
      tpu.vector_store %arg6[%swap3A_1695, %swap3A_1696], %gather3A_1694 {strides = array<i32>} : memref<64x256xf32, #tpu.memory_space<vmem>>, vector<16xf32>,
      %get3A_1698 = arith.constant 12 : i32
      %get3A_1699 = arith.index_cast %get3A_1698 : i32 to index
      %get3A_1700 = arith.constant 0 : index
      %get3A_1701 = tpu.vector_load %arg5[%get3A_1699, %get3A_1700] {strides = array<i32>} : memref<16x16xi32, #tpu.memory_space<vmem>>, vector<16xi32>,
      %gather3A_1702 = tpu.vector_load_idx %arg4[%get3A_1701, %broadcast_in_dim3A] : memref<136x64xf32, #tpu.memory_space<vmem>>[vector<16xi32>, vector<16xi32>], vector<16xf32>,
      %swap3A_1703 = arith.index_cast %scan3A_1603 : i32 to index
      %swap3A_1704 = arith.constant 192 : index
      %swap3A_1705 = tpu.vector_load %arg6[%swap3A_1703, %swap3A_1704] {strides = array<i32>} : memref<64x256xf32, #tpu.memory_space<vmem>>, vector<16xf32>,
      tpu.vector_store %arg6[%swap3A_1703, %swap3A_1704], %gather3A_1702 {strides = array<i32>} : memref<64x256xf32, #tpu.memory_space<vmem>>, vector<16xf32>,
      %get3A_1706 = arith.constant 13 : i32
      %get3A_1707 = arith.index_cast %get3A_1706 : i32 to index
      %get3A_1708 = arith.constant 0 : index
      %get3A_1709 = tpu.vector_load %arg5[%get3A_1707, %get3A_1708] {strides = array<i32>} : memref<16x16xi32, #tpu.memory_space<vmem>>, vector<16xi32>,
      %gather3A_1710 = tpu.vector_load_idx %arg4[%get3A_1709, %broadcast_in_dim3A] : memref<136x64xf32, #tpu.memory_space<vmem>>[vector<16xi32>, vector<16xi32>], vector<16xf32>,
      %swap3A_1711 = arith.index_cast %scan3A_1603 : i32 to index
      %swap3A_1712 = arith.constant 208 : index
      %swap3A_1713 = tpu.vector_load %arg6[%swap3A_1711, %swap3A_1712] {strides = array<i32>} : memref<64x256xf32, #tpu.memory_space<vmem>>, vector<16xf32>,
      tpu.vector_store %arg6[%swap3A_1711, %swap3A_1712], %gather3A_1710 {strides = array<i32>} : memref<64x256xf32, #tpu.memory_space<vmem>>, vector<16xf32>,
      %get3A_1714 = arith.constant 14 : i32
      %get3A_1715 = arith.index_cast %get3A_1714 : i32 to index
      %get3A_1716 = arith.constant 0 : index
      %get3A_1717 = tpu.vector_load %arg5[%get3A_1715, %get3A_1716] {strides = array<i32>} : memref<16x16xi32, #tpu.memory_space<vmem>>, vector<16xi32>,
      %gather3A_1718 = tpu.vector_load_idx %arg4[%get3A_1717, %broadcast_in_dim3A] : memref<136x64xf32, #tpu.memory_space<vmem>>[vector<16xi32>, vector<16xi32>], vector<16xf32>,
      %swap3A_1719 = arith.index_cast %scan3A_1603 : i32 to index
      %swap3A_1720 = arith.constant 224 : index
      %swap3A_1721 = tpu.vector_load %arg6[%swap3A_1719, %swap3A_1720] {strides = array<i32>} : memref<64x256xf32, #tpu.memory_space<vmem>>, vector<16xf32>,
      tpu.vector_store %arg6[%swap3A_1719, %swap3A_1720], %gather3A_1718 {strides = array<i32>} : memref<64x256xf32, #tpu.memory_space<vmem>>, vector<16xf32>,
      %get3A_1722 = arith.constant 15 : i32
      %get3A_1723 = arith.index_cast %get3A_1722 : i32 to index
      %get3A_1724 = arith.constant 0 : index
      %get3A_1725 = tpu.vector_load %arg5[%get3A_1723, %get3A_1724] {strides = array<i32>} : memref<16x16xi32, #tpu.memory_space<vmem>>, vector<16xi32>,
      %gather3A_1726 = tpu.vector_load_idx %arg4[%get3A_1725, %broadcast_in_dim3A] : memref<136x64xf32, #tpu.memory_space<vmem>>[vector<16xi32>, vector<16xi32>], vector<16xf32>,
      %swap3A_1727 = arith.index_cast %scan3A_1603 : i32 to index
      %swap3A_1728 = arith.constant 240 : index
      %swap3A_1729 = tpu.vector_load %arg6[%swap3A_1727, %swap3A_1728] {strides = array<i32>} : memref<64x256xf32, #tpu.memory_space<vmem>>, vector<16xf32>,
      tpu.vector_store %arg6[%swap3A_1727, %swap3A_1728], %gather3A_1726 {strides = array<i32>} : memref<64x256xf32, #tpu.memory_space<vmem>>, vector<16xf32>,
    }
    %scan3A_954 = arith.constant 64 : i32
    "tpu.region"() ({
      %run_scoped3A = tpu.sem_alloc : memref<!tpu.dma_semaphore, #tpu.memory_space<semaphore_mem>>
      %dma_start3A = arith.constant 0 : i32
      %dma_start3A_1603 = arith.constant 0 : i32
      %dma_start3A_1604 = tpu.memref_slice %arg7[%min3A_639, %dma_start3A, %dma_start3A_1603] : memref<66x64x256xf32, #tpu.memory_space<vmem_shared>> -> memref<1x64x256xf32, #tpu.memory_space<vmem_shared>>
      %dma_start3A_1605 = tpu.memref_squeeze %dma_start3A_1604 : memref<1x64x256xf32, #tpu.memory_space<vmem_shared>> -> memref<64x256xf32, #tpu.memory_space<vmem_shared>>
      %dma_start3A_1606 = arith.constant 0 : i32
      %dma_start3A_1607 = arith.constant 0 : i32
      %dma_start3A_1608 = tpu.memref_slice %arg7[%min3A_639, %dma_start3A_1606, %dma_start3A_1607] : memref<66x64x256xf32, #tpu.memory_space<vmem_shared>> -> memref<1x64x256xf32, #tpu.memory_space<vmem_shared>>
      %dma_start3A_1609 = tpu.memref_squeeze %dma_start3A_1608 : memref<1x64x256xf32, #tpu.memory_space<vmem_shared>> -> memref<64x256xf32, #tpu.memory_space<vmem_shared>>
      tpu.enqueue_dma source(%arg6 : memref<64x256xf32, #tpu.memory_space<vmem>>) target(%dma_start3A_1609 : memref<64x256xf32, #tpu.memory_space<vmem_shared>>) target_semaphore(%run_scoped3A : memref<!tpu.dma_semaphore, #tpu.memory_space<semaphore_mem>>)
      %dma_wait3A = arith.constant 0 : i32
      %dma_wait3A_1610 = arith.constant 0 : i32
      %dma_wait3A_1611 = tpu.memref_slice %arg7[%min3A_639, %dma_wait3A, %dma_wait3A_1610] : memref<66x64x256xf32, #tpu.memory_space<vmem_shared>> -> memref<1x64x256xf32, #tpu.memory_space<vmem_shared>>
      %dma_wait3A_1612 = tpu.memref_squeeze %dma_wait3A_1611 : memref<1x64x256xf32, #tpu.memory_space<vmem_shared>> -> memref<64x256xf32, #tpu.memory_space<vmem_shared>>
      %dma_wait3A_1613 = arith.constant 0 : i32
      %dma_wait3A_1614 = arith.constant 0 : i32
      %dma_wait3A_1615 = tpu.memref_slice %arg7[%min3A_639, %dma_wait3A_1613, %dma_wait3A_1614] : memref<66x64x256xf32, #tpu.memory_space<vmem_shared>> -> memref<1x64x256xf32, #tpu.memory_space<vmem_shared>>
      %dma_wait3A_1616 = tpu.memref_squeeze %dma_wait3A_1615 : memref<1x64x256xf32, #tpu.memory_space<vmem_shared>> -> memref<64x256xf32, #tpu.memory_space<vmem_shared>>
      tpu.wait_dma2 semaphore(%run_scoped3A : memref<!tpu.dma_semaphore, #tpu.memory_space<semaphore_mem>>) src(%arg6 : memref<64x256xf32, #tpu.memory_space<vmem>>) dst(%dma_wait3A_1616 : memref<64x256xf32, #tpu.memory_space<vmem_shared>>)
      tpu.yield
    }) : () -> ()
    %mul3A_955 = arith.constant 5 : i32
    %mul3A_956 = arith.muli %arg1, %mul3A_955 : i32
    %add3A_957 = arith.constant 3 : i32
    %add3A_958 = arith.addi %mul3A_956, %add3A_957 : i32
    %min3A_959 = arith.constant 65 : i32
    %min3A_960 = arith.minsi %add3A_958, %min3A_959 : i32
    %sub3A_961 = arith.constant 2 : i32
    %sub3A_962 = arith.subi %min3A_960, %sub3A_961 : i32
    %max3A_963 = arith.constant 0 : i32
    %max3A_964 = arith.maxsi %sub3A_962, %max3A_963 : i32
    %add3A_965 = arith.addi %mul3A_1, %max3A_964 : i32
    %add3A_966 = arith.constant 128 : i32
    %add3A_967 = arith.addi %add3A_965, %add3A_966 : i32
    %sub3A_968 = arith.constant 1 : i32
    %sub3A_969 = arith.subi %add3A_967, %sub3A_968 : i32
    %rem3A_970 = arith.constant 128 : i32
    %rem3A_971 = arith.remsi %sub3A_969, %rem3A_970 : i32
    %add3A_972 = arith.constant 1793 : i32
    %add3A_973 = arith.addi %add3A_972, %rem3A_971 : i32
    %eq3A_974 = arith.constant 0 : i32
    %eq3A_975 = arith.cmpi eq, %min3A_960, %eq3A_974 : i32
    %eq3A_976 = arith.constant 1 : i32
    %eq3A_977 = arith.cmpi eq, %min3A_960, %eq3A_976 : i32
    %jit3A_978 = arith.constant 2048 : i32
    %select_n3A_979 = arith.select %eq3A_977, %jit3A_978, %add3A_973 : i32
    %jit3A_980 = arith.constant 0 : i32
    %select_n3A_981 = arith.select %eq3A_975, %jit3A_980, %select_n3A_979 : i32
    %add3A_982 = arith.constant 0 : i32
    %add3A_983 = arith.addi %select_n3A_981, %add3A_982 : i32
    %iota3A_984 = tpu.iota {dimensions = array<i32: 0>} : vector<16xi32>
    %add3A_985 = vector.broadcast %add3A_983 : i32 to vector<16xi32>
    %add3A_986 = arith.addi %add3A_985, %iota3A_984 : vector<16xi32>
    %sub3A_987 = arith.constant 1919 : i32
    %sub3A_988 = vector.broadcast %sub3A_987 : i32 to vector<16xi32>
    %sub3A_989 = arith.subi %add3A_986, %sub3A_988 : vector<16xi32>
    %jit3A_990 = arith.constant 0 : i32
    %jit3A_991 = arith.constant 128 : i32
    %max3A_992 = vector.broadcast %jit3A_990 : i32 to vector<16xi32>
    %max3A_993 = arith.maxsi %max3A_992, %sub3A_989 : vector<16xi32>
    %min3A_994 = vector.broadcast %jit3A_991 : i32 to vector<16xi32>
    %min3A_995 = arith.minsi %min3A_994, %max3A_993 : vector<16xi32>
    %swap3A_996 = arith.constant 0 : i32
    %swap3A_997 = arith.index_cast %swap3A_996 : i32 to index
    %swap3A_998 = arith.constant 0 : index
    %swap3A_999 = tpu.vector_load %arg5[%swap3A_997, %swap3A_998] {strides = array<i32>} : memref<16x16xi32, #tpu.memory_space<vmem>>, vector<16xi32>,
    tpu.vector_store %arg5[%swap3A_997, %swap3A_998], %min3A_995 {strides = array<i32>} : memref<16x16xi32, #tpu.memory_space<vmem>>, vector<16xi32>,
    %add3A_1000 = arith.constant 16 : i32
    %add3A_1001 = arith.addi %select_n3A_981, %add3A_1000 : i32
    %iota3A_1002 = tpu.iota {dimensions = array<i32: 0>} : vector<16xi32>
    %add3A_1003 = vector.broadcast %add3A_1001 : i32 to vector<16xi32>
    %add3A_1004 = arith.addi %add3A_1003, %iota3A_1002 : vector<16xi32>
    %sub3A_1005 = arith.constant 1919 : i32
    %sub3A_1006 = vector.broadcast %sub3A_1005 : i32 to vector<16xi32>
    %sub3A_1007 = arith.subi %add3A_1004, %sub3A_1006 : vector<16xi32>
    %jit3A_1008 = arith.constant 0 : i32
    %jit3A_1009 = arith.constant 128 : i32
    %max3A_1010 = vector.broadcast %jit3A_1008 : i32 to vector<16xi32>
    %max3A_1011 = arith.maxsi %max3A_1010, %sub3A_1007 : vector<16xi32>
    %min3A_1012 = vector.broadcast %jit3A_1009 : i32 to vector<16xi32>
    %min3A_1013 = arith.minsi %min3A_1012, %max3A_1011 : vector<16xi32>
    %swap3A_1014 = arith.constant 1 : i32
    %swap3A_1015 = arith.index_cast %swap3A_1014 : i32 to index
    %swap3A_1016 = arith.constant 0 : index
    %swap3A_1017 = tpu.vector_load %arg5[%swap3A_1015, %swap3A_1016] {strides = array<i32>} : memref<16x16xi32, #tpu.memory_space<vmem>>, vector<16xi32>,
    tpu.vector_store %arg5[%swap3A_1015, %swap3A_1016], %min3A_1013 {strides = array<i32>} : memref<16x16xi32, #tpu.memory_space<vmem>>, vector<16xi32>,
    %add3A_1018 = arith.constant 32 : i32
    %add3A_1019 = arith.addi %select_n3A_981, %add3A_1018 : i32
    %iota3A_1020 = tpu.iota {dimensions = array<i32: 0>} : vector<16xi32>
    %add3A_1021 = vector.broadcast %add3A_1019 : i32 to vector<16xi32>
    %add3A_1022 = arith.addi %add3A_1021, %iota3A_1020 : vector<16xi32>
    %sub3A_1023 = arith.constant 1919 : i32
    %sub3A_1024 = vector.broadcast %sub3A_1023 : i32 to vector<16xi32>
    %sub3A_1025 = arith.subi %add3A_1022, %sub3A_1024 : vector<16xi32>
    %jit3A_1026 = arith.constant 0 : i32
    %jit3A_1027 = arith.constant 128 : i32
    %max3A_1028 = vector.broadcast %jit3A_1026 : i32 to vector<16xi32>
    %max3A_1029 = arith.maxsi %max3A_1028, %sub3A_1025 : vector<16xi32>
    %min3A_1030 = vector.broadcast %jit3A_1027 : i32 to vector<16xi32>
    %min3A_1031 = arith.minsi %min3A_1030, %max3A_1029 : vector<16xi32>
    %swap3A_1032 = arith.constant 2 : i32
    %swap3A_1033 = arith.index_cast %swap3A_1032 : i32 to index
    %swap3A_1034 = arith.constant 0 : index
    %swap3A_1035 = tpu.vector_load %arg5[%swap3A_1033, %swap3A_1034] {strides = array<i32>} : memref<16x16xi32, #tpu.memory_space<vmem>>, vector<16xi32>,
    tpu.vector_store %arg5[%swap3A_1033, %swap3A_1034], %min3A_1031 {strides = array<i32>} : memref<16x16xi32, #tpu.memory_space<vmem>>, vector<16xi32>,
    %add3A_1036 = arith.constant 48 : i32
    %add3A_1037 = arith.addi %select_n3A_981, %add3A_1036 : i32
    %iota3A_1038 = tpu.iota {dimensions = array<i32: 0>} : vector<16xi32>
    %add3A_1039 = vector.broadcast %add3A_1037 : i32 to vector<16xi32>
    %add3A_1040 = arith.addi %add3A_1039, %iota3A_1038 : vector<16xi32>
    %sub3A_1041 = arith.constant 1919 : i32
    %sub3A_1042 = vector.broadcast %sub3A_1041 : i32 to vector<16xi32>
    %sub3A_1043 = arith.subi %add3A_1040, %sub3A_1042 : vector<16xi32>
    %jit3A_1044 = arith.constant 0 : i32
    %jit3A_1045 = arith.constant 128 : i32
    %max3A_1046 = vector.broadcast %jit3A_1044 : i32 to vector<16xi32>
    %max3A_1047 = arith.maxsi %max3A_1046, %sub3A_1043 : vector<16xi32>
    %min3A_1048 = vector.broadcast %jit3A_1045 : i32 to vector<16xi32>
    %min3A_1049 = arith.minsi %min3A_1048, %max3A_1047 : vector<16xi32>
    %swap3A_1050 = arith.constant 3 : i32
    %swap3A_1051 = arith.index_cast %swap3A_1050 : i32 to index
    %swap3A_1052 = arith.constant 0 : index
    %swap3A_1053 = tpu.vector_load %arg5[%swap3A_1051, %swap3A_1052] {strides = array<i32>} : memref<16x16xi32, #tpu.memory_space<vmem>>, vector<16xi32>,
    tpu.vector_store %arg5[%swap3A_1051, %swap3A_1052], %min3A_1049 {strides = array<i32>} : memref<16x16xi32, #tpu.memory_space<vmem>>, vector<16xi32>,
    %add3A_1054 = arith.constant 64 : i32
    %add3A_1055 = arith.addi %select_n3A_981, %add3A_1054 : i32
    %iota3A_1056 = tpu.iota {dimensions = array<i32: 0>} : vector<16xi32>
    %add3A_1057 = vector.broadcast %add3A_1055 : i32 to vector<16xi32>
    %add3A_1058 = arith.addi %add3A_1057, %iota3A_1056 : vector<16xi32>
    %sub3A_1059 = arith.constant 1919 : i32
    %sub3A_1060 = vector.broadcast %sub3A_1059 : i32 to vector<16xi32>
    %sub3A_1061 = arith.subi %add3A_1058, %sub3A_1060 : vector<16xi32>
    %jit3A_1062 = arith.constant 0 : i32
    %jit3A_1063 = arith.constant 128 : i32
    %max3A_1064 = vector.broadcast %jit3A_1062 : i32 to vector<16xi32>
    %max3A_1065 = arith.maxsi %max3A_1064, %sub3A_1061 : vector<16xi32>
    %min3A_1066 = vector.broadcast %jit3A_1063 : i32 to vector<16xi32>
    %min3A_1067 = arith.minsi %min3A_1066, %max3A_1065 : vector<16xi32>
    %swap3A_1068 = arith.constant 4 : i32
    %swap3A_1069 = arith.index_cast %swap3A_1068 : i32 to index
    %swap3A_1070 = arith.constant 0 : index
    %swap3A_1071 = tpu.vector_load %arg5[%swap3A_1069, %swap3A_1070] {strides = array<i32>} : memref<16x16xi32, #tpu.memory_space<vmem>>, vector<16xi32>,
    tpu.vector_store %arg5[%swap3A_1069, %swap3A_1070], %min3A_1067 {strides = array<i32>} : memref<16x16xi32, #tpu.memory_space<vmem>>, vector<16xi32>,
    %add3A_1072 = arith.constant 80 : i32
    %add3A_1073 = arith.addi %select_n3A_981, %add3A_1072 : i32
    %iota3A_1074 = tpu.iota {dimensions = array<i32: 0>} : vector<16xi32>
    %add3A_1075 = vector.broadcast %add3A_1073 : i32 to vector<16xi32>
    %add3A_1076 = arith.addi %add3A_1075, %iota3A_1074 : vector<16xi32>
    %sub3A_1077 = arith.constant 1919 : i32
    %sub3A_1078 = vector.broadcast %sub3A_1077 : i32 to vector<16xi32>
    %sub3A_1079 = arith.subi %add3A_1076, %sub3A_1078 : vector<16xi32>
    %jit3A_1080 = arith.constant 0 : i32
    %jit3A_1081 = arith.constant 128 : i32
    %max3A_1082 = vector.broadcast %jit3A_1080 : i32 to vector<16xi32>
    %max3A_1083 = arith.maxsi %max3A_1082, %sub3A_1079 : vector<16xi32>
    %min3A_1084 = vector.broadcast %jit3A_1081 : i32 to vector<16xi32>
    %min3A_1085 = arith.minsi %min3A_1084, %max3A_1083 : vector<16xi32>
    %swap3A_1086 = arith.constant 5 : i32
    %swap3A_1087 = arith.index_cast %swap3A_1086 : i32 to index
    %swap3A_1088 = arith.constant 0 : index
    %swap3A_1089 = tpu.vector_load %arg5[%swap3A_1087, %swap3A_1088] {strides = array<i32>} : memref<16x16xi32, #tpu.memory_space<vmem>>, vector<16xi32>,
    tpu.vector_store %arg5[%swap3A_1087, %swap3A_1088], %min3A_1085 {strides = array<i32>} : memref<16x16xi32, #tpu.memory_space<vmem>>, vector<16xi32>,
    %add3A_1090 = arith.constant 96 : i32
    %add3A_1091 = arith.addi %select_n3A_981, %add3A_1090 : i32
    %iota3A_1092 = tpu.iota {dimensions = array<i32: 0>} : vector<16xi32>
    %add3A_1093 = vector.broadcast %add3A_1091 : i32 to vector<16xi32>
    %add3A_1094 = arith.addi %add3A_1093, %iota3A_1092 : vector<16xi32>
    %sub3A_1095 = arith.constant 1919 : i32
    %sub3A_1096 = vector.broadcast %sub3A_1095 : i32 to vector<16xi32>
    %sub3A_1097 = arith.subi %add3A_1094, %sub3A_1096 : vector<16xi32>
    %jit3A_1098 = arith.constant 0 : i32
    %jit3A_1099 = arith.constant 128 : i32
    %max3A_1100 = vector.broadcast %jit3A_1098 : i32 to vector<16xi32>
    %max3A_1101 = arith.maxsi %max3A_1100, %sub3A_1097 : vector<16xi32>
    %min3A_1102 = vector.broadcast %jit3A_1099 : i32 to vector<16xi32>
    %min3A_1103 = arith.minsi %min3A_1102, %max3A_1101 : vector<16xi32>
    %swap3A_1104 = arith.constant 6 : i32
    %swap3A_1105 = arith.index_cast %swap3A_1104 : i32 to index
    %swap3A_1106 = arith.constant 0 : index
    %swap3A_1107 = tpu.vector_load %arg5[%swap3A_1105, %swap3A_1106] {strides = array<i32>} : memref<16x16xi32, #tpu.memory_space<vmem>>, vector<16xi32>,
    tpu.vector_store %arg5[%swap3A_1105, %swap3A_1106], %min3A_1103 {strides = array<i32>} : memref<16x16xi32, #tpu.memory_space<vmem>>, vector<16xi32>,
    %add3A_1108 = arith.constant 112 : i32
    %add3A_1109 = arith.addi %select_n3A_981, %add3A_1108 : i32
    %iota3A_1110 = tpu.iota {dimensions = array<i32: 0>} : vector<16xi32>
    %add3A_1111 = vector.broadcast %add3A_1109 : i32 to vector<16xi32>
    %add3A_1112 = arith.addi %add3A_1111, %iota3A_1110 : vector<16xi32>
    %sub3A_1113 = arith.constant 1919 : i32
    %sub3A_1114 = vector.broadcast %sub3A_1113 : i32 to vector<16xi32>
    %sub3A_1115 = arith.subi %add3A_1112, %sub3A_1114 : vector<16xi32>
    %jit3A_1116 = arith.constant 0 : i32
    %jit3A_1117 = arith.constant 128 : i32
    %max3A_1118 = vector.broadcast %jit3A_1116 : i32 to vector<16xi32>
    %max3A_1119 = arith.maxsi %max3A_1118, %sub3A_1115 : vector<16xi32>
    %min3A_1120 = vector.broadcast %jit3A_1117 : i32 to vector<16xi32>
    %min3A_1121 = arith.minsi %min3A_1120, %max3A_1119 : vector<16xi32>
    %swap3A_1122 = arith.constant 7 : i32
    %swap3A_1123 = arith.index_cast %swap3A_1122 : i32 to index
    %swap3A_1124 = arith.constant 0 : index
    %swap3A_1125 = tpu.vector_load %arg5[%swap3A_1123, %swap3A_1124] {strides = array<i32>} : memref<16x16xi32, #tpu.memory_space<vmem>>, vector<16xi32>,
    tpu.vector_store %arg5[%swap3A_1123, %swap3A_1124], %min3A_1121 {strides = array<i32>} : memref<16x16xi32, #tpu.memory_space<vmem>>, vector<16xi32>,
    %add3A_1126 = arith.constant 128 : i32
    %add3A_1127 = arith.addi %select_n3A_981, %add3A_1126 : i32
    %iota3A_1128 = tpu.iota {dimensions = array<i32: 0>} : vector<16xi32>
    %add3A_1129 = vector.broadcast %add3A_1127 : i32 to vector<16xi32>
    %add3A_1130 = arith.addi %add3A_1129, %iota3A_1128 : vector<16xi32>
    %sub3A_1131 = arith.constant 1919 : i32
    %sub3A_1132 = vector.broadcast %sub3A_1131 : i32 to vector<16xi32>
    %sub3A_1133 = arith.subi %add3A_1130, %sub3A_1132 : vector<16xi32>
    %jit3A_1134 = arith.constant 0 : i32
    %jit3A_1135 = arith.constant 128 : i32
    %max3A_1136 = vector.broadcast %jit3A_1134 : i32 to vector<16xi32>
    %max3A_1137 = arith.maxsi %max3A_1136, %sub3A_1133 : vector<16xi32>
    %min3A_1138 = vector.broadcast %jit3A_1135 : i32 to vector<16xi32>
    %min3A_1139 = arith.minsi %min3A_1138, %max3A_1137 : vector<16xi32>
    %swap3A_1140 = arith.constant 8 : i32
    %swap3A_1141 = arith.index_cast %swap3A_1140 : i32 to index
    %swap3A_1142 = arith.constant 0 : index
    %swap3A_1143 = tpu.vector_load %arg5[%swap3A_1141, %swap3A_1142] {strides = array<i32>} : memref<16x16xi32, #tpu.memory_space<vmem>>, vector<16xi32>,
    tpu.vector_store %arg5[%swap3A_1141, %swap3A_1142], %min3A_1139 {strides = array<i32>} : memref<16x16xi32, #tpu.memory_space<vmem>>, vector<16xi32>,
    %add3A_1144 = arith.constant 144 : i32
    %add3A_1145 = arith.addi %select_n3A_981, %add3A_1144 : i32
    %iota3A_1146 = tpu.iota {dimensions = array<i32: 0>} : vector<16xi32>
    %add3A_1147 = vector.broadcast %add3A_1145 : i32 to vector<16xi32>
    %add3A_1148 = arith.addi %add3A_1147, %iota3A_1146 : vector<16xi32>
    %sub3A_1149 = arith.constant 1919 : i32
    %sub3A_1150 = vector.broadcast %sub3A_1149 : i32 to vector<16xi32>
    %sub3A_1151 = arith.subi %add3A_1148, %sub3A_1150 : vector<16xi32>
    %jit3A_1152 = arith.constant 0 : i32
    %jit3A_1153 = arith.constant 128 : i32
    %max3A_1154 = vector.broadcast %jit3A_1152 : i32 to vector<16xi32>
    %max3A_1155 = arith.maxsi %max3A_1154, %sub3A_1151 : vector<16xi32>
    %min3A_1156 = vector.broadcast %jit3A_1153 : i32 to vector<16xi32>
    %min3A_1157 = arith.minsi %min3A_1156, %max3A_1155 : vector<16xi32>
    %swap3A_1158 = arith.constant 9 : i32
    %swap3A_1159 = arith.index_cast %swap3A_1158 : i32 to index
    %swap3A_1160 = arith.constant 0 : index
    %swap3A_1161 = tpu.vector_load %arg5[%swap3A_1159, %swap3A_1160] {strides = array<i32>} : memref<16x16xi32, #tpu.memory_space<vmem>>, vector<16xi32>,
    tpu.vector_store %arg5[%swap3A_1159, %swap3A_1160], %min3A_1157 {strides = array<i32>} : memref<16x16xi32, #tpu.memory_space<vmem>>, vector<16xi32>,
    %add3A_1162 = arith.constant 160 : i32
    %add3A_1163 = arith.addi %select_n3A_981, %add3A_1162 : i32
    %iota3A_1164 = tpu.iota {dimensions = array<i32: 0>} : vector<16xi32>
    %add3A_1165 = vector.broadcast %add3A_1163 : i32 to vector<16xi32>
    %add3A_1166 = arith.addi %add3A_1165, %iota3A_1164 : vector<16xi32>
    %sub3A_1167 = arith.constant 1919 : i32
    %sub3A_1168 = vector.broadcast %sub3A_1167 : i32 to vector<16xi32>
    %sub3A_1169 = arith.subi %add3A_1166, %sub3A_1168 : vector<16xi32>
    %jit3A_1170 = arith.constant 0 : i32
    %jit3A_1171 = arith.constant 128 : i32
    %max3A_1172 = vector.broadcast %jit3A_1170 : i32 to vector<16xi32>
    %max3A_1173 = arith.maxsi %max3A_1172, %sub3A_1169 : vector<16xi32>
    %min3A_1174 = vector.broadcast %jit3A_1171 : i32 to vector<16xi32>
    %min3A_1175 = arith.minsi %min3A_1174, %max3A_1173 : vector<16xi32>
    %swap3A_1176 = arith.constant 10 : i32
    %swap3A_1177 = arith.index_cast %swap3A_1176 : i32 to index
    %swap3A_1178 = arith.constant 0 : index
    %swap3A_1179 = tpu.vector_load %arg5[%swap3A_1177, %swap3A_1178] {strides = array<i32>} : memref<16x16xi32, #tpu.memory_space<vmem>>, vector<16xi32>,
    tpu.vector_store %arg5[%swap3A_1177, %swap3A_1178], %min3A_1175 {strides = array<i32>} : memref<16x16xi32, #tpu.memory_space<vmem>>, vector<16xi32>,
    %add3A_1180 = arith.constant 176 : i32
    %add3A_1181 = arith.addi %select_n3A_981, %add3A_1180 : i32
    %iota3A_1182 = tpu.iota {dimensions = array<i32: 0>} : vector<16xi32>
    %add3A_1183 = vector.broadcast %add3A_1181 : i32 to vector<16xi32>
    %add3A_1184 = arith.addi %add3A_1183, %iota3A_1182 : vector<16xi32>
    %sub3A_1185 = arith.constant 1919 : i32
    %sub3A_1186 = vector.broadcast %sub3A_1185 : i32 to vector<16xi32>
    %sub3A_1187 = arith.subi %add3A_1184, %sub3A_1186 : vector<16xi32>
    %jit3A_1188 = arith.constant 0 : i32
    %jit3A_1189 = arith.constant 128 : i32
    %max3A_1190 = vector.broadcast %jit3A_1188 : i32 to vector<16xi32>
    %max3A_1191 = arith.maxsi %max3A_1190, %sub3A_1187 : vector<16xi32>
    %min3A_1192 = vector.broadcast %jit3A_1189 : i32 to vector<16xi32>
    %min3A_1193 = arith.minsi %min3A_1192, %max3A_1191 : vector<16xi32>
    %swap3A_1194 = arith.constant 11 : i32
    %swap3A_1195 = arith.index_cast %swap3A_1194 : i32 to index
    %swap3A_1196 = arith.constant 0 : index
    %swap3A_1197 = tpu.vector_load %arg5[%swap3A_1195, %swap3A_1196] {strides = array<i32>} : memref<16x16xi32, #tpu.memory_space<vmem>>, vector<16xi32>,
    tpu.vector_store %arg5[%swap3A_1195, %swap3A_1196], %min3A_1193 {strides = array<i32>} : memref<16x16xi32, #tpu.memory_space<vmem>>, vector<16xi32>,
    %add3A_1198 = arith.constant 192 : i32
    %add3A_1199 = arith.addi %select_n3A_981, %add3A_1198 : i32
    %iota3A_1200 = tpu.iota {dimensions = array<i32: 0>} : vector<16xi32>
    %add3A_1201 = vector.broadcast %add3A_1199 : i32 to vector<16xi32>
    %add3A_1202 = arith.addi %add3A_1201, %iota3A_1200 : vector<16xi32>
    %sub3A_1203 = arith.constant 1919 : i32
    %sub3A_1204 = vector.broadcast %sub3A_1203 : i32 to vector<16xi32>
    %sub3A_1205 = arith.subi %add3A_1202, %sub3A_1204 : vector<16xi32>
    %jit3A_1206 = arith.constant 0 : i32
    %jit3A_1207 = arith.constant 128 : i32
    %max3A_1208 = vector.broadcast %jit3A_1206 : i32 to vector<16xi32>
    %max3A_1209 = arith.maxsi %max3A_1208, %sub3A_1205 : vector<16xi32>
    %min3A_1210 = vector.broadcast %jit3A_1207 : i32 to vector<16xi32>
    %min3A_1211 = arith.minsi %min3A_1210, %max3A_1209 : vector<16xi32>
    %swap3A_1212 = arith.constant 12 : i32
    %swap3A_1213 = arith.index_cast %swap3A_1212 : i32 to index
    %swap3A_1214 = arith.constant 0 : index
    %swap3A_1215 = tpu.vector_load %arg5[%swap3A_1213, %swap3A_1214] {strides = array<i32>} : memref<16x16xi32, #tpu.memory_space<vmem>>, vector<16xi32>,
    tpu.vector_store %arg5[%swap3A_1213, %swap3A_1214], %min3A_1211 {strides = array<i32>} : memref<16x16xi32, #tpu.memory_space<vmem>>, vector<16xi32>,
    %add3A_1216 = arith.constant 208 : i32
    %add3A_1217 = arith.addi %select_n3A_981, %add3A_1216 : i32
    %iota3A_1218 = tpu.iota {dimensions = array<i32: 0>} : vector<16xi32>
    %add3A_1219 = vector.broadcast %add3A_1217 : i32 to vector<16xi32>
    %add3A_1220 = arith.addi %add3A_1219, %iota3A_1218 : vector<16xi32>
    %sub3A_1221 = arith.constant 1919 : i32
    %sub3A_1222 = vector.broadcast %sub3A_1221 : i32 to vector<16xi32>
    %sub3A_1223 = arith.subi %add3A_1220, %sub3A_1222 : vector<16xi32>
    %jit3A_1224 = arith.constant 0 : i32
    %jit3A_1225 = arith.constant 128 : i32
    %max3A_1226 = vector.broadcast %jit3A_1224 : i32 to vector<16xi32>
    %max3A_1227 = arith.maxsi %max3A_1226, %sub3A_1223 : vector<16xi32>
    %min3A_1228 = vector.broadcast %jit3A_1225 : i32 to vector<16xi32>
    %min3A_1229 = arith.minsi %min3A_1228, %max3A_1227 : vector<16xi32>
    %swap3A_1230 = arith.constant 13 : i32
    %swap3A_1231 = arith.index_cast %swap3A_1230 : i32 to index
    %swap3A_1232 = arith.constant 0 : index
    %swap3A_1233 = tpu.vector_load %arg5[%swap3A_1231, %swap3A_1232] {strides = array<i32>} : memref<16x16xi32, #tpu.memory_space<vmem>>, vector<16xi32>,
    tpu.vector_store %arg5[%swap3A_1231, %swap3A_1232], %min3A_1229 {strides = array<i32>} : memref<16x16xi32, #tpu.memory_space<vmem>>, vector<16xi32>,
    %add3A_1234 = arith.constant 224 : i32
    %add3A_1235 = arith.addi %select_n3A_981, %add3A_1234 : i32
    %iota3A_1236 = tpu.iota {dimensions = array<i32: 0>} : vector<16xi32>
    %add3A_1237 = vector.broadcast %add3A_1235 : i32 to vector<16xi32>
    %add3A_1238 = arith.addi %add3A_1237, %iota3A_1236 : vector<16xi32>
    %sub3A_1239 = arith.constant 1919 : i32
    %sub3A_1240 = vector.broadcast %sub3A_1239 : i32 to vector<16xi32>
    %sub3A_1241 = arith.subi %add3A_1238, %sub3A_1240 : vector<16xi32>
    %jit3A_1242 = arith.constant 0 : i32
    %jit3A_1243 = arith.constant 128 : i32
    %max3A_1244 = vector.broadcast %jit3A_1242 : i32 to vector<16xi32>
    %max3A_1245 = arith.maxsi %max3A_1244, %sub3A_1241 : vector<16xi32>
    %min3A_1246 = vector.broadcast %jit3A_1243 : i32 to vector<16xi32>
    %min3A_1247 = arith.minsi %min3A_1246, %max3A_1245 : vector<16xi32>
    %swap3A_1248 = arith.constant 14 : i32
    %swap3A_1249 = arith.index_cast %swap3A_1248 : i32 to index
    %swap3A_1250 = arith.constant 0 : index
    %swap3A_1251 = tpu.vector_load %arg5[%swap3A_1249, %swap3A_1250] {strides = array<i32>} : memref<16x16xi32, #tpu.memory_space<vmem>>, vector<16xi32>,
    tpu.vector_store %arg5[%swap3A_1249, %swap3A_1250], %min3A_1247 {strides = array<i32>} : memref<16x16xi32, #tpu.memory_space<vmem>>, vector<16xi32>,
    %add3A_1252 = arith.constant 240 : i32
    %add3A_1253 = arith.addi %select_n3A_981, %add3A_1252 : i32
    %iota3A_1254 = tpu.iota {dimensions = array<i32: 0>} : vector<16xi32>
    %add3A_1255 = vector.broadcast %add3A_1253 : i32 to vector<16xi32>
    %add3A_1256 = arith.addi %add3A_1255, %iota3A_1254 : vector<16xi32>
    %sub3A_1257 = arith.constant 1919 : i32
    %sub3A_1258 = vector.broadcast %sub3A_1257 : i32 to vector<16xi32>
    %sub3A_1259 = arith.subi %add3A_1256, %sub3A_1258 : vector<16xi32>
    %jit3A_1260 = arith.constant 0 : i32
    %jit3A_1261 = arith.constant 128 : i32
    %max3A_1262 = vector.broadcast %jit3A_1260 : i32 to vector<16xi32>
    %max3A_1263 = arith.maxsi %max3A_1262, %sub3A_1259 : vector<16xi32>
    %min3A_1264 = vector.broadcast %jit3A_1261 : i32 to vector<16xi32>
    %min3A_1265 = arith.minsi %min3A_1264, %max3A_1263 : vector<16xi32>
    %swap3A_1266 = arith.constant 15 : i32
    %swap3A_1267 = arith.index_cast %swap3A_1266 : i32 to index
    %swap3A_1268 = arith.constant 0 : index
    %swap3A_1269 = tpu.vector_load %arg5[%swap3A_1267, %swap3A_1268] {strides = array<i32>} : memref<16x16xi32, #tpu.memory_space<vmem>>, vector<16xi32>,
    tpu.vector_store %arg5[%swap3A_1267, %swap3A_1268], %min3A_1265 {strides = array<i32>} : memref<16x16xi32, #tpu.memory_space<vmem>>, vector<16xi32>,
    %scan3A_1270 = arith.constant 0 : i32
    %scan3A_1271 = arith.constant 0 : i32
    %scan3A_1272 = arith.constant 64 : i32
    %scan3A_1273 = arith.addi %scan3A_1271, %scan3A_1272 : i32
    %scan3A_1274 = arith.constant 1 : i32
    scf.for %scan3A_1603 = %scan3A_1271 to %scan3A_1273 step %scan3A_1274  : i32 {
      %broadcast_in_dim3A = vector.broadcast %scan3A_1603 : i32 to vector<16xi32>
      %get3A = arith.constant 0 : i32
      %get3A_1604 = arith.index_cast %get3A : i32 to index
      %get3A_1605 = arith.constant 0 : index
      %get3A_1606 = tpu.vector_load %arg5[%get3A_1604, %get3A_1605] {strides = array<i32>} : memref<16x16xi32, #tpu.memory_space<vmem>>, vector<16xi32>,
      %gather3A = tpu.vector_load_idx %arg4[%get3A_1606, %broadcast_in_dim3A] : memref<136x64xf32, #tpu.memory_space<vmem>>[vector<16xi32>, vector<16xi32>], vector<16xf32>,
      %swap3A_1607 = arith.index_cast %scan3A_1603 : i32 to index
      %swap3A_1608 = arith.constant 0 : index
      %swap3A_1609 = tpu.vector_load %arg6[%swap3A_1607, %swap3A_1608] {strides = array<i32>} : memref<64x256xf32, #tpu.memory_space<vmem>>, vector<16xf32>,
      tpu.vector_store %arg6[%swap3A_1607, %swap3A_1608], %gather3A {strides = array<i32>} : memref<64x256xf32, #tpu.memory_space<vmem>>, vector<16xf32>,
      %get3A_1610 = arith.constant 1 : i32
      %get3A_1611 = arith.index_cast %get3A_1610 : i32 to index
      %get3A_1612 = arith.constant 0 : index
      %get3A_1613 = tpu.vector_load %arg5[%get3A_1611, %get3A_1612] {strides = array<i32>} : memref<16x16xi32, #tpu.memory_space<vmem>>, vector<16xi32>,
      %gather3A_1614 = tpu.vector_load_idx %arg4[%get3A_1613, %broadcast_in_dim3A] : memref<136x64xf32, #tpu.memory_space<vmem>>[vector<16xi32>, vector<16xi32>], vector<16xf32>,
      %swap3A_1615 = arith.index_cast %scan3A_1603 : i32 to index
      %swap3A_1616 = arith.constant 16 : index
      %swap3A_1617 = tpu.vector_load %arg6[%swap3A_1615, %swap3A_1616] {strides = array<i32>} : memref<64x256xf32, #tpu.memory_space<vmem>>, vector<16xf32>,
      tpu.vector_store %arg6[%swap3A_1615, %swap3A_1616], %gather3A_1614 {strides = array<i32>} : memref<64x256xf32, #tpu.memory_space<vmem>>, vector<16xf32>,
      %get3A_1618 = arith.constant 2 : i32
      %get3A_1619 = arith.index_cast %get3A_1618 : i32 to index
      %get3A_1620 = arith.constant 0 : index
      %get3A_1621 = tpu.vector_load %arg5[%get3A_1619, %get3A_1620] {strides = array<i32>} : memref<16x16xi32, #tpu.memory_space<vmem>>, vector<16xi32>,
      %gather3A_1622 = tpu.vector_load_idx %arg4[%get3A_1621, %broadcast_in_dim3A] : memref<136x64xf32, #tpu.memory_space<vmem>>[vector<16xi32>, vector<16xi32>], vector<16xf32>,
      %swap3A_1623 = arith.index_cast %scan3A_1603 : i32 to index
      %swap3A_1624 = arith.constant 32 : index
      %swap3A_1625 = tpu.vector_load %arg6[%swap3A_1623, %swap3A_1624] {strides = array<i32>} : memref<64x256xf32, #tpu.memory_space<vmem>>, vector<16xf32>,
      tpu.vector_store %arg6[%swap3A_1623, %swap3A_1624], %gather3A_1622 {strides = array<i32>} : memref<64x256xf32, #tpu.memory_space<vmem>>, vector<16xf32>,
      %get3A_1626 = arith.constant 3 : i32
      %get3A_1627 = arith.index_cast %get3A_1626 : i32 to index
      %get3A_1628 = arith.constant 0 : index
      %get3A_1629 = tpu.vector_load %arg5[%get3A_1627, %get3A_1628] {strides = array<i32>} : memref<16x16xi32, #tpu.memory_space<vmem>>, vector<16xi32>,
      %gather3A_1630 = tpu.vector_load_idx %arg4[%get3A_1629, %broadcast_in_dim3A] : memref<136x64xf32, #tpu.memory_space<vmem>>[vector<16xi32>, vector<16xi32>], vector<16xf32>,
      %swap3A_1631 = arith.index_cast %scan3A_1603 : i32 to index
      %swap3A_1632 = arith.constant 48 : index
      %swap3A_1633 = tpu.vector_load %arg6[%swap3A_1631, %swap3A_1632] {strides = array<i32>} : memref<64x256xf32, #tpu.memory_space<vmem>>, vector<16xf32>,
      tpu.vector_store %arg6[%swap3A_1631, %swap3A_1632], %gather3A_1630 {strides = array<i32>} : memref<64x256xf32, #tpu.memory_space<vmem>>, vector<16xf32>,
      %get3A_1634 = arith.constant 4 : i32
      %get3A_1635 = arith.index_cast %get3A_1634 : i32 to index
      %get3A_1636 = arith.constant 0 : index
      %get3A_1637 = tpu.vector_load %arg5[%get3A_1635, %get3A_1636] {strides = array<i32>} : memref<16x16xi32, #tpu.memory_space<vmem>>, vector<16xi32>,
      %gather3A_1638 = tpu.vector_load_idx %arg4[%get3A_1637, %broadcast_in_dim3A] : memref<136x64xf32, #tpu.memory_space<vmem>>[vector<16xi32>, vector<16xi32>], vector<16xf32>,
      %swap3A_1639 = arith.index_cast %scan3A_1603 : i32 to index
      %swap3A_1640 = arith.constant 64 : index
      %swap3A_1641 = tpu.vector_load %arg6[%swap3A_1639, %swap3A_1640] {strides = array<i32>} : memref<64x256xf32, #tpu.memory_space<vmem>>, vector<16xf32>,
      tpu.vector_store %arg6[%swap3A_1639, %swap3A_1640], %gather3A_1638 {strides = array<i32>} : memref<64x256xf32, #tpu.memory_space<vmem>>, vector<16xf32>,
      %get3A_1642 = arith.constant 5 : i32
      %get3A_1643 = arith.index_cast %get3A_1642 : i32 to index
      %get3A_1644 = arith.constant 0 : index
      %get3A_1645 = tpu.vector_load %arg5[%get3A_1643, %get3A_1644] {strides = array<i32>} : memref<16x16xi32, #tpu.memory_space<vmem>>, vector<16xi32>,
      %gather3A_1646 = tpu.vector_load_idx %arg4[%get3A_1645, %broadcast_in_dim3A] : memref<136x64xf32, #tpu.memory_space<vmem>>[vector<16xi32>, vector<16xi32>], vector<16xf32>,
      %swap3A_1647 = arith.index_cast %scan3A_1603 : i32 to index
      %swap3A_1648 = arith.constant 80 : index
      %swap3A_1649 = tpu.vector_load %arg6[%swap3A_1647, %swap3A_1648] {strides = array<i32>} : memref<64x256xf32, #tpu.memory_space<vmem>>, vector<16xf32>,
      tpu.vector_store %arg6[%swap3A_1647, %swap3A_1648], %gather3A_1646 {strides = array<i32>} : memref<64x256xf32, #tpu.memory_space<vmem>>, vector<16xf32>,
      %get3A_1650 = arith.constant 6 : i32
      %get3A_1651 = arith.index_cast %get3A_1650 : i32 to index
      %get3A_1652 = arith.constant 0 : index
      %get3A_1653 = tpu.vector_load %arg5[%get3A_1651, %get3A_1652] {strides = array<i32>} : memref<16x16xi32, #tpu.memory_space<vmem>>, vector<16xi32>,
      %gather3A_1654 = tpu.vector_load_idx %arg4[%get3A_1653, %broadcast_in_dim3A] : memref<136x64xf32, #tpu.memory_space<vmem>>[vector<16xi32>, vector<16xi32>], vector<16xf32>,
      %swap3A_1655 = arith.index_cast %scan3A_1603 : i32 to index
      %swap3A_1656 = arith.constant 96 : index
      %swap3A_1657 = tpu.vector_load %arg6[%swap3A_1655, %swap3A_1656] {strides = array<i32>} : memref<64x256xf32, #tpu.memory_space<vmem>>, vector<16xf32>,
      tpu.vector_store %arg6[%swap3A_1655, %swap3A_1656], %gather3A_1654 {strides = array<i32>} : memref<64x256xf32, #tpu.memory_space<vmem>>, vector<16xf32>,
      %get3A_1658 = arith.constant 7 : i32
      %get3A_1659 = arith.index_cast %get3A_1658 : i32 to index
      %get3A_1660 = arith.constant 0 : index
      %get3A_1661 = tpu.vector_load %arg5[%get3A_1659, %get3A_1660] {strides = array<i32>} : memref<16x16xi32, #tpu.memory_space<vmem>>, vector<16xi32>,
      %gather3A_1662 = tpu.vector_load_idx %arg4[%get3A_1661, %broadcast_in_dim3A] : memref<136x64xf32, #tpu.memory_space<vmem>>[vector<16xi32>, vector<16xi32>], vector<16xf32>,
      %swap3A_1663 = arith.index_cast %scan3A_1603 : i32 to index
      %swap3A_1664 = arith.constant 112 : index
      %swap3A_1665 = tpu.vector_load %arg6[%swap3A_1663, %swap3A_1664] {strides = array<i32>} : memref<64x256xf32, #tpu.memory_space<vmem>>, vector<16xf32>,
      tpu.vector_store %arg6[%swap3A_1663, %swap3A_1664], %gather3A_1662 {strides = array<i32>} : memref<64x256xf32, #tpu.memory_space<vmem>>, vector<16xf32>,
      %get3A_1666 = arith.constant 8 : i32
      %get3A_1667 = arith.index_cast %get3A_1666 : i32 to index
      %get3A_1668 = arith.constant 0 : index
      %get3A_1669 = tpu.vector_load %arg5[%get3A_1667, %get3A_1668] {strides = array<i32>} : memref<16x16xi32, #tpu.memory_space<vmem>>, vector<16xi32>,
      %gather3A_1670 = tpu.vector_load_idx %arg4[%get3A_1669, %broadcast_in_dim3A] : memref<136x64xf32, #tpu.memory_space<vmem>>[vector<16xi32>, vector<16xi32>], vector<16xf32>,
      %swap3A_1671 = arith.index_cast %scan3A_1603 : i32 to index
      %swap3A_1672 = arith.constant 128 : index
      %swap3A_1673 = tpu.vector_load %arg6[%swap3A_1671, %swap3A_1672] {strides = array<i32>} : memref<64x256xf32, #tpu.memory_space<vmem>>, vector<16xf32>,
      tpu.vector_store %arg6[%swap3A_1671, %swap3A_1672], %gather3A_1670 {strides = array<i32>} : memref<64x256xf32, #tpu.memory_space<vmem>>, vector<16xf32>,
      %get3A_1674 = arith.constant 9 : i32
      %get3A_1675 = arith.index_cast %get3A_1674 : i32 to index
      %get3A_1676 = arith.constant 0 : index
      %get3A_1677 = tpu.vector_load %arg5[%get3A_1675, %get3A_1676] {strides = array<i32>} : memref<16x16xi32, #tpu.memory_space<vmem>>, vector<16xi32>,
      %gather3A_1678 = tpu.vector_load_idx %arg4[%get3A_1677, %broadcast_in_dim3A] : memref<136x64xf32, #tpu.memory_space<vmem>>[vector<16xi32>, vector<16xi32>], vector<16xf32>,
      %swap3A_1679 = arith.index_cast %scan3A_1603 : i32 to index
      %swap3A_1680 = arith.constant 144 : index
      %swap3A_1681 = tpu.vector_load %arg6[%swap3A_1679, %swap3A_1680] {strides = array<i32>} : memref<64x256xf32, #tpu.memory_space<vmem>>, vector<16xf32>,
      tpu.vector_store %arg6[%swap3A_1679, %swap3A_1680], %gather3A_1678 {strides = array<i32>} : memref<64x256xf32, #tpu.memory_space<vmem>>, vector<16xf32>,
      %get3A_1682 = arith.constant 10 : i32
      %get3A_1683 = arith.index_cast %get3A_1682 : i32 to index
      %get3A_1684 = arith.constant 0 : index
      %get3A_1685 = tpu.vector_load %arg5[%get3A_1683, %get3A_1684] {strides = array<i32>} : memref<16x16xi32, #tpu.memory_space<vmem>>, vector<16xi32>,
      %gather3A_1686 = tpu.vector_load_idx %arg4[%get3A_1685, %broadcast_in_dim3A] : memref<136x64xf32, #tpu.memory_space<vmem>>[vector<16xi32>, vector<16xi32>], vector<16xf32>,
      %swap3A_1687 = arith.index_cast %scan3A_1603 : i32 to index
      %swap3A_1688 = arith.constant 160 : index
      %swap3A_1689 = tpu.vector_load %arg6[%swap3A_1687, %swap3A_1688] {strides = array<i32>} : memref<64x256xf32, #tpu.memory_space<vmem>>, vector<16xf32>,
      tpu.vector_store %arg6[%swap3A_1687, %swap3A_1688], %gather3A_1686 {strides = array<i32>} : memref<64x256xf32, #tpu.memory_space<vmem>>, vector<16xf32>,
      %get3A_1690 = arith.constant 11 : i32
      %get3A_1691 = arith.index_cast %get3A_1690 : i32 to index
      %get3A_1692 = arith.constant 0 : index
      %get3A_1693 = tpu.vector_load %arg5[%get3A_1691, %get3A_1692] {strides = array<i32>} : memref<16x16xi32, #tpu.memory_space<vmem>>, vector<16xi32>,
      %gather3A_1694 = tpu.vector_load_idx %arg4[%get3A_1693, %broadcast_in_dim3A] : memref<136x64xf32, #tpu.memory_space<vmem>>[vector<16xi32>, vector<16xi32>], vector<16xf32>,
      %swap3A_1695 = arith.index_cast %scan3A_1603 : i32 to index
      %swap3A_1696 = arith.constant 176 : index
      %swap3A_1697 = tpu.vector_load %arg6[%swap3A_1695, %swap3A_1696] {strides = array<i32>} : memref<64x256xf32, #tpu.memory_space<vmem>>, vector<16xf32>,
      tpu.vector_store %arg6[%swap3A_1695, %swap3A_1696], %gather3A_1694 {strides = array<i32>} : memref<64x256xf32, #tpu.memory_space<vmem>>, vector<16xf32>,
      %get3A_1698 = arith.constant 12 : i32
      %get3A_1699 = arith.index_cast %get3A_1698 : i32 to index
      %get3A_1700 = arith.constant 0 : index
      %get3A_1701 = tpu.vector_load %arg5[%get3A_1699, %get3A_1700] {strides = array<i32>} : memref<16x16xi32, #tpu.memory_space<vmem>>, vector<16xi32>,
      %gather3A_1702 = tpu.vector_load_idx %arg4[%get3A_1701, %broadcast_in_dim3A] : memref<136x64xf32, #tpu.memory_space<vmem>>[vector<16xi32>, vector<16xi32>], vector<16xf32>,
      %swap3A_1703 = arith.index_cast %scan3A_1603 : i32 to index
      %swap3A_1704 = arith.constant 192 : index
      %swap3A_1705 = tpu.vector_load %arg6[%swap3A_1703, %swap3A_1704] {strides = array<i32>} : memref<64x256xf32, #tpu.memory_space<vmem>>, vector<16xf32>,
      tpu.vector_store %arg6[%swap3A_1703, %swap3A_1704], %gather3A_1702 {strides = array<i32>} : memref<64x256xf32, #tpu.memory_space<vmem>>, vector<16xf32>,
      %get3A_1706 = arith.constant 13 : i32
      %get3A_1707 = arith.index_cast %get3A_1706 : i32 to index
      %get3A_1708 = arith.constant 0 : index
      %get3A_1709 = tpu.vector_load %arg5[%get3A_1707, %get3A_1708] {strides = array<i32>} : memref<16x16xi32, #tpu.memory_space<vmem>>, vector<16xi32>,
      %gather3A_1710 = tpu.vector_load_idx %arg4[%get3A_1709, %broadcast_in_dim3A] : memref<136x64xf32, #tpu.memory_space<vmem>>[vector<16xi32>, vector<16xi32>], vector<16xf32>,
      %swap3A_1711 = arith.index_cast %scan3A_1603 : i32 to index
      %swap3A_1712 = arith.constant 208 : index
      %swap3A_1713 = tpu.vector_load %arg6[%swap3A_1711, %swap3A_1712] {strides = array<i32>} : memref<64x256xf32, #tpu.memory_space<vmem>>, vector<16xf32>,
      tpu.vector_store %arg6[%swap3A_1711, %swap3A_1712], %gather3A_1710 {strides = array<i32>} : memref<64x256xf32, #tpu.memory_space<vmem>>, vector<16xf32>,
      %get3A_1714 = arith.constant 14 : i32
      %get3A_1715 = arith.index_cast %get3A_1714 : i32 to index
      %get3A_1716 = arith.constant 0 : index
      %get3A_1717 = tpu.vector_load %arg5[%get3A_1715, %get3A_1716] {strides = array<i32>} : memref<16x16xi32, #tpu.memory_space<vmem>>, vector<16xi32>,
      %gather3A_1718 = tpu.vector_load_idx %arg4[%get3A_1717, %broadcast_in_dim3A] : memref<136x64xf32, #tpu.memory_space<vmem>>[vector<16xi32>, vector<16xi32>], vector<16xf32>,
      %swap3A_1719 = arith.index_cast %scan3A_1603 : i32 to index
      %swap3A_1720 = arith.constant 224 : index
      %swap3A_1721 = tpu.vector_load %arg6[%swap3A_1719, %swap3A_1720] {strides = array<i32>} : memref<64x256xf32, #tpu.memory_space<vmem>>, vector<16xf32>,
      tpu.vector_store %arg6[%swap3A_1719, %swap3A_1720], %gather3A_1718 {strides = array<i32>} : memref<64x256xf32, #tpu.memory_space<vmem>>, vector<16xf32>,
      %get3A_1722 = arith.constant 15 : i32
      %get3A_1723 = arith.index_cast %get3A_1722 : i32 to index
      %get3A_1724 = arith.constant 0 : index
      %get3A_1725 = tpu.vector_load %arg5[%get3A_1723, %get3A_1724] {strides = array<i32>} : memref<16x16xi32, #tpu.memory_space<vmem>>, vector<16xi32>,
      %gather3A_1726 = tpu.vector_load_idx %arg4[%get3A_1725, %broadcast_in_dim3A] : memref<136x64xf32, #tpu.memory_space<vmem>>[vector<16xi32>, vector<16xi32>], vector<16xf32>,
      %swap3A_1727 = arith.index_cast %scan3A_1603 : i32 to index
      %swap3A_1728 = arith.constant 240 : index
      %swap3A_1729 = tpu.vector_load %arg6[%swap3A_1727, %swap3A_1728] {strides = array<i32>} : memref<64x256xf32, #tpu.memory_space<vmem>>, vector<16xf32>,
      tpu.vector_store %arg6[%swap3A_1727, %swap3A_1728], %gather3A_1726 {strides = array<i32>} : memref<64x256xf32, #tpu.memory_space<vmem>>, vector<16xf32>,
    }
    %scan3A_1275 = arith.constant 64 : i32
    "tpu.region"() ({
      %run_scoped3A = tpu.sem_alloc : memref<!tpu.dma_semaphore, #tpu.memory_space<semaphore_mem>>
      %dma_start3A = arith.constant 0 : i32
      %dma_start3A_1603 = arith.constant 0 : i32
      %dma_start3A_1604 = tpu.memref_slice %arg7[%min3A_960, %dma_start3A, %dma_start3A_1603] : memref<66x64x256xf32, #tpu.memory_space<vmem_shared>> -> memref<1x64x256xf32, #tpu.memory_space<vmem_shared>>
      %dma_start3A_1605 = tpu.memref_squeeze %dma_start3A_1604 : memref<1x64x256xf32, #tpu.memory_space<vmem_shared>> -> memref<64x256xf32, #tpu.memory_space<vmem_shared>>
      %dma_start3A_1606 = arith.constant 0 : i32
      %dma_start3A_1607 = arith.constant 0 : i32
      %dma_start3A_1608 = tpu.memref_slice %arg7[%min3A_960, %dma_start3A_1606, %dma_start3A_1607] : memref<66x64x256xf32, #tpu.memory_space<vmem_shared>> -> memref<1x64x256xf32, #tpu.memory_space<vmem_shared>>
      %dma_start3A_1609 = tpu.memref_squeeze %dma_start3A_1608 : memref<1x64x256xf32, #tpu.memory_space<vmem_shared>> -> memref<64x256xf32, #tpu.memory_space<vmem_shared>>
      tpu.enqueue_dma source(%arg6 : memref<64x256xf32, #tpu.memory_space<vmem>>) target(%dma_start3A_1609 : memref<64x256xf32, #tpu.memory_space<vmem_shared>>) target_semaphore(%run_scoped3A : memref<!tpu.dma_semaphore, #tpu.memory_space<semaphore_mem>>)
      %dma_wait3A = arith.constant 0 : i32
      %dma_wait3A_1610 = arith.constant 0 : i32
      %dma_wait3A_1611 = tpu.memref_slice %arg7[%min3A_960, %dma_wait3A, %dma_wait3A_1610] : memref<66x64x256xf32, #tpu.memory_space<vmem_shared>> -> memref<1x64x256xf32, #tpu.memory_space<vmem_shared>>
      %dma_wait3A_1612 = tpu.memref_squeeze %dma_wait3A_1611 : memref<1x64x256xf32, #tpu.memory_space<vmem_shared>> -> memref<64x256xf32, #tpu.memory_space<vmem_shared>>
      %dma_wait3A_1613 = arith.constant 0 : i32
      %dma_wait3A_1614 = arith.constant 0 : i32
      %dma_wait3A_1615 = tpu.memref_slice %arg7[%min3A_960, %dma_wait3A_1613, %dma_wait3A_1614] : memref<66x64x256xf32, #tpu.memory_space<vmem_shared>> -> memref<1x64x256xf32, #tpu.memory_space<vmem_shared>>
      %dma_wait3A_1616 = tpu.memref_squeeze %dma_wait3A_1615 : memref<1x64x256xf32, #tpu.memory_space<vmem_shared>> -> memref<64x256xf32, #tpu.memory_space<vmem_shared>>
      tpu.wait_dma2 semaphore(%run_scoped3A : memref<!tpu.dma_semaphore, #tpu.memory_space<semaphore_mem>>) src(%arg6 : memref<64x256xf32, #tpu.memory_space<vmem>>) dst(%dma_wait3A_1616 : memref<64x256xf32, #tpu.memory_space<vmem_shared>>)
      tpu.yield
    }) : () -> ()
    %mul3A_1276 = arith.constant 5 : i32
    %mul3A_1277 = arith.muli %arg1, %mul3A_1276 : i32
    %add3A_1278 = arith.constant 4 : i32
    %add3A_1279 = arith.addi %mul3A_1277, %add3A_1278 : i32
    %min3A_1280 = arith.constant 65 : i32
    %min3A_1281 = arith.minsi %add3A_1279, %min3A_1280 : i32
    %sub3A_1282 = arith.constant 2 : i32
    %sub3A_1283 = arith.subi %min3A_1281, %sub3A_1282 : i32
    %max3A_1284 = arith.constant 0 : i32
    %max3A_1285 = arith.maxsi %sub3A_1283, %max3A_1284 : i32
    %add3A_1286 = arith.addi %mul3A_1, %max3A_1285 : i32
    %add3A_1287 = arith.constant 128 : i32
    %add3A_1288 = arith.addi %add3A_1286, %add3A_1287 : i32
    %sub3A_1289 = arith.constant 1 : i32
    %sub3A_1290 = arith.subi %add3A_1288, %sub3A_1289 : i32
    %rem3A_1291 = arith.constant 128 : i32
    %rem3A_1292 = arith.remsi %sub3A_1290, %rem3A_1291 : i32
    %add3A_1293 = arith.constant 1793 : i32
    %add3A_1294 = arith.addi %add3A_1293, %rem3A_1292 : i32
    %eq3A_1295 = arith.constant 0 : i32
    %eq3A_1296 = arith.cmpi eq, %min3A_1281, %eq3A_1295 : i32
    %eq3A_1297 = arith.constant 1 : i32
    %eq3A_1298 = arith.cmpi eq, %min3A_1281, %eq3A_1297 : i32
    %jit3A_1299 = arith.constant 2048 : i32
    %select_n3A_1300 = arith.select %eq3A_1298, %jit3A_1299, %add3A_1294 : i32
    %jit3A_1301 = arith.constant 0 : i32
    %select_n3A_1302 = arith.select %eq3A_1296, %jit3A_1301, %select_n3A_1300 : i32
    %add3A_1303 = arith.constant 0 : i32
    %add3A_1304 = arith.addi %select_n3A_1302, %add3A_1303 : i32
    %iota3A_1305 = tpu.iota {dimensions = array<i32: 0>} : vector<16xi32>
    %add3A_1306 = vector.broadcast %add3A_1304 : i32 to vector<16xi32>
    %add3A_1307 = arith.addi %add3A_1306, %iota3A_1305 : vector<16xi32>
    %sub3A_1308 = arith.constant 1919 : i32
    %sub3A_1309 = vector.broadcast %sub3A_1308 : i32 to vector<16xi32>
    %sub3A_1310 = arith.subi %add3A_1307, %sub3A_1309 : vector<16xi32>
    %jit3A_1311 = arith.constant 0 : i32
    %jit3A_1312 = arith.constant 128 : i32
    %max3A_1313 = vector.broadcast %jit3A_1311 : i32 to vector<16xi32>
    %max3A_1314 = arith.maxsi %max3A_1313, %sub3A_1310 : vector<16xi32>
    %min3A_1315 = vector.broadcast %jit3A_1312 : i32 to vector<16xi32>
    %min3A_1316 = arith.minsi %min3A_1315, %max3A_1314 : vector<16xi32>
    %swap3A_1317 = arith.constant 0 : i32
    %swap3A_1318 = arith.index_cast %swap3A_1317 : i32 to index
    %swap3A_1319 = arith.constant 0 : index
    %swap3A_1320 = tpu.vector_load %arg5[%swap3A_1318, %swap3A_1319] {strides = array<i32>} : memref<16x16xi32, #tpu.memory_space<vmem>>, vector<16xi32>,
    tpu.vector_store %arg5[%swap3A_1318, %swap3A_1319], %min3A_1316 {strides = array<i32>} : memref<16x16xi32, #tpu.memory_space<vmem>>, vector<16xi32>,
    %add3A_1321 = arith.constant 16 : i32
    %add3A_1322 = arith.addi %select_n3A_1302, %add3A_1321 : i32
    %iota3A_1323 = tpu.iota {dimensions = array<i32: 0>} : vector<16xi32>
    %add3A_1324 = vector.broadcast %add3A_1322 : i32 to vector<16xi32>
    %add3A_1325 = arith.addi %add3A_1324, %iota3A_1323 : vector<16xi32>
    %sub3A_1326 = arith.constant 1919 : i32
    %sub3A_1327 = vector.broadcast %sub3A_1326 : i32 to vector<16xi32>
    %sub3A_1328 = arith.subi %add3A_1325, %sub3A_1327 : vector<16xi32>
    %jit3A_1329 = arith.constant 0 : i32
    %jit3A_1330 = arith.constant 128 : i32
    %max3A_1331 = vector.broadcast %jit3A_1329 : i32 to vector<16xi32>
    %max3A_1332 = arith.maxsi %max3A_1331, %sub3A_1328 : vector<16xi32>
    %min3A_1333 = vector.broadcast %jit3A_1330 : i32 to vector<16xi32>
    %min3A_1334 = arith.minsi %min3A_1333, %max3A_1332 : vector<16xi32>
    %swap3A_1335 = arith.constant 1 : i32
    %swap3A_1336 = arith.index_cast %swap3A_1335 : i32 to index
    %swap3A_1337 = arith.constant 0 : index
    %swap3A_1338 = tpu.vector_load %arg5[%swap3A_1336, %swap3A_1337] {strides = array<i32>} : memref<16x16xi32, #tpu.memory_space<vmem>>, vector<16xi32>,
    tpu.vector_store %arg5[%swap3A_1336, %swap3A_1337], %min3A_1334 {strides = array<i32>} : memref<16x16xi32, #tpu.memory_space<vmem>>, vector<16xi32>,
    %add3A_1339 = arith.constant 32 : i32
    %add3A_1340 = arith.addi %select_n3A_1302, %add3A_1339 : i32
    %iota3A_1341 = tpu.iota {dimensions = array<i32: 0>} : vector<16xi32>
    %add3A_1342 = vector.broadcast %add3A_1340 : i32 to vector<16xi32>
    %add3A_1343 = arith.addi %add3A_1342, %iota3A_1341 : vector<16xi32>
    %sub3A_1344 = arith.constant 1919 : i32
    %sub3A_1345 = vector.broadcast %sub3A_1344 : i32 to vector<16xi32>
    %sub3A_1346 = arith.subi %add3A_1343, %sub3A_1345 : vector<16xi32>
    %jit3A_1347 = arith.constant 0 : i32
    %jit3A_1348 = arith.constant 128 : i32
    %max3A_1349 = vector.broadcast %jit3A_1347 : i32 to vector<16xi32>
    %max3A_1350 = arith.maxsi %max3A_1349, %sub3A_1346 : vector<16xi32>
    %min3A_1351 = vector.broadcast %jit3A_1348 : i32 to vector<16xi32>
    %min3A_1352 = arith.minsi %min3A_1351, %max3A_1350 : vector<16xi32>
    %swap3A_1353 = arith.constant 2 : i32
    %swap3A_1354 = arith.index_cast %swap3A_1353 : i32 to index
    %swap3A_1355 = arith.constant 0 : index
    %swap3A_1356 = tpu.vector_load %arg5[%swap3A_1354, %swap3A_1355] {strides = array<i32>} : memref<16x16xi32, #tpu.memory_space<vmem>>, vector<16xi32>,
    tpu.vector_store %arg5[%swap3A_1354, %swap3A_1355], %min3A_1352 {strides = array<i32>} : memref<16x16xi32, #tpu.memory_space<vmem>>, vector<16xi32>,
    %add3A_1357 = arith.constant 48 : i32
    %add3A_1358 = arith.addi %select_n3A_1302, %add3A_1357 : i32
    %iota3A_1359 = tpu.iota {dimensions = array<i32: 0>} : vector<16xi32>
    %add3A_1360 = vector.broadcast %add3A_1358 : i32 to vector<16xi32>
    %add3A_1361 = arith.addi %add3A_1360, %iota3A_1359 : vector<16xi32>
    %sub3A_1362 = arith.constant 1919 : i32
    %sub3A_1363 = vector.broadcast %sub3A_1362 : i32 to vector<16xi32>
    %sub3A_1364 = arith.subi %add3A_1361, %sub3A_1363 : vector<16xi32>
    %jit3A_1365 = arith.constant 0 : i32
    %jit3A_1366 = arith.constant 128 : i32
    %max3A_1367 = vector.broadcast %jit3A_1365 : i32 to vector<16xi32>
    %max3A_1368 = arith.maxsi %max3A_1367, %sub3A_1364 : vector<16xi32>
    %min3A_1369 = vector.broadcast %jit3A_1366 : i32 to vector<16xi32>
    %min3A_1370 = arith.minsi %min3A_1369, %max3A_1368 : vector<16xi32>
    %swap3A_1371 = arith.constant 3 : i32
    %swap3A_1372 = arith.index_cast %swap3A_1371 : i32 to index
    %swap3A_1373 = arith.constant 0 : index
    %swap3A_1374 = tpu.vector_load %arg5[%swap3A_1372, %swap3A_1373] {strides = array<i32>} : memref<16x16xi32, #tpu.memory_space<vmem>>, vector<16xi32>,
    tpu.vector_store %arg5[%swap3A_1372, %swap3A_1373], %min3A_1370 {strides = array<i32>} : memref<16x16xi32, #tpu.memory_space<vmem>>, vector<16xi32>,
    %add3A_1375 = arith.constant 64 : i32
    %add3A_1376 = arith.addi %select_n3A_1302, %add3A_1375 : i32
    %iota3A_1377 = tpu.iota {dimensions = array<i32: 0>} : vector<16xi32>
    %add3A_1378 = vector.broadcast %add3A_1376 : i32 to vector<16xi32>
    %add3A_1379 = arith.addi %add3A_1378, %iota3A_1377 : vector<16xi32>
    %sub3A_1380 = arith.constant 1919 : i32
    %sub3A_1381 = vector.broadcast %sub3A_1380 : i32 to vector<16xi32>
    %sub3A_1382 = arith.subi %add3A_1379, %sub3A_1381 : vector<16xi32>
    %jit3A_1383 = arith.constant 0 : i32
    %jit3A_1384 = arith.constant 128 : i32
    %max3A_1385 = vector.broadcast %jit3A_1383 : i32 to vector<16xi32>
    %max3A_1386 = arith.maxsi %max3A_1385, %sub3A_1382 : vector<16xi32>
    %min3A_1387 = vector.broadcast %jit3A_1384 : i32 to vector<16xi32>
    %min3A_1388 = arith.minsi %min3A_1387, %max3A_1386 : vector<16xi32>
    %swap3A_1389 = arith.constant 4 : i32
    %swap3A_1390 = arith.index_cast %swap3A_1389 : i32 to index
    %swap3A_1391 = arith.constant 0 : index
    %swap3A_1392 = tpu.vector_load %arg5[%swap3A_1390, %swap3A_1391] {strides = array<i32>} : memref<16x16xi32, #tpu.memory_space<vmem>>, vector<16xi32>,
    tpu.vector_store %arg5[%swap3A_1390, %swap3A_1391], %min3A_1388 {strides = array<i32>} : memref<16x16xi32, #tpu.memory_space<vmem>>, vector<16xi32>,
    %add3A_1393 = arith.constant 80 : i32
    %add3A_1394 = arith.addi %select_n3A_1302, %add3A_1393 : i32
    %iota3A_1395 = tpu.iota {dimensions = array<i32: 0>} : vector<16xi32>
    %add3A_1396 = vector.broadcast %add3A_1394 : i32 to vector<16xi32>
    %add3A_1397 = arith.addi %add3A_1396, %iota3A_1395 : vector<16xi32>
    %sub3A_1398 = arith.constant 1919 : i32
    %sub3A_1399 = vector.broadcast %sub3A_1398 : i32 to vector<16xi32>
    %sub3A_1400 = arith.subi %add3A_1397, %sub3A_1399 : vector<16xi32>
    %jit3A_1401 = arith.constant 0 : i32
    %jit3A_1402 = arith.constant 128 : i32
    %max3A_1403 = vector.broadcast %jit3A_1401 : i32 to vector<16xi32>
    %max3A_1404 = arith.maxsi %max3A_1403, %sub3A_1400 : vector<16xi32>
    %min3A_1405 = vector.broadcast %jit3A_1402 : i32 to vector<16xi32>
    %min3A_1406 = arith.minsi %min3A_1405, %max3A_1404 : vector<16xi32>
    %swap3A_1407 = arith.constant 5 : i32
    %swap3A_1408 = arith.index_cast %swap3A_1407 : i32 to index
    %swap3A_1409 = arith.constant 0 : index
    %swap3A_1410 = tpu.vector_load %arg5[%swap3A_1408, %swap3A_1409] {strides = array<i32>} : memref<16x16xi32, #tpu.memory_space<vmem>>, vector<16xi32>,
    tpu.vector_store %arg5[%swap3A_1408, %swap3A_1409], %min3A_1406 {strides = array<i32>} : memref<16x16xi32, #tpu.memory_space<vmem>>, vector<16xi32>,
    %add3A_1411 = arith.constant 96 : i32
    %add3A_1412 = arith.addi %select_n3A_1302, %add3A_1411 : i32
    %iota3A_1413 = tpu.iota {dimensions = array<i32: 0>} : vector<16xi32>
    %add3A_1414 = vector.broadcast %add3A_1412 : i32 to vector<16xi32>
    %add3A_1415 = arith.addi %add3A_1414, %iota3A_1413 : vector<16xi32>
    %sub3A_1416 = arith.constant 1919 : i32
    %sub3A_1417 = vector.broadcast %sub3A_1416 : i32 to vector<16xi32>
    %sub3A_1418 = arith.subi %add3A_1415, %sub3A_1417 : vector<16xi32>
    %jit3A_1419 = arith.constant 0 : i32
    %jit3A_1420 = arith.constant 128 : i32
    %max3A_1421 = vector.broadcast %jit3A_1419 : i32 to vector<16xi32>
    %max3A_1422 = arith.maxsi %max3A_1421, %sub3A_1418 : vector<16xi32>
    %min3A_1423 = vector.broadcast %jit3A_1420 : i32 to vector<16xi32>
    %min3A_1424 = arith.minsi %min3A_1423, %max3A_1422 : vector<16xi32>
    %swap3A_1425 = arith.constant 6 : i32
    %swap3A_1426 = arith.index_cast %swap3A_1425 : i32 to index
    %swap3A_1427 = arith.constant 0 : index
    %swap3A_1428 = tpu.vector_load %arg5[%swap3A_1426, %swap3A_1427] {strides = array<i32>} : memref<16x16xi32, #tpu.memory_space<vmem>>, vector<16xi32>,
    tpu.vector_store %arg5[%swap3A_1426, %swap3A_1427], %min3A_1424 {strides = array<i32>} : memref<16x16xi32, #tpu.memory_space<vmem>>, vector<16xi32>,
    %add3A_1429 = arith.constant 112 : i32
    %add3A_1430 = arith.addi %select_n3A_1302, %add3A_1429 : i32
    %iota3A_1431 = tpu.iota {dimensions = array<i32: 0>} : vector<16xi32>
    %add3A_1432 = vector.broadcast %add3A_1430 : i32 to vector<16xi32>
    %add3A_1433 = arith.addi %add3A_1432, %iota3A_1431 : vector<16xi32>
    %sub3A_1434 = arith.constant 1919 : i32
    %sub3A_1435 = vector.broadcast %sub3A_1434 : i32 to vector<16xi32>
    %sub3A_1436 = arith.subi %add3A_1433, %sub3A_1435 : vector<16xi32>
    %jit3A_1437 = arith.constant 0 : i32
    %jit3A_1438 = arith.constant 128 : i32
    %max3A_1439 = vector.broadcast %jit3A_1437 : i32 to vector<16xi32>
    %max3A_1440 = arith.maxsi %max3A_1439, %sub3A_1436 : vector<16xi32>
    %min3A_1441 = vector.broadcast %jit3A_1438 : i32 to vector<16xi32>
    %min3A_1442 = arith.minsi %min3A_1441, %max3A_1440 : vector<16xi32>
    %swap3A_1443 = arith.constant 7 : i32
    %swap3A_1444 = arith.index_cast %swap3A_1443 : i32 to index
    %swap3A_1445 = arith.constant 0 : index
    %swap3A_1446 = tpu.vector_load %arg5[%swap3A_1444, %swap3A_1445] {strides = array<i32>} : memref<16x16xi32, #tpu.memory_space<vmem>>, vector<16xi32>,
    tpu.vector_store %arg5[%swap3A_1444, %swap3A_1445], %min3A_1442 {strides = array<i32>} : memref<16x16xi32, #tpu.memory_space<vmem>>, vector<16xi32>,
    %add3A_1447 = arith.constant 128 : i32
    %add3A_1448 = arith.addi %select_n3A_1302, %add3A_1447 : i32
    %iota3A_1449 = tpu.iota {dimensions = array<i32: 0>} : vector<16xi32>
    %add3A_1450 = vector.broadcast %add3A_1448 : i32 to vector<16xi32>
    %add3A_1451 = arith.addi %add3A_1450, %iota3A_1449 : vector<16xi32>
    %sub3A_1452 = arith.constant 1919 : i32
    %sub3A_1453 = vector.broadcast %sub3A_1452 : i32 to vector<16xi32>
    %sub3A_1454 = arith.subi %add3A_1451, %sub3A_1453 : vector<16xi32>
    %jit3A_1455 = arith.constant 0 : i32
    %jit3A_1456 = arith.constant 128 : i32
    %max3A_1457 = vector.broadcast %jit3A_1455 : i32 to vector<16xi32>
    %max3A_1458 = arith.maxsi %max3A_1457, %sub3A_1454 : vector<16xi32>
    %min3A_1459 = vector.broadcast %jit3A_1456 : i32 to vector<16xi32>
    %min3A_1460 = arith.minsi %min3A_1459, %max3A_1458 : vector<16xi32>
    %swap3A_1461 = arith.constant 8 : i32
    %swap3A_1462 = arith.index_cast %swap3A_1461 : i32 to index
    %swap3A_1463 = arith.constant 0 : index
    %swap3A_1464 = tpu.vector_load %arg5[%swap3A_1462, %swap3A_1463] {strides = array<i32>} : memref<16x16xi32, #tpu.memory_space<vmem>>, vector<16xi32>,
    tpu.vector_store %arg5[%swap3A_1462, %swap3A_1463], %min3A_1460 {strides = array<i32>} : memref<16x16xi32, #tpu.memory_space<vmem>>, vector<16xi32>,
    %add3A_1465 = arith.constant 144 : i32
    %add3A_1466 = arith.addi %select_n3A_1302, %add3A_1465 : i32
    %iota3A_1467 = tpu.iota {dimensions = array<i32: 0>} : vector<16xi32>
    %add3A_1468 = vector.broadcast %add3A_1466 : i32 to vector<16xi32>
    %add3A_1469 = arith.addi %add3A_1468, %iota3A_1467 : vector<16xi32>
    %sub3A_1470 = arith.constant 1919 : i32
    %sub3A_1471 = vector.broadcast %sub3A_1470 : i32 to vector<16xi32>
    %sub3A_1472 = arith.subi %add3A_1469, %sub3A_1471 : vector<16xi32>
    %jit3A_1473 = arith.constant 0 : i32
    %jit3A_1474 = arith.constant 128 : i32
    %max3A_1475 = vector.broadcast %jit3A_1473 : i32 to vector<16xi32>
    %max3A_1476 = arith.maxsi %max3A_1475, %sub3A_1472 : vector<16xi32>
    %min3A_1477 = vector.broadcast %jit3A_1474 : i32 to vector<16xi32>
    %min3A_1478 = arith.minsi %min3A_1477, %max3A_1476 : vector<16xi32>
    %swap3A_1479 = arith.constant 9 : i32
    %swap3A_1480 = arith.index_cast %swap3A_1479 : i32 to index
    %swap3A_1481 = arith.constant 0 : index
    %swap3A_1482 = tpu.vector_load %arg5[%swap3A_1480, %swap3A_1481] {strides = array<i32>} : memref<16x16xi32, #tpu.memory_space<vmem>>, vector<16xi32>,
    tpu.vector_store %arg5[%swap3A_1480, %swap3A_1481], %min3A_1478 {strides = array<i32>} : memref<16x16xi32, #tpu.memory_space<vmem>>, vector<16xi32>,
    %add3A_1483 = arith.constant 160 : i32
    %add3A_1484 = arith.addi %select_n3A_1302, %add3A_1483 : i32
    %iota3A_1485 = tpu.iota {dimensions = array<i32: 0>} : vector<16xi32>
    %add3A_1486 = vector.broadcast %add3A_1484 : i32 to vector<16xi32>
    %add3A_1487 = arith.addi %add3A_1486, %iota3A_1485 : vector<16xi32>
    %sub3A_1488 = arith.constant 1919 : i32
    %sub3A_1489 = vector.broadcast %sub3A_1488 : i32 to vector<16xi32>
    %sub3A_1490 = arith.subi %add3A_1487, %sub3A_1489 : vector<16xi32>
    %jit3A_1491 = arith.constant 0 : i32
    %jit3A_1492 = arith.constant 128 : i32
    %max3A_1493 = vector.broadcast %jit3A_1491 : i32 to vector<16xi32>
    %max3A_1494 = arith.maxsi %max3A_1493, %sub3A_1490 : vector<16xi32>
    %min3A_1495 = vector.broadcast %jit3A_1492 : i32 to vector<16xi32>
    %min3A_1496 = arith.minsi %min3A_1495, %max3A_1494 : vector<16xi32>
    %swap3A_1497 = arith.constant 10 : i32
    %swap3A_1498 = arith.index_cast %swap3A_1497 : i32 to index
    %swap3A_1499 = arith.constant 0 : index
    %swap3A_1500 = tpu.vector_load %arg5[%swap3A_1498, %swap3A_1499] {strides = array<i32>} : memref<16x16xi32, #tpu.memory_space<vmem>>, vector<16xi32>,
    tpu.vector_store %arg5[%swap3A_1498, %swap3A_1499], %min3A_1496 {strides = array<i32>} : memref<16x16xi32, #tpu.memory_space<vmem>>, vector<16xi32>,
    %add3A_1501 = arith.constant 176 : i32
    %add3A_1502 = arith.addi %select_n3A_1302, %add3A_1501 : i32
    %iota3A_1503 = tpu.iota {dimensions = array<i32: 0>} : vector<16xi32>
    %add3A_1504 = vector.broadcast %add3A_1502 : i32 to vector<16xi32>
    %add3A_1505 = arith.addi %add3A_1504, %iota3A_1503 : vector<16xi32>
    %sub3A_1506 = arith.constant 1919 : i32
    %sub3A_1507 = vector.broadcast %sub3A_1506 : i32 to vector<16xi32>
    %sub3A_1508 = arith.subi %add3A_1505, %sub3A_1507 : vector<16xi32>
    %jit3A_1509 = arith.constant 0 : i32
    %jit3A_1510 = arith.constant 128 : i32
    %max3A_1511 = vector.broadcast %jit3A_1509 : i32 to vector<16xi32>
    %max3A_1512 = arith.maxsi %max3A_1511, %sub3A_1508 : vector<16xi32>
    %min3A_1513 = vector.broadcast %jit3A_1510 : i32 to vector<16xi32>
    %min3A_1514 = arith.minsi %min3A_1513, %max3A_1512 : vector<16xi32>
    %swap3A_1515 = arith.constant 11 : i32
    %swap3A_1516 = arith.index_cast %swap3A_1515 : i32 to index
    %swap3A_1517 = arith.constant 0 : index
    %swap3A_1518 = tpu.vector_load %arg5[%swap3A_1516, %swap3A_1517] {strides = array<i32>} : memref<16x16xi32, #tpu.memory_space<vmem>>, vector<16xi32>,
    tpu.vector_store %arg5[%swap3A_1516, %swap3A_1517], %min3A_1514 {strides = array<i32>} : memref<16x16xi32, #tpu.memory_space<vmem>>, vector<16xi32>,
    %add3A_1519 = arith.constant 192 : i32
    %add3A_1520 = arith.addi %select_n3A_1302, %add3A_1519 : i32
    %iota3A_1521 = tpu.iota {dimensions = array<i32: 0>} : vector<16xi32>
    %add3A_1522 = vector.broadcast %add3A_1520 : i32 to vector<16xi32>
    %add3A_1523 = arith.addi %add3A_1522, %iota3A_1521 : vector<16xi32>
    %sub3A_1524 = arith.constant 1919 : i32
    %sub3A_1525 = vector.broadcast %sub3A_1524 : i32 to vector<16xi32>
    %sub3A_1526 = arith.subi %add3A_1523, %sub3A_1525 : vector<16xi32>
    %jit3A_1527 = arith.constant 0 : i32
    %jit3A_1528 = arith.constant 128 : i32
    %max3A_1529 = vector.broadcast %jit3A_1527 : i32 to vector<16xi32>
    %max3A_1530 = arith.maxsi %max3A_1529, %sub3A_1526 : vector<16xi32>
    %min3A_1531 = vector.broadcast %jit3A_1528 : i32 to vector<16xi32>
    %min3A_1532 = arith.minsi %min3A_1531, %max3A_1530 : vector<16xi32>
    %swap3A_1533 = arith.constant 12 : i32
    %swap3A_1534 = arith.index_cast %swap3A_1533 : i32 to index
    %swap3A_1535 = arith.constant 0 : index
    %swap3A_1536 = tpu.vector_load %arg5[%swap3A_1534, %swap3A_1535] {strides = array<i32>} : memref<16x16xi32, #tpu.memory_space<vmem>>, vector<16xi32>,
    tpu.vector_store %arg5[%swap3A_1534, %swap3A_1535], %min3A_1532 {strides = array<i32>} : memref<16x16xi32, #tpu.memory_space<vmem>>, vector<16xi32>,
    %add3A_1537 = arith.constant 208 : i32
    %add3A_1538 = arith.addi %select_n3A_1302, %add3A_1537 : i32
    %iota3A_1539 = tpu.iota {dimensions = array<i32: 0>} : vector<16xi32>
    %add3A_1540 = vector.broadcast %add3A_1538 : i32 to vector<16xi32>
    %add3A_1541 = arith.addi %add3A_1540, %iota3A_1539 : vector<16xi32>
    %sub3A_1542 = arith.constant 1919 : i32
    %sub3A_1543 = vector.broadcast %sub3A_1542 : i32 to vector<16xi32>
    %sub3A_1544 = arith.subi %add3A_1541, %sub3A_1543 : vector<16xi32>
    %jit3A_1545 = arith.constant 0 : i32
    %jit3A_1546 = arith.constant 128 : i32
    %max3A_1547 = vector.broadcast %jit3A_1545 : i32 to vector<16xi32>
    %max3A_1548 = arith.maxsi %max3A_1547, %sub3A_1544 : vector<16xi32>
    %min3A_1549 = vector.broadcast %jit3A_1546 : i32 to vector<16xi32>
    %min3A_1550 = arith.minsi %min3A_1549, %max3A_1548 : vector<16xi32>
    %swap3A_1551 = arith.constant 13 : i32
    %swap3A_1552 = arith.index_cast %swap3A_1551 : i32 to index
    %swap3A_1553 = arith.constant 0 : index
    %swap3A_1554 = tpu.vector_load %arg5[%swap3A_1552, %swap3A_1553] {strides = array<i32>} : memref<16x16xi32, #tpu.memory_space<vmem>>, vector<16xi32>,
    tpu.vector_store %arg5[%swap3A_1552, %swap3A_1553], %min3A_1550 {strides = array<i32>} : memref<16x16xi32, #tpu.memory_space<vmem>>, vector<16xi32>,
    %add3A_1555 = arith.constant 224 : i32
    %add3A_1556 = arith.addi %select_n3A_1302, %add3A_1555 : i32
    %iota3A_1557 = tpu.iota {dimensions = array<i32: 0>} : vector<16xi32>
    %add3A_1558 = vector.broadcast %add3A_1556 : i32 to vector<16xi32>
    %add3A_1559 = arith.addi %add3A_1558, %iota3A_1557 : vector<16xi32>
    %sub3A_1560 = arith.constant 1919 : i32
    %sub3A_1561 = vector.broadcast %sub3A_1560 : i32 to vector<16xi32>
    %sub3A_1562 = arith.subi %add3A_1559, %sub3A_1561 : vector<16xi32>
    %jit3A_1563 = arith.constant 0 : i32
    %jit3A_1564 = arith.constant 128 : i32
    %max3A_1565 = vector.broadcast %jit3A_1563 : i32 to vector<16xi32>
    %max3A_1566 = arith.maxsi %max3A_1565, %sub3A_1562 : vector<16xi32>
    %min3A_1567 = vector.broadcast %jit3A_1564 : i32 to vector<16xi32>
    %min3A_1568 = arith.minsi %min3A_1567, %max3A_1566 : vector<16xi32>
    %swap3A_1569 = arith.constant 14 : i32
    %swap3A_1570 = arith.index_cast %swap3A_1569 : i32 to index
    %swap3A_1571 = arith.constant 0 : index
    %swap3A_1572 = tpu.vector_load %arg5[%swap3A_1570, %swap3A_1571] {strides = array<i32>} : memref<16x16xi32, #tpu.memory_space<vmem>>, vector<16xi32>,
    tpu.vector_store %arg5[%swap3A_1570, %swap3A_1571], %min3A_1568 {strides = array<i32>} : memref<16x16xi32, #tpu.memory_space<vmem>>, vector<16xi32>,
    %add3A_1573 = arith.constant 240 : i32
    %add3A_1574 = arith.addi %select_n3A_1302, %add3A_1573 : i32
    %iota3A_1575 = tpu.iota {dimensions = array<i32: 0>} : vector<16xi32>
    %add3A_1576 = vector.broadcast %add3A_1574 : i32 to vector<16xi32>
    %add3A_1577 = arith.addi %add3A_1576, %iota3A_1575 : vector<16xi32>
    %sub3A_1578 = arith.constant 1919 : i32
    %sub3A_1579 = vector.broadcast %sub3A_1578 : i32 to vector<16xi32>
    %sub3A_1580 = arith.subi %add3A_1577, %sub3A_1579 : vector<16xi32>
    %jit3A_1581 = arith.constant 0 : i32
    %jit3A_1582 = arith.constant 128 : i32
    %max3A_1583 = vector.broadcast %jit3A_1581 : i32 to vector<16xi32>
    %max3A_1584 = arith.maxsi %max3A_1583, %sub3A_1580 : vector<16xi32>
    %min3A_1585 = vector.broadcast %jit3A_1582 : i32 to vector<16xi32>
    %min3A_1586 = arith.minsi %min3A_1585, %max3A_1584 : vector<16xi32>
    %swap3A_1587 = arith.constant 15 : i32
    %swap3A_1588 = arith.index_cast %swap3A_1587 : i32 to index
    %swap3A_1589 = arith.constant 0 : index
    %swap3A_1590 = tpu.vector_load %arg5[%swap3A_1588, %swap3A_1589] {strides = array<i32>} : memref<16x16xi32, #tpu.memory_space<vmem>>, vector<16xi32>,
    tpu.vector_store %arg5[%swap3A_1588, %swap3A_1589], %min3A_1586 {strides = array<i32>} : memref<16x16xi32, #tpu.memory_space<vmem>>, vector<16xi32>,
    %scan3A_1591 = arith.constant 0 : i32
    %scan3A_1592 = arith.constant 0 : i32
    %scan3A_1593 = arith.constant 64 : i32
    %scan3A_1594 = arith.addi %scan3A_1592, %scan3A_1593 : i32
    %scan3A_1595 = arith.constant 1 : i32
    scf.for %scan3A_1603 = %scan3A_1592 to %scan3A_1594 step %scan3A_1595  : i32 {
      %broadcast_in_dim3A = vector.broadcast %scan3A_1603 : i32 to vector<16xi32>
      %get3A = arith.constant 0 : i32
      %get3A_1604 = arith.index_cast %get3A : i32 to index
      %get3A_1605 = arith.constant 0 : index
      %get3A_1606 = tpu.vector_load %arg5[%get3A_1604, %get3A_1605] {strides = array<i32>} : memref<16x16xi32, #tpu.memory_space<vmem>>, vector<16xi32>,
      %gather3A = tpu.vector_load_idx %arg4[%get3A_1606, %broadcast_in_dim3A] : memref<136x64xf32, #tpu.memory_space<vmem>>[vector<16xi32>, vector<16xi32>], vector<16xf32>,
      %swap3A_1607 = arith.index_cast %scan3A_1603 : i32 to index
      %swap3A_1608 = arith.constant 0 : index
      %swap3A_1609 = tpu.vector_load %arg6[%swap3A_1607, %swap3A_1608] {strides = array<i32>} : memref<64x256xf32, #tpu.memory_space<vmem>>, vector<16xf32>,
      tpu.vector_store %arg6[%swap3A_1607, %swap3A_1608], %gather3A {strides = array<i32>} : memref<64x256xf32, #tpu.memory_space<vmem>>, vector<16xf32>,
      %get3A_1610 = arith.constant 1 : i32
      %get3A_1611 = arith.index_cast %get3A_1610 : i32 to index
      %get3A_1612 = arith.constant 0 : index
      %get3A_1613 = tpu.vector_load %arg5[%get3A_1611, %get3A_1612] {strides = array<i32>} : memref<16x16xi32, #tpu.memory_space<vmem>>, vector<16xi32>,
      %gather3A_1614 = tpu.vector_load_idx %arg4[%get3A_1613, %broadcast_in_dim3A] : memref<136x64xf32, #tpu.memory_space<vmem>>[vector<16xi32>, vector<16xi32>], vector<16xf32>,
      %swap3A_1615 = arith.index_cast %scan3A_1603 : i32 to index
      %swap3A_1616 = arith.constant 16 : index
      %swap3A_1617 = tpu.vector_load %arg6[%swap3A_1615, %swap3A_1616] {strides = array<i32>} : memref<64x256xf32, #tpu.memory_space<vmem>>, vector<16xf32>,
      tpu.vector_store %arg6[%swap3A_1615, %swap3A_1616], %gather3A_1614 {strides = array<i32>} : memref<64x256xf32, #tpu.memory_space<vmem>>, vector<16xf32>,
      %get3A_1618 = arith.constant 2 : i32
      %get3A_1619 = arith.index_cast %get3A_1618 : i32 to index
      %get3A_1620 = arith.constant 0 : index
      %get3A_1621 = tpu.vector_load %arg5[%get3A_1619, %get3A_1620] {strides = array<i32>} : memref<16x16xi32, #tpu.memory_space<vmem>>, vector<16xi32>,
      %gather3A_1622 = tpu.vector_load_idx %arg4[%get3A_1621, %broadcast_in_dim3A] : memref<136x64xf32, #tpu.memory_space<vmem>>[vector<16xi32>, vector<16xi32>], vector<16xf32>,
      %swap3A_1623 = arith.index_cast %scan3A_1603 : i32 to index
      %swap3A_1624 = arith.constant 32 : index
      %swap3A_1625 = tpu.vector_load %arg6[%swap3A_1623, %swap3A_1624] {strides = array<i32>} : memref<64x256xf32, #tpu.memory_space<vmem>>, vector<16xf32>,
      tpu.vector_store %arg6[%swap3A_1623, %swap3A_1624], %gather3A_1622 {strides = array<i32>} : memref<64x256xf32, #tpu.memory_space<vmem>>, vector<16xf32>,
      %get3A_1626 = arith.constant 3 : i32
      %get3A_1627 = arith.index_cast %get3A_1626 : i32 to index
      %get3A_1628 = arith.constant 0 : index
      %get3A_1629 = tpu.vector_load %arg5[%get3A_1627, %get3A_1628] {strides = array<i32>} : memref<16x16xi32, #tpu.memory_space<vmem>>, vector<16xi32>,
      %gather3A_1630 = tpu.vector_load_idx %arg4[%get3A_1629, %broadcast_in_dim3A] : memref<136x64xf32, #tpu.memory_space<vmem>>[vector<16xi32>, vector<16xi32>], vector<16xf32>,
      %swap3A_1631 = arith.index_cast %scan3A_1603 : i32 to index
      %swap3A_1632 = arith.constant 48 : index
      %swap3A_1633 = tpu.vector_load %arg6[%swap3A_1631, %swap3A_1632] {strides = array<i32>} : memref<64x256xf32, #tpu.memory_space<vmem>>, vector<16xf32>,
      tpu.vector_store %arg6[%swap3A_1631, %swap3A_1632], %gather3A_1630 {strides = array<i32>} : memref<64x256xf32, #tpu.memory_space<vmem>>, vector<16xf32>,
      %get3A_1634 = arith.constant 4 : i32
      %get3A_1635 = arith.index_cast %get3A_1634 : i32 to index
      %get3A_1636 = arith.constant 0 : index
      %get3A_1637 = tpu.vector_load %arg5[%get3A_1635, %get3A_1636] {strides = array<i32>} : memref<16x16xi32, #tpu.memory_space<vmem>>, vector<16xi32>,
      %gather3A_1638 = tpu.vector_load_idx %arg4[%get3A_1637, %broadcast_in_dim3A] : memref<136x64xf32, #tpu.memory_space<vmem>>[vector<16xi32>, vector<16xi32>], vector<16xf32>,
      %swap3A_1639 = arith.index_cast %scan3A_1603 : i32 to index
      %swap3A_1640 = arith.constant 64 : index
      %swap3A_1641 = tpu.vector_load %arg6[%swap3A_1639, %swap3A_1640] {strides = array<i32>} : memref<64x256xf32, #tpu.memory_space<vmem>>, vector<16xf32>,
      tpu.vector_store %arg6[%swap3A_1639, %swap3A_1640], %gather3A_1638 {strides = array<i32>} : memref<64x256xf32, #tpu.memory_space<vmem>>, vector<16xf32>,
      %get3A_1642 = arith.constant 5 : i32
      %get3A_1643 = arith.index_cast %get3A_1642 : i32 to index
      %get3A_1644 = arith.constant 0 : index
      %get3A_1645 = tpu.vector_load %arg5[%get3A_1643, %get3A_1644] {strides = array<i32>} : memref<16x16xi32, #tpu.memory_space<vmem>>, vector<16xi32>,
      %gather3A_1646 = tpu.vector_load_idx %arg4[%get3A_1645, %broadcast_in_dim3A] : memref<136x64xf32, #tpu.memory_space<vmem>>[vector<16xi32>, vector<16xi32>], vector<16xf32>,
      %swap3A_1647 = arith.index_cast %scan3A_1603 : i32 to index
      %swap3A_1648 = arith.constant 80 : index
      %swap3A_1649 = tpu.vector_load %arg6[%swap3A_1647, %swap3A_1648] {strides = array<i32>} : memref<64x256xf32, #tpu.memory_space<vmem>>, vector<16xf32>,
      tpu.vector_store %arg6[%swap3A_1647, %swap3A_1648], %gather3A_1646 {strides = array<i32>} : memref<64x256xf32, #tpu.memory_space<vmem>>, vector<16xf32>,
      %get3A_1650 = arith.constant 6 : i32
      %get3A_1651 = arith.index_cast %get3A_1650 : i32 to index
      %get3A_1652 = arith.constant 0 : index
      %get3A_1653 = tpu.vector_load %arg5[%get3A_1651, %get3A_1652] {strides = array<i32>} : memref<16x16xi32, #tpu.memory_space<vmem>>, vector<16xi32>,
      %gather3A_1654 = tpu.vector_load_idx %arg4[%get3A_1653, %broadcast_in_dim3A] : memref<136x64xf32, #tpu.memory_space<vmem>>[vector<16xi32>, vector<16xi32>], vector<16xf32>,
      %swap3A_1655 = arith.index_cast %scan3A_1603 : i32 to index
      %swap3A_1656 = arith.constant 96 : index
      %swap3A_1657 = tpu.vector_load %arg6[%swap3A_1655, %swap3A_1656] {strides = array<i32>} : memref<64x256xf32, #tpu.memory_space<vmem>>, vector<16xf32>,
      tpu.vector_store %arg6[%swap3A_1655, %swap3A_1656], %gather3A_1654 {strides = array<i32>} : memref<64x256xf32, #tpu.memory_space<vmem>>, vector<16xf32>,
      %get3A_1658 = arith.constant 7 : i32
      %get3A_1659 = arith.index_cast %get3A_1658 : i32 to index
      %get3A_1660 = arith.constant 0 : index
      %get3A_1661 = tpu.vector_load %arg5[%get3A_1659, %get3A_1660] {strides = array<i32>} : memref<16x16xi32, #tpu.memory_space<vmem>>, vector<16xi32>,
      %gather3A_1662 = tpu.vector_load_idx %arg4[%get3A_1661, %broadcast_in_dim3A] : memref<136x64xf32, #tpu.memory_space<vmem>>[vector<16xi32>, vector<16xi32>], vector<16xf32>,
      %swap3A_1663 = arith.index_cast %scan3A_1603 : i32 to index
      %swap3A_1664 = arith.constant 112 : index
      %swap3A_1665 = tpu.vector_load %arg6[%swap3A_1663, %swap3A_1664] {strides = array<i32>} : memref<64x256xf32, #tpu.memory_space<vmem>>, vector<16xf32>,
      tpu.vector_store %arg6[%swap3A_1663, %swap3A_1664], %gather3A_1662 {strides = array<i32>} : memref<64x256xf32, #tpu.memory_space<vmem>>, vector<16xf32>,
      %get3A_1666 = arith.constant 8 : i32
      %get3A_1667 = arith.index_cast %get3A_1666 : i32 to index
      %get3A_1668 = arith.constant 0 : index
      %get3A_1669 = tpu.vector_load %arg5[%get3A_1667, %get3A_1668] {strides = array<i32>} : memref<16x16xi32, #tpu.memory_space<vmem>>, vector<16xi32>,
      %gather3A_1670 = tpu.vector_load_idx %arg4[%get3A_1669, %broadcast_in_dim3A] : memref<136x64xf32, #tpu.memory_space<vmem>>[vector<16xi32>, vector<16xi32>], vector<16xf32>,
      %swap3A_1671 = arith.index_cast %scan3A_1603 : i32 to index
      %swap3A_1672 = arith.constant 128 : index
      %swap3A_1673 = tpu.vector_load %arg6[%swap3A_1671, %swap3A_1672] {strides = array<i32>} : memref<64x256xf32, #tpu.memory_space<vmem>>, vector<16xf32>,
      tpu.vector_store %arg6[%swap3A_1671, %swap3A_1672], %gather3A_1670 {strides = array<i32>} : memref<64x256xf32, #tpu.memory_space<vmem>>, vector<16xf32>,
      %get3A_1674 = arith.constant 9 : i32
      %get3A_1675 = arith.index_cast %get3A_1674 : i32 to index
      %get3A_1676 = arith.constant 0 : index
      %get3A_1677 = tpu.vector_load %arg5[%get3A_1675, %get3A_1676] {strides = array<i32>} : memref<16x16xi32, #tpu.memory_space<vmem>>, vector<16xi32>,
      %gather3A_1678 = tpu.vector_load_idx %arg4[%get3A_1677, %broadcast_in_dim3A] : memref<136x64xf32, #tpu.memory_space<vmem>>[vector<16xi32>, vector<16xi32>], vector<16xf32>,
      %swap3A_1679 = arith.index_cast %scan3A_1603 : i32 to index
      %swap3A_1680 = arith.constant 144 : index
      %swap3A_1681 = tpu.vector_load %arg6[%swap3A_1679, %swap3A_1680] {strides = array<i32>} : memref<64x256xf32, #tpu.memory_space<vmem>>, vector<16xf32>,
      tpu.vector_store %arg6[%swap3A_1679, %swap3A_1680], %gather3A_1678 {strides = array<i32>} : memref<64x256xf32, #tpu.memory_space<vmem>>, vector<16xf32>,
      %get3A_1682 = arith.constant 10 : i32
      %get3A_1683 = arith.index_cast %get3A_1682 : i32 to index
      %get3A_1684 = arith.constant 0 : index
      %get3A_1685 = tpu.vector_load %arg5[%get3A_1683, %get3A_1684] {strides = array<i32>} : memref<16x16xi32, #tpu.memory_space<vmem>>, vector<16xi32>,
      %gather3A_1686 = tpu.vector_load_idx %arg4[%get3A_1685, %broadcast_in_dim3A] : memref<136x64xf32, #tpu.memory_space<vmem>>[vector<16xi32>, vector<16xi32>], vector<16xf32>,
      %swap3A_1687 = arith.index_cast %scan3A_1603 : i32 to index
      %swap3A_1688 = arith.constant 160 : index
      %swap3A_1689 = tpu.vector_load %arg6[%swap3A_1687, %swap3A_1688] {strides = array<i32>} : memref<64x256xf32, #tpu.memory_space<vmem>>, vector<16xf32>,
      tpu.vector_store %arg6[%swap3A_1687, %swap3A_1688], %gather3A_1686 {strides = array<i32>} : memref<64x256xf32, #tpu.memory_space<vmem>>, vector<16xf32>,
      %get3A_1690 = arith.constant 11 : i32
      %get3A_1691 = arith.index_cast %get3A_1690 : i32 to index
      %get3A_1692 = arith.constant 0 : index
      %get3A_1693 = tpu.vector_load %arg5[%get3A_1691, %get3A_1692] {strides = array<i32>} : memref<16x16xi32, #tpu.memory_space<vmem>>, vector<16xi32>,
      %gather3A_1694 = tpu.vector_load_idx %arg4[%get3A_1693, %broadcast_in_dim3A] : memref<136x64xf32, #tpu.memory_space<vmem>>[vector<16xi32>, vector<16xi32>], vector<16xf32>,
      %swap3A_1695 = arith.index_cast %scan3A_1603 : i32 to index
      %swap3A_1696 = arith.constant 176 : index
      %swap3A_1697 = tpu.vector_load %arg6[%swap3A_1695, %swap3A_1696] {strides = array<i32>} : memref<64x256xf32, #tpu.memory_space<vmem>>, vector<16xf32>,
      tpu.vector_store %arg6[%swap3A_1695, %swap3A_1696], %gather3A_1694 {strides = array<i32>} : memref<64x256xf32, #tpu.memory_space<vmem>>, vector<16xf32>,
      %get3A_1698 = arith.constant 12 : i32
      %get3A_1699 = arith.index_cast %get3A_1698 : i32 to index
      %get3A_1700 = arith.constant 0 : index
      %get3A_1701 = tpu.vector_load %arg5[%get3A_1699, %get3A_1700] {strides = array<i32>} : memref<16x16xi32, #tpu.memory_space<vmem>>, vector<16xi32>,
      %gather3A_1702 = tpu.vector_load_idx %arg4[%get3A_1701, %broadcast_in_dim3A] : memref<136x64xf32, #tpu.memory_space<vmem>>[vector<16xi32>, vector<16xi32>], vector<16xf32>,
      %swap3A_1703 = arith.index_cast %scan3A_1603 : i32 to index
      %swap3A_1704 = arith.constant 192 : index
      %swap3A_1705 = tpu.vector_load %arg6[%swap3A_1703, %swap3A_1704] {strides = array<i32>} : memref<64x256xf32, #tpu.memory_space<vmem>>, vector<16xf32>,
      tpu.vector_store %arg6[%swap3A_1703, %swap3A_1704], %gather3A_1702 {strides = array<i32>} : memref<64x256xf32, #tpu.memory_space<vmem>>, vector<16xf32>,
      %get3A_1706 = arith.constant 13 : i32
      %get3A_1707 = arith.index_cast %get3A_1706 : i32 to index
      %get3A_1708 = arith.constant 0 : index
      %get3A_1709 = tpu.vector_load %arg5[%get3A_1707, %get3A_1708] {strides = array<i32>} : memref<16x16xi32, #tpu.memory_space<vmem>>, vector<16xi32>,
      %gather3A_1710 = tpu.vector_load_idx %arg4[%get3A_1709, %broadcast_in_dim3A] : memref<136x64xf32, #tpu.memory_space<vmem>>[vector<16xi32>, vector<16xi32>], vector<16xf32>,
      %swap3A_1711 = arith.index_cast %scan3A_1603 : i32 to index
      %swap3A_1712 = arith.constant 208 : index
      %swap3A_1713 = tpu.vector_load %arg6[%swap3A_1711, %swap3A_1712] {strides = array<i32>} : memref<64x256xf32, #tpu.memory_space<vmem>>, vector<16xf32>,
      tpu.vector_store %arg6[%swap3A_1711, %swap3A_1712], %gather3A_1710 {strides = array<i32>} : memref<64x256xf32, #tpu.memory_space<vmem>>, vector<16xf32>,
      %get3A_1714 = arith.constant 14 : i32
      %get3A_1715 = arith.index_cast %get3A_1714 : i32 to index
      %get3A_1716 = arith.constant 0 : index
      %get3A_1717 = tpu.vector_load %arg5[%get3A_1715, %get3A_1716] {strides = array<i32>} : memref<16x16xi32, #tpu.memory_space<vmem>>, vector<16xi32>,
      %gather3A_1718 = tpu.vector_load_idx %arg4[%get3A_1717, %broadcast_in_dim3A] : memref<136x64xf32, #tpu.memory_space<vmem>>[vector<16xi32>, vector<16xi32>], vector<16xf32>,
      %swap3A_1719 = arith.index_cast %scan3A_1603 : i32 to index
      %swap3A_1720 = arith.constant 224 : index
      %swap3A_1721 = tpu.vector_load %arg6[%swap3A_1719, %swap3A_1720] {strides = array<i32>} : memref<64x256xf32, #tpu.memory_space<vmem>>, vector<16xf32>,
      tpu.vector_store %arg6[%swap3A_1719, %swap3A_1720], %gather3A_1718 {strides = array<i32>} : memref<64x256xf32, #tpu.memory_space<vmem>>, vector<16xf32>,
      %get3A_1722 = arith.constant 15 : i32
      %get3A_1723 = arith.index_cast %get3A_1722 : i32 to index
      %get3A_1724 = arith.constant 0 : index
      %get3A_1725 = tpu.vector_load %arg5[%get3A_1723, %get3A_1724] {strides = array<i32>} : memref<16x16xi32, #tpu.memory_space<vmem>>, vector<16xi32>,
      %gather3A_1726 = tpu.vector_load_idx %arg4[%get3A_1725, %broadcast_in_dim3A] : memref<136x64xf32, #tpu.memory_space<vmem>>[vector<16xi32>, vector<16xi32>], vector<16xf32>,
      %swap3A_1727 = arith.index_cast %scan3A_1603 : i32 to index
      %swap3A_1728 = arith.constant 240 : index
      %swap3A_1729 = tpu.vector_load %arg6[%swap3A_1727, %swap3A_1728] {strides = array<i32>} : memref<64x256xf32, #tpu.memory_space<vmem>>, vector<16xf32>,
      tpu.vector_store %arg6[%swap3A_1727, %swap3A_1728], %gather3A_1726 {strides = array<i32>} : memref<64x256xf32, #tpu.memory_space<vmem>>, vector<16xf32>,
    }
    %scan3A_1596 = arith.constant 64 : i32
    "tpu.region"() ({
      %run_scoped3A = tpu.sem_alloc : memref<!tpu.dma_semaphore, #tpu.memory_space<semaphore_mem>>
      %dma_start3A = arith.constant 0 : i32
      %dma_start3A_1603 = arith.constant 0 : i32
      %dma_start3A_1604 = tpu.memref_slice %arg7[%min3A_1281, %dma_start3A, %dma_start3A_1603] : memref<66x64x256xf32, #tpu.memory_space<vmem_shared>> -> memref<1x64x256xf32, #tpu.memory_space<vmem_shared>>
      %dma_start3A_1605 = tpu.memref_squeeze %dma_start3A_1604 : memref<1x64x256xf32, #tpu.memory_space<vmem_shared>> -> memref<64x256xf32, #tpu.memory_space<vmem_shared>>
      %dma_start3A_1606 = arith.constant 0 : i32
      %dma_start3A_1607 = arith.constant 0 : i32
      %dma_start3A_1608 = tpu.memref_slice %arg7[%min3A_1281, %dma_start3A_1606, %dma_start3A_1607] : memref<66x64x256xf32, #tpu.memory_space<vmem_shared>> -> memref<1x64x256xf32, #tpu.memory_space<vmem_shared>>
      %dma_start3A_1609 = tpu.memref_squeeze %dma_start3A_1608 : memref<1x64x256xf32, #tpu.memory_space<vmem_shared>> -> memref<64x256xf32, #tpu.memory_space<vmem_shared>>
      tpu.enqueue_dma source(%arg6 : memref<64x256xf32, #tpu.memory_space<vmem>>) target(%dma_start3A_1609 : memref<64x256xf32, #tpu.memory_space<vmem_shared>>) target_semaphore(%run_scoped3A : memref<!tpu.dma_semaphore, #tpu.memory_space<semaphore_mem>>)
      %dma_wait3A = arith.constant 0 : i32
      %dma_wait3A_1610 = arith.constant 0 : i32
      %dma_wait3A_1611 = tpu.memref_slice %arg7[%min3A_1281, %dma_wait3A, %dma_wait3A_1610] : memref<66x64x256xf32, #tpu.memory_space<vmem_shared>> -> memref<1x64x256xf32, #tpu.memory_space<vmem_shared>>
      %dma_wait3A_1612 = tpu.memref_squeeze %dma_wait3A_1611 : memref<1x64x256xf32, #tpu.memory_space<vmem_shared>> -> memref<64x256xf32, #tpu.memory_space<vmem_shared>>
      %dma_wait3A_1613 = arith.constant 0 : i32
      %dma_wait3A_1614 = arith.constant 0 : i32
      %dma_wait3A_1615 = tpu.memref_slice %arg7[%min3A_1281, %dma_wait3A_1613, %dma_wait3A_1614] : memref<66x64x256xf32, #tpu.memory_space<vmem_shared>> -> memref<1x64x256xf32, #tpu.memory_space<vmem_shared>>
      %dma_wait3A_1616 = tpu.memref_squeeze %dma_wait3A_1615 : memref<1x64x256xf32, #tpu.memory_space<vmem_shared>> -> memref<64x256xf32, #tpu.memory_space<vmem_shared>>
      tpu.wait_dma2 semaphore(%run_scoped3A : memref<!tpu.dma_semaphore, #tpu.memory_space<semaphore_mem>>) src(%arg6 : memref<64x256xf32, #tpu.memory_space<vmem>>) dst(%dma_wait3A_1616 : memref<64x256xf32, #tpu.memory_space<vmem_shared>>)
      tpu.yield
    }) : () -> ()
    %barrier3A = arith.constant 0 : index
    tpu.barrier barrier_id(%barrier3A)
    %scan3A_1597 = arith.constant 0 : i32
    %scan3A_1598 = arith.constant 0 : i32
    %scan3A_1599 = arith.constant 65 : i32
    %scan3A_1600 = arith.addi %scan3A_1598, %scan3A_1599 : i32
    %scan3A_1601 = arith.constant 1 : i32
    scf.for %scan3A_1603 = %scan3A_1598 to %scan3A_1600 step %scan3A_1601  : i32 {
      %lt3A = arith.constant 64 : i32
      %lt3A_1604 = arith.cmpi slt, %scan3A_1603, %lt3A : i32
      %convert_element_type3A = arith.extui %lt3A_1604 : i1 to i32
      %cond3A = arith.constant 0 : i32
      %cond3A_1605 = arith.cmpi ne, %convert_element_type3A, %cond3A : i32
      scf.if %cond3A_1605 {
        %mul3A_1610 = arith.constant 128 : i32
        %mul3A_1611 = arith.muli %mul3A_1610, %arg1 : i32
        %mul3A_1612 = arith.constant 64 : i32
        %mul3A_1613 = arith.muli %mul3A_1612, %arg0 : i32
        %add3A_1614 = arith.addi %mul3A_1611, %mul3A_1613 : i32
        %add3A_1615 = arith.addi %add3A_1614, %scan3A_1603 : i32
        %sub3A_1616 = arith.constant 2047 : i32
        %sub3A_1617 = arith.subi %sub3A_1616, %add3A_1615 : i32
        %rem3A_1618 = arith.constant 128 : i32
        %rem3A_1619 = arith.remsi %sub3A_1617, %rem3A_1618 : i32
        %sub3A_1620 = arith.subi %rem3A_1619, %mul3A_1 : i32
        %add3A_1621 = arith.constant 128 : i32
        %add3A_1622 = arith.addi %rem3A_1619, %add3A_1621 : i32
        %sub3A_1623 = arith.constant 1 : i32
        %sub3A_1624 = arith.subi %add3A_1622, %sub3A_1623 : i32
        %rem3A_1625 = arith.constant 128 : i32
        %rem3A_1626 = arith.remsi %sub3A_1624, %rem3A_1625 : i32
        %add3A_1627 = arith.constant 1793 : i32
        %add3A_1628 = arith.addi %add3A_1627, %rem3A_1626 : i32
        %add3A_1629 = arith.constant 0 : i32
        %add3A_1630 = arith.addi %sub3A_1617, %add3A_1629 : i32
        %sub3A_1631 = arith.subi %add3A_1630, %add3A_1628 : i32
        %lt3A_1632 = arith.constant 0 : i32
        %lt3A_1633 = arith.cmpi slt, %sub3A_1631, %lt3A_1632 : i32
        %gt3A_1634 = arith.constant 128 : i32
        %gt3A_1635 = arith.cmpi sgt, %sub3A_1631, %gt3A_1634 : i32
        %add3A_1636 = arith.constant 2 : i32
        %add3A_1637 = arith.addi %add3A_1636, %sub3A_1620 : i32
        %jit3A_1638 = arith.constant 1 : i32
        %select_n3A_1639 = arith.select %gt3A_1635, %jit3A_1638, %add3A_1637 : i32
        %jit3A_1640 = arith.constant 0 : i32
        %select_n3A_1641 = arith.select %lt3A_1633, %jit3A_1640, %select_n3A_1639 : i32
        %jit3A_1642 = arith.constant 0 : i32
        %jit3A_1643 = arith.constant 128 : i32
        %max3A_1644 = arith.maxsi %jit3A_1642, %sub3A_1631 : i32
        %min3A_1645 = arith.minsi %jit3A_1643, %max3A_1644 : i32
        %multiple_of3A = tpu.assume_multiple %min3A_1645, 128 : i32
        %dma_start3A = arith.constant 0 : i32
        %dma_start3A_1646 = arith.constant 0 : i32
        %dma_start3A_1647 = tpu.memref_slice %arg3[%add3A_1615, %dma_start3A, %dma_start3A_1646] : memref<2048x64x2048xf32, #tpu.memory_space<hbm>> -> memref<1x64x128xf32, #tpu.memory_space<hbm>>
        %dma_start3A_1648 = tpu.memref_squeeze %dma_start3A_1647 : memref<1x64x128xf32, #tpu.memory_space<hbm>> -> memref<64x128xf32, #tpu.memory_space<hbm>>
        %dma_start3A_1649 = arith.constant 0 : i32
        %dma_start3A_1650 = tpu.memref_slice %arg7[%select_n3A_1641, %dma_start3A_1649, %multiple_of3A] : memref<66x64x256xf32, #tpu.memory_space<vmem_shared>> -> memref<1x64x128xf32, #tpu.memory_space<vmem_shared>>
        %dma_start3A_1651 = tpu.memref_squeeze %dma_start3A_1650 : memref<1x64x128xf32, #tpu.memory_space<vmem_shared>> -> memref<64x128xf32, #tpu.memory_space<vmem_shared>>
        tpu.enqueue_dma source(%dma_start3A_1651 : memref<64x128xf32, #tpu.memory_space<vmem_shared>>) target(%dma_start3A_1648 : memref<64x128xf32, #tpu.memory_space<hbm>>) target_semaphore(%arg9 : memref<!tpu.dma_semaphore, #tpu.memory_space<semaphore_mem>>)
        %mul3A_1652 = arith.constant 128 : i32
        %mul3A_1653 = arith.muli %mul3A_1652, %arg1 : i32
        %mul3A_1654 = arith.constant 64 : i32
        %mul3A_1655 = arith.muli %mul3A_1654, %arg0 : i32
        %add3A_1656 = arith.addi %mul3A_1653, %mul3A_1655 : i32
        %add3A_1657 = arith.addi %add3A_1656, %scan3A_1603 : i32
        %sub3A_1658 = arith.constant 2047 : i32
        %sub3A_1659 = arith.subi %sub3A_1658, %add3A_1657 : i32
        %rem3A_1660 = arith.constant 128 : i32
        %rem3A_1661 = arith.remsi %sub3A_1659, %rem3A_1660 : i32
        %sub3A_1662 = arith.subi %rem3A_1661, %mul3A_1 : i32
        %add3A_1663 = arith.constant 128 : i32
        %add3A_1664 = arith.addi %rem3A_1661, %add3A_1663 : i32
        %sub3A_1665 = arith.constant 1 : i32
        %sub3A_1666 = arith.subi %add3A_1664, %sub3A_1665 : i32
        %rem3A_1667 = arith.constant 128 : i32
        %rem3A_1668 = arith.remsi %sub3A_1666, %rem3A_1667 : i32
        %add3A_1669 = arith.constant 1793 : i32
        %add3A_1670 = arith.addi %add3A_1669, %rem3A_1668 : i32
        %add3A_1671 = arith.constant 128 : i32
        %add3A_1672 = arith.addi %sub3A_1659, %add3A_1671 : i32
        %sub3A_1673 = arith.subi %add3A_1672, %add3A_1670 : i32
        %lt3A_1674 = arith.constant 0 : i32
        %lt3A_1675 = arith.cmpi slt, %sub3A_1673, %lt3A_1674 : i32
        %gt3A_1676 = arith.constant 128 : i32
        %gt3A_1677 = arith.cmpi sgt, %sub3A_1673, %gt3A_1676 : i32
        %add3A_1678 = arith.constant 2 : i32
        %add3A_1679 = arith.addi %add3A_1678, %sub3A_1662 : i32
        %jit3A_1680 = arith.constant 1 : i32
        %select_n3A_1681 = arith.select %gt3A_1677, %jit3A_1680, %add3A_1679 : i32
        %jit3A_1682 = arith.constant 0 : i32
        %select_n3A_1683 = arith.select %lt3A_1675, %jit3A_1682, %select_n3A_1681 : i32
        %jit3A_1684 = arith.constant 0 : i32
        %jit3A_1685 = arith.constant 128 : i32
        %max3A_1686 = arith.maxsi %jit3A_1684, %sub3A_1673 : i32
        %min3A_1687 = arith.minsi %jit3A_1685, %max3A_1686 : i32
        %multiple_of3A_1688 = tpu.assume_multiple %min3A_1687, 128 : i32
        %dma_start3A_1689 = arith.constant 0 : i32
        %dma_start3A_1690 = arith.constant 128 : i32
        %dma_start3A_1691 = tpu.memref_slice %arg3[%add3A_1657, %dma_start3A_1689, %dma_start3A_1690] : memref<2048x64x2048xf32, #tpu.memory_space<hbm>> -> memref<1x64x128xf32, #tpu.memory_space<hbm>>
        %dma_start3A_1692 = tpu.memref_squeeze %dma_start3A_1691 : memref<1x64x128xf32, #tpu.memory_space<hbm>> -> memref<64x128xf32, #tpu.memory_space<hbm>>
        %dma_start3A_1693 = arith.constant 0 : i32
        %dma_start3A_1694 = tpu.memref_slice %arg7[%select_n3A_1683, %dma_start3A_1693, %multiple_of3A_1688] : memref<66x64x256xf32, #tpu.memory_space<vmem_shared>> -> memref<1x64x128xf32, #tpu.memory_space<vmem_shared>>
        %dma_start3A_1695 = tpu.memref_squeeze %dma_start3A_1694 : memref<1x64x128xf32, #tpu.memory_space<vmem_shared>> -> memref<64x128xf32, #tpu.memory_space<vmem_shared>>
        tpu.enqueue_dma source(%dma_start3A_1695 : memref<64x128xf32, #tpu.memory_space<vmem_shared>>) target(%dma_start3A_1692 : memref<64x128xf32, #tpu.memory_space<hbm>>) target_semaphore(%arg9 : memref<!tpu.dma_semaphore, #tpu.memory_space<semaphore_mem>>)
        %mul3A_1696 = arith.constant 128 : i32
        %mul3A_1697 = arith.muli %mul3A_1696, %arg1 : i32
        %mul3A_1698 = arith.constant 64 : i32
        %mul3A_1699 = arith.muli %mul3A_1698, %arg0 : i32
        %add3A_1700 = arith.addi %mul3A_1697, %mul3A_1699 : i32
        %add3A_1701 = arith.addi %add3A_1700, %scan3A_1603 : i32
        %sub3A_1702 = arith.constant 2047 : i32
        %sub3A_1703 = arith.subi %sub3A_1702, %add3A_1701 : i32
        %rem3A_1704 = arith.constant 128 : i32
        %rem3A_1705 = arith.remsi %sub3A_1703, %rem3A_1704 : i32
        %sub3A_1706 = arith.subi %rem3A_1705, %mul3A_1 : i32
        %add3A_1707 = arith.constant 128 : i32
        %add3A_1708 = arith.addi %rem3A_1705, %add3A_1707 : i32
        %sub3A_1709 = arith.constant 1 : i32
        %sub3A_1710 = arith.subi %add3A_1708, %sub3A_1709 : i32
        %rem3A_1711 = arith.constant 128 : i32
        %rem3A_1712 = arith.remsi %sub3A_1710, %rem3A_1711 : i32
        %add3A_1713 = arith.constant 1793 : i32
        %add3A_1714 = arith.addi %add3A_1713, %rem3A_1712 : i32
        %add3A_1715 = arith.constant 256 : i32
        %add3A_1716 = arith.addi %sub3A_1703, %add3A_1715 : i32
        %sub3A_1717 = arith.subi %add3A_1716, %add3A_1714 : i32
        %lt3A_1718 = arith.constant 0 : i32
        %lt3A_1719 = arith.cmpi slt, %sub3A_1717, %lt3A_1718 : i32
        %gt3A_1720 = arith.constant 128 : i32
        %gt3A_1721 = arith.cmpi sgt, %sub3A_1717, %gt3A_1720 : i32
        %add3A_1722 = arith.constant 2 : i32
        %add3A_1723 = arith.addi %add3A_1722, %sub3A_1706 : i32
        %jit3A_1724 = arith.constant 1 : i32
        %select_n3A_1725 = arith.select %gt3A_1721, %jit3A_1724, %add3A_1723 : i32
        %jit3A_1726 = arith.constant 0 : i32
        %select_n3A_1727 = arith.select %lt3A_1719, %jit3A_1726, %select_n3A_1725 : i32
        %jit3A_1728 = arith.constant 0 : i32
        %jit3A_1729 = arith.constant 128 : i32
        %max3A_1730 = arith.maxsi %jit3A_1728, %sub3A_1717 : i32
        %min3A_1731 = arith.minsi %jit3A_1729, %max3A_1730 : i32
        %multiple_of3A_1732 = tpu.assume_multiple %min3A_1731, 128 : i32
        %dma_start3A_1733 = arith.constant 0 : i32
        %dma_start3A_1734 = arith.constant 256 : i32
        %dma_start3A_1735 = tpu.memref_slice %arg3[%add3A_1701, %dma_start3A_1733, %dma_start3A_1734] : memref<2048x64x2048xf32, #tpu.memory_space<hbm>> -> memref<1x64x128xf32, #tpu.memory_space<hbm>>
        %dma_start3A_1736 = tpu.memref_squeeze %dma_start3A_1735 : memref<1x64x128xf32, #tpu.memory_space<hbm>> -> memref<64x128xf32, #tpu.memory_space<hbm>>
        %dma_start3A_1737 = arith.constant 0 : i32
        %dma_start3A_1738 = tpu.memref_slice %arg7[%select_n3A_1727, %dma_start3A_1737, %multiple_of3A_1732] : memref<66x64x256xf32, #tpu.memory_space<vmem_shared>> -> memref<1x64x128xf32, #tpu.memory_space<vmem_shared>>
        %dma_start3A_1739 = tpu.memref_squeeze %dma_start3A_1738 : memref<1x64x128xf32, #tpu.memory_space<vmem_shared>> -> memref<64x128xf32, #tpu.memory_space<vmem_shared>>
        tpu.enqueue_dma source(%dma_start3A_1739 : memref<64x128xf32, #tpu.memory_space<vmem_shared>>) target(%dma_start3A_1736 : memref<64x128xf32, #tpu.memory_space<hbm>>) target_semaphore(%arg9 : memref<!tpu.dma_semaphore, #tpu.memory_space<semaphore_mem>>)
        %mul3A_1740 = arith.constant 128 : i32
        %mul3A_1741 = arith.muli %mul3A_1740, %arg1 : i32
        %mul3A_1742 = arith.constant 64 : i32
        %mul3A_1743 = arith.muli %mul3A_1742, %arg0 : i32
        %add3A_1744 = arith.addi %mul3A_1741, %mul3A_1743 : i32
        %add3A_1745 = arith.addi %add3A_1744, %scan3A_1603 : i32
        %sub3A_1746 = arith.constant 2047 : i32
        %sub3A_1747 = arith.subi %sub3A_1746, %add3A_1745 : i32
        %rem3A_1748 = arith.constant 128 : i32
        %rem3A_1749 = arith.remsi %sub3A_1747, %rem3A_1748 : i32
        %sub3A_1750 = arith.subi %rem3A_1749, %mul3A_1 : i32
        %add3A_1751 = arith.constant 128 : i32
        %add3A_1752 = arith.addi %rem3A_1749, %add3A_1751 : i32
        %sub3A_1753 = arith.constant 1 : i32
        %sub3A_1754 = arith.subi %add3A_1752, %sub3A_1753 : i32
        %rem3A_1755 = arith.constant 128 : i32
        %rem3A_1756 = arith.remsi %sub3A_1754, %rem3A_1755 : i32
        %add3A_1757 = arith.constant 1793 : i32
        %add3A_1758 = arith.addi %add3A_1757, %rem3A_1756 : i32
        %add3A_1759 = arith.constant 384 : i32
        %add3A_1760 = arith.addi %sub3A_1747, %add3A_1759 : i32
        %sub3A_1761 = arith.subi %add3A_1760, %add3A_1758 : i32
        %lt3A_1762 = arith.constant 0 : i32
        %lt3A_1763 = arith.cmpi slt, %sub3A_1761, %lt3A_1762 : i32
        %gt3A_1764 = arith.constant 128 : i32
        %gt3A_1765 = arith.cmpi sgt, %sub3A_1761, %gt3A_1764 : i32
        %add3A_1766 = arith.constant 2 : i32
        %add3A_1767 = arith.addi %add3A_1766, %sub3A_1750 : i32
        %jit3A_1768 = arith.constant 1 : i32
        %select_n3A_1769 = arith.select %gt3A_1765, %jit3A_1768, %add3A_1767 : i32
        %jit3A_1770 = arith.constant 0 : i32
        %select_n3A_1771 = arith.select %lt3A_1763, %jit3A_1770, %select_n3A_1769 : i32
        %jit3A_1772 = arith.constant 0 : i32
        %jit3A_1773 = arith.constant 128 : i32
        %max3A_1774 = arith.maxsi %jit3A_1772, %sub3A_1761 : i32
        %min3A_1775 = arith.minsi %jit3A_1773, %max3A_1774 : i32
        %multiple_of3A_1776 = tpu.assume_multiple %min3A_1775, 128 : i32
        %dma_start3A_1777 = arith.constant 0 : i32
        %dma_start3A_1778 = arith.constant 384 : i32
        %dma_start3A_1779 = tpu.memref_slice %arg3[%add3A_1745, %dma_start3A_1777, %dma_start3A_1778] : memref<2048x64x2048xf32, #tpu.memory_space<hbm>> -> memref<1x64x128xf32, #tpu.memory_space<hbm>>
        %dma_start3A_1780 = tpu.memref_squeeze %dma_start3A_1779 : memref<1x64x128xf32, #tpu.memory_space<hbm>> -> memref<64x128xf32, #tpu.memory_space<hbm>>
        %dma_start3A_1781 = arith.constant 0 : i32
        %dma_start3A_1782 = tpu.memref_slice %arg7[%select_n3A_1771, %dma_start3A_1781, %multiple_of3A_1776] : memref<66x64x256xf32, #tpu.memory_space<vmem_shared>> -> memref<1x64x128xf32, #tpu.memory_space<vmem_shared>>
        %dma_start3A_1783 = tpu.memref_squeeze %dma_start3A_1782 : memref<1x64x128xf32, #tpu.memory_space<vmem_shared>> -> memref<64x128xf32, #tpu.memory_space<vmem_shared>>
        tpu.enqueue_dma source(%dma_start3A_1783 : memref<64x128xf32, #tpu.memory_space<vmem_shared>>) target(%dma_start3A_1780 : memref<64x128xf32, #tpu.memory_space<hbm>>) target_semaphore(%arg9 : memref<!tpu.dma_semaphore, #tpu.memory_space<semaphore_mem>>)
        %mul3A_1784 = arith.constant 128 : i32
        %mul3A_1785 = arith.muli %mul3A_1784, %arg1 : i32
        %mul3A_1786 = arith.constant 64 : i32
        %mul3A_1787 = arith.muli %mul3A_1786, %arg0 : i32
        %add3A_1788 = arith.addi %mul3A_1785, %mul3A_1787 : i32
        %add3A_1789 = arith.addi %add3A_1788, %scan3A_1603 : i32
        %sub3A_1790 = arith.constant 2047 : i32
        %sub3A_1791 = arith.subi %sub3A_1790, %add3A_1789 : i32
        %rem3A_1792 = arith.constant 128 : i32
        %rem3A_1793 = arith.remsi %sub3A_1791, %rem3A_1792 : i32
        %sub3A_1794 = arith.subi %rem3A_1793, %mul3A_1 : i32
        %add3A_1795 = arith.constant 128 : i32
        %add3A_1796 = arith.addi %rem3A_1793, %add3A_1795 : i32
        %sub3A_1797 = arith.constant 1 : i32
        %sub3A_1798 = arith.subi %add3A_1796, %sub3A_1797 : i32
        %rem3A_1799 = arith.constant 128 : i32
        %rem3A_1800 = arith.remsi %sub3A_1798, %rem3A_1799 : i32
        %add3A_1801 = arith.constant 1793 : i32
        %add3A_1802 = arith.addi %add3A_1801, %rem3A_1800 : i32
        %add3A_1803 = arith.constant 512 : i32
        %add3A_1804 = arith.addi %sub3A_1791, %add3A_1803 : i32
        %sub3A_1805 = arith.subi %add3A_1804, %add3A_1802 : i32
        %lt3A_1806 = arith.constant 0 : i32
        %lt3A_1807 = arith.cmpi slt, %sub3A_1805, %lt3A_1806 : i32
        %gt3A_1808 = arith.constant 128 : i32
        %gt3A_1809 = arith.cmpi sgt, %sub3A_1805, %gt3A_1808 : i32
        %add3A_1810 = arith.constant 2 : i32
        %add3A_1811 = arith.addi %add3A_1810, %sub3A_1794 : i32
        %jit3A_1812 = arith.constant 1 : i32
        %select_n3A_1813 = arith.select %gt3A_1809, %jit3A_1812, %add3A_1811 : i32
        %jit3A_1814 = arith.constant 0 : i32
        %select_n3A_1815 = arith.select %lt3A_1807, %jit3A_1814, %select_n3A_1813 : i32
        %jit3A_1816 = arith.constant 0 : i32
        %jit3A_1817 = arith.constant 128 : i32
        %max3A_1818 = arith.maxsi %jit3A_1816, %sub3A_1805 : i32
        %min3A_1819 = arith.minsi %jit3A_1817, %max3A_1818 : i32
        %multiple_of3A_1820 = tpu.assume_multiple %min3A_1819, 128 : i32
        %dma_start3A_1821 = arith.constant 0 : i32
        %dma_start3A_1822 = arith.constant 512 : i32
        %dma_start3A_1823 = tpu.memref_slice %arg3[%add3A_1789, %dma_start3A_1821, %dma_start3A_1822] : memref<2048x64x2048xf32, #tpu.memory_space<hbm>> -> memref<1x64x128xf32, #tpu.memory_space<hbm>>
        %dma_start3A_1824 = tpu.memref_squeeze %dma_start3A_1823 : memref<1x64x128xf32, #tpu.memory_space<hbm>> -> memref<64x128xf32, #tpu.memory_space<hbm>>
        %dma_start3A_1825 = arith.constant 0 : i32
        %dma_start3A_1826 = tpu.memref_slice %arg7[%select_n3A_1815, %dma_start3A_1825, %multiple_of3A_1820] : memref<66x64x256xf32, #tpu.memory_space<vmem_shared>> -> memref<1x64x128xf32, #tpu.memory_space<vmem_shared>>
        %dma_start3A_1827 = tpu.memref_squeeze %dma_start3A_1826 : memref<1x64x128xf32, #tpu.memory_space<vmem_shared>> -> memref<64x128xf32, #tpu.memory_space<vmem_shared>>
        tpu.enqueue_dma source(%dma_start3A_1827 : memref<64x128xf32, #tpu.memory_space<vmem_shared>>) target(%dma_start3A_1824 : memref<64x128xf32, #tpu.memory_space<hbm>>) target_semaphore(%arg9 : memref<!tpu.dma_semaphore, #tpu.memory_space<semaphore_mem>>)
        %mul3A_1828 = arith.constant 128 : i32
        %mul3A_1829 = arith.muli %mul3A_1828, %arg1 : i32
        %mul3A_1830 = arith.constant 64 : i32
        %mul3A_1831 = arith.muli %mul3A_1830, %arg0 : i32
        %add3A_1832 = arith.addi %mul3A_1829, %mul3A_1831 : i32
        %add3A_1833 = arith.addi %add3A_1832, %scan3A_1603 : i32
        %sub3A_1834 = arith.constant 2047 : i32
        %sub3A_1835 = arith.subi %sub3A_1834, %add3A_1833 : i32
        %rem3A_1836 = arith.constant 128 : i32
        %rem3A_1837 = arith.remsi %sub3A_1835, %rem3A_1836 : i32
        %sub3A_1838 = arith.subi %rem3A_1837, %mul3A_1 : i32
        %add3A_1839 = arith.constant 128 : i32
        %add3A_1840 = arith.addi %rem3A_1837, %add3A_1839 : i32
        %sub3A_1841 = arith.constant 1 : i32
        %sub3A_1842 = arith.subi %add3A_1840, %sub3A_1841 : i32
        %rem3A_1843 = arith.constant 128 : i32
        %rem3A_1844 = arith.remsi %sub3A_1842, %rem3A_1843 : i32
        %add3A_1845 = arith.constant 1793 : i32
        %add3A_1846 = arith.addi %add3A_1845, %rem3A_1844 : i32
        %add3A_1847 = arith.constant 640 : i32
        %add3A_1848 = arith.addi %sub3A_1835, %add3A_1847 : i32
        %sub3A_1849 = arith.subi %add3A_1848, %add3A_1846 : i32
        %lt3A_1850 = arith.constant 0 : i32
        %lt3A_1851 = arith.cmpi slt, %sub3A_1849, %lt3A_1850 : i32
        %gt3A_1852 = arith.constant 128 : i32
        %gt3A_1853 = arith.cmpi sgt, %sub3A_1849, %gt3A_1852 : i32
        %add3A_1854 = arith.constant 2 : i32
        %add3A_1855 = arith.addi %add3A_1854, %sub3A_1838 : i32
        %jit3A_1856 = arith.constant 1 : i32
        %select_n3A_1857 = arith.select %gt3A_1853, %jit3A_1856, %add3A_1855 : i32
        %jit3A_1858 = arith.constant 0 : i32
        %select_n3A_1859 = arith.select %lt3A_1851, %jit3A_1858, %select_n3A_1857 : i32
        %jit3A_1860 = arith.constant 0 : i32
        %jit3A_1861 = arith.constant 128 : i32
        %max3A_1862 = arith.maxsi %jit3A_1860, %sub3A_1849 : i32
        %min3A_1863 = arith.minsi %jit3A_1861, %max3A_1862 : i32
        %multiple_of3A_1864 = tpu.assume_multiple %min3A_1863, 128 : i32
        %dma_start3A_1865 = arith.constant 0 : i32
        %dma_start3A_1866 = arith.constant 640 : i32
        %dma_start3A_1867 = tpu.memref_slice %arg3[%add3A_1833, %dma_start3A_1865, %dma_start3A_1866] : memref<2048x64x2048xf32, #tpu.memory_space<hbm>> -> memref<1x64x128xf32, #tpu.memory_space<hbm>>
        %dma_start3A_1868 = tpu.memref_squeeze %dma_start3A_1867 : memref<1x64x128xf32, #tpu.memory_space<hbm>> -> memref<64x128xf32, #tpu.memory_space<hbm>>
        %dma_start3A_1869 = arith.constant 0 : i32
        %dma_start3A_1870 = tpu.memref_slice %arg7[%select_n3A_1859, %dma_start3A_1869, %multiple_of3A_1864] : memref<66x64x256xf32, #tpu.memory_space<vmem_shared>> -> memref<1x64x128xf32, #tpu.memory_space<vmem_shared>>
        %dma_start3A_1871 = tpu.memref_squeeze %dma_start3A_1870 : memref<1x64x128xf32, #tpu.memory_space<vmem_shared>> -> memref<64x128xf32, #tpu.memory_space<vmem_shared>>
        tpu.enqueue_dma source(%dma_start3A_1871 : memref<64x128xf32, #tpu.memory_space<vmem_shared>>) target(%dma_start3A_1868 : memref<64x128xf32, #tpu.memory_space<hbm>>) target_semaphore(%arg9 : memref<!tpu.dma_semaphore, #tpu.memory_space<semaphore_mem>>)
        %mul3A_1872 = arith.constant 128 : i32
        %mul3A_1873 = arith.muli %mul3A_1872, %arg1 : i32
        %mul3A_1874 = arith.constant 64 : i32
        %mul3A_1875 = arith.muli %mul3A_1874, %arg0 : i32
        %add3A_1876 = arith.addi %mul3A_1873, %mul3A_1875 : i32
        %add3A_1877 = arith.addi %add3A_1876, %scan3A_1603 : i32
        %sub3A_1878 = arith.constant 2047 : i32
        %sub3A_1879 = arith.subi %sub3A_1878, %add3A_1877 : i32
        %rem3A_1880 = arith.constant 128 : i32
        %rem3A_1881 = arith.remsi %sub3A_1879, %rem3A_1880 : i32
        %sub3A_1882 = arith.subi %rem3A_1881, %mul3A_1 : i32
        %add3A_1883 = arith.constant 128 : i32
        %add3A_1884 = arith.addi %rem3A_1881, %add3A_1883 : i32
        %sub3A_1885 = arith.constant 1 : i32
        %sub3A_1886 = arith.subi %add3A_1884, %sub3A_1885 : i32
        %rem3A_1887 = arith.constant 128 : i32
        %rem3A_1888 = arith.remsi %sub3A_1886, %rem3A_1887 : i32
        %add3A_1889 = arith.constant 1793 : i32
        %add3A_1890 = arith.addi %add3A_1889, %rem3A_1888 : i32
        %add3A_1891 = arith.constant 768 : i32
        %add3A_1892 = arith.addi %sub3A_1879, %add3A_1891 : i32
        %sub3A_1893 = arith.subi %add3A_1892, %add3A_1890 : i32
        %lt3A_1894 = arith.constant 0 : i32
        %lt3A_1895 = arith.cmpi slt, %sub3A_1893, %lt3A_1894 : i32
        %gt3A_1896 = arith.constant 128 : i32
        %gt3A_1897 = arith.cmpi sgt, %sub3A_1893, %gt3A_1896 : i32
        %add3A_1898 = arith.constant 2 : i32
        %add3A_1899 = arith.addi %add3A_1898, %sub3A_1882 : i32
        %jit3A_1900 = arith.constant 1 : i32
        %select_n3A_1901 = arith.select %gt3A_1897, %jit3A_1900, %add3A_1899 : i32
        %jit3A_1902 = arith.constant 0 : i32
        %select_n3A_1903 = arith.select %lt3A_1895, %jit3A_1902, %select_n3A_1901 : i32
        %jit3A_1904 = arith.constant 0 : i32
        %jit3A_1905 = arith.constant 128 : i32
        %max3A_1906 = arith.maxsi %jit3A_1904, %sub3A_1893 : i32
        %min3A_1907 = arith.minsi %jit3A_1905, %max3A_1906 : i32
        %multiple_of3A_1908 = tpu.assume_multiple %min3A_1907, 128 : i32
        %dma_start3A_1909 = arith.constant 0 : i32
        %dma_start3A_1910 = arith.constant 768 : i32
        %dma_start3A_1911 = tpu.memref_slice %arg3[%add3A_1877, %dma_start3A_1909, %dma_start3A_1910] : memref<2048x64x2048xf32, #tpu.memory_space<hbm>> -> memref<1x64x128xf32, #tpu.memory_space<hbm>>
        %dma_start3A_1912 = tpu.memref_squeeze %dma_start3A_1911 : memref<1x64x128xf32, #tpu.memory_space<hbm>> -> memref<64x128xf32, #tpu.memory_space<hbm>>
        %dma_start3A_1913 = arith.constant 0 : i32
        %dma_start3A_1914 = tpu.memref_slice %arg7[%select_n3A_1903, %dma_start3A_1913, %multiple_of3A_1908] : memref<66x64x256xf32, #tpu.memory_space<vmem_shared>> -> memref<1x64x128xf32, #tpu.memory_space<vmem_shared>>
        %dma_start3A_1915 = tpu.memref_squeeze %dma_start3A_1914 : memref<1x64x128xf32, #tpu.memory_space<vmem_shared>> -> memref<64x128xf32, #tpu.memory_space<vmem_shared>>
        tpu.enqueue_dma source(%dma_start3A_1915 : memref<64x128xf32, #tpu.memory_space<vmem_shared>>) target(%dma_start3A_1912 : memref<64x128xf32, #tpu.memory_space<hbm>>) target_semaphore(%arg9 : memref<!tpu.dma_semaphore, #tpu.memory_space<semaphore_mem>>)
        %mul3A_1916 = arith.constant 128 : i32
        %mul3A_1917 = arith.muli %mul3A_1916, %arg1 : i32
        %mul3A_1918 = arith.constant 64 : i32
        %mul3A_1919 = arith.muli %mul3A_1918, %arg0 : i32
        %add3A_1920 = arith.addi %mul3A_1917, %mul3A_1919 : i32
        %add3A_1921 = arith.addi %add3A_1920, %scan3A_1603 : i32
        %sub3A_1922 = arith.constant 2047 : i32
        %sub3A_1923 = arith.subi %sub3A_1922, %add3A_1921 : i32
        %rem3A_1924 = arith.constant 128 : i32
        %rem3A_1925 = arith.remsi %sub3A_1923, %rem3A_1924 : i32
        %sub3A_1926 = arith.subi %rem3A_1925, %mul3A_1 : i32
        %add3A_1927 = arith.constant 128 : i32
        %add3A_1928 = arith.addi %rem3A_1925, %add3A_1927 : i32
        %sub3A_1929 = arith.constant 1 : i32
        %sub3A_1930 = arith.subi %add3A_1928, %sub3A_1929 : i32
        %rem3A_1931 = arith.constant 128 : i32
        %rem3A_1932 = arith.remsi %sub3A_1930, %rem3A_1931 : i32
        %add3A_1933 = arith.constant 1793 : i32
        %add3A_1934 = arith.addi %add3A_1933, %rem3A_1932 : i32
        %add3A_1935 = arith.constant 896 : i32
        %add3A_1936 = arith.addi %sub3A_1923, %add3A_1935 : i32
        %sub3A_1937 = arith.subi %add3A_1936, %add3A_1934 : i32
        %lt3A_1938 = arith.constant 0 : i32
        %lt3A_1939 = arith.cmpi slt, %sub3A_1937, %lt3A_1938 : i32
        %gt3A_1940 = arith.constant 128 : i32
        %gt3A_1941 = arith.cmpi sgt, %sub3A_1937, %gt3A_1940 : i32
        %add3A_1942 = arith.constant 2 : i32
        %add3A_1943 = arith.addi %add3A_1942, %sub3A_1926 : i32
        %jit3A_1944 = arith.constant 1 : i32
        %select_n3A_1945 = arith.select %gt3A_1941, %jit3A_1944, %add3A_1943 : i32
        %jit3A_1946 = arith.constant 0 : i32
        %select_n3A_1947 = arith.select %lt3A_1939, %jit3A_1946, %select_n3A_1945 : i32
        %jit3A_1948 = arith.constant 0 : i32
        %jit3A_1949 = arith.constant 128 : i32
        %max3A_1950 = arith.maxsi %jit3A_1948, %sub3A_1937 : i32
        %min3A_1951 = arith.minsi %jit3A_1949, %max3A_1950 : i32
        %multiple_of3A_1952 = tpu.assume_multiple %min3A_1951, 128 : i32
        %dma_start3A_1953 = arith.constant 0 : i32
        %dma_start3A_1954 = arith.constant 896 : i32
        %dma_start3A_1955 = tpu.memref_slice %arg3[%add3A_1921, %dma_start3A_1953, %dma_start3A_1954] : memref<2048x64x2048xf32, #tpu.memory_space<hbm>> -> memref<1x64x128xf32, #tpu.memory_space<hbm>>
        %dma_start3A_1956 = tpu.memref_squeeze %dma_start3A_1955 : memref<1x64x128xf32, #tpu.memory_space<hbm>> -> memref<64x128xf32, #tpu.memory_space<hbm>>
        %dma_start3A_1957 = arith.constant 0 : i32
        %dma_start3A_1958 = tpu.memref_slice %arg7[%select_n3A_1947, %dma_start3A_1957, %multiple_of3A_1952] : memref<66x64x256xf32, #tpu.memory_space<vmem_shared>> -> memref<1x64x128xf32, #tpu.memory_space<vmem_shared>>
        %dma_start3A_1959 = tpu.memref_squeeze %dma_start3A_1958 : memref<1x64x128xf32, #tpu.memory_space<vmem_shared>> -> memref<64x128xf32, #tpu.memory_space<vmem_shared>>
        tpu.enqueue_dma source(%dma_start3A_1959 : memref<64x128xf32, #tpu.memory_space<vmem_shared>>) target(%dma_start3A_1956 : memref<64x128xf32, #tpu.memory_space<hbm>>) target_semaphore(%arg9 : memref<!tpu.dma_semaphore, #tpu.memory_space<semaphore_mem>>)
        %mul3A_1960 = arith.constant 128 : i32
        %mul3A_1961 = arith.muli %mul3A_1960, %arg1 : i32
        %mul3A_1962 = arith.constant 64 : i32
        %mul3A_1963 = arith.muli %mul3A_1962, %arg0 : i32
        %add3A_1964 = arith.addi %mul3A_1961, %mul3A_1963 : i32
        %add3A_1965 = arith.addi %add3A_1964, %scan3A_1603 : i32
        %sub3A_1966 = arith.constant 2047 : i32
        %sub3A_1967 = arith.subi %sub3A_1966, %add3A_1965 : i32
        %rem3A_1968 = arith.constant 128 : i32
        %rem3A_1969 = arith.remsi %sub3A_1967, %rem3A_1968 : i32
        %sub3A_1970 = arith.subi %rem3A_1969, %mul3A_1 : i32
        %add3A_1971 = arith.constant 128 : i32
        %add3A_1972 = arith.addi %rem3A_1969, %add3A_1971 : i32
        %sub3A_1973 = arith.constant 1 : i32
        %sub3A_1974 = arith.subi %add3A_1972, %sub3A_1973 : i32
        %rem3A_1975 = arith.constant 128 : i32
        %rem3A_1976 = arith.remsi %sub3A_1974, %rem3A_1975 : i32
        %add3A_1977 = arith.constant 1793 : i32
        %add3A_1978 = arith.addi %add3A_1977, %rem3A_1976 : i32
        %add3A_1979 = arith.constant 1024 : i32
        %add3A_1980 = arith.addi %sub3A_1967, %add3A_1979 : i32
        %sub3A_1981 = arith.subi %add3A_1980, %add3A_1978 : i32
        %lt3A_1982 = arith.constant 0 : i32
        %lt3A_1983 = arith.cmpi slt, %sub3A_1981, %lt3A_1982 : i32
        %gt3A_1984 = arith.constant 128 : i32
        %gt3A_1985 = arith.cmpi sgt, %sub3A_1981, %gt3A_1984 : i32
        %add3A_1986 = arith.constant 2 : i32
        %add3A_1987 = arith.addi %add3A_1986, %sub3A_1970 : i32
        %jit3A_1988 = arith.constant 1 : i32
        %select_n3A_1989 = arith.select %gt3A_1985, %jit3A_1988, %add3A_1987 : i32
        %jit3A_1990 = arith.constant 0 : i32
        %select_n3A_1991 = arith.select %lt3A_1983, %jit3A_1990, %select_n3A_1989 : i32
        %jit3A_1992 = arith.constant 0 : i32
        %jit3A_1993 = arith.constant 128 : i32
        %max3A_1994 = arith.maxsi %jit3A_1992, %sub3A_1981 : i32
        %min3A_1995 = arith.minsi %jit3A_1993, %max3A_1994 : i32
        %multiple_of3A_1996 = tpu.assume_multiple %min3A_1995, 128 : i32
        %dma_start3A_1997 = arith.constant 0 : i32
        %dma_start3A_1998 = arith.constant 1024 : i32
        %dma_start3A_1999 = tpu.memref_slice %arg3[%add3A_1965, %dma_start3A_1997, %dma_start3A_1998] : memref<2048x64x2048xf32, #tpu.memory_space<hbm>> -> memref<1x64x128xf32, #tpu.memory_space<hbm>>
        %dma_start3A_2000 = tpu.memref_squeeze %dma_start3A_1999 : memref<1x64x128xf32, #tpu.memory_space<hbm>> -> memref<64x128xf32, #tpu.memory_space<hbm>>
        %dma_start3A_2001 = arith.constant 0 : i32
        %dma_start3A_2002 = tpu.memref_slice %arg7[%select_n3A_1991, %dma_start3A_2001, %multiple_of3A_1996] : memref<66x64x256xf32, #tpu.memory_space<vmem_shared>> -> memref<1x64x128xf32, #tpu.memory_space<vmem_shared>>
        %dma_start3A_2003 = tpu.memref_squeeze %dma_start3A_2002 : memref<1x64x128xf32, #tpu.memory_space<vmem_shared>> -> memref<64x128xf32, #tpu.memory_space<vmem_shared>>
        tpu.enqueue_dma source(%dma_start3A_2003 : memref<64x128xf32, #tpu.memory_space<vmem_shared>>) target(%dma_start3A_2000 : memref<64x128xf32, #tpu.memory_space<hbm>>) target_semaphore(%arg9 : memref<!tpu.dma_semaphore, #tpu.memory_space<semaphore_mem>>)
        %mul3A_2004 = arith.constant 128 : i32
        %mul3A_2005 = arith.muli %mul3A_2004, %arg1 : i32
        %mul3A_2006 = arith.constant 64 : i32
        %mul3A_2007 = arith.muli %mul3A_2006, %arg0 : i32
        %add3A_2008 = arith.addi %mul3A_2005, %mul3A_2007 : i32
        %add3A_2009 = arith.addi %add3A_2008, %scan3A_1603 : i32
        %sub3A_2010 = arith.constant 2047 : i32
        %sub3A_2011 = arith.subi %sub3A_2010, %add3A_2009 : i32
        %rem3A_2012 = arith.constant 128 : i32
        %rem3A_2013 = arith.remsi %sub3A_2011, %rem3A_2012 : i32
        %sub3A_2014 = arith.subi %rem3A_2013, %mul3A_1 : i32
        %add3A_2015 = arith.constant 128 : i32
        %add3A_2016 = arith.addi %rem3A_2013, %add3A_2015 : i32
        %sub3A_2017 = arith.constant 1 : i32
        %sub3A_2018 = arith.subi %add3A_2016, %sub3A_2017 : i32
        %rem3A_2019 = arith.constant 128 : i32
        %rem3A_2020 = arith.remsi %sub3A_2018, %rem3A_2019 : i32
        %add3A_2021 = arith.constant 1793 : i32
        %add3A_2022 = arith.addi %add3A_2021, %rem3A_2020 : i32
        %add3A_2023 = arith.constant 1152 : i32
        %add3A_2024 = arith.addi %sub3A_2011, %add3A_2023 : i32
        %sub3A_2025 = arith.subi %add3A_2024, %add3A_2022 : i32
        %lt3A_2026 = arith.constant 0 : i32
        %lt3A_2027 = arith.cmpi slt, %sub3A_2025, %lt3A_2026 : i32
        %gt3A_2028 = arith.constant 128 : i32
        %gt3A_2029 = arith.cmpi sgt, %sub3A_2025, %gt3A_2028 : i32
        %add3A_2030 = arith.constant 2 : i32
        %add3A_2031 = arith.addi %add3A_2030, %sub3A_2014 : i32
        %jit3A_2032 = arith.constant 1 : i32
        %select_n3A_2033 = arith.select %gt3A_2029, %jit3A_2032, %add3A_2031 : i32
        %jit3A_2034 = arith.constant 0 : i32
        %select_n3A_2035 = arith.select %lt3A_2027, %jit3A_2034, %select_n3A_2033 : i32
        %jit3A_2036 = arith.constant 0 : i32
        %jit3A_2037 = arith.constant 128 : i32
        %max3A_2038 = arith.maxsi %jit3A_2036, %sub3A_2025 : i32
        %min3A_2039 = arith.minsi %jit3A_2037, %max3A_2038 : i32
        %multiple_of3A_2040 = tpu.assume_multiple %min3A_2039, 128 : i32
        %dma_start3A_2041 = arith.constant 0 : i32
        %dma_start3A_2042 = arith.constant 1152 : i32
        %dma_start3A_2043 = tpu.memref_slice %arg3[%add3A_2009, %dma_start3A_2041, %dma_start3A_2042] : memref<2048x64x2048xf32, #tpu.memory_space<hbm>> -> memref<1x64x128xf32, #tpu.memory_space<hbm>>
        %dma_start3A_2044 = tpu.memref_squeeze %dma_start3A_2043 : memref<1x64x128xf32, #tpu.memory_space<hbm>> -> memref<64x128xf32, #tpu.memory_space<hbm>>
        %dma_start3A_2045 = arith.constant 0 : i32
        %dma_start3A_2046 = tpu.memref_slice %arg7[%select_n3A_2035, %dma_start3A_2045, %multiple_of3A_2040] : memref<66x64x256xf32, #tpu.memory_space<vmem_shared>> -> memref<1x64x128xf32, #tpu.memory_space<vmem_shared>>
        %dma_start3A_2047 = tpu.memref_squeeze %dma_start3A_2046 : memref<1x64x128xf32, #tpu.memory_space<vmem_shared>> -> memref<64x128xf32, #tpu.memory_space<vmem_shared>>
        tpu.enqueue_dma source(%dma_start3A_2047 : memref<64x128xf32, #tpu.memory_space<vmem_shared>>) target(%dma_start3A_2044 : memref<64x128xf32, #tpu.memory_space<hbm>>) target_semaphore(%arg9 : memref<!tpu.dma_semaphore, #tpu.memory_space<semaphore_mem>>)
        %mul3A_2048 = arith.constant 128 : i32
        %mul3A_2049 = arith.muli %mul3A_2048, %arg1 : i32
        %mul3A_2050 = arith.constant 64 : i32
        %mul3A_2051 = arith.muli %mul3A_2050, %arg0 : i32
        %add3A_2052 = arith.addi %mul3A_2049, %mul3A_2051 : i32
        %add3A_2053 = arith.addi %add3A_2052, %scan3A_1603 : i32
        %sub3A_2054 = arith.constant 2047 : i32
        %sub3A_2055 = arith.subi %sub3A_2054, %add3A_2053 : i32
        %rem3A_2056 = arith.constant 128 : i32
        %rem3A_2057 = arith.remsi %sub3A_2055, %rem3A_2056 : i32
        %sub3A_2058 = arith.subi %rem3A_2057, %mul3A_1 : i32
        %add3A_2059 = arith.constant 128 : i32
        %add3A_2060 = arith.addi %rem3A_2057, %add3A_2059 : i32
        %sub3A_2061 = arith.constant 1 : i32
        %sub3A_2062 = arith.subi %add3A_2060, %sub3A_2061 : i32
        %rem3A_2063 = arith.constant 128 : i32
        %rem3A_2064 = arith.remsi %sub3A_2062, %rem3A_2063 : i32
        %add3A_2065 = arith.constant 1793 : i32
        %add3A_2066 = arith.addi %add3A_2065, %rem3A_2064 : i32
        %add3A_2067 = arith.constant 1280 : i32
        %add3A_2068 = arith.addi %sub3A_2055, %add3A_2067 : i32
        %sub3A_2069 = arith.subi %add3A_2068, %add3A_2066 : i32
        %lt3A_2070 = arith.constant 0 : i32
        %lt3A_2071 = arith.cmpi slt, %sub3A_2069, %lt3A_2070 : i32
        %gt3A_2072 = arith.constant 128 : i32
        %gt3A_2073 = arith.cmpi sgt, %sub3A_2069, %gt3A_2072 : i32
        %add3A_2074 = arith.constant 2 : i32
        %add3A_2075 = arith.addi %add3A_2074, %sub3A_2058 : i32
        %jit3A_2076 = arith.constant 1 : i32
        %select_n3A_2077 = arith.select %gt3A_2073, %jit3A_2076, %add3A_2075 : i32
        %jit3A_2078 = arith.constant 0 : i32
        %select_n3A_2079 = arith.select %lt3A_2071, %jit3A_2078, %select_n3A_2077 : i32
        %jit3A_2080 = arith.constant 0 : i32
        %jit3A_2081 = arith.constant 128 : i32
        %max3A_2082 = arith.maxsi %jit3A_2080, %sub3A_2069 : i32
        %min3A_2083 = arith.minsi %jit3A_2081, %max3A_2082 : i32
        %multiple_of3A_2084 = tpu.assume_multiple %min3A_2083, 128 : i32
        %dma_start3A_2085 = arith.constant 0 : i32
        %dma_start3A_2086 = arith.constant 1280 : i32
        %dma_start3A_2087 = tpu.memref_slice %arg3[%add3A_2053, %dma_start3A_2085, %dma_start3A_2086] : memref<2048x64x2048xf32, #tpu.memory_space<hbm>> -> memref<1x64x128xf32, #tpu.memory_space<hbm>>
        %dma_start3A_2088 = tpu.memref_squeeze %dma_start3A_2087 : memref<1x64x128xf32, #tpu.memory_space<hbm>> -> memref<64x128xf32, #tpu.memory_space<hbm>>
        %dma_start3A_2089 = arith.constant 0 : i32
        %dma_start3A_2090 = tpu.memref_slice %arg7[%select_n3A_2079, %dma_start3A_2089, %multiple_of3A_2084] : memref<66x64x256xf32, #tpu.memory_space<vmem_shared>> -> memref<1x64x128xf32, #tpu.memory_space<vmem_shared>>
        %dma_start3A_2091 = tpu.memref_squeeze %dma_start3A_2090 : memref<1x64x128xf32, #tpu.memory_space<vmem_shared>> -> memref<64x128xf32, #tpu.memory_space<vmem_shared>>
        tpu.enqueue_dma source(%dma_start3A_2091 : memref<64x128xf32, #tpu.memory_space<vmem_shared>>) target(%dma_start3A_2088 : memref<64x128xf32, #tpu.memory_space<hbm>>) target_semaphore(%arg9 : memref<!tpu.dma_semaphore, #tpu.memory_space<semaphore_mem>>)
        %mul3A_2092 = arith.constant 128 : i32
        %mul3A_2093 = arith.muli %mul3A_2092, %arg1 : i32
        %mul3A_2094 = arith.constant 64 : i32
        %mul3A_2095 = arith.muli %mul3A_2094, %arg0 : i32
        %add3A_2096 = arith.addi %mul3A_2093, %mul3A_2095 : i32
        %add3A_2097 = arith.addi %add3A_2096, %scan3A_1603 : i32
        %sub3A_2098 = arith.constant 2047 : i32
        %sub3A_2099 = arith.subi %sub3A_2098, %add3A_2097 : i32
        %rem3A_2100 = arith.constant 128 : i32
        %rem3A_2101 = arith.remsi %sub3A_2099, %rem3A_2100 : i32
        %sub3A_2102 = arith.subi %rem3A_2101, %mul3A_1 : i32
        %add3A_2103 = arith.constant 128 : i32
        %add3A_2104 = arith.addi %rem3A_2101, %add3A_2103 : i32
        %sub3A_2105 = arith.constant 1 : i32
        %sub3A_2106 = arith.subi %add3A_2104, %sub3A_2105 : i32
        %rem3A_2107 = arith.constant 128 : i32
        %rem3A_2108 = arith.remsi %sub3A_2106, %rem3A_2107 : i32
        %add3A_2109 = arith.constant 1793 : i32
        %add3A_2110 = arith.addi %add3A_2109, %rem3A_2108 : i32
        %add3A_2111 = arith.constant 1408 : i32
        %add3A_2112 = arith.addi %sub3A_2099, %add3A_2111 : i32
        %sub3A_2113 = arith.subi %add3A_2112, %add3A_2110 : i32
        %lt3A_2114 = arith.constant 0 : i32
        %lt3A_2115 = arith.cmpi slt, %sub3A_2113, %lt3A_2114 : i32
        %gt3A_2116 = arith.constant 128 : i32
        %gt3A_2117 = arith.cmpi sgt, %sub3A_2113, %gt3A_2116 : i32
        %add3A_2118 = arith.constant 2 : i32
        %add3A_2119 = arith.addi %add3A_2118, %sub3A_2102 : i32
        %jit3A_2120 = arith.constant 1 : i32
        %select_n3A_2121 = arith.select %gt3A_2117, %jit3A_2120, %add3A_2119 : i32
        %jit3A_2122 = arith.constant 0 : i32
        %select_n3A_2123 = arith.select %lt3A_2115, %jit3A_2122, %select_n3A_2121 : i32
        %jit3A_2124 = arith.constant 0 : i32
        %jit3A_2125 = arith.constant 128 : i32
        %max3A_2126 = arith.maxsi %jit3A_2124, %sub3A_2113 : i32
        %min3A_2127 = arith.minsi %jit3A_2125, %max3A_2126 : i32
        %multiple_of3A_2128 = tpu.assume_multiple %min3A_2127, 128 : i32
        %dma_start3A_2129 = arith.constant 0 : i32
        %dma_start3A_2130 = arith.constant 1408 : i32
        %dma_start3A_2131 = tpu.memref_slice %arg3[%add3A_2097, %dma_start3A_2129, %dma_start3A_2130] : memref<2048x64x2048xf32, #tpu.memory_space<hbm>> -> memref<1x64x128xf32, #tpu.memory_space<hbm>>
        %dma_start3A_2132 = tpu.memref_squeeze %dma_start3A_2131 : memref<1x64x128xf32, #tpu.memory_space<hbm>> -> memref<64x128xf32, #tpu.memory_space<hbm>>
        %dma_start3A_2133 = arith.constant 0 : i32
        %dma_start3A_2134 = tpu.memref_slice %arg7[%select_n3A_2123, %dma_start3A_2133, %multiple_of3A_2128] : memref<66x64x256xf32, #tpu.memory_space<vmem_shared>> -> memref<1x64x128xf32, #tpu.memory_space<vmem_shared>>
        %dma_start3A_2135 = tpu.memref_squeeze %dma_start3A_2134 : memref<1x64x128xf32, #tpu.memory_space<vmem_shared>> -> memref<64x128xf32, #tpu.memory_space<vmem_shared>>
        tpu.enqueue_dma source(%dma_start3A_2135 : memref<64x128xf32, #tpu.memory_space<vmem_shared>>) target(%dma_start3A_2132 : memref<64x128xf32, #tpu.memory_space<hbm>>) target_semaphore(%arg9 : memref<!tpu.dma_semaphore, #tpu.memory_space<semaphore_mem>>)
        %mul3A_2136 = arith.constant 128 : i32
        %mul3A_2137 = arith.muli %mul3A_2136, %arg1 : i32
        %mul3A_2138 = arith.constant 64 : i32
        %mul3A_2139 = arith.muli %mul3A_2138, %arg0 : i32
        %add3A_2140 = arith.addi %mul3A_2137, %mul3A_2139 : i32
        %add3A_2141 = arith.addi %add3A_2140, %scan3A_1603 : i32
        %sub3A_2142 = arith.constant 2047 : i32
        %sub3A_2143 = arith.subi %sub3A_2142, %add3A_2141 : i32
        %rem3A_2144 = arith.constant 128 : i32
        %rem3A_2145 = arith.remsi %sub3A_2143, %rem3A_2144 : i32
        %sub3A_2146 = arith.subi %rem3A_2145, %mul3A_1 : i32
        %add3A_2147 = arith.constant 128 : i32
        %add3A_2148 = arith.addi %rem3A_2145, %add3A_2147 : i32
        %sub3A_2149 = arith.constant 1 : i32
        %sub3A_2150 = arith.subi %add3A_2148, %sub3A_2149 : i32
        %rem3A_2151 = arith.constant 128 : i32
        %rem3A_2152 = arith.remsi %sub3A_2150, %rem3A_2151 : i32
        %add3A_2153 = arith.constant 1793 : i32
        %add3A_2154 = arith.addi %add3A_2153, %rem3A_2152 : i32
        %add3A_2155 = arith.constant 1536 : i32
        %add3A_2156 = arith.addi %sub3A_2143, %add3A_2155 : i32
        %sub3A_2157 = arith.subi %add3A_2156, %add3A_2154 : i32
        %lt3A_2158 = arith.constant 0 : i32
        %lt3A_2159 = arith.cmpi slt, %sub3A_2157, %lt3A_2158 : i32
        %gt3A_2160 = arith.constant 128 : i32
        %gt3A_2161 = arith.cmpi sgt, %sub3A_2157, %gt3A_2160 : i32
        %add3A_2162 = arith.constant 2 : i32
        %add3A_2163 = arith.addi %add3A_2162, %sub3A_2146 : i32
        %jit3A_2164 = arith.constant 1 : i32
        %select_n3A_2165 = arith.select %gt3A_2161, %jit3A_2164, %add3A_2163 : i32
        %jit3A_2166 = arith.constant 0 : i32
        %select_n3A_2167 = arith.select %lt3A_2159, %jit3A_2166, %select_n3A_2165 : i32
        %jit3A_2168 = arith.constant 0 : i32
        %jit3A_2169 = arith.constant 128 : i32
        %max3A_2170 = arith.maxsi %jit3A_2168, %sub3A_2157 : i32
        %min3A_2171 = arith.minsi %jit3A_2169, %max3A_2170 : i32
        %multiple_of3A_2172 = tpu.assume_multiple %min3A_2171, 128 : i32
        %dma_start3A_2173 = arith.constant 0 : i32
        %dma_start3A_2174 = arith.constant 1536 : i32
        %dma_start3A_2175 = tpu.memref_slice %arg3[%add3A_2141, %dma_start3A_2173, %dma_start3A_2174] : memref<2048x64x2048xf32, #tpu.memory_space<hbm>> -> memref<1x64x128xf32, #tpu.memory_space<hbm>>
        %dma_start3A_2176 = tpu.memref_squeeze %dma_start3A_2175 : memref<1x64x128xf32, #tpu.memory_space<hbm>> -> memref<64x128xf32, #tpu.memory_space<hbm>>
        %dma_start3A_2177 = arith.constant 0 : i32
        %dma_start3A_2178 = tpu.memref_slice %arg7[%select_n3A_2167, %dma_start3A_2177, %multiple_of3A_2172] : memref<66x64x256xf32, #tpu.memory_space<vmem_shared>> -> memref<1x64x128xf32, #tpu.memory_space<vmem_shared>>
        %dma_start3A_2179 = tpu.memref_squeeze %dma_start3A_2178 : memref<1x64x128xf32, #tpu.memory_space<vmem_shared>> -> memref<64x128xf32, #tpu.memory_space<vmem_shared>>
        tpu.enqueue_dma source(%dma_start3A_2179 : memref<64x128xf32, #tpu.memory_space<vmem_shared>>) target(%dma_start3A_2176 : memref<64x128xf32, #tpu.memory_space<hbm>>) target_semaphore(%arg9 : memref<!tpu.dma_semaphore, #tpu.memory_space<semaphore_mem>>)
        %mul3A_2180 = arith.constant 128 : i32
        %mul3A_2181 = arith.muli %mul3A_2180, %arg1 : i32
        %mul3A_2182 = arith.constant 64 : i32
        %mul3A_2183 = arith.muli %mul3A_2182, %arg0 : i32
        %add3A_2184 = arith.addi %mul3A_2181, %mul3A_2183 : i32
        %add3A_2185 = arith.addi %add3A_2184, %scan3A_1603 : i32
        %sub3A_2186 = arith.constant 2047 : i32
        %sub3A_2187 = arith.subi %sub3A_2186, %add3A_2185 : i32
        %rem3A_2188 = arith.constant 128 : i32
        %rem3A_2189 = arith.remsi %sub3A_2187, %rem3A_2188 : i32
        %sub3A_2190 = arith.subi %rem3A_2189, %mul3A_1 : i32
        %add3A_2191 = arith.constant 128 : i32
        %add3A_2192 = arith.addi %rem3A_2189, %add3A_2191 : i32
        %sub3A_2193 = arith.constant 1 : i32
        %sub3A_2194 = arith.subi %add3A_2192, %sub3A_2193 : i32
        %rem3A_2195 = arith.constant 128 : i32
        %rem3A_2196 = arith.remsi %sub3A_2194, %rem3A_2195 : i32
        %add3A_2197 = arith.constant 1793 : i32
        %add3A_2198 = arith.addi %add3A_2197, %rem3A_2196 : i32
        %add3A_2199 = arith.constant 1664 : i32
        %add3A_2200 = arith.addi %sub3A_2187, %add3A_2199 : i32
        %sub3A_2201 = arith.subi %add3A_2200, %add3A_2198 : i32
        %lt3A_2202 = arith.constant 0 : i32
        %lt3A_2203 = arith.cmpi slt, %sub3A_2201, %lt3A_2202 : i32
        %gt3A_2204 = arith.constant 128 : i32
        %gt3A_2205 = arith.cmpi sgt, %sub3A_2201, %gt3A_2204 : i32
        %add3A_2206 = arith.constant 2 : i32
        %add3A_2207 = arith.addi %add3A_2206, %sub3A_2190 : i32
        %jit3A_2208 = arith.constant 1 : i32
        %select_n3A_2209 = arith.select %gt3A_2205, %jit3A_2208, %add3A_2207 : i32
        %jit3A_2210 = arith.constant 0 : i32
        %select_n3A_2211 = arith.select %lt3A_2203, %jit3A_2210, %select_n3A_2209 : i32
        %jit3A_2212 = arith.constant 0 : i32
        %jit3A_2213 = arith.constant 128 : i32
        %max3A_2214 = arith.maxsi %jit3A_2212, %sub3A_2201 : i32
        %min3A_2215 = arith.minsi %jit3A_2213, %max3A_2214 : i32
        %multiple_of3A_2216 = tpu.assume_multiple %min3A_2215, 128 : i32
        %dma_start3A_2217 = arith.constant 0 : i32
        %dma_start3A_2218 = arith.constant 1664 : i32
        %dma_start3A_2219 = tpu.memref_slice %arg3[%add3A_2185, %dma_start3A_2217, %dma_start3A_2218] : memref<2048x64x2048xf32, #tpu.memory_space<hbm>> -> memref<1x64x128xf32, #tpu.memory_space<hbm>>
        %dma_start3A_2220 = tpu.memref_squeeze %dma_start3A_2219 : memref<1x64x128xf32, #tpu.memory_space<hbm>> -> memref<64x128xf32, #tpu.memory_space<hbm>>
        %dma_start3A_2221 = arith.constant 0 : i32
        %dma_start3A_2222 = tpu.memref_slice %arg7[%select_n3A_2211, %dma_start3A_2221, %multiple_of3A_2216] : memref<66x64x256xf32, #tpu.memory_space<vmem_shared>> -> memref<1x64x128xf32, #tpu.memory_space<vmem_shared>>
        %dma_start3A_2223 = tpu.memref_squeeze %dma_start3A_2222 : memref<1x64x128xf32, #tpu.memory_space<vmem_shared>> -> memref<64x128xf32, #tpu.memory_space<vmem_shared>>
        tpu.enqueue_dma source(%dma_start3A_2223 : memref<64x128xf32, #tpu.memory_space<vmem_shared>>) target(%dma_start3A_2220 : memref<64x128xf32, #tpu.memory_space<hbm>>) target_semaphore(%arg9 : memref<!tpu.dma_semaphore, #tpu.memory_space<semaphore_mem>>)
        %mul3A_2224 = arith.constant 128 : i32
        %mul3A_2225 = arith.muli %mul3A_2224, %arg1 : i32
        %mul3A_2226 = arith.constant 64 : i32
        %mul3A_2227 = arith.muli %mul3A_2226, %arg0 : i32
        %add3A_2228 = arith.addi %mul3A_2225, %mul3A_2227 : i32
        %add3A_2229 = arith.addi %add3A_2228, %scan3A_1603 : i32
        %sub3A_2230 = arith.constant 2047 : i32
        %sub3A_2231 = arith.subi %sub3A_2230, %add3A_2229 : i32
        %rem3A_2232 = arith.constant 128 : i32
        %rem3A_2233 = arith.remsi %sub3A_2231, %rem3A_2232 : i32
        %sub3A_2234 = arith.subi %rem3A_2233, %mul3A_1 : i32
        %add3A_2235 = arith.constant 128 : i32
        %add3A_2236 = arith.addi %rem3A_2233, %add3A_2235 : i32
        %sub3A_2237 = arith.constant 1 : i32
        %sub3A_2238 = arith.subi %add3A_2236, %sub3A_2237 : i32
        %rem3A_2239 = arith.constant 128 : i32
        %rem3A_2240 = arith.remsi %sub3A_2238, %rem3A_2239 : i32
        %add3A_2241 = arith.constant 1793 : i32
        %add3A_2242 = arith.addi %add3A_2241, %rem3A_2240 : i32
        %add3A_2243 = arith.constant 1792 : i32
        %add3A_2244 = arith.addi %sub3A_2231, %add3A_2243 : i32
        %sub3A_2245 = arith.subi %add3A_2244, %add3A_2242 : i32
        %lt3A_2246 = arith.constant 0 : i32
        %lt3A_2247 = arith.cmpi slt, %sub3A_2245, %lt3A_2246 : i32
        %gt3A_2248 = arith.constant 128 : i32
        %gt3A_2249 = arith.cmpi sgt, %sub3A_2245, %gt3A_2248 : i32
        %add3A_2250 = arith.constant 2 : i32
        %add3A_2251 = arith.addi %add3A_2250, %sub3A_2234 : i32
        %jit3A_2252 = arith.constant 1 : i32
        %select_n3A_2253 = arith.select %gt3A_2249, %jit3A_2252, %add3A_2251 : i32
        %jit3A_2254 = arith.constant 0 : i32
        %select_n3A_2255 = arith.select %lt3A_2247, %jit3A_2254, %select_n3A_2253 : i32
        %jit3A_2256 = arith.constant 0 : i32
        %jit3A_2257 = arith.constant 128 : i32
        %max3A_2258 = arith.maxsi %jit3A_2256, %sub3A_2245 : i32
        %min3A_2259 = arith.minsi %jit3A_2257, %max3A_2258 : i32
        %multiple_of3A_2260 = tpu.assume_multiple %min3A_2259, 128 : i32
        %dma_start3A_2261 = arith.constant 0 : i32
        %dma_start3A_2262 = arith.constant 1792 : i32
        %dma_start3A_2263 = tpu.memref_slice %arg3[%add3A_2229, %dma_start3A_2261, %dma_start3A_2262] : memref<2048x64x2048xf32, #tpu.memory_space<hbm>> -> memref<1x64x128xf32, #tpu.memory_space<hbm>>
        %dma_start3A_2264 = tpu.memref_squeeze %dma_start3A_2263 : memref<1x64x128xf32, #tpu.memory_space<hbm>> -> memref<64x128xf32, #tpu.memory_space<hbm>>
        %dma_start3A_2265 = arith.constant 0 : i32
        %dma_start3A_2266 = tpu.memref_slice %arg7[%select_n3A_2255, %dma_start3A_2265, %multiple_of3A_2260] : memref<66x64x256xf32, #tpu.memory_space<vmem_shared>> -> memref<1x64x128xf32, #tpu.memory_space<vmem_shared>>
        %dma_start3A_2267 = tpu.memref_squeeze %dma_start3A_2266 : memref<1x64x128xf32, #tpu.memory_space<vmem_shared>> -> memref<64x128xf32, #tpu.memory_space<vmem_shared>>
        tpu.enqueue_dma source(%dma_start3A_2267 : memref<64x128xf32, #tpu.memory_space<vmem_shared>>) target(%dma_start3A_2264 : memref<64x128xf32, #tpu.memory_space<hbm>>) target_semaphore(%arg9 : memref<!tpu.dma_semaphore, #tpu.memory_space<semaphore_mem>>)
        %mul3A_2268 = arith.constant 128 : i32
        %mul3A_2269 = arith.muli %mul3A_2268, %arg1 : i32
        %mul3A_2270 = arith.constant 64 : i32
        %mul3A_2271 = arith.muli %mul3A_2270, %arg0 : i32
        %add3A_2272 = arith.addi %mul3A_2269, %mul3A_2271 : i32
        %add3A_2273 = arith.addi %add3A_2272, %scan3A_1603 : i32
        %sub3A_2274 = arith.constant 2047 : i32
        %sub3A_2275 = arith.subi %sub3A_2274, %add3A_2273 : i32
        %rem3A_2276 = arith.constant 128 : i32
        %rem3A_2277 = arith.remsi %sub3A_2275, %rem3A_2276 : i32
        %sub3A_2278 = arith.subi %rem3A_2277, %mul3A_1 : i32
        %add3A_2279 = arith.constant 128 : i32
        %add3A_2280 = arith.addi %rem3A_2277, %add3A_2279 : i32
        %sub3A_2281 = arith.constant 1 : i32
        %sub3A_2282 = arith.subi %add3A_2280, %sub3A_2281 : i32
        %rem3A_2283 = arith.constant 128 : i32
        %rem3A_2284 = arith.remsi %sub3A_2282, %rem3A_2283 : i32
        %add3A_2285 = arith.constant 1793 : i32
        %add3A_2286 = arith.addi %add3A_2285, %rem3A_2284 : i32
        %add3A_2287 = arith.constant 1920 : i32
        %add3A_2288 = arith.addi %sub3A_2275, %add3A_2287 : i32
        %sub3A_2289 = arith.subi %add3A_2288, %add3A_2286 : i32
        %lt3A_2290 = arith.constant 0 : i32
        %lt3A_2291 = arith.cmpi slt, %sub3A_2289, %lt3A_2290 : i32
        %gt3A_2292 = arith.constant 128 : i32
        %gt3A_2293 = arith.cmpi sgt, %sub3A_2289, %gt3A_2292 : i32
        %add3A_2294 = arith.constant 2 : i32
        %add3A_2295 = arith.addi %add3A_2294, %sub3A_2278 : i32
        %jit3A_2296 = arith.constant 1 : i32
        %select_n3A_2297 = arith.select %gt3A_2293, %jit3A_2296, %add3A_2295 : i32
        %jit3A_2298 = arith.constant 0 : i32
        %select_n3A_2299 = arith.select %lt3A_2291, %jit3A_2298, %select_n3A_2297 : i32
        %jit3A_2300 = arith.constant 0 : i32
        %jit3A_2301 = arith.constant 128 : i32
        %max3A_2302 = arith.maxsi %jit3A_2300, %sub3A_2289 : i32
        %min3A_2303 = arith.minsi %jit3A_2301, %max3A_2302 : i32
        %multiple_of3A_2304 = tpu.assume_multiple %min3A_2303, 128 : i32
        %dma_start3A_2305 = arith.constant 0 : i32
        %dma_start3A_2306 = arith.constant 1920 : i32
        %dma_start3A_2307 = tpu.memref_slice %arg3[%add3A_2273, %dma_start3A_2305, %dma_start3A_2306] : memref<2048x64x2048xf32, #tpu.memory_space<hbm>> -> memref<1x64x128xf32, #tpu.memory_space<hbm>>
        %dma_start3A_2308 = tpu.memref_squeeze %dma_start3A_2307 : memref<1x64x128xf32, #tpu.memory_space<hbm>> -> memref<64x128xf32, #tpu.memory_space<hbm>>
        %dma_start3A_2309 = arith.constant 0 : i32
        %dma_start3A_2310 = tpu.memref_slice %arg7[%select_n3A_2299, %dma_start3A_2309, %multiple_of3A_2304] : memref<66x64x256xf32, #tpu.memory_space<vmem_shared>> -> memref<1x64x128xf32, #tpu.memory_space<vmem_shared>>
        %dma_start3A_2311 = tpu.memref_squeeze %dma_start3A_2310 : memref<1x64x128xf32, #tpu.memory_space<vmem_shared>> -> memref<64x128xf32, #tpu.memory_space<vmem_shared>>
        tpu.enqueue_dma source(%dma_start3A_2311 : memref<64x128xf32, #tpu.memory_space<vmem_shared>>) target(%dma_start3A_2308 : memref<64x128xf32, #tpu.memory_space<hbm>>) target_semaphore(%arg9 : memref<!tpu.dma_semaphore, #tpu.memory_space<semaphore_mem>>)
      } else {
      }
      %gt3A = arith.constant 0 : i32
      %gt3A_1606 = arith.cmpi sgt, %scan3A_1603, %gt3A : i32
      %convert_element_type3A_1607 = arith.extui %gt3A_1606 : i1 to i32
      %cond3A_1608 = arith.constant 0 : i32
      %cond3A_1609 = arith.cmpi ne, %convert_element_type3A_1607, %cond3A_1608 : i32
      scf.if %cond3A_1609 {
        %sub3A_1610 = arith.constant 1 : i32
        %sub3A_1611 = arith.subi %scan3A_1603, %sub3A_1610 : i32
        %mul3A_1612 = arith.constant 128 : i32
        %mul3A_1613 = arith.muli %mul3A_1612, %arg1 : i32
        %mul3A_1614 = arith.constant 64 : i32
        %mul3A_1615 = arith.muli %mul3A_1614, %arg0 : i32
        %add3A_1616 = arith.addi %mul3A_1613, %mul3A_1615 : i32
        %add3A_1617 = arith.addi %add3A_1616, %sub3A_1611 : i32
        %sub3A_1618 = arith.constant 2047 : i32
        %sub3A_1619 = arith.subi %sub3A_1618, %add3A_1617 : i32
        %rem3A_1620 = arith.constant 128 : i32
        %rem3A_1621 = arith.remsi %sub3A_1619, %rem3A_1620 : i32
        %sub3A_1622 = arith.subi %rem3A_1621, %mul3A_1 : i32
        %add3A_1623 = arith.constant 128 : i32
        %add3A_1624 = arith.addi %rem3A_1621, %add3A_1623 : i32
        %sub3A_1625 = arith.constant 1 : i32
        %sub3A_1626 = arith.subi %add3A_1624, %sub3A_1625 : i32
        %rem3A_1627 = arith.constant 128 : i32
        %rem3A_1628 = arith.remsi %sub3A_1626, %rem3A_1627 : i32
        %add3A_1629 = arith.constant 1793 : i32
        %add3A_1630 = arith.addi %add3A_1629, %rem3A_1628 : i32
        %add3A_1631 = arith.constant 0 : i32
        %add3A_1632 = arith.addi %sub3A_1619, %add3A_1631 : i32
        %sub3A_1633 = arith.subi %add3A_1632, %add3A_1630 : i32
        %lt3A_1634 = arith.constant 0 : i32
        %lt3A_1635 = arith.cmpi slt, %sub3A_1633, %lt3A_1634 : i32
        %gt3A_1636 = arith.constant 128 : i32
        %gt3A_1637 = arith.cmpi sgt, %sub3A_1633, %gt3A_1636 : i32
        %add3A_1638 = arith.constant 2 : i32
        %add3A_1639 = arith.addi %add3A_1638, %sub3A_1622 : i32
        %jit3A_1640 = arith.constant 1 : i32
        %select_n3A_1641 = arith.select %gt3A_1637, %jit3A_1640, %add3A_1639 : i32
        %jit3A_1642 = arith.constant 0 : i32
        %select_n3A_1643 = arith.select %lt3A_1635, %jit3A_1642, %select_n3A_1641 : i32
        %jit3A_1644 = arith.constant 0 : i32
        %jit3A_1645 = arith.constant 128 : i32
        %max3A_1646 = arith.maxsi %jit3A_1644, %sub3A_1633 : i32
        %min3A_1647 = arith.minsi %jit3A_1645, %max3A_1646 : i32
        %multiple_of3A = tpu.assume_multiple %min3A_1647, 128 : i32
        %dma_wait3A = arith.constant 0 : i32
        %dma_wait3A_1648 = arith.constant 0 : i32
        %dma_wait3A_1649 = tpu.memref_slice %arg3[%add3A_1617, %dma_wait3A, %dma_wait3A_1648] : memref<2048x64x2048xf32, #tpu.memory_space<hbm>> -> memref<1x64x128xf32, #tpu.memory_space<hbm>>
        %dma_wait3A_1650 = tpu.memref_squeeze %dma_wait3A_1649 : memref<1x64x128xf32, #tpu.memory_space<hbm>> -> memref<64x128xf32, #tpu.memory_space<hbm>>
        %dma_wait3A_1651 = arith.constant 0 : i32
        %dma_wait3A_1652 = tpu.memref_slice %arg7[%select_n3A_1643, %dma_wait3A_1651, %multiple_of3A] : memref<66x64x256xf32, #tpu.memory_space<vmem_shared>> -> memref<1x64x128xf32, #tpu.memory_space<vmem_shared>>
        %dma_wait3A_1653 = tpu.memref_squeeze %dma_wait3A_1652 : memref<1x64x128xf32, #tpu.memory_space<vmem_shared>> -> memref<64x128xf32, #tpu.memory_space<vmem_shared>>
        tpu.wait_dma2 semaphore(%arg9 : memref<!tpu.dma_semaphore, #tpu.memory_space<semaphore_mem>>) src(%dma_wait3A_1653 : memref<64x128xf32, #tpu.memory_space<vmem_shared>>) dst(%dma_wait3A_1650 : memref<64x128xf32, #tpu.memory_space<hbm>>)
        %sub3A_1654 = arith.constant 1 : i32
        %sub3A_1655 = arith.subi %scan3A_1603, %sub3A_1654 : i32
        %mul3A_1656 = arith.constant 128 : i32
        %mul3A_1657 = arith.muli %mul3A_1656, %arg1 : i32
        %mul3A_1658 = arith.constant 64 : i32
        %mul3A_1659 = arith.muli %mul3A_1658, %arg0 : i32
        %add3A_1660 = arith.addi %mul3A_1657, %mul3A_1659 : i32
        %add3A_1661 = arith.addi %add3A_1660, %sub3A_1655 : i32
        %sub3A_1662 = arith.constant 2047 : i32
        %sub3A_1663 = arith.subi %sub3A_1662, %add3A_1661 : i32
        %rem3A_1664 = arith.constant 128 : i32
        %rem3A_1665 = arith.remsi %sub3A_1663, %rem3A_1664 : i32
        %sub3A_1666 = arith.subi %rem3A_1665, %mul3A_1 : i32
        %add3A_1667 = arith.constant 128 : i32
        %add3A_1668 = arith.addi %rem3A_1665, %add3A_1667 : i32
        %sub3A_1669 = arith.constant 1 : i32
        %sub3A_1670 = arith.subi %add3A_1668, %sub3A_1669 : i32
        %rem3A_1671 = arith.constant 128 : i32
        %rem3A_1672 = arith.remsi %sub3A_1670, %rem3A_1671 : i32
        %add3A_1673 = arith.constant 1793 : i32
        %add3A_1674 = arith.addi %add3A_1673, %rem3A_1672 : i32
        %add3A_1675 = arith.constant 128 : i32
        %add3A_1676 = arith.addi %sub3A_1663, %add3A_1675 : i32
        %sub3A_1677 = arith.subi %add3A_1676, %add3A_1674 : i32
        %lt3A_1678 = arith.constant 0 : i32
        %lt3A_1679 = arith.cmpi slt, %sub3A_1677, %lt3A_1678 : i32
        %gt3A_1680 = arith.constant 128 : i32
        %gt3A_1681 = arith.cmpi sgt, %sub3A_1677, %gt3A_1680 : i32
        %add3A_1682 = arith.constant 2 : i32
        %add3A_1683 = arith.addi %add3A_1682, %sub3A_1666 : i32
        %jit3A_1684 = arith.constant 1 : i32
        %select_n3A_1685 = arith.select %gt3A_1681, %jit3A_1684, %add3A_1683 : i32
        %jit3A_1686 = arith.constant 0 : i32
        %select_n3A_1687 = arith.select %lt3A_1679, %jit3A_1686, %select_n3A_1685 : i32
        %jit3A_1688 = arith.constant 0 : i32
        %jit3A_1689 = arith.constant 128 : i32
        %max3A_1690 = arith.maxsi %jit3A_1688, %sub3A_1677 : i32
        %min3A_1691 = arith.minsi %jit3A_1689, %max3A_1690 : i32
        %multiple_of3A_1692 = tpu.assume_multiple %min3A_1691, 128 : i32
        %dma_wait3A_1693 = arith.constant 0 : i32
        %dma_wait3A_1694 = arith.constant 128 : i32
        %dma_wait3A_1695 = tpu.memref_slice %arg3[%add3A_1661, %dma_wait3A_1693, %dma_wait3A_1694] : memref<2048x64x2048xf32, #tpu.memory_space<hbm>> -> memref<1x64x128xf32, #tpu.memory_space<hbm>>
        %dma_wait3A_1696 = tpu.memref_squeeze %dma_wait3A_1695 : memref<1x64x128xf32, #tpu.memory_space<hbm>> -> memref<64x128xf32, #tpu.memory_space<hbm>>
        %dma_wait3A_1697 = arith.constant 0 : i32
        %dma_wait3A_1698 = tpu.memref_slice %arg7[%select_n3A_1687, %dma_wait3A_1697, %multiple_of3A_1692] : memref<66x64x256xf32, #tpu.memory_space<vmem_shared>> -> memref<1x64x128xf32, #tpu.memory_space<vmem_shared>>
        %dma_wait3A_1699 = tpu.memref_squeeze %dma_wait3A_1698 : memref<1x64x128xf32, #tpu.memory_space<vmem_shared>> -> memref<64x128xf32, #tpu.memory_space<vmem_shared>>
        tpu.wait_dma2 semaphore(%arg9 : memref<!tpu.dma_semaphore, #tpu.memory_space<semaphore_mem>>) src(%dma_wait3A_1699 : memref<64x128xf32, #tpu.memory_space<vmem_shared>>) dst(%dma_wait3A_1696 : memref<64x128xf32, #tpu.memory_space<hbm>>)
        %sub3A_1700 = arith.constant 1 : i32
        %sub3A_1701 = arith.subi %scan3A_1603, %sub3A_1700 : i32
        %mul3A_1702 = arith.constant 128 : i32
        %mul3A_1703 = arith.muli %mul3A_1702, %arg1 : i32
        %mul3A_1704 = arith.constant 64 : i32
        %mul3A_1705 = arith.muli %mul3A_1704, %arg0 : i32
        %add3A_1706 = arith.addi %mul3A_1703, %mul3A_1705 : i32
        %add3A_1707 = arith.addi %add3A_1706, %sub3A_1701 : i32
        %sub3A_1708 = arith.constant 2047 : i32
        %sub3A_1709 = arith.subi %sub3A_1708, %add3A_1707 : i32
        %rem3A_1710 = arith.constant 128 : i32
        %rem3A_1711 = arith.remsi %sub3A_1709, %rem3A_1710 : i32
        %sub3A_1712 = arith.subi %rem3A_1711, %mul3A_1 : i32
        %add3A_1713 = arith.constant 128 : i32
        %add3A_1714 = arith.addi %rem3A_1711, %add3A_1713 : i32
        %sub3A_1715 = arith.constant 1 : i32
        %sub3A_1716 = arith.subi %add3A_1714, %sub3A_1715 : i32
        %rem3A_1717 = arith.constant 128 : i32
        %rem3A_1718 = arith.remsi %sub3A_1716, %rem3A_1717 : i32
        %add3A_1719 = arith.constant 1793 : i32
        %add3A_1720 = arith.addi %add3A_1719, %rem3A_1718 : i32
        %add3A_1721 = arith.constant 256 : i32
        %add3A_1722 = arith.addi %sub3A_1709, %add3A_1721 : i32
        %sub3A_1723 = arith.subi %add3A_1722, %add3A_1720 : i32
        %lt3A_1724 = arith.constant 0 : i32
        %lt3A_1725 = arith.cmpi slt, %sub3A_1723, %lt3A_1724 : i32
        %gt3A_1726 = arith.constant 128 : i32
        %gt3A_1727 = arith.cmpi sgt, %sub3A_1723, %gt3A_1726 : i32
        %add3A_1728 = arith.constant 2 : i32
        %add3A_1729 = arith.addi %add3A_1728, %sub3A_1712 : i32
        %jit3A_1730 = arith.constant 1 : i32
        %select_n3A_1731 = arith.select %gt3A_1727, %jit3A_1730, %add3A_1729 : i32
        %jit3A_1732 = arith.constant 0 : i32
        %select_n3A_1733 = arith.select %lt3A_1725, %jit3A_1732, %select_n3A_1731 : i32
        %jit3A_1734 = arith.constant 0 : i32
        %jit3A_1735 = arith.constant 128 : i32
        %max3A_1736 = arith.maxsi %jit3A_1734, %sub3A_1723 : i32
        %min3A_1737 = arith.minsi %jit3A_1735, %max3A_1736 : i32
        %multiple_of3A_1738 = tpu.assume_multiple %min3A_1737, 128 : i32
        %dma_wait3A_1739 = arith.constant 0 : i32
        %dma_wait3A_1740 = arith.constant 256 : i32
        %dma_wait3A_1741 = tpu.memref_slice %arg3[%add3A_1707, %dma_wait3A_1739, %dma_wait3A_1740] : memref<2048x64x2048xf32, #tpu.memory_space<hbm>> -> memref<1x64x128xf32, #tpu.memory_space<hbm>>
        %dma_wait3A_1742 = tpu.memref_squeeze %dma_wait3A_1741 : memref<1x64x128xf32, #tpu.memory_space<hbm>> -> memref<64x128xf32, #tpu.memory_space<hbm>>
        %dma_wait3A_1743 = arith.constant 0 : i32
        %dma_wait3A_1744 = tpu.memref_slice %arg7[%select_n3A_1733, %dma_wait3A_1743, %multiple_of3A_1738] : memref<66x64x256xf32, #tpu.memory_space<vmem_shared>> -> memref<1x64x128xf32, #tpu.memory_space<vmem_shared>>
        %dma_wait3A_1745 = tpu.memref_squeeze %dma_wait3A_1744 : memref<1x64x128xf32, #tpu.memory_space<vmem_shared>> -> memref<64x128xf32, #tpu.memory_space<vmem_shared>>
        tpu.wait_dma2 semaphore(%arg9 : memref<!tpu.dma_semaphore, #tpu.memory_space<semaphore_mem>>) src(%dma_wait3A_1745 : memref<64x128xf32, #tpu.memory_space<vmem_shared>>) dst(%dma_wait3A_1742 : memref<64x128xf32, #tpu.memory_space<hbm>>)
        %sub3A_1746 = arith.constant 1 : i32
        %sub3A_1747 = arith.subi %scan3A_1603, %sub3A_1746 : i32
        %mul3A_1748 = arith.constant 128 : i32
        %mul3A_1749 = arith.muli %mul3A_1748, %arg1 : i32
        %mul3A_1750 = arith.constant 64 : i32
        %mul3A_1751 = arith.muli %mul3A_1750, %arg0 : i32
        %add3A_1752 = arith.addi %mul3A_1749, %mul3A_1751 : i32
        %add3A_1753 = arith.addi %add3A_1752, %sub3A_1747 : i32
        %sub3A_1754 = arith.constant 2047 : i32
        %sub3A_1755 = arith.subi %sub3A_1754, %add3A_1753 : i32
        %rem3A_1756 = arith.constant 128 : i32
        %rem3A_1757 = arith.remsi %sub3A_1755, %rem3A_1756 : i32
        %sub3A_1758 = arith.subi %rem3A_1757, %mul3A_1 : i32
        %add3A_1759 = arith.constant 128 : i32
        %add3A_1760 = arith.addi %rem3A_1757, %add3A_1759 : i32
        %sub3A_1761 = arith.constant 1 : i32
        %sub3A_1762 = arith.subi %add3A_1760, %sub3A_1761 : i32
        %rem3A_1763 = arith.constant 128 : i32
        %rem3A_1764 = arith.remsi %sub3A_1762, %rem3A_1763 : i32
        %add3A_1765 = arith.constant 1793 : i32
        %add3A_1766 = arith.addi %add3A_1765, %rem3A_1764 : i32
        %add3A_1767 = arith.constant 384 : i32
        %add3A_1768 = arith.addi %sub3A_1755, %add3A_1767 : i32
        %sub3A_1769 = arith.subi %add3A_1768, %add3A_1766 : i32
        %lt3A_1770 = arith.constant 0 : i32
        %lt3A_1771 = arith.cmpi slt, %sub3A_1769, %lt3A_1770 : i32
        %gt3A_1772 = arith.constant 128 : i32
        %gt3A_1773 = arith.cmpi sgt, %sub3A_1769, %gt3A_1772 : i32
        %add3A_1774 = arith.constant 2 : i32
        %add3A_1775 = arith.addi %add3A_1774, %sub3A_1758 : i32
        %jit3A_1776 = arith.constant 1 : i32
        %select_n3A_1777 = arith.select %gt3A_1773, %jit3A_1776, %add3A_1775 : i32
        %jit3A_1778 = arith.constant 0 : i32
        %select_n3A_1779 = arith.select %lt3A_1771, %jit3A_1778, %select_n3A_1777 : i32
        %jit3A_1780 = arith.constant 0 : i32
        %jit3A_1781 = arith.constant 128 : i32
        %max3A_1782 = arith.maxsi %jit3A_1780, %sub3A_1769 : i32
        %min3A_1783 = arith.minsi %jit3A_1781, %max3A_1782 : i32
        %multiple_of3A_1784 = tpu.assume_multiple %min3A_1783, 128 : i32
        %dma_wait3A_1785 = arith.constant 0 : i32
        %dma_wait3A_1786 = arith.constant 384 : i32
        %dma_wait3A_1787 = tpu.memref_slice %arg3[%add3A_1753, %dma_wait3A_1785, %dma_wait3A_1786] : memref<2048x64x2048xf32, #tpu.memory_space<hbm>> -> memref<1x64x128xf32, #tpu.memory_space<hbm>>
        %dma_wait3A_1788 = tpu.memref_squeeze %dma_wait3A_1787 : memref<1x64x128xf32, #tpu.memory_space<hbm>> -> memref<64x128xf32, #tpu.memory_space<hbm>>
        %dma_wait3A_1789 = arith.constant 0 : i32
        %dma_wait3A_1790 = tpu.memref_slice %arg7[%select_n3A_1779, %dma_wait3A_1789, %multiple_of3A_1784] : memref<66x64x256xf32, #tpu.memory_space<vmem_shared>> -> memref<1x64x128xf32, #tpu.memory_space<vmem_shared>>
        %dma_wait3A_1791 = tpu.memref_squeeze %dma_wait3A_1790 : memref<1x64x128xf32, #tpu.memory_space<vmem_shared>> -> memref<64x128xf32, #tpu.memory_space<vmem_shared>>
        tpu.wait_dma2 semaphore(%arg9 : memref<!tpu.dma_semaphore, #tpu.memory_space<semaphore_mem>>) src(%dma_wait3A_1791 : memref<64x128xf32, #tpu.memory_space<vmem_shared>>) dst(%dma_wait3A_1788 : memref<64x128xf32, #tpu.memory_space<hbm>>)
        %sub3A_1792 = arith.constant 1 : i32
        %sub3A_1793 = arith.subi %scan3A_1603, %sub3A_1792 : i32
        %mul3A_1794 = arith.constant 128 : i32
        %mul3A_1795 = arith.muli %mul3A_1794, %arg1 : i32
        %mul3A_1796 = arith.constant 64 : i32
        %mul3A_1797 = arith.muli %mul3A_1796, %arg0 : i32
        %add3A_1798 = arith.addi %mul3A_1795, %mul3A_1797 : i32
        %add3A_1799 = arith.addi %add3A_1798, %sub3A_1793 : i32
        %sub3A_1800 = arith.constant 2047 : i32
        %sub3A_1801 = arith.subi %sub3A_1800, %add3A_1799 : i32
        %rem3A_1802 = arith.constant 128 : i32
        %rem3A_1803 = arith.remsi %sub3A_1801, %rem3A_1802 : i32
        %sub3A_1804 = arith.subi %rem3A_1803, %mul3A_1 : i32
        %add3A_1805 = arith.constant 128 : i32
        %add3A_1806 = arith.addi %rem3A_1803, %add3A_1805 : i32
        %sub3A_1807 = arith.constant 1 : i32
        %sub3A_1808 = arith.subi %add3A_1806, %sub3A_1807 : i32
        %rem3A_1809 = arith.constant 128 : i32
        %rem3A_1810 = arith.remsi %sub3A_1808, %rem3A_1809 : i32
        %add3A_1811 = arith.constant 1793 : i32
        %add3A_1812 = arith.addi %add3A_1811, %rem3A_1810 : i32
        %add3A_1813 = arith.constant 512 : i32
        %add3A_1814 = arith.addi %sub3A_1801, %add3A_1813 : i32
        %sub3A_1815 = arith.subi %add3A_1814, %add3A_1812 : i32
        %lt3A_1816 = arith.constant 0 : i32
        %lt3A_1817 = arith.cmpi slt, %sub3A_1815, %lt3A_1816 : i32
        %gt3A_1818 = arith.constant 128 : i32
        %gt3A_1819 = arith.cmpi sgt, %sub3A_1815, %gt3A_1818 : i32
        %add3A_1820 = arith.constant 2 : i32
        %add3A_1821 = arith.addi %add3A_1820, %sub3A_1804 : i32
        %jit3A_1822 = arith.constant 1 : i32
        %select_n3A_1823 = arith.select %gt3A_1819, %jit3A_1822, %add3A_1821 : i32
        %jit3A_1824 = arith.constant 0 : i32
        %select_n3A_1825 = arith.select %lt3A_1817, %jit3A_1824, %select_n3A_1823 : i32
        %jit3A_1826 = arith.constant 0 : i32
        %jit3A_1827 = arith.constant 128 : i32
        %max3A_1828 = arith.maxsi %jit3A_1826, %sub3A_1815 : i32
        %min3A_1829 = arith.minsi %jit3A_1827, %max3A_1828 : i32
        %multiple_of3A_1830 = tpu.assume_multiple %min3A_1829, 128 : i32
        %dma_wait3A_1831 = arith.constant 0 : i32
        %dma_wait3A_1832 = arith.constant 512 : i32
        %dma_wait3A_1833 = tpu.memref_slice %arg3[%add3A_1799, %dma_wait3A_1831, %dma_wait3A_1832] : memref<2048x64x2048xf32, #tpu.memory_space<hbm>> -> memref<1x64x128xf32, #tpu.memory_space<hbm>>
        %dma_wait3A_1834 = tpu.memref_squeeze %dma_wait3A_1833 : memref<1x64x128xf32, #tpu.memory_space<hbm>> -> memref<64x128xf32, #tpu.memory_space<hbm>>
        %dma_wait3A_1835 = arith.constant 0 : i32
        %dma_wait3A_1836 = tpu.memref_slice %arg7[%select_n3A_1825, %dma_wait3A_1835, %multiple_of3A_1830] : memref<66x64x256xf32, #tpu.memory_space<vmem_shared>> -> memref<1x64x128xf32, #tpu.memory_space<vmem_shared>>
        %dma_wait3A_1837 = tpu.memref_squeeze %dma_wait3A_1836 : memref<1x64x128xf32, #tpu.memory_space<vmem_shared>> -> memref<64x128xf32, #tpu.memory_space<vmem_shared>>
        tpu.wait_dma2 semaphore(%arg9 : memref<!tpu.dma_semaphore, #tpu.memory_space<semaphore_mem>>) src(%dma_wait3A_1837 : memref<64x128xf32, #tpu.memory_space<vmem_shared>>) dst(%dma_wait3A_1834 : memref<64x128xf32, #tpu.memory_space<hbm>>)
        %sub3A_1838 = arith.constant 1 : i32
        %sub3A_1839 = arith.subi %scan3A_1603, %sub3A_1838 : i32
        %mul3A_1840 = arith.constant 128 : i32
        %mul3A_1841 = arith.muli %mul3A_1840, %arg1 : i32
        %mul3A_1842 = arith.constant 64 : i32
        %mul3A_1843 = arith.muli %mul3A_1842, %arg0 : i32
        %add3A_1844 = arith.addi %mul3A_1841, %mul3A_1843 : i32
        %add3A_1845 = arith.addi %add3A_1844, %sub3A_1839 : i32
        %sub3A_1846 = arith.constant 2047 : i32
        %sub3A_1847 = arith.subi %sub3A_1846, %add3A_1845 : i32
        %rem3A_1848 = arith.constant 128 : i32
        %rem3A_1849 = arith.remsi %sub3A_1847, %rem3A_1848 : i32
        %sub3A_1850 = arith.subi %rem3A_1849, %mul3A_1 : i32
        %add3A_1851 = arith.constant 128 : i32
        %add3A_1852 = arith.addi %rem3A_1849, %add3A_1851 : i32
        %sub3A_1853 = arith.constant 1 : i32
        %sub3A_1854 = arith.subi %add3A_1852, %sub3A_1853 : i32
        %rem3A_1855 = arith.constant 128 : i32
        %rem3A_1856 = arith.remsi %sub3A_1854, %rem3A_1855 : i32
        %add3A_1857 = arith.constant 1793 : i32
        %add3A_1858 = arith.addi %add3A_1857, %rem3A_1856 : i32
        %add3A_1859 = arith.constant 640 : i32
        %add3A_1860 = arith.addi %sub3A_1847, %add3A_1859 : i32
        %sub3A_1861 = arith.subi %add3A_1860, %add3A_1858 : i32
        %lt3A_1862 = arith.constant 0 : i32
        %lt3A_1863 = arith.cmpi slt, %sub3A_1861, %lt3A_1862 : i32
        %gt3A_1864 = arith.constant 128 : i32
        %gt3A_1865 = arith.cmpi sgt, %sub3A_1861, %gt3A_1864 : i32
        %add3A_1866 = arith.constant 2 : i32
        %add3A_1867 = arith.addi %add3A_1866, %sub3A_1850 : i32
        %jit3A_1868 = arith.constant 1 : i32
        %select_n3A_1869 = arith.select %gt3A_1865, %jit3A_1868, %add3A_1867 : i32
        %jit3A_1870 = arith.constant 0 : i32
        %select_n3A_1871 = arith.select %lt3A_1863, %jit3A_1870, %select_n3A_1869 : i32
        %jit3A_1872 = arith.constant 0 : i32
        %jit3A_1873 = arith.constant 128 : i32
        %max3A_1874 = arith.maxsi %jit3A_1872, %sub3A_1861 : i32
        %min3A_1875 = arith.minsi %jit3A_1873, %max3A_1874 : i32
        %multiple_of3A_1876 = tpu.assume_multiple %min3A_1875, 128 : i32
        %dma_wait3A_1877 = arith.constant 0 : i32
        %dma_wait3A_1878 = arith.constant 640 : i32
        %dma_wait3A_1879 = tpu.memref_slice %arg3[%add3A_1845, %dma_wait3A_1877, %dma_wait3A_1878] : memref<2048x64x2048xf32, #tpu.memory_space<hbm>> -> memref<1x64x128xf32, #tpu.memory_space<hbm>>
        %dma_wait3A_1880 = tpu.memref_squeeze %dma_wait3A_1879 : memref<1x64x128xf32, #tpu.memory_space<hbm>> -> memref<64x128xf32, #tpu.memory_space<hbm>>
        %dma_wait3A_1881 = arith.constant 0 : i32
        %dma_wait3A_1882 = tpu.memref_slice %arg7[%select_n3A_1871, %dma_wait3A_1881, %multiple_of3A_1876] : memref<66x64x256xf32, #tpu.memory_space<vmem_shared>> -> memref<1x64x128xf32, #tpu.memory_space<vmem_shared>>
        %dma_wait3A_1883 = tpu.memref_squeeze %dma_wait3A_1882 : memref<1x64x128xf32, #tpu.memory_space<vmem_shared>> -> memref<64x128xf32, #tpu.memory_space<vmem_shared>>
        tpu.wait_dma2 semaphore(%arg9 : memref<!tpu.dma_semaphore, #tpu.memory_space<semaphore_mem>>) src(%dma_wait3A_1883 : memref<64x128xf32, #tpu.memory_space<vmem_shared>>) dst(%dma_wait3A_1880 : memref<64x128xf32, #tpu.memory_space<hbm>>)
        %sub3A_1884 = arith.constant 1 : i32
        %sub3A_1885 = arith.subi %scan3A_1603, %sub3A_1884 : i32
        %mul3A_1886 = arith.constant 128 : i32
        %mul3A_1887 = arith.muli %mul3A_1886, %arg1 : i32
        %mul3A_1888 = arith.constant 64 : i32
        %mul3A_1889 = arith.muli %mul3A_1888, %arg0 : i32
        %add3A_1890 = arith.addi %mul3A_1887, %mul3A_1889 : i32
        %add3A_1891 = arith.addi %add3A_1890, %sub3A_1885 : i32
        %sub3A_1892 = arith.constant 2047 : i32
        %sub3A_1893 = arith.subi %sub3A_1892, %add3A_1891 : i32
        %rem3A_1894 = arith.constant 128 : i32
        %rem3A_1895 = arith.remsi %sub3A_1893, %rem3A_1894 : i32
        %sub3A_1896 = arith.subi %rem3A_1895, %mul3A_1 : i32
        %add3A_1897 = arith.constant 128 : i32
        %add3A_1898 = arith.addi %rem3A_1895, %add3A_1897 : i32
        %sub3A_1899 = arith.constant 1 : i32
        %sub3A_1900 = arith.subi %add3A_1898, %sub3A_1899 : i32
        %rem3A_1901 = arith.constant 128 : i32
        %rem3A_1902 = arith.remsi %sub3A_1900, %rem3A_1901 : i32
        %add3A_1903 = arith.constant 1793 : i32
        %add3A_1904 = arith.addi %add3A_1903, %rem3A_1902 : i32
        %add3A_1905 = arith.constant 768 : i32
        %add3A_1906 = arith.addi %sub3A_1893, %add3A_1905 : i32
        %sub3A_1907 = arith.subi %add3A_1906, %add3A_1904 : i32
        %lt3A_1908 = arith.constant 0 : i32
        %lt3A_1909 = arith.cmpi slt, %sub3A_1907, %lt3A_1908 : i32
        %gt3A_1910 = arith.constant 128 : i32
        %gt3A_1911 = arith.cmpi sgt, %sub3A_1907, %gt3A_1910 : i32
        %add3A_1912 = arith.constant 2 : i32
        %add3A_1913 = arith.addi %add3A_1912, %sub3A_1896 : i32
        %jit3A_1914 = arith.constant 1 : i32
        %select_n3A_1915 = arith.select %gt3A_1911, %jit3A_1914, %add3A_1913 : i32
        %jit3A_1916 = arith.constant 0 : i32
        %select_n3A_1917 = arith.select %lt3A_1909, %jit3A_1916, %select_n3A_1915 : i32
        %jit3A_1918 = arith.constant 0 : i32
        %jit3A_1919 = arith.constant 128 : i32
        %max3A_1920 = arith.maxsi %jit3A_1918, %sub3A_1907 : i32
        %min3A_1921 = arith.minsi %jit3A_1919, %max3A_1920 : i32
        %multiple_of3A_1922 = tpu.assume_multiple %min3A_1921, 128 : i32
        %dma_wait3A_1923 = arith.constant 0 : i32
        %dma_wait3A_1924 = arith.constant 768 : i32
        %dma_wait3A_1925 = tpu.memref_slice %arg3[%add3A_1891, %dma_wait3A_1923, %dma_wait3A_1924] : memref<2048x64x2048xf32, #tpu.memory_space<hbm>> -> memref<1x64x128xf32, #tpu.memory_space<hbm>>
        %dma_wait3A_1926 = tpu.memref_squeeze %dma_wait3A_1925 : memref<1x64x128xf32, #tpu.memory_space<hbm>> -> memref<64x128xf32, #tpu.memory_space<hbm>>
        %dma_wait3A_1927 = arith.constant 0 : i32
        %dma_wait3A_1928 = tpu.memref_slice %arg7[%select_n3A_1917, %dma_wait3A_1927, %multiple_of3A_1922] : memref<66x64x256xf32, #tpu.memory_space<vmem_shared>> -> memref<1x64x128xf32, #tpu.memory_space<vmem_shared>>
        %dma_wait3A_1929 = tpu.memref_squeeze %dma_wait3A_1928 : memref<1x64x128xf32, #tpu.memory_space<vmem_shared>> -> memref<64x128xf32, #tpu.memory_space<vmem_shared>>
        tpu.wait_dma2 semaphore(%arg9 : memref<!tpu.dma_semaphore, #tpu.memory_space<semaphore_mem>>) src(%dma_wait3A_1929 : memref<64x128xf32, #tpu.memory_space<vmem_shared>>) dst(%dma_wait3A_1926 : memref<64x128xf32, #tpu.memory_space<hbm>>)
        %sub3A_1930 = arith.constant 1 : i32
        %sub3A_1931 = arith.subi %scan3A_1603, %sub3A_1930 : i32
        %mul3A_1932 = arith.constant 128 : i32
        %mul3A_1933 = arith.muli %mul3A_1932, %arg1 : i32
        %mul3A_1934 = arith.constant 64 : i32
        %mul3A_1935 = arith.muli %mul3A_1934, %arg0 : i32
        %add3A_1936 = arith.addi %mul3A_1933, %mul3A_1935 : i32
        %add3A_1937 = arith.addi %add3A_1936, %sub3A_1931 : i32
        %sub3A_1938 = arith.constant 2047 : i32
        %sub3A_1939 = arith.subi %sub3A_1938, %add3A_1937 : i32
        %rem3A_1940 = arith.constant 128 : i32
        %rem3A_1941 = arith.remsi %sub3A_1939, %rem3A_1940 : i32
        %sub3A_1942 = arith.subi %rem3A_1941, %mul3A_1 : i32
        %add3A_1943 = arith.constant 128 : i32
        %add3A_1944 = arith.addi %rem3A_1941, %add3A_1943 : i32
        %sub3A_1945 = arith.constant 1 : i32
        %sub3A_1946 = arith.subi %add3A_1944, %sub3A_1945 : i32
        %rem3A_1947 = arith.constant 128 : i32
        %rem3A_1948 = arith.remsi %sub3A_1946, %rem3A_1947 : i32
        %add3A_1949 = arith.constant 1793 : i32
        %add3A_1950 = arith.addi %add3A_1949, %rem3A_1948 : i32
        %add3A_1951 = arith.constant 896 : i32
        %add3A_1952 = arith.addi %sub3A_1939, %add3A_1951 : i32
        %sub3A_1953 = arith.subi %add3A_1952, %add3A_1950 : i32
        %lt3A_1954 = arith.constant 0 : i32
        %lt3A_1955 = arith.cmpi slt, %sub3A_1953, %lt3A_1954 : i32
        %gt3A_1956 = arith.constant 128 : i32
        %gt3A_1957 = arith.cmpi sgt, %sub3A_1953, %gt3A_1956 : i32
        %add3A_1958 = arith.constant 2 : i32
        %add3A_1959 = arith.addi %add3A_1958, %sub3A_1942 : i32
        %jit3A_1960 = arith.constant 1 : i32
        %select_n3A_1961 = arith.select %gt3A_1957, %jit3A_1960, %add3A_1959 : i32
        %jit3A_1962 = arith.constant 0 : i32
        %select_n3A_1963 = arith.select %lt3A_1955, %jit3A_1962, %select_n3A_1961 : i32
        %jit3A_1964 = arith.constant 0 : i32
        %jit3A_1965 = arith.constant 128 : i32
        %max3A_1966 = arith.maxsi %jit3A_1964, %sub3A_1953 : i32
        %min3A_1967 = arith.minsi %jit3A_1965, %max3A_1966 : i32
        %multiple_of3A_1968 = tpu.assume_multiple %min3A_1967, 128 : i32
        %dma_wait3A_1969 = arith.constant 0 : i32
        %dma_wait3A_1970 = arith.constant 896 : i32
        %dma_wait3A_1971 = tpu.memref_slice %arg3[%add3A_1937, %dma_wait3A_1969, %dma_wait3A_1970] : memref<2048x64x2048xf32, #tpu.memory_space<hbm>> -> memref<1x64x128xf32, #tpu.memory_space<hbm>>
        %dma_wait3A_1972 = tpu.memref_squeeze %dma_wait3A_1971 : memref<1x64x128xf32, #tpu.memory_space<hbm>> -> memref<64x128xf32, #tpu.memory_space<hbm>>
        %dma_wait3A_1973 = arith.constant 0 : i32
        %dma_wait3A_1974 = tpu.memref_slice %arg7[%select_n3A_1963, %dma_wait3A_1973, %multiple_of3A_1968] : memref<66x64x256xf32, #tpu.memory_space<vmem_shared>> -> memref<1x64x128xf32, #tpu.memory_space<vmem_shared>>
        %dma_wait3A_1975 = tpu.memref_squeeze %dma_wait3A_1974 : memref<1x64x128xf32, #tpu.memory_space<vmem_shared>> -> memref<64x128xf32, #tpu.memory_space<vmem_shared>>
        tpu.wait_dma2 semaphore(%arg9 : memref<!tpu.dma_semaphore, #tpu.memory_space<semaphore_mem>>) src(%dma_wait3A_1975 : memref<64x128xf32, #tpu.memory_space<vmem_shared>>) dst(%dma_wait3A_1972 : memref<64x128xf32, #tpu.memory_space<hbm>>)
        %sub3A_1976 = arith.constant 1 : i32
        %sub3A_1977 = arith.subi %scan3A_1603, %sub3A_1976 : i32
        %mul3A_1978 = arith.constant 128 : i32
        %mul3A_1979 = arith.muli %mul3A_1978, %arg1 : i32
        %mul3A_1980 = arith.constant 64 : i32
        %mul3A_1981 = arith.muli %mul3A_1980, %arg0 : i32
        %add3A_1982 = arith.addi %mul3A_1979, %mul3A_1981 : i32
        %add3A_1983 = arith.addi %add3A_1982, %sub3A_1977 : i32
        %sub3A_1984 = arith.constant 2047 : i32
        %sub3A_1985 = arith.subi %sub3A_1984, %add3A_1983 : i32
        %rem3A_1986 = arith.constant 128 : i32
        %rem3A_1987 = arith.remsi %sub3A_1985, %rem3A_1986 : i32
        %sub3A_1988 = arith.subi %rem3A_1987, %mul3A_1 : i32
        %add3A_1989 = arith.constant 128 : i32
        %add3A_1990 = arith.addi %rem3A_1987, %add3A_1989 : i32
        %sub3A_1991 = arith.constant 1 : i32
        %sub3A_1992 = arith.subi %add3A_1990, %sub3A_1991 : i32
        %rem3A_1993 = arith.constant 128 : i32
        %rem3A_1994 = arith.remsi %sub3A_1992, %rem3A_1993 : i32
        %add3A_1995 = arith.constant 1793 : i32
        %add3A_1996 = arith.addi %add3A_1995, %rem3A_1994 : i32
        %add3A_1997 = arith.constant 1024 : i32
        %add3A_1998 = arith.addi %sub3A_1985, %add3A_1997 : i32
        %sub3A_1999 = arith.subi %add3A_1998, %add3A_1996 : i32
        %lt3A_2000 = arith.constant 0 : i32
        %lt3A_2001 = arith.cmpi slt, %sub3A_1999, %lt3A_2000 : i32
        %gt3A_2002 = arith.constant 128 : i32
        %gt3A_2003 = arith.cmpi sgt, %sub3A_1999, %gt3A_2002 : i32
        %add3A_2004 = arith.constant 2 : i32
        %add3A_2005 = arith.addi %add3A_2004, %sub3A_1988 : i32
        %jit3A_2006 = arith.constant 1 : i32
        %select_n3A_2007 = arith.select %gt3A_2003, %jit3A_2006, %add3A_2005 : i32
        %jit3A_2008 = arith.constant 0 : i32
        %select_n3A_2009 = arith.select %lt3A_2001, %jit3A_2008, %select_n3A_2007 : i32
        %jit3A_2010 = arith.constant 0 : i32
        %jit3A_2011 = arith.constant 128 : i32
        %max3A_2012 = arith.maxsi %jit3A_2010, %sub3A_1999 : i32
        %min3A_2013 = arith.minsi %jit3A_2011, %max3A_2012 : i32
        %multiple_of3A_2014 = tpu.assume_multiple %min3A_2013, 128 : i32
        %dma_wait3A_2015 = arith.constant 0 : i32
        %dma_wait3A_2016 = arith.constant 1024 : i32
        %dma_wait3A_2017 = tpu.memref_slice %arg3[%add3A_1983, %dma_wait3A_2015, %dma_wait3A_2016] : memref<2048x64x2048xf32, #tpu.memory_space<hbm>> -> memref<1x64x128xf32, #tpu.memory_space<hbm>>
        %dma_wait3A_2018 = tpu.memref_squeeze %dma_wait3A_2017 : memref<1x64x128xf32, #tpu.memory_space<hbm>> -> memref<64x128xf32, #tpu.memory_space<hbm>>
        %dma_wait3A_2019 = arith.constant 0 : i32
        %dma_wait3A_2020 = tpu.memref_slice %arg7[%select_n3A_2009, %dma_wait3A_2019, %multiple_of3A_2014] : memref<66x64x256xf32, #tpu.memory_space<vmem_shared>> -> memref<1x64x128xf32, #tpu.memory_space<vmem_shared>>
        %dma_wait3A_2021 = tpu.memref_squeeze %dma_wait3A_2020 : memref<1x64x128xf32, #tpu.memory_space<vmem_shared>> -> memref<64x128xf32, #tpu.memory_space<vmem_shared>>
        tpu.wait_dma2 semaphore(%arg9 : memref<!tpu.dma_semaphore, #tpu.memory_space<semaphore_mem>>) src(%dma_wait3A_2021 : memref<64x128xf32, #tpu.memory_space<vmem_shared>>) dst(%dma_wait3A_2018 : memref<64x128xf32, #tpu.memory_space<hbm>>)
        %sub3A_2022 = arith.constant 1 : i32
        %sub3A_2023 = arith.subi %scan3A_1603, %sub3A_2022 : i32
        %mul3A_2024 = arith.constant 128 : i32
        %mul3A_2025 = arith.muli %mul3A_2024, %arg1 : i32
        %mul3A_2026 = arith.constant 64 : i32
        %mul3A_2027 = arith.muli %mul3A_2026, %arg0 : i32
        %add3A_2028 = arith.addi %mul3A_2025, %mul3A_2027 : i32
        %add3A_2029 = arith.addi %add3A_2028, %sub3A_2023 : i32
        %sub3A_2030 = arith.constant 2047 : i32
        %sub3A_2031 = arith.subi %sub3A_2030, %add3A_2029 : i32
        %rem3A_2032 = arith.constant 128 : i32
        %rem3A_2033 = arith.remsi %sub3A_2031, %rem3A_2032 : i32
        %sub3A_2034 = arith.subi %rem3A_2033, %mul3A_1 : i32
        %add3A_2035 = arith.constant 128 : i32
        %add3A_2036 = arith.addi %rem3A_2033, %add3A_2035 : i32
        %sub3A_2037 = arith.constant 1 : i32
        %sub3A_2038 = arith.subi %add3A_2036, %sub3A_2037 : i32
        %rem3A_2039 = arith.constant 128 : i32
        %rem3A_2040 = arith.remsi %sub3A_2038, %rem3A_2039 : i32
        %add3A_2041 = arith.constant 1793 : i32
        %add3A_2042 = arith.addi %add3A_2041, %rem3A_2040 : i32
        %add3A_2043 = arith.constant 1152 : i32
        %add3A_2044 = arith.addi %sub3A_2031, %add3A_2043 : i32
        %sub3A_2045 = arith.subi %add3A_2044, %add3A_2042 : i32
        %lt3A_2046 = arith.constant 0 : i32
        %lt3A_2047 = arith.cmpi slt, %sub3A_2045, %lt3A_2046 : i32
        %gt3A_2048 = arith.constant 128 : i32
        %gt3A_2049 = arith.cmpi sgt, %sub3A_2045, %gt3A_2048 : i32
        %add3A_2050 = arith.constant 2 : i32
        %add3A_2051 = arith.addi %add3A_2050, %sub3A_2034 : i32
        %jit3A_2052 = arith.constant 1 : i32
        %select_n3A_2053 = arith.select %gt3A_2049, %jit3A_2052, %add3A_2051 : i32
        %jit3A_2054 = arith.constant 0 : i32
        %select_n3A_2055 = arith.select %lt3A_2047, %jit3A_2054, %select_n3A_2053 : i32
        %jit3A_2056 = arith.constant 0 : i32
        %jit3A_2057 = arith.constant 128 : i32
        %max3A_2058 = arith.maxsi %jit3A_2056, %sub3A_2045 : i32
        %min3A_2059 = arith.minsi %jit3A_2057, %max3A_2058 : i32
        %multiple_of3A_2060 = tpu.assume_multiple %min3A_2059, 128 : i32
        %dma_wait3A_2061 = arith.constant 0 : i32
        %dma_wait3A_2062 = arith.constant 1152 : i32
        %dma_wait3A_2063 = tpu.memref_slice %arg3[%add3A_2029, %dma_wait3A_2061, %dma_wait3A_2062] : memref<2048x64x2048xf32, #tpu.memory_space<hbm>> -> memref<1x64x128xf32, #tpu.memory_space<hbm>>
        %dma_wait3A_2064 = tpu.memref_squeeze %dma_wait3A_2063 : memref<1x64x128xf32, #tpu.memory_space<hbm>> -> memref<64x128xf32, #tpu.memory_space<hbm>>
        %dma_wait3A_2065 = arith.constant 0 : i32
        %dma_wait3A_2066 = tpu.memref_slice %arg7[%select_n3A_2055, %dma_wait3A_2065, %multiple_of3A_2060] : memref<66x64x256xf32, #tpu.memory_space<vmem_shared>> -> memref<1x64x128xf32, #tpu.memory_space<vmem_shared>>
        %dma_wait3A_2067 = tpu.memref_squeeze %dma_wait3A_2066 : memref<1x64x128xf32, #tpu.memory_space<vmem_shared>> -> memref<64x128xf32, #tpu.memory_space<vmem_shared>>
        tpu.wait_dma2 semaphore(%arg9 : memref<!tpu.dma_semaphore, #tpu.memory_space<semaphore_mem>>) src(%dma_wait3A_2067 : memref<64x128xf32, #tpu.memory_space<vmem_shared>>) dst(%dma_wait3A_2064 : memref<64x128xf32, #tpu.memory_space<hbm>>)
        %sub3A_2068 = arith.constant 1 : i32
        %sub3A_2069 = arith.subi %scan3A_1603, %sub3A_2068 : i32
        %mul3A_2070 = arith.constant 128 : i32
        %mul3A_2071 = arith.muli %mul3A_2070, %arg1 : i32
        %mul3A_2072 = arith.constant 64 : i32
        %mul3A_2073 = arith.muli %mul3A_2072, %arg0 : i32
        %add3A_2074 = arith.addi %mul3A_2071, %mul3A_2073 : i32
        %add3A_2075 = arith.addi %add3A_2074, %sub3A_2069 : i32
        %sub3A_2076 = arith.constant 2047 : i32
        %sub3A_2077 = arith.subi %sub3A_2076, %add3A_2075 : i32
        %rem3A_2078 = arith.constant 128 : i32
        %rem3A_2079 = arith.remsi %sub3A_2077, %rem3A_2078 : i32
        %sub3A_2080 = arith.subi %rem3A_2079, %mul3A_1 : i32
        %add3A_2081 = arith.constant 128 : i32
        %add3A_2082 = arith.addi %rem3A_2079, %add3A_2081 : i32
        %sub3A_2083 = arith.constant 1 : i32
        %sub3A_2084 = arith.subi %add3A_2082, %sub3A_2083 : i32
        %rem3A_2085 = arith.constant 128 : i32
        %rem3A_2086 = arith.remsi %sub3A_2084, %rem3A_2085 : i32
        %add3A_2087 = arith.constant 1793 : i32
        %add3A_2088 = arith.addi %add3A_2087, %rem3A_2086 : i32
        %add3A_2089 = arith.constant 1280 : i32
        %add3A_2090 = arith.addi %sub3A_2077, %add3A_2089 : i32
        %sub3A_2091 = arith.subi %add3A_2090, %add3A_2088 : i32
        %lt3A_2092 = arith.constant 0 : i32
        %lt3A_2093 = arith.cmpi slt, %sub3A_2091, %lt3A_2092 : i32
        %gt3A_2094 = arith.constant 128 : i32
        %gt3A_2095 = arith.cmpi sgt, %sub3A_2091, %gt3A_2094 : i32
        %add3A_2096 = arith.constant 2 : i32
        %add3A_2097 = arith.addi %add3A_2096, %sub3A_2080 : i32
        %jit3A_2098 = arith.constant 1 : i32
        %select_n3A_2099 = arith.select %gt3A_2095, %jit3A_2098, %add3A_2097 : i32
        %jit3A_2100 = arith.constant 0 : i32
        %select_n3A_2101 = arith.select %lt3A_2093, %jit3A_2100, %select_n3A_2099 : i32
        %jit3A_2102 = arith.constant 0 : i32
        %jit3A_2103 = arith.constant 128 : i32
        %max3A_2104 = arith.maxsi %jit3A_2102, %sub3A_2091 : i32
        %min3A_2105 = arith.minsi %jit3A_2103, %max3A_2104 : i32
        %multiple_of3A_2106 = tpu.assume_multiple %min3A_2105, 128 : i32
        %dma_wait3A_2107 = arith.constant 0 : i32
        %dma_wait3A_2108 = arith.constant 1280 : i32
        %dma_wait3A_2109 = tpu.memref_slice %arg3[%add3A_2075, %dma_wait3A_2107, %dma_wait3A_2108] : memref<2048x64x2048xf32, #tpu.memory_space<hbm>> -> memref<1x64x128xf32, #tpu.memory_space<hbm>>
        %dma_wait3A_2110 = tpu.memref_squeeze %dma_wait3A_2109 : memref<1x64x128xf32, #tpu.memory_space<hbm>> -> memref<64x128xf32, #tpu.memory_space<hbm>>
        %dma_wait3A_2111 = arith.constant 0 : i32
        %dma_wait3A_2112 = tpu.memref_slice %arg7[%select_n3A_2101, %dma_wait3A_2111, %multiple_of3A_2106] : memref<66x64x256xf32, #tpu.memory_space<vmem_shared>> -> memref<1x64x128xf32, #tpu.memory_space<vmem_shared>>
        %dma_wait3A_2113 = tpu.memref_squeeze %dma_wait3A_2112 : memref<1x64x128xf32, #tpu.memory_space<vmem_shared>> -> memref<64x128xf32, #tpu.memory_space<vmem_shared>>
        tpu.wait_dma2 semaphore(%arg9 : memref<!tpu.dma_semaphore, #tpu.memory_space<semaphore_mem>>) src(%dma_wait3A_2113 : memref<64x128xf32, #tpu.memory_space<vmem_shared>>) dst(%dma_wait3A_2110 : memref<64x128xf32, #tpu.memory_space<hbm>>)
        %sub3A_2114 = arith.constant 1 : i32
        %sub3A_2115 = arith.subi %scan3A_1603, %sub3A_2114 : i32
        %mul3A_2116 = arith.constant 128 : i32
        %mul3A_2117 = arith.muli %mul3A_2116, %arg1 : i32
        %mul3A_2118 = arith.constant 64 : i32
        %mul3A_2119 = arith.muli %mul3A_2118, %arg0 : i32
        %add3A_2120 = arith.addi %mul3A_2117, %mul3A_2119 : i32
        %add3A_2121 = arith.addi %add3A_2120, %sub3A_2115 : i32
        %sub3A_2122 = arith.constant 2047 : i32
        %sub3A_2123 = arith.subi %sub3A_2122, %add3A_2121 : i32
        %rem3A_2124 = arith.constant 128 : i32
        %rem3A_2125 = arith.remsi %sub3A_2123, %rem3A_2124 : i32
        %sub3A_2126 = arith.subi %rem3A_2125, %mul3A_1 : i32
        %add3A_2127 = arith.constant 128 : i32
        %add3A_2128 = arith.addi %rem3A_2125, %add3A_2127 : i32
        %sub3A_2129 = arith.constant 1 : i32
        %sub3A_2130 = arith.subi %add3A_2128, %sub3A_2129 : i32
        %rem3A_2131 = arith.constant 128 : i32
        %rem3A_2132 = arith.remsi %sub3A_2130, %rem3A_2131 : i32
        %add3A_2133 = arith.constant 1793 : i32
        %add3A_2134 = arith.addi %add3A_2133, %rem3A_2132 : i32
        %add3A_2135 = arith.constant 1408 : i32
        %add3A_2136 = arith.addi %sub3A_2123, %add3A_2135 : i32
        %sub3A_2137 = arith.subi %add3A_2136, %add3A_2134 : i32
        %lt3A_2138 = arith.constant 0 : i32
        %lt3A_2139 = arith.cmpi slt, %sub3A_2137, %lt3A_2138 : i32
        %gt3A_2140 = arith.constant 128 : i32
        %gt3A_2141 = arith.cmpi sgt, %sub3A_2137, %gt3A_2140 : i32
        %add3A_2142 = arith.constant 2 : i32
        %add3A_2143 = arith.addi %add3A_2142, %sub3A_2126 : i32
        %jit3A_2144 = arith.constant 1 : i32
        %select_n3A_2145 = arith.select %gt3A_2141, %jit3A_2144, %add3A_2143 : i32
        %jit3A_2146 = arith.constant 0 : i32
        %select_n3A_2147 = arith.select %lt3A_2139, %jit3A_2146, %select_n3A_2145 : i32
        %jit3A_2148 = arith.constant 0 : i32
        %jit3A_2149 = arith.constant 128 : i32
        %max3A_2150 = arith.maxsi %jit3A_2148, %sub3A_2137 : i32
        %min3A_2151 = arith.minsi %jit3A_2149, %max3A_2150 : i32
        %multiple_of3A_2152 = tpu.assume_multiple %min3A_2151, 128 : i32
        %dma_wait3A_2153 = arith.constant 0 : i32
        %dma_wait3A_2154 = arith.constant 1408 : i32
        %dma_wait3A_2155 = tpu.memref_slice %arg3[%add3A_2121, %dma_wait3A_2153, %dma_wait3A_2154] : memref<2048x64x2048xf32, #tpu.memory_space<hbm>> -> memref<1x64x128xf32, #tpu.memory_space<hbm>>
        %dma_wait3A_2156 = tpu.memref_squeeze %dma_wait3A_2155 : memref<1x64x128xf32, #tpu.memory_space<hbm>> -> memref<64x128xf32, #tpu.memory_space<hbm>>
        %dma_wait3A_2157 = arith.constant 0 : i32
        %dma_wait3A_2158 = tpu.memref_slice %arg7[%select_n3A_2147, %dma_wait3A_2157, %multiple_of3A_2152] : memref<66x64x256xf32, #tpu.memory_space<vmem_shared>> -> memref<1x64x128xf32, #tpu.memory_space<vmem_shared>>
        %dma_wait3A_2159 = tpu.memref_squeeze %dma_wait3A_2158 : memref<1x64x128xf32, #tpu.memory_space<vmem_shared>> -> memref<64x128xf32, #tpu.memory_space<vmem_shared>>
        tpu.wait_dma2 semaphore(%arg9 : memref<!tpu.dma_semaphore, #tpu.memory_space<semaphore_mem>>) src(%dma_wait3A_2159 : memref<64x128xf32, #tpu.memory_space<vmem_shared>>) dst(%dma_wait3A_2156 : memref<64x128xf32, #tpu.memory_space<hbm>>)
        %sub3A_2160 = arith.constant 1 : i32
        %sub3A_2161 = arith.subi %scan3A_1603, %sub3A_2160 : i32
        %mul3A_2162 = arith.constant 128 : i32
        %mul3A_2163 = arith.muli %mul3A_2162, %arg1 : i32
        %mul3A_2164 = arith.constant 64 : i32
        %mul3A_2165 = arith.muli %mul3A_2164, %arg0 : i32
        %add3A_2166 = arith.addi %mul3A_2163, %mul3A_2165 : i32
        %add3A_2167 = arith.addi %add3A_2166, %sub3A_2161 : i32
        %sub3A_2168 = arith.constant 2047 : i32
        %sub3A_2169 = arith.subi %sub3A_2168, %add3A_2167 : i32
        %rem3A_2170 = arith.constant 128 : i32
        %rem3A_2171 = arith.remsi %sub3A_2169, %rem3A_2170 : i32
        %sub3A_2172 = arith.subi %rem3A_2171, %mul3A_1 : i32
        %add3A_2173 = arith.constant 128 : i32
        %add3A_2174 = arith.addi %rem3A_2171, %add3A_2173 : i32
        %sub3A_2175 = arith.constant 1 : i32
        %sub3A_2176 = arith.subi %add3A_2174, %sub3A_2175 : i32
        %rem3A_2177 = arith.constant 128 : i32
        %rem3A_2178 = arith.remsi %sub3A_2176, %rem3A_2177 : i32
        %add3A_2179 = arith.constant 1793 : i32
        %add3A_2180 = arith.addi %add3A_2179, %rem3A_2178 : i32
        %add3A_2181 = arith.constant 1536 : i32
        %add3A_2182 = arith.addi %sub3A_2169, %add3A_2181 : i32
        %sub3A_2183 = arith.subi %add3A_2182, %add3A_2180 : i32
        %lt3A_2184 = arith.constant 0 : i32
        %lt3A_2185 = arith.cmpi slt, %sub3A_2183, %lt3A_2184 : i32
        %gt3A_2186 = arith.constant 128 : i32
        %gt3A_2187 = arith.cmpi sgt, %sub3A_2183, %gt3A_2186 : i32
        %add3A_2188 = arith.constant 2 : i32
        %add3A_2189 = arith.addi %add3A_2188, %sub3A_2172 : i32
        %jit3A_2190 = arith.constant 1 : i32
        %select_n3A_2191 = arith.select %gt3A_2187, %jit3A_2190, %add3A_2189 : i32
        %jit3A_2192 = arith.constant 0 : i32
        %select_n3A_2193 = arith.select %lt3A_2185, %jit3A_2192, %select_n3A_2191 : i32
        %jit3A_2194 = arith.constant 0 : i32
        %jit3A_2195 = arith.constant 128 : i32
        %max3A_2196 = arith.maxsi %jit3A_2194, %sub3A_2183 : i32
        %min3A_2197 = arith.minsi %jit3A_2195, %max3A_2196 : i32
        %multiple_of3A_2198 = tpu.assume_multiple %min3A_2197, 128 : i32
        %dma_wait3A_2199 = arith.constant 0 : i32
        %dma_wait3A_2200 = arith.constant 1536 : i32
        %dma_wait3A_2201 = tpu.memref_slice %arg3[%add3A_2167, %dma_wait3A_2199, %dma_wait3A_2200] : memref<2048x64x2048xf32, #tpu.memory_space<hbm>> -> memref<1x64x128xf32, #tpu.memory_space<hbm>>
        %dma_wait3A_2202 = tpu.memref_squeeze %dma_wait3A_2201 : memref<1x64x128xf32, #tpu.memory_space<hbm>> -> memref<64x128xf32, #tpu.memory_space<hbm>>
        %dma_wait3A_2203 = arith.constant 0 : i32
        %dma_wait3A_2204 = tpu.memref_slice %arg7[%select_n3A_2193, %dma_wait3A_2203, %multiple_of3A_2198] : memref<66x64x256xf32, #tpu.memory_space<vmem_shared>> -> memref<1x64x128xf32, #tpu.memory_space<vmem_shared>>
        %dma_wait3A_2205 = tpu.memref_squeeze %dma_wait3A_2204 : memref<1x64x128xf32, #tpu.memory_space<vmem_shared>> -> memref<64x128xf32, #tpu.memory_space<vmem_shared>>
        tpu.wait_dma2 semaphore(%arg9 : memref<!tpu.dma_semaphore, #tpu.memory_space<semaphore_mem>>) src(%dma_wait3A_2205 : memref<64x128xf32, #tpu.memory_space<vmem_shared>>) dst(%dma_wait3A_2202 : memref<64x128xf32, #tpu.memory_space<hbm>>)
        %sub3A_2206 = arith.constant 1 : i32
        %sub3A_2207 = arith.subi %scan3A_1603, %sub3A_2206 : i32
        %mul3A_2208 = arith.constant 128 : i32
        %mul3A_2209 = arith.muli %mul3A_2208, %arg1 : i32
        %mul3A_2210 = arith.constant 64 : i32
        %mul3A_2211 = arith.muli %mul3A_2210, %arg0 : i32
        %add3A_2212 = arith.addi %mul3A_2209, %mul3A_2211 : i32
        %add3A_2213 = arith.addi %add3A_2212, %sub3A_2207 : i32
        %sub3A_2214 = arith.constant 2047 : i32
        %sub3A_2215 = arith.subi %sub3A_2214, %add3A_2213 : i32
        %rem3A_2216 = arith.constant 128 : i32
        %rem3A_2217 = arith.remsi %sub3A_2215, %rem3A_2216 : i32
        %sub3A_2218 = arith.subi %rem3A_2217, %mul3A_1 : i32
        %add3A_2219 = arith.constant 128 : i32
        %add3A_2220 = arith.addi %rem3A_2217, %add3A_2219 : i32
        %sub3A_2221 = arith.constant 1 : i32
        %sub3A_2222 = arith.subi %add3A_2220, %sub3A_2221 : i32
        %rem3A_2223 = arith.constant 128 : i32
        %rem3A_2224 = arith.remsi %sub3A_2222, %rem3A_2223 : i32
        %add3A_2225 = arith.constant 1793 : i32
        %add3A_2226 = arith.addi %add3A_2225, %rem3A_2224 : i32
        %add3A_2227 = arith.constant 1664 : i32
        %add3A_2228 = arith.addi %sub3A_2215, %add3A_2227 : i32
        %sub3A_2229 = arith.subi %add3A_2228, %add3A_2226 : i32
        %lt3A_2230 = arith.constant 0 : i32
        %lt3A_2231 = arith.cmpi slt, %sub3A_2229, %lt3A_2230 : i32
        %gt3A_2232 = arith.constant 128 : i32
        %gt3A_2233 = arith.cmpi sgt, %sub3A_2229, %gt3A_2232 : i32
        %add3A_2234 = arith.constant 2 : i32
        %add3A_2235 = arith.addi %add3A_2234, %sub3A_2218 : i32
        %jit3A_2236 = arith.constant 1 : i32
        %select_n3A_2237 = arith.select %gt3A_2233, %jit3A_2236, %add3A_2235 : i32
        %jit3A_2238 = arith.constant 0 : i32
        %select_n3A_2239 = arith.select %lt3A_2231, %jit3A_2238, %select_n3A_2237 : i32
        %jit3A_2240 = arith.constant 0 : i32
        %jit3A_2241 = arith.constant 128 : i32
        %max3A_2242 = arith.maxsi %jit3A_2240, %sub3A_2229 : i32
        %min3A_2243 = arith.minsi %jit3A_2241, %max3A_2242 : i32
        %multiple_of3A_2244 = tpu.assume_multiple %min3A_2243, 128 : i32
        %dma_wait3A_2245 = arith.constant 0 : i32
        %dma_wait3A_2246 = arith.constant 1664 : i32
        %dma_wait3A_2247 = tpu.memref_slice %arg3[%add3A_2213, %dma_wait3A_2245, %dma_wait3A_2246] : memref<2048x64x2048xf32, #tpu.memory_space<hbm>> -> memref<1x64x128xf32, #tpu.memory_space<hbm>>
        %dma_wait3A_2248 = tpu.memref_squeeze %dma_wait3A_2247 : memref<1x64x128xf32, #tpu.memory_space<hbm>> -> memref<64x128xf32, #tpu.memory_space<hbm>>
        %dma_wait3A_2249 = arith.constant 0 : i32
        %dma_wait3A_2250 = tpu.memref_slice %arg7[%select_n3A_2239, %dma_wait3A_2249, %multiple_of3A_2244] : memref<66x64x256xf32, #tpu.memory_space<vmem_shared>> -> memref<1x64x128xf32, #tpu.memory_space<vmem_shared>>
        %dma_wait3A_2251 = tpu.memref_squeeze %dma_wait3A_2250 : memref<1x64x128xf32, #tpu.memory_space<vmem_shared>> -> memref<64x128xf32, #tpu.memory_space<vmem_shared>>
        tpu.wait_dma2 semaphore(%arg9 : memref<!tpu.dma_semaphore, #tpu.memory_space<semaphore_mem>>) src(%dma_wait3A_2251 : memref<64x128xf32, #tpu.memory_space<vmem_shared>>) dst(%dma_wait3A_2248 : memref<64x128xf32, #tpu.memory_space<hbm>>)
        %sub3A_2252 = arith.constant 1 : i32
        %sub3A_2253 = arith.subi %scan3A_1603, %sub3A_2252 : i32
        %mul3A_2254 = arith.constant 128 : i32
        %mul3A_2255 = arith.muli %mul3A_2254, %arg1 : i32
        %mul3A_2256 = arith.constant 64 : i32
        %mul3A_2257 = arith.muli %mul3A_2256, %arg0 : i32
        %add3A_2258 = arith.addi %mul3A_2255, %mul3A_2257 : i32
        %add3A_2259 = arith.addi %add3A_2258, %sub3A_2253 : i32
        %sub3A_2260 = arith.constant 2047 : i32
        %sub3A_2261 = arith.subi %sub3A_2260, %add3A_2259 : i32
        %rem3A_2262 = arith.constant 128 : i32
        %rem3A_2263 = arith.remsi %sub3A_2261, %rem3A_2262 : i32
        %sub3A_2264 = arith.subi %rem3A_2263, %mul3A_1 : i32
        %add3A_2265 = arith.constant 128 : i32
        %add3A_2266 = arith.addi %rem3A_2263, %add3A_2265 : i32
        %sub3A_2267 = arith.constant 1 : i32
        %sub3A_2268 = arith.subi %add3A_2266, %sub3A_2267 : i32
        %rem3A_2269 = arith.constant 128 : i32
        %rem3A_2270 = arith.remsi %sub3A_2268, %rem3A_2269 : i32
        %add3A_2271 = arith.constant 1793 : i32
        %add3A_2272 = arith.addi %add3A_2271, %rem3A_2270 : i32
        %add3A_2273 = arith.constant 1792 : i32
        %add3A_2274 = arith.addi %sub3A_2261, %add3A_2273 : i32
        %sub3A_2275 = arith.subi %add3A_2274, %add3A_2272 : i32
        %lt3A_2276 = arith.constant 0 : i32
        %lt3A_2277 = arith.cmpi slt, %sub3A_2275, %lt3A_2276 : i32
        %gt3A_2278 = arith.constant 128 : i32
        %gt3A_2279 = arith.cmpi sgt, %sub3A_2275, %gt3A_2278 : i32
        %add3A_2280 = arith.constant 2 : i32
        %add3A_2281 = arith.addi %add3A_2280, %sub3A_2264 : i32
        %jit3A_2282 = arith.constant 1 : i32
        %select_n3A_2283 = arith.select %gt3A_2279, %jit3A_2282, %add3A_2281 : i32
        %jit3A_2284 = arith.constant 0 : i32
        %select_n3A_2285 = arith.select %lt3A_2277, %jit3A_2284, %select_n3A_2283 : i32
        %jit3A_2286 = arith.constant 0 : i32
        %jit3A_2287 = arith.constant 128 : i32
        %max3A_2288 = arith.maxsi %jit3A_2286, %sub3A_2275 : i32
        %min3A_2289 = arith.minsi %jit3A_2287, %max3A_2288 : i32
        %multiple_of3A_2290 = tpu.assume_multiple %min3A_2289, 128 : i32
        %dma_wait3A_2291 = arith.constant 0 : i32
        %dma_wait3A_2292 = arith.constant 1792 : i32
        %dma_wait3A_2293 = tpu.memref_slice %arg3[%add3A_2259, %dma_wait3A_2291, %dma_wait3A_2292] : memref<2048x64x2048xf32, #tpu.memory_space<hbm>> -> memref<1x64x128xf32, #tpu.memory_space<hbm>>
        %dma_wait3A_2294 = tpu.memref_squeeze %dma_wait3A_2293 : memref<1x64x128xf32, #tpu.memory_space<hbm>> -> memref<64x128xf32, #tpu.memory_space<hbm>>
        %dma_wait3A_2295 = arith.constant 0 : i32
        %dma_wait3A_2296 = tpu.memref_slice %arg7[%select_n3A_2285, %dma_wait3A_2295, %multiple_of3A_2290] : memref<66x64x256xf32, #tpu.memory_space<vmem_shared>> -> memref<1x64x128xf32, #tpu.memory_space<vmem_shared>>
        %dma_wait3A_2297 = tpu.memref_squeeze %dma_wait3A_2296 : memref<1x64x128xf32, #tpu.memory_space<vmem_shared>> -> memref<64x128xf32, #tpu.memory_space<vmem_shared>>
        tpu.wait_dma2 semaphore(%arg9 : memref<!tpu.dma_semaphore, #tpu.memory_space<semaphore_mem>>) src(%dma_wait3A_2297 : memref<64x128xf32, #tpu.memory_space<vmem_shared>>) dst(%dma_wait3A_2294 : memref<64x128xf32, #tpu.memory_space<hbm>>)
        %sub3A_2298 = arith.constant 1 : i32
        %sub3A_2299 = arith.subi %scan3A_1603, %sub3A_2298 : i32
        %mul3A_2300 = arith.constant 128 : i32
        %mul3A_2301 = arith.muli %mul3A_2300, %arg1 : i32
        %mul3A_2302 = arith.constant 64 : i32
        %mul3A_2303 = arith.muli %mul3A_2302, %arg0 : i32
        %add3A_2304 = arith.addi %mul3A_2301, %mul3A_2303 : i32
        %add3A_2305 = arith.addi %add3A_2304, %sub3A_2299 : i32
        %sub3A_2306 = arith.constant 2047 : i32
        %sub3A_2307 = arith.subi %sub3A_2306, %add3A_2305 : i32
        %rem3A_2308 = arith.constant 128 : i32
        %rem3A_2309 = arith.remsi %sub3A_2307, %rem3A_2308 : i32
        %sub3A_2310 = arith.subi %rem3A_2309, %mul3A_1 : i32
        %add3A_2311 = arith.constant 128 : i32
        %add3A_2312 = arith.addi %rem3A_2309, %add3A_2311 : i32
        %sub3A_2313 = arith.constant 1 : i32
        %sub3A_2314 = arith.subi %add3A_2312, %sub3A_2313 : i32
        %rem3A_2315 = arith.constant 128 : i32
        %rem3A_2316 = arith.remsi %sub3A_2314, %rem3A_2315 : i32
        %add3A_2317 = arith.constant 1793 : i32
        %add3A_2318 = arith.addi %add3A_2317, %rem3A_2316 : i32
        %add3A_2319 = arith.constant 1920 : i32
        %add3A_2320 = arith.addi %sub3A_2307, %add3A_2319 : i32
        %sub3A_2321 = arith.subi %add3A_2320, %add3A_2318 : i32
        %lt3A_2322 = arith.constant 0 : i32
        %lt3A_2323 = arith.cmpi slt, %sub3A_2321, %lt3A_2322 : i32
        %gt3A_2324 = arith.constant 128 : i32
        %gt3A_2325 = arith.cmpi sgt, %sub3A_2321, %gt3A_2324 : i32
        %add3A_2326 = arith.constant 2 : i32
        %add3A_2327 = arith.addi %add3A_2326, %sub3A_2310 : i32
        %jit3A_2328 = arith.constant 1 : i32
        %select_n3A_2329 = arith.select %gt3A_2325, %jit3A_2328, %add3A_2327 : i32
        %jit3A_2330 = arith.constant 0 : i32
        %select_n3A_2331 = arith.select %lt3A_2323, %jit3A_2330, %select_n3A_2329 : i32
        %jit3A_2332 = arith.constant 0 : i32
        %jit3A_2333 = arith.constant 128 : i32
        %max3A_2334 = arith.maxsi %jit3A_2332, %sub3A_2321 : i32
        %min3A_2335 = arith.minsi %jit3A_2333, %max3A_2334 : i32
        %multiple_of3A_2336 = tpu.assume_multiple %min3A_2335, 128 : i32
        %dma_wait3A_2337 = arith.constant 0 : i32
        %dma_wait3A_2338 = arith.constant 1920 : i32
        %dma_wait3A_2339 = tpu.memref_slice %arg3[%add3A_2305, %dma_wait3A_2337, %dma_wait3A_2338] : memref<2048x64x2048xf32, #tpu.memory_space<hbm>> -> memref<1x64x128xf32, #tpu.memory_space<hbm>>
        %dma_wait3A_2340 = tpu.memref_squeeze %dma_wait3A_2339 : memref<1x64x128xf32, #tpu.memory_space<hbm>> -> memref<64x128xf32, #tpu.memory_space<hbm>>
        %dma_wait3A_2341 = arith.constant 0 : i32
        %dma_wait3A_2342 = tpu.memref_slice %arg7[%select_n3A_2331, %dma_wait3A_2341, %multiple_of3A_2336] : memref<66x64x256xf32, #tpu.memory_space<vmem_shared>> -> memref<1x64x128xf32, #tpu.memory_space<vmem_shared>>
        %dma_wait3A_2343 = tpu.memref_squeeze %dma_wait3A_2342 : memref<1x64x128xf32, #tpu.memory_space<vmem_shared>> -> memref<64x128xf32, #tpu.memory_space<vmem_shared>>
        tpu.wait_dma2 semaphore(%arg9 : memref<!tpu.dma_semaphore, #tpu.memory_space<semaphore_mem>>) src(%dma_wait3A_2343 : memref<64x128xf32, #tpu.memory_space<vmem_shared>>) dst(%dma_wait3A_2340 : memref<64x128xf32, #tpu.memory_space<hbm>>)
      } else {
      }
    }
    %scan3A_1602 = arith.constant 65 : i32
    return
  }
}

</mosaic_0001>

<sc_bundles>
// kernel: _rel_pos.3.cloned.1.call-start
scs
__scs_entry_jumppad:
0x0: {  	(pc) =	sbr.rel $0x88, $3  }
0x1: {  	(tag) =	ssettag $0x0;
	lr =	simm.s32 $0x1  }
0x2: {  	[smem:$0x3FA0] =	sst lr;
	_ =	strace $0xD0000000  }
0x3: {  	_ = 	snop  }
0x4: {  	_ = 	snop  }
0x5: {  	_ = 	snop  }
0x6: {  	_ = 	snop  }
0x7: {  	_ = 	snop  }
__scs_overlays_trampoline_lowered:
0x8: {  	[smem:$0x3FAF] =	sst s0  }
0x9: {  	[smem:$0x3FB0] =	sst s1  }
0xa: {  	[smem:$0x3FB1] =	sst s2  }
0xb: {  	[smem:$0x3FB2] =	sst s3  }
0xc: {  	[smem:$0x3FB3] =	sst s4  }
0xd: {  	[smem:$0x3FB4] =	sst s5  }
0xe: {  	[smem:$0x3FB5] =	sst s6  }
0xf: {  	[smem:$0x3FB6] =	sst s7  }
0x10: {  	[smem:$0x3FB7] =	sst s8  }
0x11: {  	[smem:$0x3FB8] =	sst s9;
	s0 =	simm.s32 @!p0 $0x0  }
0x12: {  	s1 =	sld [smem:$0x3F9E];
	s0 =	simm.s32 @p0 $0x1  }
0x13: {  	[smem:$0x3FB9] =	sst s0;
	s0 =	simm.s32 @!p1 $0x0  }
0x14: {  	s2 =	sld [smem:$0x3F9D];
	s0 =	simm.s32 @p1 $0x1  }
0x15: {  	[smem:$0x3FBA] =	sst s0;
	s0 =	simm.s32 @!p2 $0x0  }
0x16: {  	s3 =	sld [smem:$0x3FDB];
	s0 =	simm.s32 @p2 $0x1  }
0x17: {  	s4 =	simm.s32 $0x1BF5;
	[smem:$0x3FBC] =	sst s0  }
0x18: {  	s0 =	sld [smem:$0x3F9F];
	_ =	swait.ge [sflag:s4], $0x0  }
0x19: {  	s7 =	sld [smem:$0x3FA0]  }
0x1a: {  	s8 =	sadd.s32 $0xFFFFE003, lr  }
0x1b: {  	s9 =	sadd.s32 $0xFFFFFEF7, lr;
	s5 =	simm.s32 $0xFFFFFFFF;
	p2 =	slt.u32 s8, $0xFFFFF086  }
0x1c: {  	p1 =	slt.u32 s9, $0xF7A;
	s5 =	simm.s32 @!p2 $0x0  }
0x1d: {  	s5 =	simm.s32 @p1 $0x1;
	p0 =	seq.s32 s7, s2  }
0x1e: {  	s7 =	smul.u32 @!p0 $0xF7A, s2;
	p2 =	seq.s32 @!p0 s5, $0x0  }
0x1f: {  	s9 =	smul.u32 $0xF7A, s1;
	s8 =	simm.s32 @!p0 $0x1BF5;
	p2 =	por !p2, p0  }
0x20: {  	[sflag:s8] =	ssyncset.s32 @!p0 $0xFFFFF086;
	s6 =	sadd.s32 @!p0 s3, s7;
	s7 =	simm.s32 @!p0 $0x108  }
0x21: {  	s3 =	sadd.s32 s3, s9;
	s6 =	sadd.s32 @!p0 $0x88, s6;
	s7 =	simm.s32 @p2 $0x1082  }
0x22: {  	[simem:s7], [sflag:s8] =	dma.local @!p0 [hbm:s6], $0xF7A  }
0x23: {  	s9 =	sor.u32 $0xD0000000, s2;
	s6 =	simm.s32 $0x108;
	_ =	swait.ge @!p0 [sflag:s8], $0x0  }
0x24: {  	s3 =	sadd.s32 $0x88, s3;
	s6 =	simm.s32 @!p1 $0x1082;
	[sflag:s4] =	ssyncset.s32 $0xFFFFF086  }
0x25: {  	[simem:s6], [sflag:s4] =	dma.local [hbm:s3], $0xF7A  }
0x26: {  	[smem:$0x3FA0] =	sst s1;
	(tag) =	ssettag s2;
	_ =	strace s9  }
0x27: {  	s1 =	sld [smem:$0x3FB0]  }
0x28: {  	s2 =	sld [smem:$0x3FB1]  }
0x29: {  	s4 =	sld [smem:$0x3FB3]  }
0x2a: {  	p0 =	seq.s32 s5, $0x0;
	s5 =	sld [smem:$0x3FB4]  }
0x2b: {  	s6 =	sld [smem:$0x3FB5]  }
0x2c: {  	s7 =	sld [smem:$0x3FB6]  }
0x2d: {  	s3 =	simm.s32 $0x108;
	s8 =	sld [smem:$0x3FB7]  }
0x2e: {  	s3 =	simm.s32 @!p0 $0x1082;
	s9 =	sld [smem:$0x3FB8]  }
0x2f: {  	lr =	sadd.s32 s0, s3;
	s0 =	sld [smem:$0x3FAF]  }
0x30: {  	s3 =	sld [smem:$0x3FB2]  }
0x31: {  	[smem:$0x3FBB] =	sst s10  }
0x32: {  	s10 =	sld [smem:$0x3FB9];
	_ =	sdelay $0x3  }
0x33: {  	p0 =	seq.s32 s10, $0x1;
	s10 =	sld [smem:$0x3FBB];
	_ =	sdelay $0x3  }
0x34: {  	[smem:$0x3FBB] =	sst s10  }
0x35: {  	s10 =	sld [smem:$0x3FBA];
	_ =	sdelay $0x3  }
0x36: {  	p1 =	seq.s32 s10, $0x1;
	s10 =	sld [smem:$0x3FBB];
	_ =	sdelay $0x3  }
0x37: {  	[smem:$0x3FBB] =	sst s10  }
0x38: {  	s10 =	sld [smem:$0x3FBC]  }
0x39: {  	_ = 	snop;
	(pc) =	sbr.ind lr, $3  }
0x3a: {  	_ = 	snop  }
0x3b: {  	_ = 	snop  }
0x3c: {  	p2 =	seq.s32 s10, $0x1;
	s10 =	sld [smem:$0x3FBB]  }
0x3d: {  	_ =	shalt  }
0x3e: {  	_ =	shalt  }
0x3f: {  	_ =	shalt  }
0x40: {  	_ =	shalt  }
0x41: {  	_ =	shalt  }
0x42: {  	_ =	shalt  }
0x43: {  	_ =	shalt  }
0x44: {  	_ =	shalt  }
0x45: {  	_ =	shalt  }
0x46: {  	_ =	shalt  }
0x47: {  	_ =	shalt  }
0x48: {  	_ =	shalt  }
0x49: {  	_ =	shalt  }
0x4a: {  	_ =	shalt  }
0x4b: {  	_ =	shalt  }
0x4c: {  	_ =	shalt  }
0x4d: {  	_ =	shalt  }
0x4e: {  	_ =	shalt  }
0x4f: {  	_ =	shalt  }
0x50: {  	_ =	shalt  }
0x51: {  	_ =	shalt  }
0x52: {  	_ =	shalt  }
0x53: {  	_ =	shalt  }
0x54: {  	_ =	shalt  }
0x55: {  	_ =	shalt  }
0x56: {  	_ =	shalt  }
0x57: {  	_ =	shalt  }
0x58: {  	_ =	shalt  }
0x59: {  	_ =	shalt  }
0x5a: {  	_ =	shalt  }
0x5b: {  	_ =	shalt  }
0x5c: {  	_ =	shalt  }
0x5d: {  	_ =	shalt  }
0x5e: {  	_ =	shalt  }
0x5f: {  	_ =	shalt  }
0x60: {  	_ =	shalt  }
0x61: {  	_ =	shalt  }
0x62: {  	_ =	shalt  }
0x63: {  	_ =	shalt  }
0x64: {  	_ =	shalt  }
0x65: {  	_ =	shalt  }
0x66: {  	_ =	shalt  }
0x67: {  	_ =	shalt  }
0x68: {  	_ =	shalt  }
0x69: {  	_ =	shalt  }
0x6a: {  	_ =	shalt  }
0x6b: {  	_ =	shalt  }
0x6c: {  	_ =	shalt  }
0x6d: {  	_ =	shalt  }
0x6e: {  	_ =	shalt  }
0x6f: {  	_ =	shalt  }
0x70: {  	_ =	shalt  }
0x71: {  	_ =	shalt  }
0x72: {  	_ =	shalt  }
0x73: {  	_ =	shalt  }
0x74: {  	_ =	shalt  }
0x75: {  	_ =	shalt  }
0x76: {  	_ =	shalt  }
0x77: {  	_ =	shalt  }
0x78: {  	_ =	shalt  }
0x79: {  	_ =	shalt  }
0x7a: {  	_ =	shalt  }
0x7b: {  	_ =	shalt  }
0x7c: {  	_ =	shalt  }
0x7d: {  	_ =	shalt  }
0x7e: {  	_ =	shalt  }
0x7f: {  	_ =	shalt  }
0x80: {  	_ =	shalt  }
0x81: {  	_ =	shalt  }
0x82: {  	_ =	shalt  }
0x83: {  	_ =	shalt  }
0x84: {  	_ =	shalt  }
0x85: {  	_ =	shalt  }
0x86: {  	_ =	shalt  }
0x87: {  	_ =	shalt  }
.Lfunc_end0:
.L_simem_size_0:
called_computation_lowered:
.L_overlay_start_0:
0x88: {  	s2 =	sld [smem:$0x3FD9]  }
0x89: {  	s3 =	sld [smem:$0x3FFE];
	_ =	sdelay $0x1  }
0x8a: {  	s1 =	srdreg.scid  }
0x8b: {  	s0 =	sand.u32 $0x1, s1  }
0x8c: {  	s17 =	sshll.u32 s0, $0xA;
	s2 =	sadd.s32 s3, s2  }
0x8d: {  	s2 =	sadd.s32 s2, s17  }
0x8e: {  	[smem:$0x3FC7] =	sst s2  }
0x8f: {  	_ = 	snop  }
0x90: {  	s2 =	sld [smem:$0x3FD0];
	(tm) =	ssettm $0x1  }
0x91: {  	s18 =	sld [smem:$0x3FFB];
	_ =	sdelay $0x3  }
0x92: {  	_ =	strace s18  }
0x93: {  	s3 =	sld [smem:$0x3FFC];
	_ =	sdelay $0x3  }
0x94: {  	_ =	strace s3  }
0x95: {  	s3 =	sld [smem:$0x3FFD];
	_ =	sdelay $0x3  }
0x96: {  	_ =	strace s3  }
0x97: {  	_ =	strace $0x8FFFFFFF  }
0x98: {  	s19 =	sld [smem:$0x3FDB];
	_ =	sdelay $0x1  }
0x99: {  	s4 =	simm.s32 $_scs_section_size  }
0x9a: {  	s5 =	simm.s32 $_size__tile_overlayer_lowered;
	s6 =	simm.s32 $_tile_overlayer_lowered  }
0x9b: {  	s22 =	simm.s32 $0x1BFF;
	s21 =	sshll.u32 s6, $0x1;
	s3 =	sadd.s32 s4, s19  }
0x9c: {  	s7 =	simm.s32 $0x0;
	s20 =	sshll.u32 s5, $0x1;
	s5 =	sadd.s32 s21, s3  }
0x9d: {  	[timem:s7], [sflag:s22] =	dma.local [hbm:s5], s20  }
0x9e: {  	_ =	swait.ge [sflag:s22], s20  }
0x9f: {  	s4 =	ssub.s32 $0x0, s20;
	[sflag:s22] =	ssyncset.done $0x0  }
0xa0: {  	[sflag:s22] =	ssyncadd.s32 s4;
	_ =	sdelay $0x1  }
0xa1: {  	s23 =	simm.s32 $0x1B8B  }
0xa2: {  	_ =	swait.ge [sflag:s23], $0x1  }
0xa3: {  	[sflag:s23] =	ssyncset.done $0x0  }
0xa4: {  	s25 =	simm.s32 $0x1B8E;
	s24 =	sld [smem:$0x3FFE];
	[sflag:s23] =	ssyncadd.s32 $0xFFFFFFFF  }
0xa5: {  	s26 =	simm.s32 $execute0_lowered;
	[smem:$0x3FD2] =	sst s25  }
0xa6: {  	s5 =	sshll.u32 s26, $0x1;
	_ =	strace $0x80000046;
	[dreg:$0x1] =	wrdreg $0xFFFFFFFF  }
0xa7: {  	s28 =	simm.s32 $_size_execute0_lowered;
	s3 =	sadd.s32 s3, s5;
	[dreg:$0x0] =	wrdreg $0x0  }
0xa8: {  	s5 =	sshll.u32 s28, $0x1;
	[dreg:$0x2] =	wrdreg s3  }
0xa9: {  	[dreg:$0x3] =	wrdreg s5  }
0xaa: {  	[dreg:$0x4] =	wrdreg $0xC0  }
0xab: {  	_ =	task [dreg:s7], $0x5FFFF  }
0xac: {  	[dreg:$0x1] =	wrdreg $0xFFFFFFFF  }
0xad: {  	[dreg:$0x0] =	wrdreg $0x60  }
0xae: {  	[dreg:$0x2] =	wrdreg s24  }
0xaf: {  	[dreg:$0x3] =	wrdreg s2  }
0xb0: {  	[dreg:$0x4] =	wrdreg $0x8C000  }
0xb1: {  	[dreg:$0x5] =	wrdreg $0x9  }
0xb2: {  	_ =	task.clear_ibuf [dreg:s7], $0x6FFFF;
	_ =	strace $0x90000046  }
0xb3: {  	s29 =	simm.s32 $0x9;
	_ =	strace $0x80000048  }
0xb4: {  	_ =	swait.ge [sflag:s29], $0x1  }
0xb5: {  	[sflag:s29] =	ssyncadd.s32 $0xFFFFFFFF  }
0xb6: {  	_ =	strace $0x90000048  }
0xb7: {  	_ =	sfence  }
0xb8: {  	s30 =	sld [smem:$0x0];
	_ =	sdelay $0x2  }
0xb9: {  	s31 =	sshll.u32 s1, $0xD;
	s1 =	sshrl.u32 s1, $0x2  }
0xba: {  	s3 =	sand.u32 $0x4000, s31;
	s1 =	sadd.s32 s1, s30  }
0xbb: {  	s0 =	sor.u32 s3, s0;
	s1 =	sshll.u32 s1, $0x11  }
0xbc: {  	s0 =	sor.u32 s1, s0  }
0xbd: {  	s0 =	sadd.s32 $0x8F2B, s0  }
0xbe: {  	[sflag:s0] =	ssyncadd.remote.s32 $0x1  }
0xbf: {  	_ =	sfence.sel $0xFFFF  }
0xc0: {  	[dreg:$0x0] =	wrdreg $0xFFFFFFFF;
	(pc) =	sbr.abs _section_cstart, $3  }
0xc1: {  	[dreg:$0x1] =	wrdreg $0xFFFFFFFF  }
0xc2: {  	_ =	task.clear_ibuf [dreg:s7], $0x2FFFF;
	_ =	strace $0x9FFFFFFF  }
0xc3: {  	(tm) =	ssettm $0x7FFFFFFF  }
tec
execute0_lowered:
.L_overlay_start_1:
0x0: {  	(tag) =	ssettag $0x1  }
0x1: {  	s0 =	stileid.u32  }
0x2: {  	s1 =	smul.u32 $0x5, s0  }
0x3: {  	s2 =	srdreg.scid  }
0x4: {  	s11 =	sand.u32 $0x1, s2;
	s5 =	smin.u32 s1, $0x41  }
0x5: {  	s12 =	sshll.u32 s11, $0x6;
	s26 =	smax.u32 s5, $0x2  }
0x6: {  	s2 =	ssub.s32 s26, s12  }
0x7: {  	s2 =	sadd.s32 $0x3D, s2  }
0x8: {  	s2 =	sand.u32 $0x7F, s2  }
0x9: {  	v0 =	vlaneseq.u32;
	p0 =	seq.s32 s0, $0x0;
	s2 =	sadd.s32 $0x701, s2  }
0xa: {  	v10 =	vadd.s32 $0xFFFFF881, v0;
	s2 =	simm.s32 @p0 $0x0  }
0xb: {  	v0 =	vadd.s32 s2, v10  }
0xc: {  	s3 =	sadd.s32 $0x10, s2;
	vm0 =	vgt.s32 v0, $0x0  }
0xd: {  	v1 =	vadd.s32 s3, v10;
	v0 =	vnsel vm0, $0x0, v0  }
0xe: {  	vm9 =	vgt.s32 v1, $0x0;
	v0 =	vmin.u32 v0, $0x80  }
0xf: {  	s28 =	sadd.s32 $0x20, s2;
	[tilespmem:$0x1FEE0] =	vst v0;
	v0 =	vnsel vm9, $0x0, v1  }
0x10: {  	s29 =	sadd.s32 $0x30, s2;
	v1 =	vadd.s32 s28, v10;
	v0 =	vmin.u32 v0, $0x80  }
0x11: {  	vm10 =	vgt.s32 v1, $0x0;
	[tilespmem:$0x1FEF0] =	vst v0;
	v0 =	vadd.s32 s29, v10  }
0x12: {  	s30 =	sadd.s32 $0x40, s2;
	v1 =	vnsel vm10, $0x0, v1;
	vm11 =	vgt.s32 v0, $0x0  }
0x13: {  	s31 =	sadd.s32 $0x50, s2;
	v2 =	vadd.s32 s30, v10;
	v1 =	vmin.u32 v1, $0x80;
	v0 =	vnsel vm11, $0x0, v0  }
0x14: {  	vm12 =	vgt.s32 v2, $0x0;
	[tilespmem:$0x1FF00] =	vst v1;
	v1 =	vadd.s32 s31, v10;
	v0 =	vmin.u32 v0, $0x80  }
0x15: {  	vm13 =	vgt.s32 v1, $0x0;
	[tilespmem:$0x1FF10] =	vst v0;
	v0 =	vnsel vm12, $0x0, v2  }
0x16: {  	s4 =	sadd.s32 $0x60, s2;
	v1 =	vnsel vm13, $0x0, v1;
	v0 =	vmin.u32 v0, $0x80  }
0x17: {  	s7 =	sadd.s32 $0x80, s2;
	v1 =	vmin.u32 v1, $0x80;
	[tilespmem:$0x1FF20] =	vst v0;
	v0 =	vadd.s32 s4, v10  }
0x18: {  	s6 =	sadd.s32 $0x70, s2;
	[tilespmem:$0x1FF30] =	vst v1;
	v1 =	vadd.s32 s7, v10;
	vm14 =	vgt.s32 v0, $0x0  }
0x19: {  	v2 =	vadd.s32 s6, v10;
	vm4 =	vgt.s32 v1, $0x0;
	v0 =	vnsel vm14, $0x0, v0  }
0x1a: {  	vm15 =	vgt.s32 v2, $0x0;
	v1 =	vnsel vm4, $0x0, v1;
	v0 =	vmin.u32 v0, $0x80  }
0x1b: {  	s10 =	sadd.s32 $0xB0, s2;
	v1 =	vmin.u32 v1, $0x80;
	[tilespmem:$0x1FF40] =	vst v0;
	v0 =	vnsel vm15, $0x0, v2  }
0x1c: {  	s8 =	sadd.s32 $0x90, s2;
	s6 =	smin.u32 s1, $0x40;
	[tilespmem:$0x1FF60] =	vst v1;
	v1 =	vadd.s32 s10, v10;
	v0 =	vmin.u32 v0, $0x80  }
0x1d: {  	s4 =	smax.u32 s6, $0x1;
	vm7 =	vgt.s32 v1, $0x0;
	[tilespmem:$0x1FF50] =	vst v0;
	v0 =	vadd.s32 s8, v10  }
0x1e: {  	s9 =	sadd.s32 $0xA0, s2;
	s4 =	ssub.s32 s4, s12;
	v1 =	vnsel vm7, $0x0, v1;
	vm5 =	vgt.s32 v0, $0x0  }
0x1f: {  	s16 =	sadd.s32 $0xE0, s2;
	s15 =	sadd.s32 $0x3E, s4;
	v2 =	vadd.s32 s9, v10;
	v1 =	vmin.u32 v1, $0x80;
	v0 =	vnsel vm5, $0x0, v0  }
0x20: {  	s13 =	sadd.s32 $0xC0, s2;
	s3 =	sand.u32 $0x7F, s15;
	vm6 =	vgt.s32 v2, $0x0;
	[tilespmem:$0x1FF90] =	vst v1;
	v1 =	vadd.s32 s16, v10;
	v0 =	vmin.u32 v0, $0x80  }
0x21: {  	s14 =	sadd.s32 $0xD0, s2;
	s17 =	sadd.s32 $0xF0, s2;
	s2 =	sadd.s32 $0x701, s3;
	vm10 =	vgt.s32 v1, $0x0;
	[tilespmem:$0x1FF70] =	vst v0;
	v0 =	vnsel vm6, $0x0, v2  }
0x22: {  	s2 =	simm.s32 @p0 $0x800;
	v1 =	vnsel vm10, $0x0, v1;
	v0 =	vmin.u32 v0, $0x80  }
0x23: {  	s18 =	sadd.s32 $0x10, s2;
	v1 =	vmin.u32 v1, $0x80;
	[tilespmem:$0x1FF80] =	vst v0;
	v0 =	vadd.s32 s13, v10  }
0x24: {  	[tilespmem:$0x1FFC0] =	vst v1;
	v1 =	vadd.s32 s18, v10;
	vm8 =	vgt.s32 v0, $0x0  }
0x25: {  	v2 =	vadd.s32 s14, v10;
	vm13 =	vgt.s32 v1, $0x0;
	v0 =	vnsel vm8, $0x0, v0  }
0x26: {  	vm9 =	vgt.s32 v2, $0x0;
	v1 =	vnsel vm13, $0x0, v1;
	v0 =	vmin.u32 v0, $0x80  }
0x27: {  	s21 =	sadd.s32 $0x40, s2;
	v1 =	vmin.u32 v1, $0x80;
	[tilespmem:$0x1FFA0] =	vst v0;
	v0 =	vnsel vm9, $0x0, v2  }
0x28: {  	[tilespmem:$0x1FFF0] =	vst v1;
	v1 =	vadd.s32 s21, v10;
	v0 =	vmin.u32 v0, $0x80  }
0x29: {  	vm4 =	vgt.s32 v1, $0x0;
	[tilespmem:$0x1FFB0] =	vst v0;
	v0 =	vadd.s32 s17, v10  }
0x2a: {  	s24 =	sadd.s32 $0x70, s2;
	v2 =	vadd.s32 s2, v10;
	v1 =	vnsel vm4, $0x0, v1;
	vm11 =	vgt.s32 v0, $0x0  }
0x2b: {  	v20 =	vmin.u32 v1, $0x80;
	v1 =	vadd.s32 s24, v10;
	v0 =	vnsel vm11, $0x0, v0  }
0x2c: {  	vm12 =	vgt.s32 v2, $0x0;
	vm7 =	vgt.s32 v1, $0x0;
	v0 =	vmin.u32 v0, $0x80  }
0x2d: {  	s28 =	sadd.s32 $0xA0, s2;
	v1 =	vnsel vm7, $0x0, v1;
	[tilespmem:$0x1FFD0] =	vst v0;
	v0 =	vnsel vm12, $0x0, v2  }
0x2e: {  	s19 =	sadd.s32 $0x20, s2;
	s20 =	sadd.s32 $0x30, s2;
	v23 =	vmin.u32 v1, $0x80;
	v1 =	vadd.s32 s28, v10;
	v0 =	vmin.u32 v0, $0x80  }
0x2f: {  	s8 =	smin.u32 s1, $0x3F;
	v2 =	vadd.s32 s20, v10;
	vm10 =	vgt.s32 v1, $0x0;
	[tilespmem:$0x1FFE0] =	vst v0;
	v0 =	vadd.s32 s19, v10  }
0x30: {  	s31 =	sadd.s32 $0xD0, s2;
	s7 =	ssub.s32 s8, s12;
	vm15 =	vgt.s32 v2, $0x0;
	v1 =	vnsel vm10, $0x0, v1;
	vm14 =	vgt.s32 v0, $0x0  }
0x31: {  	s9 =	sadd.s32 $0x3F, s7;
	v26 =	vmin.u32 v1, $0x80;
	v1 =	vadd.s32 s31, v10;
	v0 =	vnsel vm14, $0x0, v0  }
0x32: {  	s10 =	sand.u32 $0x7F, s9;
	vm13 =	vgt.s32 v1, $0x0;
	v18 =	vmin.u32 v0, $0x80;
	v0 =	vnsel vm15, $0x0, v2  }
0x33: {  	s22 =	sadd.s32 $0x50, s2;
	s3 =	sadd.s32 $0x701, s10;
	v1 =	vnsel vm13, $0x0, v1;
	v19 =	vmin.u32 v0, $0x80  }
0x34: {  	s23 =	sadd.s32 $0x60, s2;
	v0 =	vadd.s32 s22, v10;
	v29 =	vmin.u32 v1, $0x80;
	v1 =	vadd.s32 s3, v10  }
0x35: {  	v2 =	vadd.s32 s23, v10;
	vm5 =	vgt.s32 v0, $0x0;
	vm4 =	vgt.s32 v1, $0x0  }
0x36: {  	vm6 =	vgt.s32 v2, $0x0;
	v0 =	vnsel vm5, $0x0, v0;
	v1 =	vnsel vm4, $0x0, v1  }
0x37: {  	s25 =	sadd.s32 $0x80, s2;
	s15 =	sadd.s32 $0x731, s10;
	v21 =	vmin.u32 v0, $0x80;
	v0 =	vnsel vm6, $0x0, v2;
	v32 =	vmin.u32 v1, $0x80  }
0x38: {  	s26 =	sadd.s32 $0x90, s2;
	v1 =	vadd.s32 s15, v10;
	v22 =	vmin.u32 v0, $0x80;
	v0 =	vadd.s32 s25, v10  }
0x39: {  	v2 =	vadd.s32 s26, v10;
	vm7 =	vgt.s32 v1, $0x0;
	vm8 =	vgt.s32 v0, $0x0  }
0x3a: {  	s18 =	sadd.s32 $0x761, s10;
	vm9 =	vgt.s32 v2, $0x0;
	v1 =	vnsel vm7, $0x0, v1;
	v0 =	vnsel vm8, $0x0, v0  }
0x3b: {  	s30 =	sadd.s32 $0xC0, s2;
	v35 =	vmin.u32 v1, $0x80;
	v1 =	vadd.s32 s18, v10;
	v24 =	vmin.u32 v0, $0x80  }
0x3c: {  	s29 =	sadd.s32 $0xB0, s2;
	v0 =	vnsel vm9, $0x0, v2;
	v2 =	vadd.s32 s30, v10;
	vm10 =	vgt.s32 v1, $0x0  }
0x3d: {  	s21 =	sadd.s32 $0x791, s10;
	v25 =	vmin.u32 v0, $0x80;
	v0 =	vadd.s32 s29, v10;
	v1 =	vnsel vm10, $0x0, v1  }
0x3e: {  	vm11 =	vgt.s32 v0, $0x0;
	v38 =	vmin.u32 v1, $0x80;
	v1 =	vadd.s32 s21, v10  }
0x3f: {  	s4 =	sadd.s32 $0xE0, s2;
	s2 =	sadd.s32 $0xF0, s2;
	vm12 =	vgt.s32 v2, $0x0;
	v0 =	vnsel vm11, $0x0, v0;
	vm13 =	vgt.s32 v1, $0x0  }
0x40: {  	v27 =	vmin.u32 v0, $0x80;
	v0 =	vnsel vm12, $0x0, v2;
	v2 =	vadd.s32 s2, v10  }
0x41: {  	s24 =	sadd.s32 $0x7C1, s10;
	v1 =	vnsel vm13, $0x0, v1;
	v28 =	vmin.u32 v0, $0x80;
	v0 =	vadd.s32 s4, v10  }
0x42: {  	v41 =	vmin.u32 v1, $0x80;
	v1 =	vadd.s32 s24, v10;
	vm14 =	vgt.s32 v0, $0x0  }
0x43: {  	vm15 =	vgt.s32 v2, $0x0;
	vm4 =	vgt.s32 v1, $0x0;
	v0 =	vnsel vm14, $0x0, v0  }
0x44: {  	s14 =	sadd.s32 $0x721, s10;
	s13 =	sadd.s32 $0x711, s10;
	v1 =	vnsel vm4, $0x0, v1;
	v30 =	vmin.u32 v0, $0x80;
	v0 =	vnsel vm15, $0x0, v2  }
0x45: {  	s9 =	smin.u32 s1, $0x3E;
	s30 =	sadd.s32 $0x7F1, s10;
	v2 =	vadd.s32 s14, v10;
	v31 =	vmin.u32 v0, $0x80;
	v0 =	vadd.s32 s13, v10  }
0x46: {  	s16 =	sadd.s32 $0x741, s10;
	s17 =	sadd.s32 $0x751, s10;
	s28 =	ssub.s32 s9, s12;
	v44 =	vmin.u32 v1, $0x80;
	v1 =	vadd.s32 s30, v10;
	vm5 =	vgt.s32 v0, $0x0  }
0x47: {  	s20 =	sadd.s32 $0x781, s10;
	s19 =	sadd.s32 $0x771, s10;
	s29 =	sand.u32 $0x7F, s28;
	vm6 =	vgt.s32 v2, $0x0;
	vm7 =	vgt.s32 v1, $0x0;
	v0 =	vnsel vm5, $0x0, v0  }
0x48: {  	s23 =	sadd.s32 $0x7B1, s10;
	s22 =	sadd.s32 $0x7A1, s10;
	s31 =	sxor.u32 $0x40, s29;
	v1 =	vnsel vm7, $0x0, v1;
	v33 =	vmin.u32 v0, $0x80;
	v0 =	vnsel vm6, $0x0, v2  }
0x49: {  	s26 =	sadd.s32 $0x7E1, s10;
	s25 =	sadd.s32 $0x7D1, s10;
	s10 =	sadd.s32 $0x721, s31;
	v47 =	vmin.u32 v1, $0x80;
	v34 =	vmin.u32 v0, $0x80;
	v0 =	vadd.s32 s16, v10  }
0x4a: {  	v1 =	vadd.s32 s10, v10;
	v2 =	vadd.s32 s17, v10;
	vm8 =	vgt.s32 v0, $0x0  }
0x4b: {  	vm10 =	vgt.s32 v1, $0x0;
	vm9 =	vgt.s32 v2, $0x0;
	v0 =	vnsel vm8, $0x0, v0  }
0x4c: {  	v1 =	vnsel vm10, $0x0, v1;
	v36 =	vmin.u32 v0, $0x80;
	v0 =	vnsel vm9, $0x0, v2  }
0x4d: {  	s15 =	sadd.s32 $0x751, s31;
	v50 =	vmin.u32 v1, $0x80;
	v37 =	vmin.u32 v0, $0x80;
	v0 =	vadd.s32 s19, v10  }
0x4e: {  	v1 =	vadd.s32 s15, v10;
	v2 =	vadd.s32 s20, v10;
	vm11 =	vgt.s32 v0, $0x0  }
0x4f: {  	vm13 =	vgt.s32 v1, $0x0;
	vm12 =	vgt.s32 v2, $0x0;
	v0 =	vnsel vm11, $0x0, v0  }
0x50: {  	v1 =	vnsel vm13, $0x0, v1;
	v39 =	vmin.u32 v0, $0x80;
	v0 =	vnsel vm12, $0x0, v2  }
0x51: {  	s18 =	sadd.s32 $0x781, s31;
	v53 =	vmin.u32 v1, $0x80;
	v40 =	vmin.u32 v0, $0x80;
	v0 =	vadd.s32 s22, v10  }
0x52: {  	v1 =	vadd.s32 s18, v10;
	v2 =	vadd.s32 s23, v10;
	vm14 =	vgt.s32 v0, $0x0  }
0x53: {  	vm4 =	vgt.s32 v1, $0x0;
	vm15 =	vgt.s32 v2, $0x0;
	v0 =	vnsel vm14, $0x0, v0  }
0x54: {  	v1 =	vnsel vm4, $0x0, v1;
	v42 =	vmin.u32 v0, $0x80;
	v0 =	vnsel vm15, $0x0, v2  }
0x55: {  	s21 =	sadd.s32 $0x7B1, s31;
	v56 =	vmin.u32 v1, $0x80;
	v43 =	vmin.u32 v0, $0x80;
	v0 =	vadd.s32 s25, v10  }
0x56: {  	v1 =	vadd.s32 s21, v10;
	v2 =	vadd.s32 s26, v10;
	vm5 =	vgt.s32 v0, $0x0  }
0x57: {  	vm7 =	vgt.s32 v1, $0x0;
	vm6 =	vgt.s32 v2, $0x0;
	v0 =	vnsel vm5, $0x0, v0  }
0x58: {  	s3 =	sadd.s32 $0x701, s31;
	v1 =	vnsel vm7, $0x0, v1;
	v45 =	vmin.u32 v0, $0x80;
	v0 =	vnsel vm6, $0x0, v2  }
0x59: {  	s7 =	sadd.s32 $0x711, s31;
	s24 =	sadd.s32 $0x7E1, s31;
	v59 =	vmin.u32 v1, $0x80;
	v46 =	vmin.u32 v0, $0x80;
	v0 =	vadd.s32 s3, v10  }
0x5a: {  	v1 =	vadd.s32 s24, v10;
	v2 =	vadd.s32 s7, v10;
	vm8 =	vgt.s32 v0, $0x0  }
0x5b: {  	vm10 =	vgt.s32 v1, $0x0;
	vm9 =	vgt.s32 v2, $0x0;
	v0 =	vnsel vm8, $0x0, v0  }
0x5c: {  	s14 =	sadd.s32 $0x741, s31;
	s13 =	sadd.s32 $0x731, s31;
	s10 =	smin.u32 s1, $0x3D;
	v1 =	vnsel vm10, $0x0, v1;
	v48 =	vmin.u32 v0, $0x80;
	v0 =	vnsel vm9, $0x0, v2  }
0x5d: {  	v2 =	vadd.s32 s14, v10;
	v49 =	vmin.u32 v0, $0x80;
	v0 =	vadd.s32 s13, v10;
	s13 =	ssub.s32 s10, s12  }
0x5e: {  	v62 =	vmin.u32 v1, $0x80;
	vm12 =	vgt.s32 v2, $0x0;
	vm11 =	vgt.s32 v0, $0x0;
	s28 =	sadd.s32 $0x752, s13;
	s30 =	sadd.s32 $0x772, s13  }
0x5f: {  	s7 =	sadd.s32 $0x792, s13;
	s15 =	sadd.s32 $0x7A2, s13;
	s24 =	sadd.s32 $0x802, s13;
	v0 =	vnsel vm11, $0x0, v0;
	v1 =	vadd.s32 s28, v10;
	v3 =	vadd.s32 s30, v10  }
0x60: {  	s17 =	sadd.s32 $0x771, s31;
	v5 =	vadd.s32 s7, v10;
	v6 =	vadd.s32 s15, v10;
	v13 =	vadd.s32 s24, v10  }
0x61: {  	s16 =	sadd.s32 $0x761, s31;
	v51 =	vmin.u32 v0, $0x80;
	v0 =	vnsel vm12, $0x0, v2;
	v2 =	vadd.s32 s17, v10  }
0x62: {  	vm13 =	vgt.s32 v1, $0x0;
	s17 =	ssub.s32 $0x2, s11;
	v52 =	vmin.u32 v0, $0x80;
	v0 =	vadd.s32 s16, v10  }
0x63: {  	vm15 =	vgt.s32 v2, $0x0;
	v1 =	vnsel vm13, $0x0, v1;
	s16 =	sadd.s32 $0x782, s13;
	s18 =	sshrl.u32 s17, $0x1;
	vm14 =	vgt.s32 v0, $0x0  }
0x64: {  	v1 =	vmin.u32 v1, $0x80;
	v4 =	vadd.s32 s16, v10;
	s16 =	sadd.s32 $0x7B2, s13;
	s15 =	ssub.s32 s17, s18;
	s18 =	sadd.s32 $0x7D2, s13;
	v0 =	vnsel vm14, $0x0, v0  }
0x65: {  	s20 =	sadd.s32 $0x7A1, s31;
	vm4 =	vgt.s32 v4, $0x0;
	v7 =	vadd.s32 s16, v10;
	v9 =	vadd.s32 s18, v10  }
0x66: {  	v54 =	vmin.u32 v0, $0x80;
	v0 =	vnsel vm15, $0x0, v2;
	v2 =	vadd.s32 s20, v10  }
0x67: {  	s19 =	sadd.s32 $0x791, s31;
	vm15 =	vgt.s32 v3, $0x0;
	v4 =	vnsel vm4, $0x0, v4;
	vm7 =	vgt.s32 v7, $0x0  }
0x68: {  	v55 =	vmin.u32 v0, $0x80;
	v0 =	vadd.s32 s19, v10;
	vm6 =	vgt.s32 v2, $0x0  }
0x69: {  	v3 =	vnsel vm15, $0x0, v3;
	v4 =	vmin.u32 v4, $0x80;
	s19 =	sadd.s32 $0x7C2, s13;
	v7 =	vnsel vm7, $0x0, v7  }
0x6a: {  	vm5 =	vgt.s32 v0, $0x0;
	v3 =	vmin.u32 v3, $0x80;
	v8 =	vadd.s32 s19, v10  }
0x6b: {  	s23 =	sadd.s32 $0x7D1, s31;
	v7 =	vmin.u32 v7, $0x80;
	v0 =	vnsel vm5, $0x0, v0;
	vm5 =	vgt.s32 v5, $0x0  }
0x6c: {  	v57 =	vmin.u32 v0, $0x80;
	v0 =	vnsel vm6, $0x0, v2;
	v2 =	vadd.s32 s23, v10  }
0x6d: {  	s22 =	sadd.s32 $0x7C1, s31;
	v5 =	vnsel vm5, $0x0, v5;
	vm6 =	vgt.s32 v6, $0x0;
	v58 =	vmin.u32 v0, $0x80  }
0x6e: {  	s23 =	sadd.s32 $0x7F2, s13;
	v0 =	vadd.s32 s22, v10;
	vm9 =	vgt.s32 v2, $0x0;
	v5 =	vmin.u32 v5, $0x80  }
0x6f: {  	v6 =	vnsel vm6, $0x0, v6;
	s22 =	sadd.s32 $0x7E2, s13;
	v12 =	vadd.s32 s23, v10;
	vm8 =	vgt.s32 v0, $0x0  }
0x70: {  	s8 =	sshll.u32 s8, $0xE;
	s2 =	rddreg [dreg:$0x2];
	v6 =	vmin.u32 v6, $0x80;
	v11 =	vadd.s32 s22, v10;
	v0 =	vnsel vm8, $0x0, v0  }
0x71: {  	s9 =	sshll.u32 s9, $0xE;
	s8 =	sadd.s32 s8, s2;
	s26 =	sadd.s32 $0x742, s13;
	vm8 =	vgt.s32 v8, $0x0;
	vm10 =	vgt.s32 v11, $0x0;
	v60 =	vmin.u32 v0, $0x80  }
0x72: {  	s9 =	sadd.s32 s9, s2;
	s8 =	sadd.s32 $0x8000, s8;
	v0 =	vnsel vm9, $0x0, v2;
	v2 =	vadd.s32 s26, v10;
	v8 =	vnsel vm8, $0x0, v8  }
0x73: {  	s9 =	sadd.s32 $0xC000, s9;
	s1 =	rddreg [dreg:$0x3];
	s25 =	sadd.s32 $0x7F1, s31;
	vm9 =	vgt.s32 v9, $0x0;
	v11 =	vnsel vm10, $0x0, v11;
	v61 =	vmin.u32 v0, $0x80  }
0x74: {  	s31 =	rddreg [dreg:$0x0];
	s3 =	simm.s32 $0x0;
	s26 =	sadd.s32 $0x822, s13;
	v0 =	vadd.s32 s25, v10;
	vm12 =	vgt.s32 v2, $0x0;
	v8 =	vmin.u32 v8, $0x80  }
0x75: {  	s29 =	sadd.s32 $0x762, s13;
	v9 =	vnsel vm9, $0x0, v9;
	s25 =	sadd.s32 $0x812, s13;
	s13 =	sadd.s32 $0x832, s13;
	v15 =	vadd.s32 s26, v10;
	vm11 =	vgt.s32 v0, $0x0  }
0x76: {  	s4 =	sadd.s32 $0x400, s31;
	s31 =	sshll.u32 s11, $0x14;
	[smem:$0x7FF] =	sst s3;
	v9 =	vmin.u32 v9, $0x80;
	v14 =	vadd.s32 s25, v10;
	v16 =	vadd.s32 s13, v10  }
0x77: {  	s14 =	rddreg [dreg:$0x1];
	_ =	strace $0x80000047;
	s10 =	sshll.u32 s10, $0xE;
	v0 =	vnsel vm11, $0x0, v0;
	vm11 =	vgt.s32 v12, $0x0;
	vm13 =	vgt.s32 v14, $0x0  }
0x78: {  	s10 =	sadd.s32 s10, s2;
	s28 =	sshll.u32 s0, $0x7;
	s17 =	sshll.u32 s6, $0xE;
	vm15 =	vgt.s32 v16, $0x0;
	v63 =	vmin.u32 v0, $0x80;
	v0 =	vnsel vm12, $0x0, v2  }
0x79: {  	s10 =	sadd.s32 $0x10000, s10;
	s30 =	sor.u32 s12, s28;
	s21 =	sadd.s32 s17, s2;
	v2 =	vadd.s32 s29, v10;
	v12 =	vnsel vm11, $0x0, v12;
	vm12 =	vgt.s32 v13, $0x0  }
0x7a: {  	s11 =	smax.u32 s15, $0x1;
	s15 =	simm.s32 $0x2;
	s16 =	simm.s32 $0x4C00;
	v14 =	vnsel vm13, $0x0, v14;
	v10 =	vmin.u32 v11, $0x80;
	v16 =	vnsel vm15, $0x0, v16  }
0x7b: {  	s17 =	simm.s32 $0x1;
	s18 =	simm.s32 $0x0;
	s29 =	sshll.u32 s0, $0x15;
	v0 =	vmin.u32 v0, $0x80;
	vm14 =	vgt.s32 v2, $0x0;
	v13 =	vnsel vm12, $0x0, v13  }
0x7c: {  	s20 =	sshll.u32 s5, $0xE;
	s5 =	sadd.s32 $0xFFFFFFC0, s12;
	s14 =	sadd.s32 s29, s14;
	v11 =	vmin.u32 v12, $0x80;
	v2 =	vnsel vm14, $0x0, v2;
	vm14 =	vgt.s32 v15, $0x0  }
0x7d: {  	s7 =	sadd.s32 $0x4000, s21;
	s12 =	ssub.s32 $0x0, s30;
	s14 =	sadd.s32 s31, s14;
	v12 =	vmin.u32 v13, $0x80;
	v13 =	vmin.u32 v14, $0x80;
	v15 =	vnsel vm14, $0x0, v15  }
0x7e: {  	s6 =	sadd.s32 s20, s2;
	s13 =	sadd.s32 $0x701, s30;
	v2 =	vmin.u32 v2, $0x80;
	s14 =	sadd.s32 $0x780, s14;
	v14 =	vmin.u32 v15, $0x80;
	v15 =	vmin.u32 v16, $0x80  }
.LBB2_1:
0x7f: {  	[tilespmem:s3], [sflag:$0x2] =	stream.linear.gather [hbm4b:s4+s3], $0x4400, $0x38;
	[tilespmem:$0x19400] =	vst v63  }
0x80: {  	_ =	swait.ge [sflag:s15], $0x4400  }
0x81: {  	v16 =	vld [tilespmem:$0x1FEE0];
	_ =	sdelay $0x2  }
0x82: {  	[sflag:s15] =	ssyncset.done $0x0  }
0x83: {  	[sflag:s15] =	ssyncadd.s32 $0xFFFFBC00  }
0x84: {  	[tilespmem:$0x4400] =	vst v16;
	v16 =	vld [tilespmem:$0x1FEF0];
	_ =	sdelay $0x4  }
0x85: {  	[tilespmem:$0x4480] =	vst v16;
	v16 =	vld [tilespmem:$0x1FF00];
	_ =	sdelay $0x4  }
0x86: {  	[tilespmem:$0x4500] =	vst v16;
	v16 =	vld [tilespmem:$0x1FF10];
	_ =	sdelay $0x4  }
0x87: {  	[tilespmem:$0x4580] =	vst v16;
	v16 =	vld [tilespmem:$0x1FF20];
	_ =	sdelay $0x4  }
0x88: {  	[tilespmem:$0x4600] =	vst v16;
	v16 =	vld [tilespmem:$0x1FF30];
	_ =	sdelay $0x4  }
0x89: {  	[tilespmem:$0x4680] =	vst v16;
	v16 =	vld [tilespmem:$0x1FF40];
	_ =	sdelay $0x4  }
0x8a: {  	[tilespmem:$0x4700] =	vst v16;
	v16 =	vld [tilespmem:$0x1FF50];
	_ =	sdelay $0x4  }
0x8b: {  	[tilespmem:$0x4780] =	vst v16;
	v16 =	vld [tilespmem:$0x1FF60];
	_ =	sdelay $0x4  }
0x8c: {  	[tilespmem:$0x4800] =	vst v16;
	v16 =	vld [tilespmem:$0x1FF70];
	_ =	sdelay $0x4  }
0x8d: {  	[tilespmem:$0x4880] =	vst v16;
	v16 =	vld [tilespmem:$0x1FF80];
	_ =	sdelay $0x4  }
0x8e: {  	[tilespmem:$0x4900] =	vst v16;
	v16 =	vld [tilespmem:$0x1FF90];
	_ =	sdelay $0x4  }
0x8f: {  	[tilespmem:$0x4980] =	vst v16;
	v16 =	vld [tilespmem:$0x1FFA0];
	_ =	sdelay $0x4  }
0x90: {  	[tilespmem:$0x4A00] =	vst v16;
	v16 =	vld [tilespmem:$0x1FFB0];
	_ =	sdelay $0x4  }
0x91: {  	[tilespmem:$0x4A80] =	vst v16;
	v16 =	vld [tilespmem:$0x1FFC0];
	_ =	sdelay $0x4  }
0x92: {  	[tilespmem:$0x4B00] =	vst v16;
	v16 =	vld [tilespmem:$0x1FFD0];
	_ =	sdelay $0x4  }
0x93: {  	s19 =	simm.s32 $0x0;
	s20 =	simm.s32 $0x0;
	s21 =	simm.s32 $0x0;
	[tilespmem:$0x4B80] =	vst v16  }
.LBB2_2:
0x94: {  	v16 =	vld [tilespmem:$0x4400];
	_ =	sdelay $0x1  }
0x95: {  	v17 =	vmov s21  }
0x96: {  	v17 =	vand.u32 $0x7F, v17  }
0x97: {  	v17 =	vbroadcast v17, $0x0  }
0x98: {  	v16 =	vshll.u32 v16, $0x7  }
0x99: {  	v16 =	vor.u32 v17, v16;
	_ =	sdelay $0x4  }
0x9a: {  	v16 =	vld.idx.msk [tilespmem:v16+s3+$0x0], $0xffff;
	_ =	sdelay $0x2  }
0x9b: {  	s22 =	sand.u32 $0x3800, s19;
	s23 =	sand.u32 $0x380, s20  }
0x9c: {  	s22 =	sor.u32 s23, s22  }
0x9d: {  	[tilespmem:s22+$0x4C00] =	vst v16  }
0x9e: {  	v16 =	vld [tilespmem:$0x4480];
	_ =	sdelay $0x4  }
0x9f: {  	v16 =	vshll.u32 v16, $0x7  }
0xa0: {  	v16 =	vor.u32 v17, v16;
	_ =	sdelay $0x4  }
0xa1: {  	v16 =	vld.idx.msk [tilespmem:v16+s3+$0x0], $0xffff;
	_ =	sdelay $0x4  }
0xa2: {  	[tilespmem:s22+$0x4C10] =	vst v16  }
0xa3: {  	v16 =	vld [tilespmem:$0x4500];
	_ =	sdelay $0x4  }
0xa4: {  	v16 =	vshll.u32 v16, $0x7  }
0xa5: {  	v16 =	vor.u32 v17, v16;
	_ =	sdelay $0x4  }
0xa6: {  	v16 =	vld.idx.msk [tilespmem:v16+s3+$0x0], $0xffff;
	_ =	sdelay $0x4  }
0xa7: {  	[tilespmem:s22+$0x4C20] =	vst v16  }
0xa8: {  	v16 =	vld [tilespmem:$0x4580];
	_ =	sdelay $0x4  }
0xa9: {  	v16 =	vshll.u32 v16, $0x7  }
0xaa: {  	v16 =	vor.u32 v17, v16;
	_ =	sdelay $0x4  }
0xab: {  	v16 =	vld.idx.msk [tilespmem:v16+s3+$0x0], $0xffff;
	_ =	sdelay $0x4  }
0xac: {  	[tilespmem:s22+$0x4C30] =	vst v16  }
0xad: {  	v16 =	vld [tilespmem:$0x4600];
	_ =	sdelay $0x4  }
0xae: {  	v16 =	vshll.u32 v16, $0x7  }
0xaf: {  	v16 =	vor.u32 v17, v16;
	_ =	sdelay $0x4  }
0xb0: {  	v16 =	vld.idx.msk [tilespmem:v16+s3+$0x0], $0xffff;
	_ =	sdelay $0x4  }
0xb1: {  	[tilespmem:s22+$0x4C40] =	vst v16  }
0xb2: {  	v16 =	vld [tilespmem:$0x4680];
	_ =	sdelay $0x4  }
0xb3: {  	v16 =	vshll.u32 v16, $0x7  }
0xb4: {  	v16 =	vor.u32 v17, v16;
	_ =	sdelay $0x4  }
0xb5: {  	v16 =	vld.idx.msk [tilespmem:v16+s3+$0x0], $0xffff;
	_ =	sdelay $0x4  }
0xb6: {  	[tilespmem:s22+$0x4C50] =	vst v16  }
0xb7: {  	v16 =	vld [tilespmem:$0x4700];
	_ =	sdelay $0x4  }
0xb8: {  	v16 =	vshll.u32 v16, $0x7  }
0xb9: {  	v16 =	vor.u32 v17, v16;
	_ =	sdelay $0x4  }
0xba: {  	v16 =	vld.idx.msk [tilespmem:v16+s3+$0x0], $0xffff;
	_ =	sdelay $0x4  }
0xbb: {  	[tilespmem:s22+$0x4C60] =	vst v16  }
0xbc: {  	v16 =	vld [tilespmem:$0x4780];
	_ =	sdelay $0x4  }
0xbd: {  	v16 =	vshll.u32 v16, $0x7  }
0xbe: {  	v16 =	vor.u32 v17, v16;
	_ =	sdelay $0x4  }
0xbf: {  	v16 =	vld.idx.msk [tilespmem:v16+s3+$0x0], $0xffff;
	_ =	sdelay $0x4  }
0xc0: {  	[tilespmem:s22+$0x4C70] =	vst v16  }
0xc1: {  	v16 =	vld [tilespmem:$0x4800];
	_ =	sdelay $0x4  }
0xc2: {  	v16 =	vshll.u32 v16, $0x7  }
0xc3: {  	v16 =	vor.u32 v17, v16;
	_ =	sdelay $0x4  }
0xc4: {  	v16 =	vld.idx.msk [tilespmem:v16+s3+$0x0], $0xffff;
	_ =	sdelay $0x4  }
0xc5: {  	[tilespmem:s22+$0x5000] =	vst v16  }
0xc6: {  	v16 =	vld [tilespmem:$0x4880];
	_ =	sdelay $0x4  }
0xc7: {  	v16 =	vshll.u32 v16, $0x7  }
0xc8: {  	v16 =	vor.u32 v17, v16;
	_ =	sdelay $0x4  }
0xc9: {  	v16 =	vld.idx.msk [tilespmem:v16+s3+$0x0], $0xffff;
	_ =	sdelay $0x4  }
0xca: {  	[tilespmem:s22+$0x5010] =	vst v16  }
0xcb: {  	v16 =	vld [tilespmem:$0x4900];
	_ =	sdelay $0x4  }
0xcc: {  	v16 =	vshll.u32 v16, $0x7  }
0xcd: {  	v16 =	vor.u32 v17, v16;
	_ =	sdelay $0x4  }
0xce: {  	v16 =	vld.idx.msk [tilespmem:v16+s3+$0x0], $0xffff;
	_ =	sdelay $0x4  }
0xcf: {  	[tilespmem:s22+$0x5020] =	vst v16  }
0xd0: {  	v16 =	vld [tilespmem:$0x4980];
	_ =	sdelay $0x4  }
0xd1: {  	v16 =	vshll.u32 v16, $0x7  }
0xd2: {  	v16 =	vor.u32 v17, v16;
	_ =	sdelay $0x4  }
0xd3: {  	v16 =	vld.idx.msk [tilespmem:v16+s3+$0x0], $0xffff;
	_ =	sdelay $0x4  }
0xd4: {  	[tilespmem:s22+$0x5030] =	vst v16  }
0xd5: {  	v16 =	vld [tilespmem:$0x4A00];
	_ =	sdelay $0x4  }
0xd6: {  	v16 =	vshll.u32 v16, $0x7  }
0xd7: {  	v16 =	vor.u32 v17, v16;
	_ =	sdelay $0x4  }
0xd8: {  	v16 =	vld.idx.msk [tilespmem:v16+s3+$0x0], $0xffff;
	_ =	sdelay $0x4  }
0xd9: {  	[tilespmem:s22+$0x5040] =	vst v16  }
0xda: {  	v16 =	vld [tilespmem:$0x4A80];
	_ =	sdelay $0x4  }
0xdb: {  	v16 =	vshll.u32 v16, $0x7  }
0xdc: {  	v16 =	vor.u32 v17, v16;
	_ =	sdelay $0x4  }
0xdd: {  	v16 =	vld.idx.msk [tilespmem:v16+s3+$0x0], $0xffff;
	_ =	sdelay $0x4  }
0xde: {  	[tilespmem:s22+$0x5050] =	vst v16  }
0xdf: {  	v16 =	vld [tilespmem:$0x4B00];
	_ =	sdelay $0x4  }
0xe0: {  	v16 =	vshll.u32 v16, $0x7  }
0xe1: {  	v16 =	vor.u32 v17, v16;
	_ =	sdelay $0x4  }
0xe2: {  	v16 =	vld.idx.msk [tilespmem:v16+s3+$0x0], $0xffff;
	_ =	sdelay $0x4  }
0xe3: {  	[tilespmem:s22+$0x5060] =	vst v16  }
0xe4: {  	v16 =	vld [tilespmem:$0x4B80];
	_ =	sdelay $0x4  }
0xe5: {  	v16 =	vshll.u32 v16, $0x7  }
0xe6: {  	v16 =	vor.u32 v17, v16;
	_ =	sdelay $0x4  }
0xe7: {  	p0 =	sne.s32 s21, $0x3F;
	v16 =	vld.idx.msk [tilespmem:v16+s3+$0x0], $0xffff  }
.Ltmp0:
0xe8: {  	_ = 	snop;
	(pc) =	sbr.rel @p0 .LBB2_2-.Ltmp0, $2  }
0xe9: {  	_ =	sdelay $0x2  }
0xea: {  	s20 =	sadd.s32 $0x80, s20;
	s19 =	sadd.s32 $0x100, s19;
	s21 =	sadd.s32 $0x1, s21;
	[tilespmem:s22+$0x5070] =	vst v16  }
0xeb: {  	[spmem:s6] =	stream.linear.scatter [tilespmem:s16], [sflag:$0x2], $0x4000, $0x38;
	[tilespmem:$0x19400] =	vst v63  }
0xec: {  	_ =	swait.ge [sflag:s15], $0x4000  }
0xed: {  	[sflag:s15] =	ssyncset.done $0x0  }
0xee: {  	[sflag:s15] =	ssyncadd.s32 $0xFFFFC000  }
0xef: {  	[tilespmem:$0x4500] =	vst v18  }
0xf0: {  	[tilespmem:$0x4580] =	vst v19  }
0xf1: {  	[tilespmem:$0x4600] =	vst v20  }
0xf2: {  	[tilespmem:$0x4680] =	vst v21  }
0xf3: {  	[tilespmem:$0x4700] =	vst v22  }
0xf4: {  	v16 =	vld [tilespmem:$0x1FFE0];
	[tilespmem:$0x4780] =	vst v23  }
0xf5: {  	[tilespmem:$0x4800] =	vst v24  }
0xf6: {  	[tilespmem:$0x4880] =	vst v25  }
0xf7: {  	[tilespmem:$0x4900] =	vst v26  }
0xf8: {  	[tilespmem:$0x4980] =	vst v27  }
0xf9: {  	[tilespmem:$0x4400] =	vst v16;
	v16 =	vld [tilespmem:$0x1FFF0]  }
0xfa: {  	[tilespmem:$0x4A00] =	vst v28  }
0xfb: {  	[tilespmem:$0x4A80] =	vst v29  }
0xfc: {  	[tilespmem:$0x4B00] =	vst v30  }
0xfd: {  	[tilespmem:$0x4B80] =	vst v31  }
0xfe: {  	s19 =	simm.s32 $0x0;
	s20 =	simm.s32 $0x0;
	s21 =	simm.s32 $0x0;
	[tilespmem:$0x4480] =	vst v16  }
.LBB2_4:
0xff: {  	v16 =	vld [tilespmem:$0x4400];
	_ =	sdelay $0x1  }
0x100: {  	v17 =	vmov s21  }
0x101: {  	v17 =	vand.u32 $0x7F, v17  }
0x102: {  	v17 =	vbroadcast v17, $0x0  }
0x103: {  	v16 =	vshll.u32 v16, $0x7  }
0x104: {  	v16 =	vor.u32 v17, v16;
	_ =	sdelay $0x4  }
0x105: {  	v16 =	vld.idx.msk [tilespmem:v16+s3+$0x0], $0xffff;
	_ =	sdelay $0x2  }
0x106: {  	s22 =	sand.u32 $0x3800, s19;
	s23 =	sand.u32 $0x380, s20  }
0x107: {  	s22 =	sor.u32 s23, s22  }
0x108: {  	[tilespmem:s22+$0x4C00] =	vst v16  }
0x109: {  	v16 =	vld [tilespmem:$0x4480];
	_ =	sdelay $0x4  }
0x10a: {  	v16 =	vshll.u32 v16, $0x7  }
0x10b: {  	v16 =	vor.u32 v17, v16;
	_ =	sdelay $0x4  }
0x10c: {  	v16 =	vld.idx.msk [tilespmem:v16+s3+$0x0], $0xffff;
	_ =	sdelay $0x4  }
0x10d: {  	[tilespmem:s22+$0x4C10] =	vst v16  }
0x10e: {  	v16 =	vld [tilespmem:$0x4500];
	_ =	sdelay $0x4  }
0x10f: {  	v16 =	vshll.u32 v16, $0x7  }
0x110: {  	v16 =	vor.u32 v17, v16;
	_ =	sdelay $0x4  }
0x111: {  	v16 =	vld.idx.msk [tilespmem:v16+s3+$0x0], $0xffff;
	_ =	sdelay $0x4  }
0x112: {  	[tilespmem:s22+$0x4C20] =	vst v16  }
0x113: {  	v16 =	vld [tilespmem:$0x4580];
	_ =	sdelay $0x4  }
0x114: {  	v16 =	vshll.u32 v16, $0x7  }
0x115: {  	v16 =	vor.u32 v17, v16;
	_ =	sdelay $0x4  }
0x116: {  	v16 =	vld.idx.msk [tilespmem:v16+s3+$0x0], $0xffff;
	_ =	sdelay $0x4  }
0x117: {  	[tilespmem:s22+$0x4C30] =	vst v16  }
0x118: {  	v16 =	vld [tilespmem:$0x4600];
	_ =	sdelay $0x4  }
0x119: {  	v16 =	vshll.u32 v16, $0x7  }
0x11a: {  	v16 =	vor.u32 v17, v16;
	_ =	sdelay $0x4  }
0x11b: {  	v16 =	vld.idx.msk [tilespmem:v16+s3+$0x0], $0xffff;
	_ =	sdelay $0x4  }
0x11c: {  	[tilespmem:s22+$0x4C40] =	vst v16  }
0x11d: {  	v16 =	vld [tilespmem:$0x4680];
	_ =	sdelay $0x4  }
0x11e: {  	v16 =	vshll.u32 v16, $0x7  }
0x11f: {  	v16 =	vor.u32 v17, v16;
	_ =	sdelay $0x4  }
0x120: {  	v16 =	vld.idx.msk [tilespmem:v16+s3+$0x0], $0xffff;
	_ =	sdelay $0x4  }
0x121: {  	[tilespmem:s22+$0x4C50] =	vst v16  }
0x122: {  	v16 =	vld [tilespmem:$0x4700];
	_ =	sdelay $0x4  }
0x123: {  	v16 =	vshll.u32 v16, $0x7  }
0x124: {  	v16 =	vor.u32 v17, v16;
	_ =	sdelay $0x4  }
0x125: {  	v16 =	vld.idx.msk [tilespmem:v16+s3+$0x0], $0xffff;
	_ =	sdelay $0x4  }
0x126: {  	[tilespmem:s22+$0x4C60] =	vst v16  }
0x127: {  	v16 =	vld [tilespmem:$0x4780];
	_ =	sdelay $0x4  }
0x128: {  	v16 =	vshll.u32 v16, $0x7  }
0x129: {  	v16 =	vor.u32 v17, v16;
	_ =	sdelay $0x4  }
0x12a: {  	v16 =	vld.idx.msk [tilespmem:v16+s3+$0x0], $0xffff;
	_ =	sdelay $0x4  }
0x12b: {  	[tilespmem:s22+$0x4C70] =	vst v16  }
0x12c: {  	v16 =	vld [tilespmem:$0x4800];
	_ =	sdelay $0x4  }
0x12d: {  	v16 =	vshll.u32 v16, $0x7  }
0x12e: {  	v16 =	vor.u32 v17, v16;
	_ =	sdelay $0x4  }
0x12f: {  	v16 =	vld.idx.msk [tilespmem:v16+s3+$0x0], $0xffff;
	_ =	sdelay $0x4  }
0x130: {  	[tilespmem:s22+$0x5000] =	vst v16  }
0x131: {  	v16 =	vld [tilespmem:$0x4880];
	_ =	sdelay $0x4  }
0x132: {  	v16 =	vshll.u32 v16, $0x7  }
0x133: {  	v16 =	vor.u32 v17, v16;
	_ =	sdelay $0x4  }
0x134: {  	v16 =	vld.idx.msk [tilespmem:v16+s3+$0x0], $0xffff;
	_ =	sdelay $0x4  }
0x135: {  	[tilespmem:s22+$0x5010] =	vst v16  }
0x136: {  	v16 =	vld [tilespmem:$0x4900];
	_ =	sdelay $0x4  }
0x137: {  	v16 =	vshll.u32 v16, $0x7  }
0x138: {  	v16 =	vor.u32 v17, v16;
	_ =	sdelay $0x4  }
0x139: {  	v16 =	vld.idx.msk [tilespmem:v16+s3+$0x0], $0xffff;
	_ =	sdelay $0x4  }
0x13a: {  	[tilespmem:s22+$0x5020] =	vst v16  }
0x13b: {  	v16 =	vld [tilespmem:$0x4980];
	_ =	sdelay $0x4  }
0x13c: {  	v16 =	vshll.u32 v16, $0x7  }
0x13d: {  	v16 =	vor.u32 v17, v16;
	_ =	sdelay $0x4  }
0x13e: {  	v16 =	vld.idx.msk [tilespmem:v16+s3+$0x0], $0xffff;
	_ =	sdelay $0x4  }
0x13f: {  	[tilespmem:s22+$0x5030] =	vst v16  }
0x140: {  	v16 =	vld [tilespmem:$0x4A00];
	_ =	sdelay $0x4  }
0x141: {  	v16 =	vshll.u32 v16, $0x7  }
0x142: {  	v16 =	vor.u32 v17, v16;
	_ =	sdelay $0x4  }
0x143: {  	v16 =	vld.idx.msk [tilespmem:v16+s3+$0x0], $0xffff;
	_ =	sdelay $0x4  }
0x144: {  	[tilespmem:s22+$0x5040] =	vst v16  }
0x145: {  	v16 =	vld [tilespmem:$0x4A80];
	_ =	sdelay $0x4  }
0x146: {  	v16 =	vshll.u32 v16, $0x7  }
0x147: {  	v16 =	vor.u32 v17, v16;
	_ =	sdelay $0x4  }
0x148: {  	v16 =	vld.idx.msk [tilespmem:v16+s3+$0x0], $0xffff;
	_ =	sdelay $0x4  }
0x149: {  	[tilespmem:s22+$0x5050] =	vst v16  }
0x14a: {  	v16 =	vld [tilespmem:$0x4B00];
	_ =	sdelay $0x4  }
0x14b: {  	v16 =	vshll.u32 v16, $0x7  }
0x14c: {  	v16 =	vor.u32 v17, v16;
	_ =	sdelay $0x4  }
0x14d: {  	v16 =	vld.idx.msk [tilespmem:v16+s3+$0x0], $0xffff;
	_ =	sdelay $0x4  }
0x14e: {  	[tilespmem:s22+$0x5060] =	vst v16  }
0x14f: {  	v16 =	vld [tilespmem:$0x4B80];
	_ =	sdelay $0x4  }
0x150: {  	v16 =	vshll.u32 v16, $0x7  }
0x151: {  	v16 =	vor.u32 v17, v16;
	_ =	sdelay $0x4  }
0x152: {  	p0 =	sne.s32 s21, $0x3F;
	v16 =	vld.idx.msk [tilespmem:v16+s3+$0x0], $0xffff  }
.Ltmp1:
0x153: {  	_ = 	snop;
	(pc) =	sbr.rel @p0 .LBB2_4-.Ltmp1, $2  }
0x154: {  	_ =	sdelay $0x2  }
0x155: {  	s20 =	sadd.s32 $0x80, s20;
	s19 =	sadd.s32 $0x100, s19;
	s21 =	sadd.s32 $0x1, s21;
	[tilespmem:s22+$0x5070] =	vst v16  }
0x156: {  	[spmem:s7] =	stream.linear.scatter [tilespmem:s16], [sflag:$0x2], $0x4000, $0x38;
	[tilespmem:$0x19400] =	vst v63  }
0x157: {  	_ =	swait.ge [sflag:s15], $0x4000  }
0x158: {  	[sflag:s15] =	ssyncset.done $0x0  }
0x159: {  	[sflag:s15] =	ssyncadd.s32 $0xFFFFC000  }
0x15a: {  	[tilespmem:$0x4400] =	vst v32  }
0x15b: {  	[tilespmem:$0x4480] =	vst v33  }
0x15c: {  	[tilespmem:$0x4500] =	vst v34  }
0x15d: {  	[tilespmem:$0x4580] =	vst v35  }
0x15e: {  	[tilespmem:$0x4600] =	vst v36  }
0x15f: {  	[tilespmem:$0x4680] =	vst v37  }
0x160: {  	[tilespmem:$0x4700] =	vst v38  }
0x161: {  	[tilespmem:$0x4780] =	vst v39  }
0x162: {  	[tilespmem:$0x4800] =	vst v40  }
0x163: {  	[tilespmem:$0x4880] =	vst v41  }
0x164: {  	[tilespmem:$0x4900] =	vst v42  }
0x165: {  	[tilespmem:$0x4980] =	vst v43  }
0x166: {  	[tilespmem:$0x4A00] =	vst v44  }
0x167: {  	[tilespmem:$0x4A80] =	vst v45  }
0x168: {  	[tilespmem:$0x4B00] =	vst v46  }
0x169: {  	s19 =	simm.s32 $0x0;
	s20 =	simm.s32 $0x0;
	s21 =	simm.s32 $0x0;
	[tilespmem:$0x4B80] =	vst v47  }
.LBB2_6:
0x16a: {  	v16 =	vld [tilespmem:$0x4400];
	_ =	sdelay $0x1  }
0x16b: {  	v17 =	vmov s21  }
0x16c: {  	v17 =	vand.u32 $0x7F, v17  }
0x16d: {  	v17 =	vbroadcast v17, $0x0  }
0x16e: {  	v16 =	vshll.u32 v16, $0x7  }
0x16f: {  	v16 =	vor.u32 v17, v16;
	_ =	sdelay $0x4  }
0x170: {  	v16 =	vld.idx.msk [tilespmem:v16+s3+$0x0], $0xffff;
	_ =	sdelay $0x2  }
0x171: {  	s22 =	sand.u32 $0x3800, s19;
	s23 =	sand.u32 $0x380, s20  }
0x172: {  	s22 =	sor.u32 s23, s22  }
0x173: {  	[tilespmem:s22+$0x4C00] =	vst v16  }
0x174: {  	v16 =	vld [tilespmem:$0x4480];
	_ =	sdelay $0x4  }
0x175: {  	v16 =	vshll.u32 v16, $0x7  }
0x176: {  	v16 =	vor.u32 v17, v16;
	_ =	sdelay $0x4  }
0x177: {  	v16 =	vld.idx.msk [tilespmem:v16+s3+$0x0], $0xffff;
	_ =	sdelay $0x4  }
0x178: {  	[tilespmem:s22+$0x4C10] =	vst v16  }
0x179: {  	v16 =	vld [tilespmem:$0x4500];
	_ =	sdelay $0x4  }
0x17a: {  	v16 =	vshll.u32 v16, $0x7  }
0x17b: {  	v16 =	vor.u32 v17, v16;
	_ =	sdelay $0x4  }
0x17c: {  	v16 =	vld.idx.msk [tilespmem:v16+s3+$0x0], $0xffff;
	_ =	sdelay $0x4  }
0x17d: {  	[tilespmem:s22+$0x4C20] =	vst v16  }
0x17e: {  	v16 =	vld [tilespmem:$0x4580];
	_ =	sdelay $0x4  }
0x17f: {  	v16 =	vshll.u32 v16, $0x7  }
0x180: {  	v16 =	vor.u32 v17, v16;
	_ =	sdelay $0x4  }
0x181: {  	v16 =	vld.idx.msk [tilespmem:v16+s3+$0x0], $0xffff;
	_ =	sdelay $0x4  }
0x182: {  	[tilespmem:s22+$0x4C30] =	vst v16  }
0x183: {  	v16 =	vld [tilespmem:$0x4600];
	_ =	sdelay $0x4  }
0x184: {  	v16 =	vshll.u32 v16, $0x7  }
0x185: {  	v16 =	vor.u32 v17, v16;
	_ =	sdelay $0x4  }
0x186: {  	v16 =	vld.idx.msk [tilespmem:v16+s3+$0x0], $0xffff;
	_ =	sdelay $0x4  }
0x187: {  	[tilespmem:s22+$0x4C40] =	vst v16  }
0x188: {  	v16 =	vld [tilespmem:$0x4680];
	_ =	sdelay $0x4  }
0x189: {  	v16 =	vshll.u32 v16, $0x7  }
0x18a: {  	v16 =	vor.u32 v17, v16;
	_ =	sdelay $0x4  }
0x18b: {  	v16 =	vld.idx.msk [tilespmem:v16+s3+$0x0], $0xffff;
	_ =	sdelay $0x4  }
0x18c: {  	[tilespmem:s22+$0x4C50] =	vst v16  }
0x18d: {  	v16 =	vld [tilespmem:$0x4700];
	_ =	sdelay $0x4  }
0x18e: {  	v16 =	vshll.u32 v16, $0x7  }
0x18f: {  	v16 =	vor.u32 v17, v16;
	_ =	sdelay $0x4  }
0x190: {  	v16 =	vld.idx.msk [tilespmem:v16+s3+$0x0], $0xffff;
	_ =	sdelay $0x4  }
0x191: {  	[tilespmem:s22+$0x4C60] =	vst v16  }
0x192: {  	v16 =	vld [tilespmem:$0x4780];
	_ =	sdelay $0x4  }
0x193: {  	v16 =	vshll.u32 v16, $0x7  }
0x194: {  	v16 =	vor.u32 v17, v16;
	_ =	sdelay $0x4  }
0x195: {  	v16 =	vld.idx.msk [tilespmem:v16+s3+$0x0], $0xffff;
	_ =	sdelay $0x4  }
0x196: {  	[tilespmem:s22+$0x4C70] =	vst v16  }
0x197: {  	v16 =	vld [tilespmem:$0x4800];
	_ =	sdelay $0x4  }
0x198: {  	v16 =	vshll.u32 v16, $0x7  }
0x199: {  	v16 =	vor.u32 v17, v16;
	_ =	sdelay $0x4  }
0x19a: {  	v16 =	vld.idx.msk [tilespmem:v16+s3+$0x0], $0xffff;
	_ =	sdelay $0x4  }
0x19b: {  	[tilespmem:s22+$0x5000] =	vst v16  }
0x19c: {  	v16 =	vld [tilespmem:$0x4880];
	_ =	sdelay $0x4  }
0x19d: {  	v16 =	vshll.u32 v16, $0x7  }
0x19e: {  	v16 =	vor.u32 v17, v16;
	_ =	sdelay $0x4  }
0x19f: {  	v16 =	vld.idx.msk [tilespmem:v16+s3+$0x0], $0xffff;
	_ =	sdelay $0x4  }
0x1a0: {  	[tilespmem:s22+$0x5010] =	vst v16  }
0x1a1: {  	v16 =	vld [tilespmem:$0x4900];
	_ =	sdelay $0x4  }
0x1a2: {  	v16 =	vshll.u32 v16, $0x7  }
0x1a3: {  	v16 =	vor.u32 v17, v16;
	_ =	sdelay $0x4  }
0x1a4: {  	v16 =	vld.idx.msk [tilespmem:v16+s3+$0x0], $0xffff;
	_ =	sdelay $0x4  }
0x1a5: {  	[tilespmem:s22+$0x5020] =	vst v16  }
0x1a6: {  	v16 =	vld [tilespmem:$0x4980];
	_ =	sdelay $0x4  }
0x1a7: {  	v16 =	vshll.u32 v16, $0x7  }
0x1a8: {  	v16 =	vor.u32 v17, v16;
	_ =	sdelay $0x4  }
0x1a9: {  	v16 =	vld.idx.msk [tilespmem:v16+s3+$0x0], $0xffff;
	_ =	sdelay $0x4  }
0x1aa: {  	[tilespmem:s22+$0x5030] =	vst v16  }
0x1ab: {  	v16 =	vld [tilespmem:$0x4A00];
	_ =	sdelay $0x4  }
0x1ac: {  	v16 =	vshll.u32 v16, $0x7  }
0x1ad: {  	v16 =	vor.u32 v17, v16;
	_ =	sdelay $0x4  }
0x1ae: {  	v16 =	vld.idx.msk [tilespmem:v16+s3+$0x0], $0xffff;
	_ =	sdelay $0x4  }
0x1af: {  	[tilespmem:s22+$0x5040] =	vst v16  }
0x1b0: {  	v16 =	vld [tilespmem:$0x4A80];
	_ =	sdelay $0x4  }
0x1b1: {  	v16 =	vshll.u32 v16, $0x7  }
0x1b2: {  	v16 =	vor.u32 v17, v16;
	_ =	sdelay $0x4  }
0x1b3: {  	v16 =	vld.idx.msk [tilespmem:v16+s3+$0x0], $0xffff;
	_ =	sdelay $0x4  }
0x1b4: {  	[tilespmem:s22+$0x5050] =	vst v16  }
0x1b5: {  	v16 =	vld [tilespmem:$0x4B00];
	_ =	sdelay $0x4  }
0x1b6: {  	v16 =	vshll.u32 v16, $0x7  }
0x1b7: {  	v16 =	vor.u32 v17, v16;
	_ =	sdelay $0x4  }
0x1b8: {  	v16 =	vld.idx.msk [tilespmem:v16+s3+$0x0], $0xffff;
	_ =	sdelay $0x4  }
0x1b9: {  	[tilespmem:s22+$0x5060] =	vst v16  }
0x1ba: {  	v16 =	vld [tilespmem:$0x4B80];
	_ =	sdelay $0x4  }
0x1bb: {  	v16 =	vshll.u32 v16, $0x7  }
0x1bc: {  	v16 =	vor.u32 v17, v16;
	_ =	sdelay $0x4  }
0x1bd: {  	p0 =	sne.s32 s21, $0x3F;
	v16 =	vld.idx.msk [tilespmem:v16+s3+$0x0], $0xffff  }
.Ltmp2:
0x1be: {  	_ = 	snop;
	(pc) =	sbr.rel @p0 .LBB2_6-.Ltmp2, $2  }
0x1bf: {  	_ =	sdelay $0x2  }
0x1c0: {  	s20 =	sadd.s32 $0x80, s20;
	s19 =	sadd.s32 $0x100, s19;
	s21 =	sadd.s32 $0x1, s21;
	[tilespmem:s22+$0x5070] =	vst v16  }
0x1c1: {  	[spmem:s8] =	stream.linear.scatter [tilespmem:s16], [sflag:$0x2], $0x4000, $0x38;
	[tilespmem:$0x19400] =	vst v63  }
0x1c2: {  	_ =	swait.ge [sflag:s15], $0x4000  }
0x1c3: {  	[sflag:s15] =	ssyncset.done $0x0  }
0x1c4: {  	[sflag:s15] =	ssyncadd.s32 $0xFFFFC000  }
0x1c5: {  	[tilespmem:$0x4400] =	vst v48  }
0x1c6: {  	[tilespmem:$0x4480] =	vst v49  }
0x1c7: {  	[tilespmem:$0x4500] =	vst v50  }
0x1c8: {  	[tilespmem:$0x4580] =	vst v51  }
0x1c9: {  	[tilespmem:$0x4600] =	vst v52  }
0x1ca: {  	[tilespmem:$0x4680] =	vst v53  }
0x1cb: {  	[tilespmem:$0x4700] =	vst v54  }
0x1cc: {  	[tilespmem:$0x4780] =	vst v55  }
0x1cd: {  	[tilespmem:$0x4800] =	vst v56  }
0x1ce: {  	[tilespmem:$0x4880] =	vst v57  }
0x1cf: {  	[tilespmem:$0x4900] =	vst v58  }
0x1d0: {  	[tilespmem:$0x4980] =	vst v59  }
0x1d1: {  	[tilespmem:$0x4A00] =	vst v60  }
0x1d2: {  	[tilespmem:$0x4A80] =	vst v61  }
0x1d3: {  	[tilespmem:$0x4B00] =	vst v62  }
0x1d4: {  	s19 =	simm.s32 $0x0;
	s20 =	simm.s32 $0x0;
	s21 =	simm.s32 $0x0;
	[tilespmem:$0x4B80] =	vst v63  }
.LBB2_8:
0x1d5: {  	v16 =	vld [tilespmem:$0x4400];
	_ =	sdelay $0x1  }
0x1d6: {  	v17 =	vmov s21  }
0x1d7: {  	v17 =	vand.u32 $0x7F, v17  }
0x1d8: {  	v17 =	vbroadcast v17, $0x0  }
0x1d9: {  	v16 =	vshll.u32 v16, $0x7  }
0x1da: {  	v16 =	vor.u32 v17, v16;
	_ =	sdelay $0x4  }
0x1db: {  	v16 =	vld.idx.msk [tilespmem:v16+s3+$0x0], $0xffff;
	_ =	sdelay $0x2  }
0x1dc: {  	s22 =	sand.u32 $0x3800, s19;
	s23 =	sand.u32 $0x380, s20  }
0x1dd: {  	s22 =	sor.u32 s23, s22  }
0x1de: {  	[tilespmem:s22+$0x4C00] =	vst v16  }
0x1df: {  	v16 =	vld [tilespmem:$0x4480];
	_ =	sdelay $0x4  }
0x1e0: {  	v16 =	vshll.u32 v16, $0x7  }
0x1e1: {  	v16 =	vor.u32 v17, v16;
	_ =	sdelay $0x4  }
0x1e2: {  	v16 =	vld.idx.msk [tilespmem:v16+s3+$0x0], $0xffff;
	_ =	sdelay $0x4  }
0x1e3: {  	[tilespmem:s22+$0x4C10] =	vst v16  }
0x1e4: {  	v16 =	vld [tilespmem:$0x4500];
	_ =	sdelay $0x4  }
0x1e5: {  	v16 =	vshll.u32 v16, $0x7  }
0x1e6: {  	v16 =	vor.u32 v17, v16;
	_ =	sdelay $0x4  }
0x1e7: {  	v16 =	vld.idx.msk [tilespmem:v16+s3+$0x0], $0xffff;
	_ =	sdelay $0x4  }
0x1e8: {  	[tilespmem:s22+$0x4C20] =	vst v16  }
0x1e9: {  	v16 =	vld [tilespmem:$0x4580];
	_ =	sdelay $0x4  }
0x1ea: {  	v16 =	vshll.u32 v16, $0x7  }
0x1eb: {  	v16 =	vor.u32 v17, v16;
	_ =	sdelay $0x4  }
0x1ec: {  	v16 =	vld.idx.msk [tilespmem:v16+s3+$0x0], $0xffff;
	_ =	sdelay $0x4  }
0x1ed: {  	[tilespmem:s22+$0x4C30] =	vst v16  }
0x1ee: {  	v16 =	vld [tilespmem:$0x4600];
	_ =	sdelay $0x4  }
0x1ef: {  	v16 =	vshll.u32 v16, $0x7  }
0x1f0: {  	v16 =	vor.u32 v17, v16;
	_ =	sdelay $0x4  }
0x1f1: {  	v16 =	vld.idx.msk [tilespmem:v16+s3+$0x0], $0xffff;
	_ =	sdelay $0x4  }
0x1f2: {  	[tilespmem:s22+$0x4C40] =	vst v16  }
0x1f3: {  	v16 =	vld [tilespmem:$0x4680];
	_ =	sdelay $0x4  }
0x1f4: {  	v16 =	vshll.u32 v16, $0x7  }
0x1f5: {  	v16 =	vor.u32 v17, v16;
	_ =	sdelay $0x4  }
0x1f6: {  	v16 =	vld.idx.msk [tilespmem:v16+s3+$0x0], $0xffff;
	_ =	sdelay $0x4  }
0x1f7: {  	[tilespmem:s22+$0x4C50] =	vst v16  }
0x1f8: {  	v16 =	vld [tilespmem:$0x4700];
	_ =	sdelay $0x4  }
0x1f9: {  	v16 =	vshll.u32 v16, $0x7  }
0x1fa: {  	v16 =	vor.u32 v17, v16;
	_ =	sdelay $0x4  }
0x1fb: {  	v16 =	vld.idx.msk [tilespmem:v16+s3+$0x0], $0xffff;
	_ =	sdelay $0x4  }
0x1fc: {  	[tilespmem:s22+$0x4C60] =	vst v16  }
0x1fd: {  	v16 =	vld [tilespmem:$0x4780];
	_ =	sdelay $0x4  }
0x1fe: {  	v16 =	vshll.u32 v16, $0x7  }
0x1ff: {  	v16 =	vor.u32 v17, v16;
	_ =	sdelay $0x4  }
0x200: {  	v16 =	vld.idx.msk [tilespmem:v16+s3+$0x0], $0xffff;
	_ =	sdelay $0x4  }
0x201: {  	[tilespmem:s22+$0x4C70] =	vst v16  }
0x202: {  	v16 =	vld [tilespmem:$0x4800];
	_ =	sdelay $0x4  }
0x203: {  	v16 =	vshll.u32 v16, $0x7  }
0x204: {  	v16 =	vor.u32 v17, v16;
	_ =	sdelay $0x4  }
0x205: {  	v16 =	vld.idx.msk [tilespmem:v16+s3+$0x0], $0xffff;
	_ =	sdelay $0x4  }
0x206: {  	[tilespmem:s22+$0x5000] =	vst v16  }
0x207: {  	v16 =	vld [tilespmem:$0x4880];
	_ =	sdelay $0x4  }
0x208: {  	v16 =	vshll.u32 v16, $0x7  }
0x209: {  	v16 =	vor.u32 v17, v16;
	_ =	sdelay $0x4  }
0x20a: {  	v16 =	vld.idx.msk [tilespmem:v16+s3+$0x0], $0xffff;
	_ =	sdelay $0x4  }
0x20b: {  	[tilespmem:s22+$0x5010] =	vst v16  }
0x20c: {  	v16 =	vld [tilespmem:$0x4900];
	_ =	sdelay $0x4  }
0x20d: {  	v16 =	vshll.u32 v16, $0x7  }
0x20e: {  	v16 =	vor.u32 v17, v16;
	_ =	sdelay $0x4  }
0x20f: {  	v16 =	vld.idx.msk [tilespmem:v16+s3+$0x0], $0xffff;
	_ =	sdelay $0x4  }
0x210: {  	[tilespmem:s22+$0x5020] =	vst v16  }
0x211: {  	v16 =	vld [tilespmem:$0x4980];
	_ =	sdelay $0x4  }
0x212: {  	v16 =	vshll.u32 v16, $0x7  }
0x213: {  	v16 =	vor.u32 v17, v16;
	_ =	sdelay $0x4  }
0x214: {  	v16 =	vld.idx.msk [tilespmem:v16+s3+$0x0], $0xffff;
	_ =	sdelay $0x4  }
0x215: {  	[tilespmem:s22+$0x5030] =	vst v16  }
0x216: {  	v16 =	vld [tilespmem:$0x4A00];
	_ =	sdelay $0x4  }
0x217: {  	v16 =	vshll.u32 v16, $0x7  }
0x218: {  	v16 =	vor.u32 v17, v16;
	_ =	sdelay $0x4  }
0x219: {  	v16 =	vld.idx.msk [tilespmem:v16+s3+$0x0], $0xffff;
	_ =	sdelay $0x4  }
0x21a: {  	[tilespmem:s22+$0x5040] =	vst v16  }
0x21b: {  	v16 =	vld [tilespmem:$0x4A80];
	_ =	sdelay $0x4  }
0x21c: {  	v16 =	vshll.u32 v16, $0x7  }
0x21d: {  	v16 =	vor.u32 v17, v16;
	_ =	sdelay $0x4  }
0x21e: {  	v16 =	vld.idx.msk [tilespmem:v16+s3+$0x0], $0xffff;
	_ =	sdelay $0x4  }
0x21f: {  	[tilespmem:s22+$0x5050] =	vst v16  }
0x220: {  	v16 =	vld [tilespmem:$0x4B00];
	_ =	sdelay $0x4  }
0x221: {  	v16 =	vshll.u32 v16, $0x7  }
0x222: {  	v16 =	vor.u32 v17, v16;
	_ =	sdelay $0x4  }
0x223: {  	v16 =	vld.idx.msk [tilespmem:v16+s3+$0x0], $0xffff;
	_ =	sdelay $0x4  }
0x224: {  	[tilespmem:s22+$0x5060] =	vst v16  }
0x225: {  	v16 =	vld [tilespmem:$0x4B80];
	_ =	sdelay $0x4  }
0x226: {  	v16 =	vshll.u32 v16, $0x7  }
0x227: {  	v16 =	vor.u32 v17, v16;
	_ =	sdelay $0x4  }
0x228: {  	p0 =	sne.s32 s21, $0x3F;
	v16 =	vld.idx.msk [tilespmem:v16+s3+$0x0], $0xffff  }
.Ltmp3:
0x229: {  	_ = 	snop;
	(pc) =	sbr.rel @p0 .LBB2_8-.Ltmp3, $2  }
0x22a: {  	_ =	sdelay $0x2  }
0x22b: {  	s20 =	sadd.s32 $0x80, s20;
	s19 =	sadd.s32 $0x100, s19;
	s21 =	sadd.s32 $0x1, s21;
	[tilespmem:s22+$0x5070] =	vst v16  }
0x22c: {  	[spmem:s9] =	stream.linear.scatter [tilespmem:s16], [sflag:$0x2], $0x4000, $0x38;
	[tilespmem:$0x19400] =	vst v63  }
0x22d: {  	_ =	swait.ge [sflag:s15], $0x4000  }
0x22e: {  	[sflag:s15] =	ssyncset.done $0x0  }
0x22f: {  	[sflag:s15] =	ssyncadd.s32 $0xFFFFC000  }
0x230: {  	[tilespmem:$0x4400] =	vst v0  }
0x231: {  	[tilespmem:$0x4480] =	vst v1  }
0x232: {  	[tilespmem:$0x4500] =	vst v2  }
0x233: {  	[tilespmem:$0x4580] =	vst v3  }
0x234: {  	[tilespmem:$0x4600] =	vst v4  }
0x235: {  	[tilespmem:$0x4680] =	vst v5  }
0x236: {  	[tilespmem:$0x4700] =	vst v6  }
0x237: {  	[tilespmem:$0x4780] =	vst v7  }
0x238: {  	[tilespmem:$0x4800] =	vst v8  }
0x239: {  	[tilespmem:$0x4880] =	vst v9  }
0x23a: {  	[tilespmem:$0x4900] =	vst v10  }
0x23b: {  	[tilespmem:$0x4980] =	vst v11  }
0x23c: {  	[tilespmem:$0x4A00] =	vst v12  }
0x23d: {  	[tilespmem:$0x4A80] =	vst v13  }
0x23e: {  	[tilespmem:$0x4B00] =	vst v14  }
0x23f: {  	s19 =	simm.s32 $0x0;
	s20 =	simm.s32 $0x0;
	s21 =	simm.s32 $0x0;
	[tilespmem:$0x4B80] =	vst v15  }
.LBB2_10:
0x240: {  	v16 =	vld [tilespmem:$0x4400];
	_ =	sdelay $0x1  }
0x241: {  	v17 =	vmov s21  }
0x242: {  	v17 =	vand.u32 $0x7F, v17  }
0x243: {  	v17 =	vbroadcast v17, $0x0  }
0x244: {  	v16 =	vshll.u32 v16, $0x7  }
0x245: {  	v16 =	vor.u32 v17, v16;
	_ =	sdelay $0x4  }
0x246: {  	v16 =	vld.idx.msk [tilespmem:v16+s3+$0x0], $0xffff;
	_ =	sdelay $0x2  }
0x247: {  	s22 =	sand.u32 $0x3800, s19;
	s23 =	sand.u32 $0x380, s20  }
0x248: {  	s22 =	sor.u32 s23, s22  }
0x249: {  	[tilespmem:s22+$0x4C00] =	vst v16  }
0x24a: {  	v16 =	vld [tilespmem:$0x4480];
	_ =	sdelay $0x4  }
0x24b: {  	v16 =	vshll.u32 v16, $0x7  }
0x24c: {  	v16 =	vor.u32 v17, v16;
	_ =	sdelay $0x4  }
0x24d: {  	v16 =	vld.idx.msk [tilespmem:v16+s3+$0x0], $0xffff;
	_ =	sdelay $0x4  }
0x24e: {  	[tilespmem:s22+$0x4C10] =	vst v16  }
0x24f: {  	v16 =	vld [tilespmem:$0x4500];
	_ =	sdelay $0x4  }
0x250: {  	v16 =	vshll.u32 v16, $0x7  }
0x251: {  	v16 =	vor.u32 v17, v16;
	_ =	sdelay $0x4  }
0x252: {  	v16 =	vld.idx.msk [tilespmem:v16+s3+$0x0], $0xffff;
	_ =	sdelay $0x4  }
0x253: {  	[tilespmem:s22+$0x4C20] =	vst v16  }
0x254: {  	v16 =	vld [tilespmem:$0x4580];
	_ =	sdelay $0x4  }
0x255: {  	v16 =	vshll.u32 v16, $0x7  }
0x256: {  	v16 =	vor.u32 v17, v16;
	_ =	sdelay $0x4  }
0x257: {  	v16 =	vld.idx.msk [tilespmem:v16+s3+$0x0], $0xffff;
	_ =	sdelay $0x4  }
0x258: {  	[tilespmem:s22+$0x4C30] =	vst v16  }
0x259: {  	v16 =	vld [tilespmem:$0x4600];
	_ =	sdelay $0x4  }
0x25a: {  	v16 =	vshll.u32 v16, $0x7  }
0x25b: {  	v16 =	vor.u32 v17, v16;
	_ =	sdelay $0x4  }
0x25c: {  	v16 =	vld.idx.msk [tilespmem:v16+s3+$0x0], $0xffff;
	_ =	sdelay $0x4  }
0x25d: {  	[tilespmem:s22+$0x4C40] =	vst v16  }
0x25e: {  	v16 =	vld [tilespmem:$0x4680];
	_ =	sdelay $0x4  }
0x25f: {  	v16 =	vshll.u32 v16, $0x7  }
0x260: {  	v16 =	vor.u32 v17, v16;
	_ =	sdelay $0x4  }
0x261: {  	v16 =	vld.idx.msk [tilespmem:v16+s3+$0x0], $0xffff;
	_ =	sdelay $0x4  }
0x262: {  	[tilespmem:s22+$0x4C50] =	vst v16  }
0x263: {  	v16 =	vld [tilespmem:$0x4700];
	_ =	sdelay $0x4  }
0x264: {  	v16 =	vshll.u32 v16, $0x7  }
0x265: {  	v16 =	vor.u32 v17, v16;
	_ =	sdelay $0x4  }
0x266: {  	v16 =	vld.idx.msk [tilespmem:v16+s3+$0x0], $0xffff;
	_ =	sdelay $0x4  }
0x267: {  	[tilespmem:s22+$0x4C60] =	vst v16  }
0x268: {  	v16 =	vld [tilespmem:$0x4780];
	_ =	sdelay $0x4  }
0x269: {  	v16 =	vshll.u32 v16, $0x7  }
0x26a: {  	v16 =	vor.u32 v17, v16;
	_ =	sdelay $0x4  }
0x26b: {  	v16 =	vld.idx.msk [tilespmem:v16+s3+$0x0], $0xffff;
	_ =	sdelay $0x4  }
0x26c: {  	[tilespmem:s22+$0x4C70] =	vst v16  }
0x26d: {  	v16 =	vld [tilespmem:$0x4800];
	_ =	sdelay $0x4  }
0x26e: {  	v16 =	vshll.u32 v16, $0x7  }
0x26f: {  	v16 =	vor.u32 v17, v16;
	_ =	sdelay $0x4  }
0x270: {  	v16 =	vld.idx.msk [tilespmem:v16+s3+$0x0], $0xffff;
	_ =	sdelay $0x4  }
0x271: {  	[tilespmem:s22+$0x5000] =	vst v16  }
0x272: {  	v16 =	vld [tilespmem:$0x4880];
	_ =	sdelay $0x4  }
0x273: {  	v16 =	vshll.u32 v16, $0x7  }
0x274: {  	v16 =	vor.u32 v17, v16;
	_ =	sdelay $0x4  }
0x275: {  	v16 =	vld.idx.msk [tilespmem:v16+s3+$0x0], $0xffff;
	_ =	sdelay $0x4  }
0x276: {  	[tilespmem:s22+$0x5010] =	vst v16  }
0x277: {  	v16 =	vld [tilespmem:$0x4900];
	_ =	sdelay $0x4  }
0x278: {  	v16 =	vshll.u32 v16, $0x7  }
0x279: {  	v16 =	vor.u32 v17, v16;
	_ =	sdelay $0x4  }
0x27a: {  	v16 =	vld.idx.msk [tilespmem:v16+s3+$0x0], $0xffff;
	_ =	sdelay $0x4  }
0x27b: {  	[tilespmem:s22+$0x5020] =	vst v16  }
0x27c: {  	v16 =	vld [tilespmem:$0x4980];
	_ =	sdelay $0x4  }
0x27d: {  	v16 =	vshll.u32 v16, $0x7  }
0x27e: {  	v16 =	vor.u32 v17, v16;
	_ =	sdelay $0x4  }
0x27f: {  	v16 =	vld.idx.msk [tilespmem:v16+s3+$0x0], $0xffff;
	_ =	sdelay $0x4  }
0x280: {  	[tilespmem:s22+$0x5030] =	vst v16  }
0x281: {  	v16 =	vld [tilespmem:$0x4A00];
	_ =	sdelay $0x4  }
0x282: {  	v16 =	vshll.u32 v16, $0x7  }
0x283: {  	v16 =	vor.u32 v17, v16;
	_ =	sdelay $0x4  }
0x284: {  	v16 =	vld.idx.msk [tilespmem:v16+s3+$0x0], $0xffff;
	_ =	sdelay $0x4  }
0x285: {  	[tilespmem:s22+$0x5040] =	vst v16  }
0x286: {  	v16 =	vld [tilespmem:$0x4A80];
	_ =	sdelay $0x4  }
0x287: {  	v16 =	vshll.u32 v16, $0x7  }
0x288: {  	v16 =	vor.u32 v17, v16;
	_ =	sdelay $0x4  }
0x289: {  	v16 =	vld.idx.msk [tilespmem:v16+s3+$0x0], $0xffff;
	_ =	sdelay $0x4  }
0x28a: {  	[tilespmem:s22+$0x5050] =	vst v16  }
0x28b: {  	v16 =	vld [tilespmem:$0x4B00];
	_ =	sdelay $0x4  }
0x28c: {  	v16 =	vshll.u32 v16, $0x7  }
0x28d: {  	v16 =	vor.u32 v17, v16;
	_ =	sdelay $0x4  }
0x28e: {  	v16 =	vld.idx.msk [tilespmem:v16+s3+$0x0], $0xffff;
	_ =	sdelay $0x4  }
0x28f: {  	[tilespmem:s22+$0x5060] =	vst v16  }
0x290: {  	v16 =	vld [tilespmem:$0x4B80];
	_ =	sdelay $0x4  }
0x291: {  	v16 =	vshll.u32 v16, $0x7  }
0x292: {  	v16 =	vor.u32 v17, v16;
	_ =	sdelay $0x4  }
0x293: {  	p0 =	sne.s32 s21, $0x3F;
	v16 =	vld.idx.msk [tilespmem:v16+s3+$0x0], $0xffff  }
.Ltmp4:
0x294: {  	_ = 	snop;
	(pc) =	sbr.rel @p0 .LBB2_10-.Ltmp4, $2  }
0x295: {  	_ =	sdelay $0x2  }
0x296: {  	s20 =	sadd.s32 $0x80, s20;
	s19 =	sadd.s32 $0x100, s19;
	s21 =	sadd.s32 $0x1, s21;
	[tilespmem:s22+$0x5070] =	vst v16  }
0x297: {  	[spmem:s10] =	stream.linear.scatter [tilespmem:s16], [sflag:$0x2], $0x4000, $0x38;
	[tilespmem:$0x19400] =	vst v63  }
0x298: {  	_ =	swait.ge [sflag:s15], $0x4000  }
0x299: {  	[sflag:s15] =	ssyncset.done $0x0  }
0x29a: {  	s19 =	simm.s32 $0x0;
	[sflag:s15] =	ssyncadd.s32 $0xFFFFC000  }
0x29b: {  	s20 =	smov.u32 s14;
	s21 =	smov.u32 s13;
	[bflag:$0x0] =	sbarrier.arrive $0xFFFF  }
.LBB2_12:
0x29c: {  	p0 =	seq.s32 s19, $0xFFFFFFC0  }
0x29d: {  	s22 =	sadd.s32 @!p0 s19, s12  }
0x29e: {  	s23 =	sadd.s32 @!p0 $0x7FF, s22  }
0x29f: {  	s24 =	sshra.s32 @!p0 s23, $0x1F  }
0x2a0: {  	s24 =	sshrl.u32 @!p0 s24, $0x19  }
0x2a1: {  	s24 =	sadd.s32 @!p0 s24, s23  }
0x2a2: {  	s24 =	sand.u32 @!p0 $0xFFFFFF80, s24  }
0x2a3: {  	s24 =	ssub.s32 @!p0 s23, s24  }
0x2a4: {  	s23 =	sadd.s32 @!p0 $0xFFFFFFFF, s24  }
0x2a5: {  	s29 =	sand.u32 @!p0 $0x7F, s23  }
0x2a6: {  	s23 =	ssub.s32 @!p0 s22, s29;
	s22 =	sadd.s32 @!p0 s24, s5  }
0x2a7: {  	s24 =	sadd.s32 @!p0 $0xFE, s23;
	s22 =	sshll.u32 @!p0 s22, $0xE  }
0x2a8: {  	p1 =	sgt.s32 @!p0 s24, $0x0;
	s25 =	smov.u32 s24;
	p2 =	sgt.s32 @!p0 s24, $0x80  }
0x2a9: {  	s22 =	sadd.s32 @!p0 $0x8000, s22;
	p1 =	por !p1, p0;
	p2 =	por !p2, p0  }
0x2aa: {  	s25 =	simm.s32 @p1 $0x0;
	p1 =	slt.s32 @!p0 s24, $0x0;
	s24 =	smov.u32 s22  }
0x2ab: {  	s25 =	smin.u32 @!p0 s25, $0x80;
	s24 =	simm.s32 @!p2 $0x4000;
	p1 =	por !p1, p0  }
0x2ac: {  	s30 =	sadd.s32 @!p0 $0xFFFFF880, s20;
	s24 =	simm.s32 @!p1 $0x0;
	s25 =	sshll.u32 @!p0 s25, $0x3  }
0x2ad: {  	s26 =	simm.s32 @!p0 $0x800;
	s25 =	sand.u32 @!p0 $0x400, s25;
	s24 =	sadd.s32 @!p0 s24, s2  }
0x2ae: {  	s28 =	simm.s32 @!p0 $0x100;
	s25 =	sadd.s32 @!p0 s25, s24;
	s24 =	sshll.u32 @!p0 s0, $0x6  }
0x2af: {  	s24 =	sor.u32 @!p0 $0x1C01, s24;
	s31 =	sshrl.u32 @!p0 s25, $0x3;
	s25 =	simm.s32 @!p0 $0x8  }
0x2b0: {  	[hbm:s30@s26], [sflag:s24] =	dma.strided @!p0 [spmem:s31@s28], $0x400, s25, $0x10   }
0x2b1: {  	s29 =	sadd.s32 @!p0 s29, s21;
	s30 =	sadd.s32 @!p0 $0x17E, s23  }
0x2b2: {  	p2 =	slt.u32 @!p0 s29, $0x7FF;
	p1 =	sgt.s32 @!p0 s30, $0x0  }
0x2b3: {  	p2 =	por !p2, p0;
	p1 =	por !p1, p0  }
0x2b4: {  	s31 =	smov.u32 s22;
	s30 =	simm.s32 @p1 $0x0;
	p1 =	sgt.u32 @!p0 s29, $0x87F  }
0x2b5: {  	s31 =	simm.s32 @!p2 $0x4000;
	s30 =	smin.u32 @!p0 s30, $0x80;
	p1 =	por !p1, p0  }
0x2b6: {  	s31 =	simm.s32 @!p1 $0x0;
	s30 =	sshll.u32 @!p0 s30, $0x3  }
0x2b7: {  	s30 =	sand.u32 @!p0 $0x400, s30;
	s31 =	sadd.s32 @!p0 s31, s2  }
0x2b8: {  	s30 =	sadd.s32 @!p0 s30, s31  }
0x2b9: {  	s31 =	sadd.s32 @!p0 $0xFFFFF900, s20;
	s30 =	sshrl.u32 @!p0 s30, $0x3  }
0x2ba: {  	[hbm:s31@s26], [sflag:s24] =	dma.strided @!p0 [spmem:s30@s28], $0x400, s25, $0x10   }
0x2bb: {  	s30 =	sadd.s32 @!p0 $0x1FE, s23  }
0x2bc: {  	p2 =	slt.u32 @!p0 s29, $0x87F;
	p1 =	sgt.s32 @!p0 s30, $0x0  }
0x2bd: {  	p2 =	por !p2, p0;
	p1 =	por !p1, p0  }
0x2be: {  	s31 =	smov.u32 s22;
	s30 =	simm.s32 @p1 $0x0;
	p1 =	sgt.u32 @!p0 s29, $0x8FF  }
0x2bf: {  	s31 =	simm.s32 @!p2 $0x4000;
	s30 =	smin.u32 @!p0 s30, $0x80;
	p1 =	por !p1, p0  }
0x2c0: {  	s31 =	simm.s32 @!p1 $0x0;
	s30 =	sshll.u32 @!p0 s30, $0x3  }
0x2c1: {  	s30 =	sand.u32 @!p0 $0x400, s30;
	s31 =	sadd.s32 @!p0 s31, s2  }
0x2c2: {  	s30 =	sadd.s32 @!p0 s30, s31  }
0x2c3: {  	s31 =	sadd.s32 @!p0 $0xFFFFF980, s20;
	s30 =	sshrl.u32 @!p0 s30, $0x3  }
0x2c4: {  	[hbm:s31@s26], [sflag:s24] =	dma.strided @!p0 [spmem:s30@s28], $0x400, s25, $0x10   }
0x2c5: {  	s30 =	sadd.s32 @!p0 $0x27E, s23  }
0x2c6: {  	p2 =	slt.u32 @!p0 s29, $0x8FF;
	p1 =	sgt.s32 @!p0 s30, $0x0  }
0x2c7: {  	p2 =	por !p2, p0;
	p1 =	por !p1, p0  }
0x2c8: {  	s31 =	smov.u32 s22;
	s30 =	simm.s32 @p1 $0x0;
	p1 =	sgt.u32 @!p0 s29, $0x97F  }
0x2c9: {  	s31 =	simm.s32 @!p2 $0x4000;
	s30 =	smin.u32 @!p0 s30, $0x80;
	p1 =	por !p1, p0  }
0x2ca: {  	s31 =	simm.s32 @!p1 $0x0;
	s30 =	sshll.u32 @!p0 s30, $0x3  }
0x2cb: {  	s30 =	sand.u32 @!p0 $0x400, s30;
	s31 =	sadd.s32 @!p0 s31, s2  }
0x2cc: {  	s30 =	sadd.s32 @!p0 s30, s31  }
0x2cd: {  	s31 =	sadd.s32 @!p0 $0xFFFFFA00, s20;
	s30 =	sshrl.u32 @!p0 s30, $0x3  }
0x2ce: {  	[hbm:s31@s26], [sflag:s24] =	dma.strided @!p0 [spmem:s30@s28], $0x400, s25, $0x10   }
0x2cf: {  	s30 =	sadd.s32 @!p0 $0x2FE, s23  }
0x2d0: {  	p2 =	slt.u32 @!p0 s29, $0x97F;
	p1 =	sgt.s32 @!p0 s30, $0x0  }
0x2d1: {  	p2 =	por !p2, p0;
	p1 =	por !p1, p0  }
0x2d2: {  	s31 =	smov.u32 s22;
	s30 =	simm.s32 @p1 $0x0;
	p1 =	sgt.u32 @!p0 s29, $0x9FF  }
0x2d3: {  	s31 =	simm.s32 @!p2 $0x4000;
	s30 =	smin.u32 @!p0 s30, $0x80;
	p1 =	por !p1, p0  }
0x2d4: {  	s31 =	simm.s32 @!p1 $0x0;
	s30 =	sshll.u32 @!p0 s30, $0x3  }
0x2d5: {  	s30 =	sand.u32 @!p0 $0x400, s30;
	s31 =	sadd.s32 @!p0 s31, s2  }
0x2d6: {  	s30 =	sadd.s32 @!p0 s30, s31  }
0x2d7: {  	s31 =	sadd.s32 @!p0 $0xFFFFFA80, s20;
	s30 =	sshrl.u32 @!p0 s30, $0x3  }
0x2d8: {  	[hbm:s31@s26], [sflag:s24] =	dma.strided @!p0 [spmem:s30@s28], $0x400, s25, $0x10   }
0x2d9: {  	s30 =	sadd.s32 @!p0 $0x37E, s23  }
0x2da: {  	p2 =	slt.u32 @!p0 s29, $0x9FF;
	p1 =	sgt.s32 @!p0 s30, $0x0  }
0x2db: {  	p2 =	por !p2, p0;
	p1 =	por !p1, p0  }
0x2dc: {  	s31 =	smov.u32 s22;
	s30 =	simm.s32 @p1 $0x0;
	p1 =	sgt.u32 @!p0 s29, $0xA7F  }
0x2dd: {  	s31 =	simm.s32 @!p2 $0x4000;
	s30 =	smin.u32 @!p0 s30, $0x80;
	p1 =	por !p1, p0  }
0x2de: {  	s31 =	simm.s32 @!p1 $0x0;
	s30 =	sshll.u32 @!p0 s30, $0x3  }
0x2df: {  	s30 =	sand.u32 @!p0 $0x400, s30;
	s31 =	sadd.s32 @!p0 s31, s2  }
0x2e0: {  	s30 =	sadd.s32 @!p0 s30, s31  }
0x2e1: {  	s31 =	sadd.s32 @!p0 $0xFFFFFB00, s20;
	s30 =	sshrl.u32 @!p0 s30, $0x3  }
0x2e2: {  	[hbm:s31@s26], [sflag:s24] =	dma.strided @!p0 [spmem:s30@s28], $0x400, s25, $0x10   }
0x2e3: {  	s30 =	sadd.s32 @!p0 $0x3FE, s23  }
0x2e4: {  	p2 =	slt.u32 @!p0 s29, $0xA7F;
	p1 =	sgt.s32 @!p0 s30, $0x0  }
0x2e5: {  	p2 =	por !p2, p0;
	p1 =	por !p1, p0  }
0x2e6: {  	s31 =	smov.u32 s22;
	s30 =	simm.s32 @p1 $0x0;
	p1 =	sgt.u32 @!p0 s29, $0xAFF  }
0x2e7: {  	s31 =	simm.s32 @!p2 $0x4000;
	s30 =	smin.u32 @!p0 s30, $0x80;
	p1 =	por !p1, p0  }
0x2e8: {  	s31 =	simm.s32 @!p1 $0x0;
	s30 =	sshll.u32 @!p0 s30, $0x3  }
0x2e9: {  	s30 =	sand.u32 @!p0 $0x400, s30;
	s31 =	sadd.s32 @!p0 s31, s2  }
0x2ea: {  	s30 =	sadd.s32 @!p0 s30, s31  }
0x2eb: {  	s31 =	sadd.s32 @!p0 $0xFFFFFB80, s20;
	s30 =	sshrl.u32 @!p0 s30, $0x3  }
0x2ec: {  	[hbm:s31@s26], [sflag:s24] =	dma.strided @!p0 [spmem:s30@s28], $0x400, s25, $0x10   }
0x2ed: {  	s30 =	sadd.s32 @!p0 $0x47E, s23  }
0x2ee: {  	p2 =	slt.u32 @!p0 s29, $0xAFF;
	p1 =	sgt.s32 @!p0 s30, $0x0  }
0x2ef: {  	p2 =	por !p2, p0;
	p1 =	por !p1, p0  }
0x2f0: {  	s31 =	smov.u32 s22;
	s30 =	simm.s32 @p1 $0x0;
	p1 =	sgt.u32 @!p0 s29, $0xB7F  }
0x2f1: {  	s31 =	simm.s32 @!p2 $0x4000;
	s30 =	smin.u32 @!p0 s30, $0x80;
	p1 =	por !p1, p0  }
0x2f2: {  	s31 =	simm.s32 @!p1 $0x0;
	s30 =	sshll.u32 @!p0 s30, $0x3  }
0x2f3: {  	s30 =	sand.u32 @!p0 $0x400, s30;
	s31 =	sadd.s32 @!p0 s31, s2  }
0x2f4: {  	s30 =	sadd.s32 @!p0 s30, s31  }
0x2f5: {  	s31 =	sadd.s32 @!p0 $0xFFFFFC00, s20;
	s30 =	sshrl.u32 @!p0 s30, $0x3  }
0x2f6: {  	[hbm:s31@s26], [sflag:s24] =	dma.strided @!p0 [spmem:s30@s28], $0x400, s25, $0x10   }
0x2f7: {  	s30 =	sadd.s32 @!p0 $0x4FE, s23  }
0x2f8: {  	p2 =	slt.u32 @!p0 s29, $0xB7F;
	p1 =	sgt.s32 @!p0 s30, $0x0  }
0x2f9: {  	p2 =	por !p2, p0;
	p1 =	por !p1, p0  }
0x2fa: {  	s31 =	smov.u32 s22;
	s30 =	simm.s32 @p1 $0x0;
	p1 =	sgt.u32 @!p0 s29, $0xBFF  }
0x2fb: {  	s31 =	simm.s32 @!p2 $0x4000;
	s30 =	smin.u32 @!p0 s30, $0x80;
	p1 =	por !p1, p0  }
0x2fc: {  	s31 =	simm.s32 @!p1 $0x0;
	s30 =	sshll.u32 @!p0 s30, $0x3  }
0x2fd: {  	s30 =	sand.u32 @!p0 $0x400, s30;
	s31 =	sadd.s32 @!p0 s31, s2  }
0x2fe: {  	s30 =	sadd.s32 @!p0 s30, s31  }
0x2ff: {  	s31 =	sadd.s32 @!p0 $0xFFFFFC80, s20;
	s30 =	sshrl.u32 @!p0 s30, $0x3  }
0x300: {  	[hbm:s31@s26], [sflag:s24] =	dma.strided @!p0 [spmem:s30@s28], $0x400, s25, $0x10   }
0x301: {  	s30 =	sadd.s32 @!p0 $0x57E, s23  }
0x302: {  	p2 =	slt.u32 @!p0 s29, $0xBFF;
	p1 =	sgt.s32 @!p0 s30, $0x0  }
0x303: {  	p2 =	por !p2, p0;
	p1 =	por !p1, p0  }
0x304: {  	s31 =	smov.u32 s22;
	s30 =	simm.s32 @p1 $0x0;
	p1 =	sgt.u32 @!p0 s29, $0xC7F  }
0x305: {  	s31 =	simm.s32 @!p2 $0x4000;
	s30 =	smin.u32 @!p0 s30, $0x80;
	p1 =	por !p1, p0  }
0x306: {  	s31 =	simm.s32 @!p1 $0x0;
	s30 =	sshll.u32 @!p0 s30, $0x3  }
0x307: {  	s30 =	sand.u32 @!p0 $0x400, s30;
	s31 =	sadd.s32 @!p0 s31, s2  }
0x308: {  	s30 =	sadd.s32 @!p0 s30, s31  }
0x309: {  	s31 =	sadd.s32 @!p0 $0xFFFFFD00, s20;
	s30 =	sshrl.u32 @!p0 s30, $0x3  }
0x30a: {  	[hbm:s31@s26], [sflag:s24] =	dma.strided @!p0 [spmem:s30@s28], $0x400, s25, $0x10   }
0x30b: {  	s30 =	sadd.s32 @!p0 $0x5FE, s23  }
0x30c: {  	p2 =	slt.u32 @!p0 s29, $0xC7F;
	p1 =	sgt.s32 @!p0 s30, $0x0  }
0x30d: {  	p2 =	por !p2, p0;
	p1 =	por !p1, p0  }
0x30e: {  	s31 =	smov.u32 s22;
	s30 =	simm.s32 @p1 $0x0;
	p1 =	sgt.u32 @!p0 s29, $0xCFF  }
0x30f: {  	s31 =	simm.s32 @!p2 $0x4000;
	s30 =	smin.u32 @!p0 s30, $0x80;
	p1 =	por !p1, p0  }
0x310: {  	s31 =	simm.s32 @!p1 $0x0;
	s30 =	sshll.u32 @!p0 s30, $0x3  }
0x311: {  	s30 =	sand.u32 @!p0 $0x400, s30;
	s31 =	sadd.s32 @!p0 s31, s2  }
0x312: {  	s30 =	sadd.s32 @!p0 s30, s31  }
0x313: {  	s31 =	sadd.s32 @!p0 $0xFFFFFD80, s20;
	s30 =	sshrl.u32 @!p0 s30, $0x3  }
0x314: {  	[hbm:s31@s26], [sflag:s24] =	dma.strided @!p0 [spmem:s30@s28], $0x400, s25, $0x10   }
0x315: {  	s30 =	sadd.s32 @!p0 $0x67E, s23  }
0x316: {  	p2 =	slt.u32 @!p0 s29, $0xCFF;
	p1 =	sgt.s32 @!p0 s30, $0x0  }
0x317: {  	p2 =	por !p2, p0;
	p1 =	por !p1, p0  }
0x318: {  	s31 =	smov.u32 s22;
	s30 =	simm.s32 @p1 $0x0;
	p1 =	sgt.u32 @!p0 s29, $0xD7F  }
0x319: {  	s31 =	simm.s32 @!p2 $0x4000;
	s30 =	smin.u32 @!p0 s30, $0x80;
	p1 =	por !p1, p0  }
0x31a: {  	s31 =	simm.s32 @!p1 $0x0;
	s30 =	sshll.u32 @!p0 s30, $0x3  }
0x31b: {  	s30 =	sand.u32 @!p0 $0x400, s30;
	s31 =	sadd.s32 @!p0 s31, s2  }
0x31c: {  	s30 =	sadd.s32 @!p0 s30, s31  }
0x31d: {  	s31 =	sadd.s32 @!p0 $0xFFFFFE00, s20;
	s30 =	sshrl.u32 @!p0 s30, $0x3  }
0x31e: {  	[hbm:s31@s26], [sflag:s24] =	dma.strided @!p0 [spmem:s30@s28], $0x400, s25, $0x10   }
0x31f: {  	s30 =	sadd.s32 @!p0 $0x6FE, s23  }
0x320: {  	p2 =	slt.u32 @!p0 s29, $0xD7F;
	p1 =	sgt.s32 @!p0 s30, $0x0  }
0x321: {  	p2 =	por !p2, p0;
	p1 =	por !p1, p0  }
0x322: {  	s31 =	smov.u32 s22;
	s30 =	simm.s32 @p1 $0x0;
	p1 =	sgt.u32 @!p0 s29, $0xDFF  }
0x323: {  	s31 =	simm.s32 @!p2 $0x4000;
	s30 =	smin.u32 @!p0 s30, $0x80;
	p1 =	por !p1, p0  }
0x324: {  	s31 =	simm.s32 @!p1 $0x0;
	s30 =	sshll.u32 @!p0 s30, $0x3  }
0x325: {  	s30 =	sand.u32 @!p0 $0x400, s30;
	s31 =	sadd.s32 @!p0 s31, s2  }
0x326: {  	s30 =	sadd.s32 @!p0 s30, s31  }
0x327: {  	s31 =	sadd.s32 @!p0 $0xFFFFFE80, s20;
	s30 =	sshrl.u32 @!p0 s30, $0x3  }
0x328: {  	[hbm:s31@s26], [sflag:s24] =	dma.strided @!p0 [spmem:s30@s28], $0x400, s25, $0x10   }
0x329: {  	s30 =	sadd.s32 @!p0 $0x77E, s23  }
0x32a: {  	p2 =	slt.u32 @!p0 s29, $0xDFF;
	p1 =	sgt.s32 @!p0 s30, $0x0  }
0x32b: {  	p2 =	por !p2, p0;
	p1 =	por !p1, p0  }
0x32c: {  	s31 =	smov.u32 s22;
	s30 =	simm.s32 @p1 $0x0;
	p1 =	sgt.u32 @!p0 s29, $0xE7F  }
0x32d: {  	s31 =	simm.s32 @!p2 $0x4000;
	s30 =	smin.u32 @!p0 s30, $0x80;
	p1 =	por !p1, p0  }
0x32e: {  	s31 =	simm.s32 @!p1 $0x0;
	s30 =	sshll.u32 @!p0 s30, $0x3  }
0x32f: {  	s30 =	sand.u32 @!p0 $0x400, s30;
	s31 =	sadd.s32 @!p0 s31, s2  }
0x330: {  	s30 =	sadd.s32 @!p0 s30, s31  }
0x331: {  	s31 =	sadd.s32 @!p0 $0xFFFFFF00, s20;
	s30 =	sshrl.u32 @!p0 s30, $0x3  }
0x332: {  	[hbm:s31@s26], [sflag:s24] =	dma.strided @!p0 [spmem:s30@s28], $0x400, s25, $0x10   }
0x333: {  	p2 =	slt.u32 @!p0 s29, $0xE7F;
	s30 =	sadd.s32 @!p0 $0x7FE, s23  }
0x334: {  	p2 =	por !p2, p0;
	p1 =	sgt.s32 @!p0 s30, $0x0  }
0x335: {  	s31 =	smov.u32 s22;
	s23 =	sadd.s32 @!p0 $0x87E, s23;
	p1 =	por !p1, p0  }
0x336: {  	s31 =	simm.s32 @!p2 $0x4000;
	s30 =	simm.s32 @p1 $0x0;
	p1 =	sgt.u32 @!p0 s29, $0xEFF  }
0x337: {  	p2 =	slt.u32 @!p0 s29, $0xEFF;
	s30 =	smin.u32 @!p0 s30, $0x80;
	p1 =	por !p1, p0  }
0x338: {  	p2 =	por !p2, p0;
	s31 =	simm.s32 @!p1 $0x0;
	s30 =	sshll.u32 @!p0 s30, $0x3  }
0x339: {  	p1 =	sgt.s32 @!p0 s23, $0x0;
	s30 =	sand.u32 @!p0 $0x400, s30;
	s31 =	sadd.s32 @!p0 s31, s2  }
0x33a: {  	s22 =	simm.s32 @!p2 $0x4000;
	p1 =	por !p1, p0;
	s30 =	sadd.s32 @!p0 s30, s31  }
0x33b: {  	s31 =	sadd.s32 @!p0 $0xFFFFFF80, s20;
	s23 =	simm.s32 @p1 $0x0;
	p1 =	sgt.u32 @!p0 s29, $0xF7F  }
0x33c: {  	s30 =	sshrl.u32 @!p0 s30, $0x3;
	s23 =	smin.u32 @!p0 s23, $0x80;
	p1 =	por !p1, p0  }
0x33d: {  	[hbm:s31@s26], [sflag:s24] =	dma.strided @!p0 [spmem:s30@s28], $0x400, s25, $0x10   }
0x33e: {  	s22 =	simm.s32 @!p1 $0x0;
	s23 =	sshll.u32 @!p0 s23, $0x3  }
0x33f: {  	s23 =	sand.u32 @!p0 $0x400, s23;
	s22 =	sadd.s32 @!p0 s22, s2  }
0x340: {  	s22 =	sadd.s32 @!p0 s23, s22  }
0x341: {  	p1 =	seq.s32 @!p0 s19, $0x0;
	s22 =	sshrl.u32 @!p0 s22, $0x3  }
0x342: {  	[hbm:s20@s26], [sflag:s24] =	dma.strided @!p0 [spmem:s22@s28], $0x400, s25, $0x10   }
0x343: {  	p0 =	por p0, !p1  }
0x344: {  	_ =	swait.ge @p0 [sflag:s17], $0x400  }
0x345: {  	[sflag:s17] =	ssyncset.done @p0 $0x0  }
0x346: {  	[sflag:s17] =	ssyncadd.s32 @p0 $0xFFFFFC00  }
0x347: {  	_ =	swait.ge @p0 [sflag:s17], $0x400  }
0x348: {  	[sflag:s17] =	ssyncset.done @p0 $0x0  }
0x349: {  	[sflag:s17] =	ssyncadd.s32 @p0 $0xFFFFFC00  }
0x34a: {  	_ =	swait.ge @p0 [sflag:s17], $0x400  }
0x34b: {  	[sflag:s17] =	ssyncset.done @p0 $0x0  }
0x34c: {  	[sflag:s17] =	ssyncadd.s32 @p0 $0xFFFFFC00  }
0x34d: {  	_ =	swait.ge @p0 [sflag:s17], $0x400  }
0x34e: {  	[sflag:s17] =	ssyncset.done @p0 $0x0  }
0x34f: {  	[sflag:s17] =	ssyncadd.s32 @p0 $0xFFFFFC00  }
0x350: {  	_ =	swait.ge @p0 [sflag:s17], $0x400  }
0x351: {  	[sflag:s17] =	ssyncset.done @p0 $0x0  }
0x352: {  	[sflag:s17] =	ssyncadd.s32 @p0 $0xFFFFFC00  }
0x353: {  	_ =	swait.ge @p0 [sflag:s17], $0x400  }
0x354: {  	[sflag:s17] =	ssyncset.done @p0 $0x0  }
0x355: {  	[sflag:s17] =	ssyncadd.s32 @p0 $0xFFFFFC00  }
0x356: {  	_ =	swait.ge @p0 [sflag:s17], $0x400  }
0x357: {  	[sflag:s17] =	ssyncset.done @p0 $0x0  }
0x358: {  	[sflag:s17] =	ssyncadd.s32 @p0 $0xFFFFFC00  }
0x359: {  	_ =	swait.ge @p0 [sflag:s17], $0x400  }
0x35a: {  	[sflag:s17] =	ssyncset.done @p0 $0x0  }
0x35b: {  	[sflag:s17] =	ssyncadd.s32 @p0 $0xFFFFFC00  }
0x35c: {  	_ =	swait.ge @p0 [sflag:s17], $0x400  }
0x35d: {  	[sflag:s17] =	ssyncset.done @p0 $0x0  }
0x35e: {  	[sflag:s17] =	ssyncadd.s32 @p0 $0xFFFFFC00  }
0x35f: {  	_ =	swait.ge @p0 [sflag:s17], $0x400  }
0x360: {  	[sflag:s17] =	ssyncset.done @p0 $0x0  }
0x361: {  	[sflag:s17] =	ssyncadd.s32 @p0 $0xFFFFFC00  }
0x362: {  	_ =	swait.ge @p0 [sflag:s17], $0x400  }
0x363: {  	[sflag:s17] =	ssyncset.done @p0 $0x0  }
0x364: {  	[sflag:s17] =	ssyncadd.s32 @p0 $0xFFFFFC00  }
0x365: {  	_ =	swait.ge @p0 [sflag:s17], $0x400  }
0x366: {  	[sflag:s17] =	ssyncset.done @p0 $0x0  }
0x367: {  	[sflag:s17] =	ssyncadd.s32 @p0 $0xFFFFFC00  }
0x368: {  	_ =	swait.ge @p0 [sflag:s17], $0x400  }
0x369: {  	[sflag:s17] =	ssyncset.done @p0 $0x0  }
0x36a: {  	[sflag:s17] =	ssyncadd.s32 @p0 $0xFFFFFC00  }
0x36b: {  	_ =	swait.ge @p0 [sflag:s17], $0x400  }
0x36c: {  	[sflag:s17] =	ssyncset.done @p0 $0x0  }
0x36d: {  	[sflag:s17] =	ssyncadd.s32 @p0 $0xFFFFFC00  }
0x36e: {  	_ =	swait.ge @p0 [sflag:s17], $0x400  }
0x36f: {  	[sflag:s17] =	ssyncset.done @p0 $0x0  }
0x370: {  	[sflag:s17] =	ssyncadd.s32 @p0 $0xFFFFFC00  }
0x371: {  	_ =	swait.ge @p0 [sflag:s17], $0x400  }
0x372: {  	s19 =	sadd.s32 $0xFFFFFFFF, s19;
	[sflag:s17] =	ssyncset.done @p0 $0x0  }
0x373: {  	[sflag:s17] =	ssyncadd.s32 @p0 $0xFFFFFC00;
	p0 =	sne.s32 s19, $0xFFFFFFBF  }
.Ltmp5:
0x374: {  	_ = 	snop;
	(pc) =	sbr.rel @p0 .LBB2_12-.Ltmp5, $2  }
0x375: {  	_ =	sdelay $0x2  }
0x376: {  	s21 =	sadd.s32 $0x1, s21;
	s20 =	sadd.s32 $0x4000, s20  }
0x377: {  	s18 =	sadd.s32 $0x1, s18  }
0x378: {  	p0 =	sne.s32 s18, s11  }
.Ltmp6:
0x379: {  	_ = 	snop;
	(pc) =	sbr.rel @p0 .LBB2_1-.Ltmp6, $1  }
0x37a: {  	_ =	sdelay $0x3  }
0x37b: {  	_ =	sfence.sel $0x180000  }
0x37c: {  	[bflag:$0x0] =	sbarrier.arrive $0xFFFF  }
0x37d: {  	p0 =	sne.s32 s0, $0x0;
	_ =	strace $0x90000047  }
0x37e: {  	s0 =	sadd.s32 @!p0 $0x100000, s1;
	[bflag:$0x2] =	sbarrier.arrive $0xFFFF  }
0x37f: {  	[sflag:s0] =	ssyncadd.tile.s32 @!p0 $0x1;
	_ =	shalt  }
.Lfunc_end2:
_tile_overlayer_lowered:
.L_overlay_start_2:
0x380: {  	(tag) =	ssettag $0x2  }
0x381: {  	s0 =	rddreg [dreg:$0x0];
	s2 =	stileid.u32  }
0x382: {  	s1 =	rddreg [dreg:$0x1];
	p0 =	sne.s32 s2, $0x0  }
0x383: {  	s3 =	rddreg [dreg:$0x2];
	[bflag:$0x3] =	sbarrier.arrive $0xFFFF;
	s2 =	simm.s32 @!p0 $0x1C02  }
0x384: {  	[timem:s3], [sflag:s2] =	dma.local @!p0 [hbm:s0], s1  }
0x385: {  	s0 =	simm.s32 @!p0 $0x2  }
0x386: {  	_ =	swait.ge @!p0 [sflag:s0], s1  }
0x387: {  	s1 =	ssub.s32 @!p0 $0x0, s1;
	[sflag:s0] =	ssyncset.done @!p0 $0x0  }
0x388: {  	[sflag:s0] =	ssyncadd.s32 @!p0 s1  }
0x389: {  	[bflag:$0x3] =	sbarrier.arrive $0xFFFF  }
0x38a: {  	_ =	shalt  }

</sc_bundles>
